<compile_context>
chip_gen: v7x
topology: tpu7x:2x2x1
jax: 0.10.2.dev20260603
libtpu: 0.0.44.dev20260713+nightly
codegen_flags: <defaults>
</compile_context>

<pallas_src>
import functools

import jax
import jax.numpy as jnp
from jax import lax
from jax.experimental import pallas as pl
from jax.experimental.pallas import tpu as pltpu
from jax.experimental.pallas import tpu_sc as plsc

_B, _N, _D = 8, 2048, 128
_NP, _NS = 512, 32
_R2 = 0.2 ** 2
_CIN = 3 + _D
_CPAD = 144
_NTILES = 32
_ROWS_PER = (_B * _NP) // _NTILES
_CNT = _B * _NP * _NS
_TR = 2048
_NT = (_NP * _NS) // _TR



def _fps_body(xyzp_ref, out_ref):
    x = xyzp_ref[0]
    y = xyzp_ref[1]
    z = xyzp_ref[2]
    lane = lax.broadcasted_iota(jnp.int32, (_B, _N), 1)
    zero = jnp.float32(0)

    def body(i, carry):
        distance, farthest = carry
        oh = lane == farthest
        cx = jnp.sum(jnp.where(oh, x, zero), axis=1, keepdims=True)
        cy = jnp.sum(jnp.where(oh, y, zero), axis=1, keepdims=True)
        cz = jnp.sum(jnp.where(oh, z, zero), axis=1, keepdims=True)
        out_ref[pl.ds(i, 1)] = jnp.concatenate([cx, cy, cz], axis=1)[None]
        dx = x - cx
        dy = y - cy
        dz = z - cz
        dist = (dx * dx + dy * dy) + dz * dz
        distance = jnp.minimum(distance, dist)
        m = jnp.max(distance, axis=1, keepdims=True)
        farthest = jnp.min(jnp.where(distance == m, lane, _N), axis=1,
                           keepdims=True)
        return distance, farthest

    lax.fori_loop(0, _NP, body,
                  (jnp.full((_B, _N), 1e10, jnp.float32),
                   jnp.zeros((_B, 1), jnp.int32)))


def _run_fps(xyzp):
    return pl.pallas_call(
        _fps_body,
        out_shape=jax.ShapeDtypeStruct((_NP, _B, 3), jnp.float32),
    )(xyzp)



def _dist_body(nx_ref, xt_ref, out_ref):
    nx = nx_ref[0]
    xt = xt_ref[0]
    mm = jnp.dot(nx, xt, preferred_element_type=jnp.float32)
    s1 = jnp.sum(nx * nx, axis=1, keepdims=True)
    s2 = jnp.sum(xt * xt, axis=0, keepdims=True)
    d = -2.0 * mm
    d = d + s1
    d = d + s2
    out_ref[0] = d


def _run_dist(new_xyz, xyz_t):
    return pl.pallas_call(
        _dist_body,
        grid=(_B,),
        in_specs=[pl.BlockSpec((1, _NP, 3), lambda b: (b, 0, 0)),
                  pl.BlockSpec((1, 3, _N), lambda b: (b, 0, 0))],
        out_specs=pl.BlockSpec((1, _NP, _N), lambda b: (b, 0, 0)),
        out_shape=jax.ShapeDtypeStruct((_B, _NP, _N), jnp.float32),
    )(new_xyz, xyz_t)



_GRP = 4
_U = 4


def _ball_body(dist_h, xh, yh, zh, pts_h, outp_h, outx_h,
               xb, yb, zb, db0, db1, slots, gidx0, gidx1, gxyz0, gxyz1,
               rows0, rows1, sem0, sem1, gsem0, gsem1, osem0, osem1):
    wid = lax.axis_index("s") * 2 + lax.axis_index("c")
    b = wid // (_NP // _ROWS_PER)
    pltpu.sync_copy(xh.at[b], xb)
    pltpu.sync_copy(yh.at[b], yb)
    pltpu.sync_copy(zh.at[b], zb)

    iota16 = lax.iota(jnp.int32, 16)
    r2 = jnp.float32(_R2)
    nvec = _N // 16
    base_row = wid * _ROWS_PER
    last_row = _B * _NP - 1
    off = b * _N

    pltpu.async_copy(dist_h.at[base_row], db0, sem0)

    def scan_row(dbuf):
        def cond(carry):
            j, cnt, _fv = carry
            return jnp.logical_and(j < nvec, cnt < _NS)

        def step(carry):
            j, cnt, fv = carry
            cntv = jnp.full((16,), 0, jnp.int32) + cnt
            for u in range(_U):
                base = (j + u) * 16
                d = dbuf[pl.ds(base, 16)]
                m = d <= r2
                mi = m.astype(jnp.int32)
                pos = plsc.cumsum(mi) + cntv
                wmask = jnp.logical_and(m, pos <= _NS)
                slot = jnp.clip(pos - 1, 0, _NS - 1)
                plsc.store_scatter(slots, [slot], base + iota16, mask=wmask)
                fv = jnp.minimum(fv, jnp.where(m, base + iota16, _N - 1))
                cntv = cntv + plsc.all_reduce_population_count(m)
            return j + _U, jnp.max(cntv), fv

        _, cnt, fv = lax.while_loop(
            cond, step,
            (jnp.int32(0), jnp.int32(0),
             jnp.full((16,), _N - 1, jnp.int32)))
        return cnt, jnp.min(fv)

    def handle_row(i, q, dbuf, mysem, obuf, osem, gidx, gxyz):
        row = base_row + i
        pltpu.make_async_copy(dist_h.at[row], dbuf, mysem).wait()
        nxt = jnp.minimum(row + 1, last_row)
        pltpu.async_copy(dist_h.at[nxt], obuf, osem)
        cnt, first = scan_row(dbuf)
        firstv = jnp.full((16,), 0, jnp.int32) + first
        for h in range(_NS // 16):
            lanes = iota16 + h * 16
            cur = slots[pl.ds(h * 16, 16)]
            cur = jnp.where(lanes < cnt, cur, firstv)
            gidx[pl.ds(q * _NS + h * 16, 16)] = cur + off
            gx = plsc.load_gather(xb, [cur])
            gy = plsc.load_gather(yb, [cur])
            gz = plsc.load_gather(zb, [cur])
            gpos = (q * _NS + lanes) * 3
            plsc.store_scatter(gxyz, [gpos], gx)
            plsc.store_scatter(gxyz, [gpos + 1], gy)
            plsc.store_scatter(gxyz, [gpos + 2], gz)

    ngrp = _ROWS_PER // _GRP
    par = ((gidx0, gxyz0, rows0, gsem0, osem0),
           (gidx1, gxyz1, rows1, gsem1, osem1))

    def scan_group(g, parity):
        gidx, gxyz, _rows, _gsem, _osem = par[parity]
        for q in range(_GRP):
            if q % 2 == 0:
                handle_row(_GRP * g + q, q, db0, sem0, db1, sem1, gidx, gxyz)
            else:
                handle_row(_GRP * g + q, q, db1, sem1, db0, sem0, gidx, gxyz)

    def fire_gather(parity):
        gidx, _gxyz, rows, gsem, _osem = par[parity]
        pltpu.async_copy(pts_h.at[gidx], rows, gsem)

    def fire_out(g, parity):
        gidx, gxyz, rows, gsem, osem = par[parity]
        gout = wid * ngrp + g
        pltpu.make_async_copy(pts_h.at[gidx], rows, gsem).wait()
        pltpu.async_copy(rows, outp_h.at[gout], osem)
        pltpu.async_copy(gxyz, outx_h.at[gout], osem)

    def drain_out(parity):
        _gidx, gxyz, rows, _gsem, osem = par[parity]
        pltpu.make_async_copy(rows, outp_h.at[0], osem).wait()
        pltpu.make_async_copy(gxyz, outx_h.at[0], osem).wait()

    gout0 = wid * ngrp
    pltpu.async_copy(rows0, outp_h.at[gout0], osem0)
    pltpu.async_copy(gxyz0, outx_h.at[gout0], osem0)
    pltpu.async_copy(rows1, outp_h.at[gout0 + 1], osem1)
    pltpu.async_copy(gxyz1, outx_h.at[gout0 + 1], osem1)

    def pair_body(p, _):
        g0 = 2 * p
        drain_out(0)
        scan_group(g0, 0)
        fire_gather(0)
        drain_out(1)
        scan_group(g0 + 1, 1)
        fire_gather(1)
        fire_out(g0, 0)
        fire_out(g0 + 1, 1)
        return 0

    lax.fori_loop(0, ngrp // 2, pair_body, 0)
    drain_out(0)
    drain_out(1)
    pltpu.make_async_copy(dist_h.at[0], db0, sem0).wait()


@functools.lru_cache(maxsize=1)
def _ball_kernel():
    return functools.partial(
        pl.kernel,
        out_type=[
            jax.ShapeDtypeStruct((_B * _NP // _GRP, _GRP * _NS, _D),
                                 jnp.float32),
            jax.ShapeDtypeStruct((_B * _NP // _GRP, _GRP * _NS * 3),
                                 jnp.float32),
        ],
        mesh=plsc.VectorSubcoreMesh(core_axis_name="c", subcore_axis_name="s"),
        compiler_params=pltpu.CompilerParams(needs_layout_passes=False),
        scratch_types=[
            pltpu.VMEM((_N,), jnp.float32),
            pltpu.VMEM((_N,), jnp.float32),
            pltpu.VMEM((_N,), jnp.float32),
            pltpu.VMEM((_N,), jnp.float32),
            pltpu.VMEM((_N,), jnp.float32),
            pltpu.VMEM((_NS,), jnp.int32),
            pltpu.VMEM((_GRP * _NS,), jnp.int32),
            pltpu.VMEM((_GRP * _NS,), jnp.int32),
            pltpu.VMEM((_GRP * _NS * 3,), jnp.float32),
            pltpu.VMEM((_GRP * _NS * 3,), jnp.float32),
            pltpu.VMEM((_GRP * _NS, _D), jnp.float32),
            pltpu.VMEM((_GRP * _NS, _D), jnp.float32),
            pltpu.SemaphoreType.DMA,
            pltpu.SemaphoreType.DMA,
            pltpu.SemaphoreType.DMA,
            pltpu.SemaphoreType.DMA,
            pltpu.SemaphoreType.DMA,
            pltpu.SemaphoreType.DMA,
        ],
    )(_ball_body)



def _mlp1_body(g_ref, gx_ref, nx_ref, wp_ref, wx_ref, b_ref, z_ref, st_ref):
    g = g_ref[0]
    z = jnp.dot(g, wp_ref[...], preferred_element_type=jnp.float32)
    z = z + jnp.dot(gx_ref[0], wx_ref[...], preferred_element_type=jnp.float32)
    nx = nx_ref[0]
    corr = jnp.dot(nx, wx_ref[...], preferred_element_type=jnp.float32)
    kr = _TR // _NS
    corr = jnp.broadcast_to(corr[:, None, :], (kr, _NS, corr.shape[-1]))
    z = z - corr.reshape(_TR, -1) + b_ref[...]
    z_ref[0] = z

    @pl.when(jnp.logical_and(pl.program_id(0) == 0, pl.program_id(1) == 0))
    def _():
        st_ref[...] = jnp.zeros_like(st_ref)

    st_ref[0:1] = st_ref[0:1] + jnp.sum(z, axis=0, keepdims=True)
    st_ref[1:2] = st_ref[1:2] + jnp.sum(z * z, axis=0, keepdims=True)


def _bn(z, st_ref, gamma, beta):
    inv = jnp.float32(1.0 / _CNT)
    mean = st_ref[0:1] * inv
    var = st_ref[1:2] * inv - mean * mean
    rstd = lax.rsqrt(var + jnp.float32(1e-5))
    scale = rstd * gamma
    shift = beta - mean * scale
    return jnp.maximum(z * scale + shift, jnp.float32(0))


def _mlp_mid_body(z_ref, stp_ref, ga_ref, be_ref, w_ref, b_ref,
                  z2_ref, st_ref):
    a = _bn(z_ref[0], stp_ref, ga_ref[...], be_ref[...])
    z2 = jnp.dot(a, w_ref[...], preferred_element_type=jnp.float32)
    z2 = z2 + b_ref[...]
    z2_ref[0] = z2

    @pl.when(jnp.logical_and(pl.program_id(0) == 0, pl.program_id(1) == 0))
    def _():
        st_ref[...] = jnp.zeros_like(st_ref)

    st_ref[0:1] = st_ref[0:1] + jnp.sum(z2, axis=0, keepdims=True)
    st_ref[1:2] = st_ref[1:2] + jnp.sum(z2 * z2, axis=0, keepdims=True)


def _mlp_stat3_body(z_ref, stp_ref, ga_ref, be_ref, m_ref, sa_ref):
    a = _bn(z_ref[0], stp_ref, ga_ref[...], be_ref[...])

    @pl.when(jnp.logical_and(pl.program_id(0) == 0, pl.program_id(1) == 0))
    def _():
        m_ref[...] = jnp.zeros_like(m_ref)
        sa_ref[...] = jnp.zeros_like(sa_ref)

    m_ref[...] = m_ref[...] + lax.dot_general(
        a, a, (((0,), (0,)), ((), ())), preferred_element_type=jnp.float32)
    sa_ref[0:1] = sa_ref[0:1] + jnp.sum(a, axis=0, keepdims=True)


def _mlp_final_body(z_ref, stp_ref, ga1_ref, be1_ref, w_ref, b_ref,
                    m_ref, sa_ref, ga2_ref, be2_ref, out_ref):
    a = _bn(z_ref[0], stp_ref, ga1_ref[...], be1_ref[...])
    w = w_ref[...]
    z3 = jnp.dot(a, w, preferred_element_type=jnp.float32) + b_ref[...]
    inv = jnp.float32(1.0 / _CNT)
    mnb = jnp.dot(sa_ref[0:1], w, preferred_element_type=jnp.float32) * inv
    t1 = jnp.dot(m_ref[...], w, preferred_element_type=jnp.float32)
    q = jnp.sum(w * t1, axis=0, keepdims=True) * inv
    mean3 = mnb + b_ref[...]
    var3 = q - mnb * mnb
    rstd = lax.rsqrt(var3 + jnp.float32(1e-5))
    scale = rstd * ga2_ref[...]
    shift = be2_ref[...] - mean3 * scale
    a3 = jnp.maximum(z3 * scale + shift, jnp.float32(0))
    c = a3.shape[-1]
    a3 = a3.reshape(_TR // _NS, _NS, c)
    out_ref[0] = jnp.max(a3, axis=1)


def _run_mlp(gpts, gxyz, new_xyz, w0pt, w0xt, b0, g0, be0, w1t, b1, g1, be1,
             w2t, b2, g2, be2):
    c1, c2, c3 = w0pt.shape[1], w1t.shape[1], w2t.shape[1]
    kr = _TR // _NS

    z1, st1 = pl.pallas_call(
        _mlp1_body,
        grid=(_B, _NT),
        in_specs=[
            pl.BlockSpec((1, _TR, _D), lambda bi, t: (bi, t, 0)),
            pl.BlockSpec((1, _TR, 3), lambda bi, t: (bi, t, 0)),
            pl.BlockSpec((1, kr, 3), lambda bi, t: (bi, t, 0)),
            pl.BlockSpec((_D, c1), lambda bi, t: (0, 0)),
            pl.BlockSpec((3, c1), lambda bi, t: (0, 0)),
            pl.BlockSpec((1, c1), lambda bi, t: (0, 0)),
        ],
        out_specs=[
            pl.BlockSpec((1, _TR, c1), lambda bi, t: (bi, t, 0)),
            pl.BlockSpec((8, c1), lambda bi, t: (0, 0)),
        ],
        out_shape=[
            jax.ShapeDtypeStruct((_B, _NP * _NS, c1), jnp.float32),
            jax.ShapeDtypeStruct((8, c1), jnp.float32),
        ],
    )(gpts, gxyz, new_xyz, w0pt, w0xt, b0[None])

    z2, st2 = pl.pallas_call(
        _mlp_mid_body,
        grid=(_B, _NT),
        in_specs=[
            pl.BlockSpec((1, _TR, c1), lambda bi, t: (bi, t, 0)),
            pl.BlockSpec((8, c1), lambda bi, t: (0, 0)),
            pl.BlockSpec((1, c1), lambda bi, t: (0, 0)),
            pl.BlockSpec((1, c1), lambda bi, t: (0, 0)),
            pl.BlockSpec((c1, c2), lambda bi, t: (0, 0)),
            pl.BlockSpec((1, c2), lambda bi, t: (0, 0)),
        ],
        out_specs=[
            pl.BlockSpec((1, _TR, c2), lambda bi, t: (bi, t, 0)),
            pl.BlockSpec((8, c2), lambda bi, t: (0, 0)),
        ],
        out_shape=[
            jax.ShapeDtypeStruct((_B, _NP * _NS, c2), jnp.float32),
            jax.ShapeDtypeStruct((8, c2), jnp.float32),
        ],
    )(z1, st1, g0[None], be0[None], w1t, b1[None])

    m3, sa3 = pl.pallas_call(
        _mlp_stat3_body,
        grid=(_B, _NT),
        in_specs=[
            pl.BlockSpec((1, _TR, c2), lambda bi, t: (bi, t, 0)),
            pl.BlockSpec((8, c2), lambda bi, t: (0, 0)),
            pl.BlockSpec((1, c2), lambda bi, t: (0, 0)),
            pl.BlockSpec((1, c2), lambda bi, t: (0, 0)),
        ],
        out_specs=[
            pl.BlockSpec((c2, c2), lambda bi, t: (0, 0)),
            pl.BlockSpec((8, c2), lambda bi, t: (0, 0)),
        ],
        out_shape=[
            jax.ShapeDtypeStruct((c2, c2), jnp.float32),
            jax.ShapeDtypeStruct((8, c2), jnp.float32),
        ],
    )(z2, st2, g1[None], be1[None])

    new_points = pl.pallas_call(
        _mlp_final_body,
        grid=(_B, _NT),
        in_specs=[
            pl.BlockSpec((1, _TR, c2), lambda bi, t: (bi, t, 0)),
            pl.BlockSpec((8, c2), lambda bi, t: (0, 0)),
            pl.BlockSpec((1, c2), lambda bi, t: (0, 0)),
            pl.BlockSpec((1, c2), lambda bi, t: (0, 0)),
            pl.BlockSpec((c2, c3), lambda bi, t: (0, 0)),
            pl.BlockSpec((1, c3), lambda bi, t: (0, 0)),
            pl.BlockSpec((c2, c2), lambda bi, t: (0, 0)),
            pl.BlockSpec((8, c2), lambda bi, t: (0, 0)),
            pl.BlockSpec((1, c3), lambda bi, t: (0, 0)),
            pl.BlockSpec((1, c3), lambda bi, t: (0, 0)),
        ],
        out_specs=pl.BlockSpec((1, kr, c3), lambda bi, t: (bi, t, 0)),
        out_shape=jax.ShapeDtypeStruct((_B, _NP, c3), jnp.float32),
    )(z2, st2, g1[None], be1[None], w2t, b2[None], m3, sa3,
      g2[None], be2[None])
    return new_points



def kernel(xyz, points, W0, b0, gamma0, beta0, W1, b1, gamma1, beta1,
           W2, b2, gamma2, beta2):
    xyzp = jnp.transpose(xyz, (2, 0, 1))
    nxyz_t = _run_fps(xyzp)
    new_xyz = jnp.transpose(nxyz_t, (1, 0, 2))

    dist = _run_dist(new_xyz, jnp.transpose(xyz, (0, 2, 1)))
    dist = dist.reshape(_B * _NP, _N)

    pts_table = points.reshape(_B * _N, _D)
    gpts, gxyz = _ball_kernel()(dist, xyzp[0], xyzp[1], xyzp[2], pts_table)
    gpts = gpts.reshape(_B, _NP * _NS, _D)
    gxyz = gxyz.reshape(_B, _NP * _NS, 3)

    new_points = _run_mlp(gpts, gxyz, new_xyz, W0[:, 3:].T, W0[:, :3].T,
                          b0, gamma0, beta0,
                          W1.T, b1, gamma1, beta1, W2.T, b2, gamma2, beta2)
    return (new_xyz, new_points)

# --- scband reference (transcript-rebuilt; emitter-appended) ---
"""Pipeline reference for scband-point-net-set-abstraction-53412213293939 (READ-ONLY COPY).

The authoritative reference and input builder live on the scoring server;
editing this copy changes nothing except your own understanding.
"""

import jax, jax.numpy as jnp
import numpy as np

B = 8; N = 2048; D = 128
NPOINT = 512; RADIUS = 0.2; NSAMPLE = 32; MLP = [128, 128, 256]; IN_CH = 3 + D


def farthest_point_sample(xyz, npoint):
    Bq, Nq, _ = xyz.shape
    def body(i, carry):
        centroids, distance, farthest = carry
        centroids = centroids.at[:, i].set(farthest)
        centroid = xyz[jnp.arange(Bq), farthest][:, None, :]
        dist = jnp.sum((xyz - centroid) ** 2, -1)
        distance = jnp.minimum(distance, dist)
        farthest = jnp.argmax(distance, -1).astype(jnp.int32)
        return (centroids, distance, farthest)
    init = (jnp.zeros((Bq, npoint), jnp.int32),
            jnp.full((Bq, Nq), 1e10, jnp.float32),
            jnp.zeros((Bq,), jnp.int32))
    centroids, _, _ = jax.lax.fori_loop(0, npoint, body, init)
    return centroids


def index_points(points, idx):
    return jax.vmap(lambda p, i: p[i])(points, idx)


def square_distance(src, dst):
    dist = -2.0 * jnp.matmul(src, jnp.swapaxes(dst, 1, 2))
    dist = dist + jnp.sum(src ** 2, -1)[:, :, None]
    dist = dist + jnp.sum(dst ** 2, -1)[:, None, :]
    return dist


def query_ball_point(radius, nsample, xyz, new_xyz):
    Bq, Nq, _ = xyz.shape
    npq = new_xyz.shape[1]
    group_idx = jnp.broadcast_to(jnp.arange(Nq, dtype=jnp.int32), (Bq, npq, Nq))
    sqrdists = square_distance(new_xyz, xyz)
    group_idx = jnp.where(sqrdists > radius ** 2, Nq, group_idx)
    group_idx = jnp.sort(group_idx, axis=-1)[:, :, :nsample]
    group_first = group_idx[:, :, :1]
    group_idx = jnp.where(group_idx == Nq, group_first, group_idx)
    return group_idx


def bn_relu(x, gamma, beta):
    mean = jnp.mean(x, axis=(0, 2, 3), keepdims=True)
    var = jnp.var(x, axis=(0, 2, 3), keepdims=True)
    xh = (x - mean) / jnp.sqrt(var + 1e-5)
    return jax.nn.relu(xh * gamma[None, :, None, None] + beta[None, :, None, None])


def setup_inputs(seed: int = 0) -> dict:
    key = jax.random.key(seed)
    ks = jax.random.split(key, 8)
    inp = {
        'xyz': jax.random.uniform(ks[0], (B, N, 3), dtype=jnp.float32),
        'points': jax.random.normal(ks[1], (B, N, D), dtype=jnp.float32),
    }
    last = IN_CH
    for i, out in enumerate(MLP):
        inp[f'W{i}'] = jax.random.normal(ks[2 + i], (out, last), dtype=jnp.float32) * (1.0 / np.sqrt(last))
        inp[f'b{i}'] = jnp.zeros((out,), jnp.float32)
        inp[f'gamma{i}'] = jnp.ones((out,), jnp.float32)
        inp[f'beta{i}'] = jnp.zeros((out,), jnp.float32)
        last = out
    return inp


def reference(xyz, points, W0, b0, gamma0, beta0, W1, b1, gamma1, beta1, W2, b2, gamma2, beta2):
    fps_idx = farthest_point_sample(xyz, NPOINT)
    new_xyz = index_points(xyz, fps_idx)
    idx = query_ball_point(RADIUS, NSAMPLE, xyz, new_xyz)
    grouped_xyz = index_points(xyz, idx) - new_xyz[:, :, None, :]
    grouped_points = jnp.concatenate([grouped_xyz, index_points(points, idx)], axis=-1)
    g = jnp.transpose(grouped_points, (0, 3, 2, 1))
    for W, b, ga, be in ((W0, b0, gamma0, beta0), (W1, b1, gamma1, beta1), (W2, b2, gamma2, beta2)):
        g = jnp.einsum('bcsk,oc->bosk', g, W) + b[None, :, None, None]
        g = bn_relu(g, ga, be)
    new_points = jnp.transpose(jnp.max(g, axis=2), (0, 2, 1))
    return (new_xyz, new_points)

if __name__ == "__main__":
    import jax
    _d = setup_inputs()
    print(jax.jit(kernel)(*tuple(_d.values())))

</pallas_src>

<mosaic_0001>
#map = affine_map<(d0, d1) -> (0, 0)>
#map1 = affine_map<(d0, d1) -> (0, 0, 0)>
module attributes {stable_mosaic.version = 14 : i64} {
  func.func @_ball_body(%arg0: i32, %arg1: i32, %arg2: memref<4096x2048xf32, #tpu.memory_space<hbm>>, %arg3: memref<8x2048xf32, #tpu.memory_space<hbm>>, %arg4: memref<8x2048xf32, #tpu.memory_space<hbm>>, %arg5: memref<8x2048xf32, #tpu.memory_space<hbm>>, %arg6: memref<16384x128xf32, #tpu.memory_space<hbm>>, %arg7: memref<1024x128x128xf32, #tpu.memory_space<hbm>>, %arg8: memref<1024x384xf32, #tpu.memory_space<hbm>>, %arg9: memref<2048xf32, #tpu.memory_space<vmem>>, %arg10: memref<2048xf32, #tpu.memory_space<vmem>>, %arg11: memref<2048xf32, #tpu.memory_space<vmem>>, %arg12: memref<2048xf32, #tpu.memory_space<vmem>>, %arg13: memref<2048xf32, #tpu.memory_space<vmem>>, %arg14: memref<32xi32, #tpu.memory_space<vmem>>, %arg15: memref<128xi32, #tpu.memory_space<vmem>>, %arg16: memref<128xi32, #tpu.memory_space<vmem>>, %arg17: memref<384xf32, #tpu.memory_space<vmem>>, %arg18: memref<384xf32, #tpu.memory_space<vmem>>, %arg19: memref<128x128xf32, #tpu.memory_space<vmem>>, %arg20: memref<128x128xf32, #tpu.memory_space<vmem>>, %arg21: memref<!tpu.dma_semaphore, #tpu.memory_space<semaphore_mem>>, %arg22: memref<!tpu.dma_semaphore, #tpu.memory_space<semaphore_mem>>, %arg23: memref<!tpu.dma_semaphore, #tpu.memory_space<semaphore_mem>>, %arg24: memref<!tpu.dma_semaphore, #tpu.memory_space<semaphore_mem>>, %arg25: memref<!tpu.dma_semaphore, #tpu.memory_space<semaphore_mem>>, %arg26: memref<!tpu.dma_semaphore, #tpu.memory_space<semaphore_mem>>) attributes {dimension_semantics = [#tpu.dimension_semantics<core_parallel>, #tpu.dimension_semantics<subcore_parallel>], iteration_bounds = array<i64: 2, 16>, scalar_prefetch = 0 : i64, scratch_operands = 18 : i64, tpu.core_type = #tpu.core_type<sc_vector_subcore>, window_params = [{transform_indices = #map}, {transform_indices = #map}, {transform_indices = #map}, {transform_indices = #map}, {transform_indices = #map}, {transform_indices = #map1}, {transform_indices = #map}]} {
    %mul3A = arith.constant 2 : i32
    %mul3A_0 = arith.muli %arg1, %mul3A : i32
    %add3A = arith.addi %mul3A_0, %arg0 : i32
    %jit3A = arith.constant 4 : i32
    %div3A = arith.divsi %add3A, %jit3A : i32
    %sign3A = arith.constant 0 : i32
    %sign3A_1 = arith.cmpi sgt, %add3A, %sign3A : i32
    %sign3A_2 = arith.extui %sign3A_1 : i1 to i32
    %sign3A_3 = arith.constant 0 : i32
    %sign3A_4 = arith.cmpi slt, %add3A, %sign3A_3 : i32
    %sign3A_5 = arith.extui %sign3A_4 : i1 to i32
    %sign3A_6 = arith.subi %sign3A_2, %sign3A_5 : i32
    %sign3A_7 = arith.constant 0 : i32
    %sign3A_8 = arith.cmpi sgt, %jit3A, %sign3A_7 : i32
    %sign3A_9 = arith.extui %sign3A_8 : i1 to i32
    %sign3A_10 = arith.constant 0 : i32
    %sign3A_11 = arith.cmpi slt, %jit3A, %sign3A_10 : i32
    %sign3A_12 = arith.extui %sign3A_11 : i1 to i32
    %sign3A_13 = arith.subi %sign3A_9, %sign3A_12 : i32
    %ne3A = arith.cmpi ne, %sign3A_6, %sign3A_13 : i32
    %rem3A = arith.remsi %add3A, %jit3A : i32
    %ne3A_14 = arith.constant 0 : i32
    %ne3A_15 = arith.cmpi ne, %rem3A, %ne3A_14 : i32
    %and3A = arith.andi %ne3A, %ne3A_15 : i1
    %sub3A = arith.constant 1 : i32
    %sub3A_16 = arith.subi %div3A, %sub3A : i32
    %select_n3A = arith.select %and3A, %sub3A_16, %div3A : i32
    "tpu.region"() ({
      %run_scoped3A = tpu.sem_alloc : memref<!tpu.dma_semaphore, #tpu.memory_space<semaphore_mem>>
      %dma_start3A_105 = arith.constant 0 : i32
      %dma_start3A_106 = tpu.memref_slice %arg3[%select_n3A, %dma_start3A_105] : memref<8x2048xf32, #tpu.memory_space<hbm>> -> memref<1x2048xf32, #tpu.memory_space<hbm>>
      %dma_start3A_107 = tpu.memref_squeeze %dma_start3A_106 : memref<1x2048xf32, #tpu.memory_space<hbm>> -> memref<2048xf32, #tpu.memory_space<hbm>>
      %dma_start3A_108 = arith.constant 0 : i32
      %dma_start3A_109 = tpu.memref_slice %arg3[%select_n3A, %dma_start3A_108] : memref<8x2048xf32, #tpu.memory_space<hbm>> -> memref<1x2048xf32, #tpu.memory_space<hbm>>
      %dma_start3A_110 = tpu.memref_squeeze %dma_start3A_109 : memref<1x2048xf32, #tpu.memory_space<hbm>> -> memref<2048xf32, #tpu.memory_space<hbm>>
      tpu.enqueue_dma source(%dma_start3A_110 : memref<2048xf32, #tpu.memory_space<hbm>>) target(%arg9 : memref<2048xf32, #tpu.memory_space<vmem>>) target_semaphore(%run_scoped3A : memref<!tpu.dma_semaphore, #tpu.memory_space<semaphore_mem>>)
      %dma_wait3A_111 = arith.constant 0 : i32
      %dma_wait3A_112 = tpu.memref_slice %arg3[%select_n3A, %dma_wait3A_111] : memref<8x2048xf32, #tpu.memory_space<hbm>> -> memref<1x2048xf32, #tpu.memory_space<hbm>>
      %dma_wait3A_113 = tpu.memref_squeeze %dma_wait3A_112 : memref<1x2048xf32, #tpu.memory_space<hbm>> -> memref<2048xf32, #tpu.memory_space<hbm>>
      %dma_wait3A_114 = arith.constant 0 : i32
      %dma_wait3A_115 = tpu.memref_slice %arg3[%select_n3A, %dma_wait3A_114] : memref<8x2048xf32, #tpu.memory_space<hbm>> -> memref<1x2048xf32, #tpu.memory_space<hbm>>
      %dma_wait3A_116 = tpu.memref_squeeze %dma_wait3A_115 : memref<1x2048xf32, #tpu.memory_space<hbm>> -> memref<2048xf32, #tpu.memory_space<hbm>>
      tpu.wait_dma2 semaphore(%run_scoped3A : memref<!tpu.dma_semaphore, #tpu.memory_space<semaphore_mem>>) src(%dma_wait3A_116 : memref<2048xf32, #tpu.memory_space<hbm>>) dst(%arg9 : memref<2048xf32, #tpu.memory_space<vmem>>)
      tpu.yield
    }) : () -> ()
    "tpu.region"() ({
      %run_scoped3A = tpu.sem_alloc : memref<!tpu.dma_semaphore, #tpu.memory_space<semaphore_mem>>
      %dma_start3A_105 = arith.constant 0 : i32
      %dma_start3A_106 = tpu.memref_slice %arg4[%select_n3A, %dma_start3A_105] : memref<8x2048xf32, #tpu.memory_space<hbm>> -> memref<1x2048xf32, #tpu.memory_space<hbm>>
      %dma_start3A_107 = tpu.memref_squeeze %dma_start3A_106 : memref<1x2048xf32, #tpu.memory_space<hbm>> -> memref<2048xf32, #tpu.memory_space<hbm>>
      %dma_start3A_108 = arith.constant 0 : i32
      %dma_start3A_109 = tpu.memref_slice %arg4[%select_n3A, %dma_start3A_108] : memref<8x2048xf32, #tpu.memory_space<hbm>> -> memref<1x2048xf32, #tpu.memory_space<hbm>>
      %dma_start3A_110 = tpu.memref_squeeze %dma_start3A_109 : memref<1x2048xf32, #tpu.memory_space<hbm>> -> memref<2048xf32, #tpu.memory_space<hbm>>
      tpu.enqueue_dma source(%dma_start3A_110 : memref<2048xf32, #tpu.memory_space<hbm>>) target(%arg10 : memref<2048xf32, #tpu.memory_space<vmem>>) target_semaphore(%run_scoped3A : memref<!tpu.dma_semaphore, #tpu.memory_space<semaphore_mem>>)
      %dma_wait3A_111 = arith.constant 0 : i32
      %dma_wait3A_112 = tpu.memref_slice %arg4[%select_n3A, %dma_wait3A_111] : memref<8x2048xf32, #tpu.memory_space<hbm>> -> memref<1x2048xf32, #tpu.memory_space<hbm>>
      %dma_wait3A_113 = tpu.memref_squeeze %dma_wait3A_112 : memref<1x2048xf32, #tpu.memory_space<hbm>> -> memref<2048xf32, #tpu.memory_space<hbm>>
      %dma_wait3A_114 = arith.constant 0 : i32
      %dma_wait3A_115 = tpu.memref_slice %arg4[%select_n3A, %dma_wait3A_114] : memref<8x2048xf32, #tpu.memory_space<hbm>> -> memref<1x2048xf32, #tpu.memory_space<hbm>>
      %dma_wait3A_116 = tpu.memref_squeeze %dma_wait3A_115 : memref<1x2048xf32, #tpu.memory_space<hbm>> -> memref<2048xf32, #tpu.memory_space<hbm>>
      tpu.wait_dma2 semaphore(%run_scoped3A : memref<!tpu.dma_semaphore, #tpu.memory_space<semaphore_mem>>) src(%dma_wait3A_116 : memref<2048xf32, #tpu.memory_space<hbm>>) dst(%arg10 : memref<2048xf32, #tpu.memory_space<vmem>>)
      tpu.yield
    }) : () -> ()
    "tpu.region"() ({
      %run_scoped3A = tpu.sem_alloc : memref<!tpu.dma_semaphore, #tpu.memory_space<semaphore_mem>>
      %dma_start3A_105 = arith.constant 0 : i32
      %dma_start3A_106 = tpu.memref_slice %arg5[%select_n3A, %dma_start3A_105] : memref<8x2048xf32, #tpu.memory_space<hbm>> -> memref<1x2048xf32, #tpu.memory_space<hbm>>
      %dma_start3A_107 = tpu.memref_squeeze %dma_start3A_106 : memref<1x2048xf32, #tpu.memory_space<hbm>> -> memref<2048xf32, #tpu.memory_space<hbm>>
      %dma_start3A_108 = arith.constant 0 : i32
      %dma_start3A_109 = tpu.memref_slice %arg5[%select_n3A, %dma_start3A_108] : memref<8x2048xf32, #tpu.memory_space<hbm>> -> memref<1x2048xf32, #tpu.memory_space<hbm>>
      %dma_start3A_110 = tpu.memref_squeeze %dma_start3A_109 : memref<1x2048xf32, #tpu.memory_space<hbm>> -> memref<2048xf32, #tpu.memory_space<hbm>>
      tpu.enqueue_dma source(%dma_start3A_110 : memref<2048xf32, #tpu.memory_space<hbm>>) target(%arg11 : memref<2048xf32, #tpu.memory_space<vmem>>) target_semaphore(%run_scoped3A : memref<!tpu.dma_semaphore, #tpu.memory_space<semaphore_mem>>)
      %dma_wait3A_111 = arith.constant 0 : i32
      %dma_wait3A_112 = tpu.memref_slice %arg5[%select_n3A, %dma_wait3A_111] : memref<8x2048xf32, #tpu.memory_space<hbm>> -> memref<1x2048xf32, #tpu.memory_space<hbm>>
      %dma_wait3A_113 = tpu.memref_squeeze %dma_wait3A_112 : memref<1x2048xf32, #tpu.memory_space<hbm>> -> memref<2048xf32, #tpu.memory_space<hbm>>
      %dma_wait3A_114 = arith.constant 0 : i32
      %dma_wait3A_115 = tpu.memref_slice %arg5[%select_n3A, %dma_wait3A_114] : memref<8x2048xf32, #tpu.memory_space<hbm>> -> memref<1x2048xf32, #tpu.memory_space<hbm>>
      %dma_wait3A_116 = tpu.memref_squeeze %dma_wait3A_115 : memref<1x2048xf32, #tpu.memory_space<hbm>> -> memref<2048xf32, #tpu.memory_space<hbm>>
      tpu.wait_dma2 semaphore(%run_scoped3A : memref<!tpu.dma_semaphore, #tpu.memory_space<semaphore_mem>>) src(%dma_wait3A_116 : memref<2048xf32, #tpu.memory_space<hbm>>) dst(%arg11 : memref<2048xf32, #tpu.memory_space<vmem>>)
      tpu.yield
    }) : () -> ()
    %iota3A = tpu.iota {dimensions = array<i32: 0>} : vector<16xi32>
    %mul3A_17 = arith.constant 128 : i32
    %mul3A_18 = arith.muli %add3A, %mul3A_17 : i32
    %mul3A_19 = arith.constant 2048 : i32
    %mul3A_20 = arith.muli %select_n3A, %mul3A_19 : i32
    %dma_start3A = arith.constant 0 : i32
    %dma_start3A_21 = tpu.memref_slice %arg2[%mul3A_18, %dma_start3A] : memref<4096x2048xf32, #tpu.memory_space<hbm>> -> memref<1x2048xf32, #tpu.memory_space<hbm>>
    %dma_start3A_22 = tpu.memref_squeeze %dma_start3A_21 : memref<1x2048xf32, #tpu.memory_space<hbm>> -> memref<2048xf32, #tpu.memory_space<hbm>>
    %dma_start3A_23 = arith.constant 0 : i32
    %dma_start3A_24 = tpu.memref_slice %arg2[%mul3A_18, %dma_start3A_23] : memref<4096x2048xf32, #tpu.memory_space<hbm>> -> memref<1x2048xf32, #tpu.memory_space<hbm>>
    %dma_start3A_25 = tpu.memref_squeeze %dma_start3A_24 : memref<1x2048xf32, #tpu.memory_space<hbm>> -> memref<2048xf32, #tpu.memory_space<hbm>>
    tpu.enqueue_dma source(%dma_start3A_25 : memref<2048xf32, #tpu.memory_space<hbm>>) target(%arg12 : memref<2048xf32, #tpu.memory_space<vmem>>) target_semaphore(%arg21 : memref<!tpu.dma_semaphore, #tpu.memory_space<semaphore_mem>>)
    %mul3A_26 = arith.constant 32 : i32
    %mul3A_27 = arith.muli %add3A, %mul3A_26 : i32
    %dma_start3A_28 = arith.constant 0 : i32
    %dma_start3A_29 = arith.constant 0 : i32
    %dma_start3A_30 = tpu.memref_slice %arg7[%mul3A_27, %dma_start3A_28, %dma_start3A_29] : memref<1024x128x128xf32, #tpu.memory_space<hbm>> -> memref<1x128x128xf32, #tpu.memory_space<hbm>>
    %dma_start3A_31 = tpu.memref_squeeze %dma_start3A_30 : memref<1x128x128xf32, #tpu.memory_space<hbm>> -> memref<128x128xf32, #tpu.memory_space<hbm>>
    %dma_start3A_32 = arith.constant 0 : i32
    %dma_start3A_33 = arith.constant 0 : i32
    %dma_start3A_34 = tpu.memref_slice %arg7[%mul3A_27, %dma_start3A_32, %dma_start3A_33] : memref<1024x128x128xf32, #tpu.memory_space<hbm>> -> memref<1x128x128xf32, #tpu.memory_space<hbm>>
    %dma_start3A_35 = tpu.memref_squeeze %dma_start3A_34 : memref<1x128x128xf32, #tpu.memory_space<hbm>> -> memref<128x128xf32, #tpu.memory_space<hbm>>
    tpu.enqueue_dma source(%arg19 : memref<128x128xf32, #tpu.memory_space<vmem>>) target(%dma_start3A_35 : memref<128x128xf32, #tpu.memory_space<hbm>>) target_semaphore(%arg25 : memref<!tpu.dma_semaphore, #tpu.memory_space<semaphore_mem>>)
    %dma_start3A_36 = arith.constant 0 : i32
    %dma_start3A_37 = tpu.memref_slice %arg8[%mul3A_27, %dma_start3A_36] : memref<1024x384xf32, #tpu.memory_space<hbm>> -> memref<1x384xf32, #tpu.memory_space<hbm>>
    %dma_start3A_38 = tpu.memref_squeeze %dma_start3A_37 : memref<1x384xf32, #tpu.memory_space<hbm>> -> memref<384xf32, #tpu.memory_space<hbm>>
    %dma_start3A_39 = arith.constant 0 : i32
    %dma_start3A_40 = tpu.memref_slice %arg8[%mul3A_27, %dma_start3A_39] : memref<1024x384xf32, #tpu.memory_space<hbm>> -> memref<1x384xf32, #tpu.memory_space<hbm>>
    %dma_start3A_41 = tpu.memref_squeeze %dma_start3A_40 : memref<1x384xf32, #tpu.memory_space<hbm>> -> memref<384xf32, #tpu.memory_space<hbm>>
    tpu.enqueue_dma source(%arg17 : memref<384xf32, #tpu.memory_space<vmem>>) target(%dma_start3A_41 : memref<384xf32, #tpu.memory_space<hbm>>) target_semaphore(%arg25 : memref<!tpu.dma_semaphore, #tpu.memory_space<semaphore_mem>>)
    %add3A_42 = arith.constant 1 : i32
    %add3A_43 = arith.addi %mul3A_27, %add3A_42 : i32
    %dma_start3A_44 = arith.constant 0 : i32
    %dma_start3A_45 = arith.constant 0 : i32
    %dma_start3A_46 = tpu.memref_slice %arg7[%add3A_43, %dma_start3A_44, %dma_start3A_45] : memref<1024x128x128xf32, #tpu.memory_space<hbm>> -> memref<1x128x128xf32, #tpu.memory_space<hbm>>
    %dma_start3A_47 = tpu.memref_squeeze %dma_start3A_46 : memref<1x128x128xf32, #tpu.memory_space<hbm>> -> memref<128x128xf32, #tpu.memory_space<hbm>>
    %dma_start3A_48 = arith.constant 0 : i32
    %dma_start3A_49 = arith.constant 0 : i32
    %dma_start3A_50 = tpu.memref_slice %arg7[%add3A_43, %dma_start3A_48, %dma_start3A_49] : memref<1024x128x128xf32, #tpu.memory_space<hbm>> -> memref<1x128x128xf32, #tpu.memory_space<hbm>>
    %dma_start3A_51 = tpu.memref_squeeze %dma_start3A_50 : memref<1x128x128xf32, #tpu.memory_space<hbm>> -> memref<128x128xf32, #tpu.memory_space<hbm>>
    tpu.enqueue_dma source(%arg20 : memref<128x128xf32, #tpu.memory_space<vmem>>) target(%dma_start3A_51 : memref<128x128xf32, #tpu.memory_space<hbm>>) target_semaphore(%arg26 : memref<!tpu.dma_semaphore, #tpu.memory_space<semaphore_mem>>)
    %add3A_52 = arith.constant 1 : i32
    %add3A_53 = arith.addi %mul3A_27, %add3A_52 : i32
    %dma_start3A_54 = arith.constant 0 : i32
    %dma_start3A_55 = tpu.memref_slice %arg8[%add3A_53, %dma_start3A_54] : memref<1024x384xf32, #tpu.memory_space<hbm>> -> memref<1x384xf32, #tpu.memory_space<hbm>>
    %dma_start3A_56 = tpu.memref_squeeze %dma_start3A_55 : memref<1x384xf32, #tpu.memory_space<hbm>> -> memref<384xf32, #tpu.memory_space<hbm>>
    %dma_start3A_57 = arith.constant 0 : i32
    %dma_start3A_58 = tpu.memref_slice %arg8[%add3A_53, %dma_start3A_57] : memref<1024x384xf32, #tpu.memory_space<hbm>> -> memref<1x384xf32, #tpu.memory_space<hbm>>
    %dma_start3A_59 = tpu.memref_squeeze %dma_start3A_58 : memref<1x384xf32, #tpu.memory_space<hbm>> -> memref<384xf32, #tpu.memory_space<hbm>>
    tpu.enqueue_dma source(%arg18 : memref<384xf32, #tpu.memory_space<vmem>>) target(%dma_start3A_59 : memref<384xf32, #tpu.memory_space<hbm>>) target_semaphore(%arg26 : memref<!tpu.dma_semaphore, #tpu.memory_space<semaphore_mem>>)
    %scan3A = arith.constant 4.000000e-02 : f32
    %scan3A_60 = arith.constant 0 : i32
    %scan3A_61 = arith.constant 0 : i32
    %scan3A_62 = arith.constant 16 : i32
    %scan3A_63 = arith.addi %scan3A_61, %scan3A_62 : i32
    %scan3A_64 = arith.constant 1 : i32
    %scan3A_65 = scf.for %scan3A_105 = %scan3A_61 to %scan3A_63 step %scan3A_64 iter_args(%scan3A_106 = %scan3A_60) -> (i32)  : i32 {
      %mul3A_107 = arith.constant 2 : i32
      %mul3A_108 = arith.muli %mul3A_107, %scan3A_105 : i32
      %dma_wait3A_109 = arith.constant 0 : i32
      %dma_wait3A_110 = arith.constant 0 : i32
      %dma_wait3A_111 = arith.constant 0 : i32
      %dma_wait3A_112 = tpu.memref_slice %arg7[%dma_wait3A_109, %dma_wait3A_110, %dma_wait3A_111] : memref<1024x128x128xf32, #tpu.memory_space<hbm>> -> memref<1x128x128xf32, #tpu.memory_space<hbm>>
      %dma_wait3A_113 = tpu.memref_squeeze %dma_wait3A_112 : memref<1x128x128xf32, #tpu.memory_space<hbm>> -> memref<128x128xf32, #tpu.memory_space<hbm>>
      %dma_wait3A_114 = arith.constant 0 : i32
      %dma_wait3A_115 = arith.constant 0 : i32
      %dma_wait3A_116 = tpu.memref_slice %arg7[%dma_wait3A_109, %dma_wait3A_114, %dma_wait3A_115] : memref<1024x128x128xf32, #tpu.memory_space<hbm>> -> memref<1x128x128xf32, #tpu.memory_space<hbm>>
      %dma_wait3A_117 = tpu.memref_squeeze %dma_wait3A_116 : memref<1x128x128xf32, #tpu.memory_space<hbm>> -> memref<128x128xf32, #tpu.memory_space<hbm>>
      tpu.wait_dma2 semaphore(%arg25 : memref<!tpu.dma_semaphore, #tpu.memory_space<semaphore_mem>>) src(%arg19 : memref<128x128xf32, #tpu.memory_space<vmem>>) dst(%dma_wait3A_117 : memref<128x128xf32, #tpu.memory_space<hbm>>)
      %dma_wait3A_118 = arith.constant 0 : i32
      %dma_wait3A_119 = arith.constant 0 : i32
      %dma_wait3A_120 = tpu.memref_slice %arg8[%dma_wait3A_118, %dma_wait3A_119] : memref<1024x384xf32, #tpu.memory_space<hbm>> -> memref<1x384xf32, #tpu.memory_space<hbm>>
      %dma_wait3A_121 = tpu.memref_squeeze %dma_wait3A_120 : memref<1x384xf32, #tpu.memory_space<hbm>> -> memref<384xf32, #tpu.memory_space<hbm>>
      %dma_wait3A_122 = arith.constant 0 : i32
      %dma_wait3A_123 = tpu.memref_slice %arg8[%dma_wait3A_118, %dma_wait3A_122] : memref<1024x384xf32, #tpu.memory_space<hbm>> -> memref<1x384xf32, #tpu.memory_space<hbm>>
      %dma_wait3A_124 = tpu.memref_squeeze %dma_wait3A_123 : memref<1x384xf32, #tpu.memory_space<hbm>> -> memref<384xf32, #tpu.memory_space<hbm>>
      tpu.wait_dma2 semaphore(%arg25 : memref<!tpu.dma_semaphore, #tpu.memory_space<semaphore_mem>>) src(%arg17 : memref<384xf32, #tpu.memory_space<vmem>>) dst(%dma_wait3A_124 : memref<384xf32, #tpu.memory_space<hbm>>)
      %mul3A_125 = arith.constant 4 : i32
      %mul3A_126 = arith.muli %mul3A_125, %mul3A_108 : i32
      %add3A_127 = arith.constant 0 : i32
      %add3A_128 = arith.addi %mul3A_126, %add3A_127 : i32
      %add3A_129 = arith.addi %mul3A_18, %add3A_128 : i32
      %dma_wait3A_130 = arith.constant 0 : i32
      %dma_wait3A_131 = tpu.memref_slice %arg2[%add3A_129, %dma_wait3A_130] : memref<4096x2048xf32, #tpu.memory_space<hbm>> -> memref<1x2048xf32, #tpu.memory_space<hbm>>
      %dma_wait3A_132 = tpu.memref_squeeze %dma_wait3A_131 : memref<1x2048xf32, #tpu.memory_space<hbm>> -> memref<2048xf32, #tpu.memory_space<hbm>>
      %dma_wait3A_133 = arith.constant 0 : i32
      %dma_wait3A_134 = tpu.memref_slice %arg2[%add3A_129, %dma_wait3A_133] : memref<4096x2048xf32, #tpu.memory_space<hbm>> -> memref<1x2048xf32, #tpu.memory_space<hbm>>
      %dma_wait3A_135 = tpu.memref_squeeze %dma_wait3A_134 : memref<1x2048xf32, #tpu.memory_space<hbm>> -> memref<2048xf32, #tpu.memory_space<hbm>>
      tpu.wait_dma2 semaphore(%arg21 : memref<!tpu.dma_semaphore, #tpu.memory_space<semaphore_mem>>) src(%dma_wait3A_135 : memref<2048xf32, #tpu.memory_space<hbm>>) dst(%arg12 : memref<2048xf32, #tpu.memory_space<vmem>>)
      %add3A_136 = arith.constant 1 : i32
      %add3A_137 = arith.addi %add3A_129, %add3A_136 : i32
      %min3A = arith.constant 4095 : i32
      %min3A_138 = arith.minsi %add3A_137, %min3A : i32
      %dma_start3A_139 = arith.constant 0 : i32
      %dma_start3A_140 = tpu.memref_slice %arg2[%min3A_138, %dma_start3A_139] : memref<4096x2048xf32, #tpu.memory_space<hbm>> -> memref<1x2048xf32, #tpu.memory_space<hbm>>
      %dma_start3A_141 = tpu.memref_squeeze %dma_start3A_140 : memref<1x2048xf32, #tpu.memory_space<hbm>> -> memref<2048xf32, #tpu.memory_space<hbm>>
      %dma_start3A_142 = arith.constant 0 : i32
      %dma_start3A_143 = tpu.memref_slice %arg2[%min3A_138, %dma_start3A_142] : memref<4096x2048xf32, #tpu.memory_space<hbm>> -> memref<1x2048xf32, #tpu.memory_space<hbm>>
      %dma_start3A_144 = tpu.memref_squeeze %dma_start3A_143 : memref<1x2048xf32, #tpu.memory_space<hbm>> -> memref<2048xf32, #tpu.memory_space<hbm>>
      tpu.enqueue_dma source(%dma_start3A_144 : memref<2048xf32, #tpu.memory_space<hbm>>) target(%arg13 : memref<2048xf32, #tpu.memory_space<vmem>>) target_semaphore(%arg22 : memref<!tpu.dma_semaphore, #tpu.memory_space<semaphore_mem>>)
      %broadcast_in_dim3A = arith.constant 2047 : i32
      %broadcast_in_dim3A_145 = vector.broadcast %broadcast_in_dim3A : i32 to vector<16xi32>
      %while3A = arith.constant 0 : i32
      %while3A_146 = arith.constant 0 : i32
      %while3A_147:3 = scf.while (%while3A_920 = %while3A, %while3A_921 = %while3A_146, %while3A_922 = %broadcast_in_dim3A_145) : (i32, i32, vector<16xi32>) -> (i32, i32, vector<16xi32>) {
        %lt3A_923 = arith.constant 128 : i32
        %lt3A_924 = arith.cmpi slt, %while3A_920, %lt3A_923 : i32
        %lt3A_925 = arith.constant 32 : i32
        %lt3A_926 = arith.cmpi slt, %while3A_921, %lt3A_925 : i32
        %and3A_927 = arith.andi %lt3A_924, %lt3A_926 : i1
        scf.condition(%and3A_927) %while3A_920, %while3A_921, %while3A_922 : i32, i32, vector<16xi32>
      } do {
      ^bb0(%while3A_920: i32, %while3A_921: i32, %while3A_922: vector<16xi32>):
        %broadcast_in_dim3A_923 = arith.constant 0 : i32
        %broadcast_in_dim3A_924 = vector.broadcast %broadcast_in_dim3A_923 : i32 to vector<16xi32>
        %add3A_925 = vector.broadcast %while3A_921 : i32 to vector<16xi32>
        %add3A_926 = arith.addi %broadcast_in_dim3A_924, %add3A_925 : vector<16xi32>
        %add3A_927 = arith.constant 0 : i32
        %add3A_928 = arith.addi %while3A_920, %add3A_927 : i32
        %mul3A_929 = arith.constant 16 : i32
        %mul3A_930 = arith.muli %add3A_928, %mul3A_929 : i32
        %get3A_931 = arith.index_cast %mul3A_930 : i32 to index
        %get3A_932 = tpu.vector_load %arg12[%get3A_931] {strides = array<i32>} : memref<2048xf32, #tpu.memory_space<vmem>>, vector<16xf32>,
        %le3A = vector.broadcast %scan3A : f32 to vector<16xf32>
        %le3A_933 = arith.cmpf ole, %get3A_932, %le3A : vector<16xf32>
        %convert_element_type3A = arith.extui %le3A_933 : vector<16xi1> to vector<16xi32>
        %broadcast_in_dim3A_934 = arith.constant true
        %broadcast_in_dim3A_935 = vector.broadcast %broadcast_in_dim3A_934 : i1 to vector<16xi1>
        %masked_cumsum3A = tpu.scan <sum>, %convert_element_type3A masked %broadcast_in_dim3A_935 : vector<16xi32>, vector<16xi1> -> vector<16xi32>
        %add3A_936 = arith.addi %masked_cumsum3A, %add3A_926 : vector<16xi32>
        %le3A_937 = arith.constant 32 : i32
        %le3A_938 = vector.broadcast %le3A_937 : i32 to vector<16xi32>
        %le3A_939 = arith.cmpi sle, %add3A_936, %le3A_938 : vector<16xi32>
        %and3A_940 = arith.andi %le3A_933, %le3A_939 : vector<16xi1>
        %sub3A_941 = arith.constant 1 : i32
        %sub3A_942 = vector.broadcast %sub3A_941 : i32 to vector<16xi32>
        %sub3A_943 = arith.subi %add3A_936, %sub3A_942 : vector<16xi32>
        %jit3A_944 = arith.constant 0 : i32
        %jit3A_945 = arith.constant 31 : i32
        %max3A = vector.broadcast %jit3A_944 : i32 to vector<16xi32>
        %max3A_946 = arith.maxsi %max3A, %sub3A_943 : vector<16xi32>
        %min3A_947 = vector.broadcast %jit3A_945 : i32 to vector<16xi32>
        %min3A_948 = arith.minsi %min3A_947, %max3A_946 : vector<16xi32>
        %add3A_949 = vector.broadcast %mul3A_930 : i32 to vector<16xi32>
        %add3A_950 = arith.addi %add3A_949, %iota3A : vector<16xi32>
        tpu.vector_store_idx %arg14[%min3A_948], %add3A_950 masked %and3A_940 : memref<32xi32, #tpu.memory_space<vmem>>[vector<16xi32>], vector<16xi32>, vector<16xi1>
        %add3A_951 = vector.broadcast %mul3A_930 : i32 to vector<16xi32>
        %add3A_952 = arith.addi %add3A_951, %iota3A : vector<16xi32>
        %jit3A_953 = arith.constant 2047 : i32
        %broadcast_in_dim3A_954 = vector.broadcast %jit3A_953 : i32 to vector<16xi32>
        %select_n3A_955 = arith.select %le3A_933, %add3A_952, %broadcast_in_dim3A_954 : vector<16xi1>, vector<16xi32>
        %min3A_956 = arith.minsi %while3A_922, %select_n3A_955 : vector<16xi32>
        %all_reduce_population_count3A = tpu.all_reduce %le3A_933 {dim = 0 : i64, kind = #tpu.reduction_kind<sum>} : vector<16xi1> -> vector<16xi32>
        %add3A_957 = arith.addi %add3A_926, %all_reduce_population_count3A : vector<16xi32>
        %add3A_958 = arith.constant 1 : i32
        %add3A_959 = arith.addi %while3A_920, %add3A_958 : i32
        %mul3A_960 = arith.constant 16 : i32
        %mul3A_961 = arith.muli %add3A_959, %mul3A_960 : i32
        %get3A_962 = arith.index_cast %mul3A_961 : i32 to index
        %get3A_963 = tpu.vector_load %arg12[%get3A_962] {strides = array<i32>} : memref<2048xf32, #tpu.memory_space<vmem>>, vector<16xf32>,
        %le3A_964 = vector.broadcast %scan3A : f32 to vector<16xf32>
        %le3A_965 = arith.cmpf ole, %get3A_963, %le3A_964 : vector<16xf32>
        %convert_element_type3A_966 = arith.extui %le3A_965 : vector<16xi1> to vector<16xi32>
        %broadcast_in_dim3A_967 = arith.constant true
        %broadcast_in_dim3A_968 = vector.broadcast %broadcast_in_dim3A_967 : i1 to vector<16xi1>
        %masked_cumsum3A_969 = tpu.scan <sum>, %convert_element_type3A_966 masked %broadcast_in_dim3A_968 : vector<16xi32>, vector<16xi1> -> vector<16xi32>
        %add3A_970 = arith.addi %masked_cumsum3A_969, %add3A_957 : vector<16xi32>
        %le3A_971 = arith.constant 32 : i32
        %le3A_972 = vector.broadcast %le3A_971 : i32 to vector<16xi32>
        %le3A_973 = arith.cmpi sle, %add3A_970, %le3A_972 : vector<16xi32>
        %and3A_974 = arith.andi %le3A_965, %le3A_973 : vector<16xi1>
        %sub3A_975 = arith.constant 1 : i32
        %sub3A_976 = vector.broadcast %sub3A_975 : i32 to vector<16xi32>
        %sub3A_977 = arith.subi %add3A_970, %sub3A_976 : vector<16xi32>
        %jit3A_978 = arith.constant 0 : i32
        %jit3A_979 = arith.constant 31 : i32
        %max3A_980 = vector.broadcast %jit3A_978 : i32 to vector<16xi32>
        %max3A_981 = arith.maxsi %max3A_980, %sub3A_977 : vector<16xi32>
        %min3A_982 = vector.broadcast %jit3A_979 : i32 to vector<16xi32>
        %min3A_983 = arith.minsi %min3A_982, %max3A_981 : vector<16xi32>
        %add3A_984 = vector.broadcast %mul3A_961 : i32 to vector<16xi32>
        %add3A_985 = arith.addi %add3A_984, %iota3A : vector<16xi32>
        tpu.vector_store_idx %arg14[%min3A_983], %add3A_985 masked %and3A_974 : memref<32xi32, #tpu.memory_space<vmem>>[vector<16xi32>], vector<16xi32>, vector<16xi1>
        %add3A_986 = vector.broadcast %mul3A_961 : i32 to vector<16xi32>
        %add3A_987 = arith.addi %add3A_986, %iota3A : vector<16xi32>
        %jit3A_988 = arith.constant 2047 : i32
        %broadcast_in_dim3A_989 = vector.broadcast %jit3A_988 : i32 to vector<16xi32>
        %select_n3A_990 = arith.select %le3A_965, %add3A_987, %broadcast_in_dim3A_989 : vector<16xi1>, vector<16xi32>
        %min3A_991 = arith.minsi %min3A_956, %select_n3A_990 : vector<16xi32>
        %all_reduce_population_count3A_992 = tpu.all_reduce %le3A_965 {dim = 0 : i64, kind = #tpu.reduction_kind<sum>} : vector<16xi1> -> vector<16xi32>
        %add3A_993 = arith.addi %add3A_957, %all_reduce_population_count3A_992 : vector<16xi32>
        %add3A_994 = arith.constant 2 : i32
        %add3A_995 = arith.addi %while3A_920, %add3A_994 : i32
        %mul3A_996 = arith.constant 16 : i32
        %mul3A_997 = arith.muli %add3A_995, %mul3A_996 : i32
        %get3A_998 = arith.index_cast %mul3A_997 : i32 to index
        %get3A_999 = tpu.vector_load %arg12[%get3A_998] {strides = array<i32>} : memref<2048xf32, #tpu.memory_space<vmem>>, vector<16xf32>,
        %le3A_1000 = vector.broadcast %scan3A : f32 to vector<16xf32>
        %le3A_1001 = arith.cmpf ole, %get3A_999, %le3A_1000 : vector<16xf32>
        %convert_element_type3A_1002 = arith.extui %le3A_1001 : vector<16xi1> to vector<16xi32>
        %broadcast_in_dim3A_1003 = arith.constant true
        %broadcast_in_dim3A_1004 = vector.broadcast %broadcast_in_dim3A_1003 : i1 to vector<16xi1>
        %masked_cumsum3A_1005 = tpu.scan <sum>, %convert_element_type3A_1002 masked %broadcast_in_dim3A_1004 : vector<16xi32>, vector<16xi1> -> vector<16xi32>
        %add3A_1006 = arith.addi %masked_cumsum3A_1005, %add3A_993 : vector<16xi32>
        %le3A_1007 = arith.constant 32 : i32
        %le3A_1008 = vector.broadcast %le3A_1007 : i32 to vector<16xi32>
        %le3A_1009 = arith.cmpi sle, %add3A_1006, %le3A_1008 : vector<16xi32>
        %and3A_1010 = arith.andi %le3A_1001, %le3A_1009 : vector<16xi1>
        %sub3A_1011 = arith.constant 1 : i32
        %sub3A_1012 = vector.broadcast %sub3A_1011 : i32 to vector<16xi32>
        %sub3A_1013 = arith.subi %add3A_1006, %sub3A_1012 : vector<16xi32>
        %jit3A_1014 = arith.constant 0 : i32
        %jit3A_1015 = arith.constant 31 : i32
        %max3A_1016 = vector.broadcast %jit3A_1014 : i32 to vector<16xi32>
        %max3A_1017 = arith.maxsi %max3A_1016, %sub3A_1013 : vector<16xi32>
        %min3A_1018 = vector.broadcast %jit3A_1015 : i32 to vector<16xi32>
        %min3A_1019 = arith.minsi %min3A_1018, %max3A_1017 : vector<16xi32>
        %add3A_1020 = vector.broadcast %mul3A_997 : i32 to vector<16xi32>
        %add3A_1021 = arith.addi %add3A_1020, %iota3A : vector<16xi32>
        tpu.vector_store_idx %arg14[%min3A_1019], %add3A_1021 masked %and3A_1010 : memref<32xi32, #tpu.memory_space<vmem>>[vector<16xi32>], vector<16xi32>, vector<16xi1>
        %add3A_1022 = vector.broadcast %mul3A_997 : i32 to vector<16xi32>
        %add3A_1023 = arith.addi %add3A_1022, %iota3A : vector<16xi32>
        %jit3A_1024 = arith.constant 2047 : i32
        %broadcast_in_dim3A_1025 = vector.broadcast %jit3A_1024 : i32 to vector<16xi32>
        %select_n3A_1026 = arith.select %le3A_1001, %add3A_1023, %broadcast_in_dim3A_1025 : vector<16xi1>, vector<16xi32>
        %min3A_1027 = arith.minsi %min3A_991, %select_n3A_1026 : vector<16xi32>
        %all_reduce_population_count3A_1028 = tpu.all_reduce %le3A_1001 {dim = 0 : i64, kind = #tpu.reduction_kind<sum>} : vector<16xi1> -> vector<16xi32>
        %add3A_1029 = arith.addi %add3A_993, %all_reduce_population_count3A_1028 : vector<16xi32>
        %add3A_1030 = arith.constant 3 : i32
        %add3A_1031 = arith.addi %while3A_920, %add3A_1030 : i32
        %mul3A_1032 = arith.constant 16 : i32
        %mul3A_1033 = arith.muli %add3A_1031, %mul3A_1032 : i32
        %get3A_1034 = arith.index_cast %mul3A_1033 : i32 to index
        %get3A_1035 = tpu.vector_load %arg12[%get3A_1034] {strides = array<i32>} : memref<2048xf32, #tpu.memory_space<vmem>>, vector<16xf32>,
        %le3A_1036 = vector.broadcast %scan3A : f32 to vector<16xf32>
        %le3A_1037 = arith.cmpf ole, %get3A_1035, %le3A_1036 : vector<16xf32>
        %convert_element_type3A_1038 = arith.extui %le3A_1037 : vector<16xi1> to vector<16xi32>
        %broadcast_in_dim3A_1039 = arith.constant true
        %broadcast_in_dim3A_1040 = vector.broadcast %broadcast_in_dim3A_1039 : i1 to vector<16xi1>
        %masked_cumsum3A_1041 = tpu.scan <sum>, %convert_element_type3A_1038 masked %broadcast_in_dim3A_1040 : vector<16xi32>, vector<16xi1> -> vector<16xi32>
        %add3A_1042 = arith.addi %masked_cumsum3A_1041, %add3A_1029 : vector<16xi32>
        %le3A_1043 = arith.constant 32 : i32
        %le3A_1044 = vector.broadcast %le3A_1043 : i32 to vector<16xi32>
        %le3A_1045 = arith.cmpi sle, %add3A_1042, %le3A_1044 : vector<16xi32>
        %and3A_1046 = arith.andi %le3A_1037, %le3A_1045 : vector<16xi1>
        %sub3A_1047 = arith.constant 1 : i32
        %sub3A_1048 = vector.broadcast %sub3A_1047 : i32 to vector<16xi32>
        %sub3A_1049 = arith.subi %add3A_1042, %sub3A_1048 : vector<16xi32>
        %jit3A_1050 = arith.constant 0 : i32
        %jit3A_1051 = arith.constant 31 : i32
        %max3A_1052 = vector.broadcast %jit3A_1050 : i32 to vector<16xi32>
        %max3A_1053 = arith.maxsi %max3A_1052, %sub3A_1049 : vector<16xi32>
        %min3A_1054 = vector.broadcast %jit3A_1051 : i32 to vector<16xi32>
        %min3A_1055 = arith.minsi %min3A_1054, %max3A_1053 : vector<16xi32>
        %add3A_1056 = vector.broadcast %mul3A_1033 : i32 to vector<16xi32>
        %add3A_1057 = arith.addi %add3A_1056, %iota3A : vector<16xi32>
        tpu.vector_store_idx %arg14[%min3A_1055], %add3A_1057 masked %and3A_1046 : memref<32xi32, #tpu.memory_space<vmem>>[vector<16xi32>], vector<16xi32>, vector<16xi1>
        %add3A_1058 = vector.broadcast %mul3A_1033 : i32 to vector<16xi32>
        %add3A_1059 = arith.addi %add3A_1058, %iota3A : vector<16xi32>
        %jit3A_1060 = arith.constant 2047 : i32
        %broadcast_in_dim3A_1061 = vector.broadcast %jit3A_1060 : i32 to vector<16xi32>
        %select_n3A_1062 = arith.select %le3A_1037, %add3A_1059, %broadcast_in_dim3A_1061 : vector<16xi1>, vector<16xi32>
        %min3A_1063 = arith.minsi %min3A_1027, %select_n3A_1062 : vector<16xi32>
        %all_reduce_population_count3A_1064 = tpu.all_reduce %le3A_1037 {dim = 0 : i64, kind = #tpu.reduction_kind<sum>} : vector<16xi1> -> vector<16xi32>
        %add3A_1065 = arith.addi %add3A_1029, %all_reduce_population_count3A_1064 : vector<16xi32>
        %add3A_1066 = arith.constant 4 : i32
        %add3A_1067 = arith.addi %while3A_920, %add3A_1066 : i32
        %reduce_max3A = arith.constant true
        %reduce_max3A_1068 = vector.broadcast %reduce_max3A : i1 to vector<16xi1>
        %reduce_max3A_1069 = arith.constant -2147483648 : i32
        %reduce_max3A_1070 = vector.broadcast %reduce_max3A_1069 : i32 to vector<16xi32>
        %reduce_max3A_1071 = arith.xori %add3A_1065, %reduce_max3A_1070 : vector<16xi32>
        %reduce_max3A_1072 = tpu.scan <max>, %reduce_max3A_1071 masked %reduce_max3A_1068 : vector<16xi32>, vector<16xi1> -> vector<16xi32>
        %reduce_max3A_1073 = arith.xori %reduce_max3A_1072, %reduce_max3A_1070 : vector<16xi32>
        %reduce_max3A_1074 = vector.extract %reduce_max3A_1073[15] : i32 from vector<16xi32>
        scf.yield %add3A_1067, %reduce_max3A_1074, %min3A_1063 : i32, i32, vector<16xi32>
      }
      %reduce_min3A = arith.constant true
      %reduce_min3A_148 = vector.broadcast %reduce_min3A : i1 to vector<16xi1>
      %reduce_min3A_149 = arith.constant -2147483648 : i32
      %reduce_min3A_150 = vector.broadcast %reduce_min3A_149 : i32 to vector<16xi32>
      %reduce_min3A_151 = arith.xori %while3A_147#2, %reduce_min3A_150 : vector<16xi32>
      %reduce_min3A_152 = tpu.scan <min>, %reduce_min3A_151 masked %reduce_min3A_148 : vector<16xi32>, vector<16xi1> -> vector<16xi32>
      %reduce_min3A_153 = arith.xori %reduce_min3A_152, %reduce_min3A_150 : vector<16xi32>
      %reduce_min3A_154 = vector.extract %reduce_min3A_153[15] : i32 from vector<16xi32>
      %broadcast_in_dim3A_155 = arith.constant 0 : i32
      %broadcast_in_dim3A_156 = vector.broadcast %broadcast_in_dim3A_155 : i32 to vector<16xi32>
      %add3A_157 = vector.broadcast %reduce_min3A_154 : i32 to vector<16xi32>
      %add3A_158 = arith.addi %broadcast_in_dim3A_156, %add3A_157 : vector<16xi32>
      %add3A_159 = arith.constant 0 : i32
      %add3A_160 = vector.broadcast %add3A_159 : i32 to vector<16xi32>
      %add3A_161 = arith.addi %iota3A, %add3A_160 : vector<16xi32>
      %get3A = arith.constant 0 : index
      %get3A_162 = tpu.vector_load %arg14[%get3A] {strides = array<i32>} : memref<32xi32, #tpu.memory_space<vmem>>, vector<16xi32>,
      %lt3A = vector.broadcast %while3A_147#1 : i32 to vector<16xi32>
      %lt3A_163 = arith.cmpi slt, %add3A_161, %lt3A : vector<16xi32>
      %select_n3A_164 = arith.select %lt3A_163, %get3A_162, %add3A_158 : vector<16xi1>, vector<16xi32>
      %add3A_165 = vector.broadcast %mul3A_20 : i32 to vector<16xi32>
      %add3A_166 = arith.addi %select_n3A_164, %add3A_165 : vector<16xi32>
      %swap3A = arith.constant 0 : index
      %swap3A_167 = tpu.vector_load %arg15[%swap3A] {strides = array<i32>} : memref<128xi32, #tpu.memory_space<vmem>>, vector<16xi32>,
      tpu.vector_store %arg15[%swap3A], %add3A_166 {strides = array<i32>} : memref<128xi32, #tpu.memory_space<vmem>>, vector<16xi32>,
      %gather3A = tpu.vector_load_idx %arg9[%select_n3A_164] : memref<2048xf32, #tpu.memory_space<vmem>>[vector<16xi32>], vector<16xf32>,
      %gather3A_168 = tpu.vector_load_idx %arg10[%select_n3A_164] : memref<2048xf32, #tpu.memory_space<vmem>>[vector<16xi32>], vector<16xf32>,
      %gather3A_169 = tpu.vector_load_idx %arg11[%select_n3A_164] : memref<2048xf32, #tpu.memory_space<vmem>>[vector<16xi32>], vector<16xf32>,
      %add3A_170 = arith.constant 0 : i32
      %add3A_171 = vector.broadcast %add3A_170 : i32 to vector<16xi32>
      %add3A_172 = arith.addi %add3A_171, %add3A_161 : vector<16xi32>
      %mul3A_173 = arith.constant 3 : i32
      %mul3A_174 = vector.broadcast %mul3A_173 : i32 to vector<16xi32>
      %mul3A_175 = arith.muli %add3A_172, %mul3A_174 : vector<16xi32>
      tpu.vector_store_idx %arg17[%mul3A_175], %gather3A : memref<384xf32, #tpu.memory_space<vmem>>[vector<16xi32>], vector<16xf32>,
      %add3A_176 = arith.constant 1 : i32
      %add3A_177 = vector.broadcast %add3A_176 : i32 to vector<16xi32>
      %add3A_178 = arith.addi %mul3A_175, %add3A_177 : vector<16xi32>
      tpu.vector_store_idx %arg17[%add3A_178], %gather3A_168 : memref<384xf32, #tpu.memory_space<vmem>>[vector<16xi32>], vector<16xf32>,
      %add3A_179 = arith.constant 2 : i32
      %add3A_180 = vector.broadcast %add3A_179 : i32 to vector<16xi32>
      %add3A_181 = arith.addi %mul3A_175, %add3A_180 : vector<16xi32>
      tpu.vector_store_idx %arg17[%add3A_181], %gather3A_169 : memref<384xf32, #tpu.memory_space<vmem>>[vector<16xi32>], vector<16xf32>,
      %add3A_182 = arith.constant 16 : i32
      %add3A_183 = vector.broadcast %add3A_182 : i32 to vector<16xi32>
      %add3A_184 = arith.addi %iota3A, %add3A_183 : vector<16xi32>
      %get3A_185 = arith.constant 16 : index
      %get3A_186 = tpu.vector_load %arg14[%get3A_185] {strides = array<i32>} : memref<32xi32, #tpu.memory_space<vmem>>, vector<16xi32>,
      %lt3A_187 = vector.broadcast %while3A_147#1 : i32 to vector<16xi32>
      %lt3A_188 = arith.cmpi slt, %add3A_184, %lt3A_187 : vector<16xi32>
      %select_n3A_189 = arith.select %lt3A_188, %get3A_186, %add3A_158 : vector<16xi1>, vector<16xi32>
      %add3A_190 = vector.broadcast %mul3A_20 : i32 to vector<16xi32>
      %add3A_191 = arith.addi %select_n3A_189, %add3A_190 : vector<16xi32>
      %swap3A_192 = arith.constant 16 : index
      %swap3A_193 = tpu.vector_load %arg15[%swap3A_192] {strides = array<i32>} : memref<128xi32, #tpu.memory_space<vmem>>, vector<16xi32>,
      tpu.vector_store %arg15[%swap3A_192], %add3A_191 {strides = array<i32>} : memref<128xi32, #tpu.memory_space<vmem>>, vector<16xi32>,
      %gather3A_194 = tpu.vector_load_idx %arg9[%select_n3A_189] : memref<2048xf32, #tpu.memory_space<vmem>>[vector<16xi32>], vector<16xf32>,
      %gather3A_195 = tpu.vector_load_idx %arg10[%select_n3A_189] : memref<2048xf32, #tpu.memory_space<vmem>>[vector<16xi32>], vector<16xf32>,
      %gather3A_196 = tpu.vector_load_idx %arg11[%select_n3A_189] : memref<2048xf32, #tpu.memory_space<vmem>>[vector<16xi32>], vector<16xf32>,
      %add3A_197 = arith.constant 0 : i32
      %add3A_198 = vector.broadcast %add3A_197 : i32 to vector<16xi32>
      %add3A_199 = arith.addi %add3A_198, %add3A_184 : vector<16xi32>
      %mul3A_200 = arith.constant 3 : i32
      %mul3A_201 = vector.broadcast %mul3A_200 : i32 to vector<16xi32>
      %mul3A_202 = arith.muli %add3A_199, %mul3A_201 : vector<16xi32>
      tpu.vector_store_idx %arg17[%mul3A_202], %gather3A_194 : memref<384xf32, #tpu.memory_space<vmem>>[vector<16xi32>], vector<16xf32>,
      %add3A_203 = arith.constant 1 : i32
      %add3A_204 = vector.broadcast %add3A_203 : i32 to vector<16xi32>
      %add3A_205 = arith.addi %mul3A_202, %add3A_204 : vector<16xi32>
      tpu.vector_store_idx %arg17[%add3A_205], %gather3A_195 : memref<384xf32, #tpu.memory_space<vmem>>[vector<16xi32>], vector<16xf32>,
      %add3A_206 = arith.constant 2 : i32
      %add3A_207 = vector.broadcast %add3A_206 : i32 to vector<16xi32>
      %add3A_208 = arith.addi %mul3A_202, %add3A_207 : vector<16xi32>
      tpu.vector_store_idx %arg17[%add3A_208], %gather3A_196 : memref<384xf32, #tpu.memory_space<vmem>>[vector<16xi32>], vector<16xf32>,
      %mul3A_209 = arith.constant 4 : i32
      %mul3A_210 = arith.muli %mul3A_209, %mul3A_108 : i32
      %add3A_211 = arith.constant 1 : i32
      %add3A_212 = arith.addi %mul3A_210, %add3A_211 : i32
      %add3A_213 = arith.addi %mul3A_18, %add3A_212 : i32
      %dma_wait3A_214 = arith.constant 0 : i32
      %dma_wait3A_215 = tpu.memref_slice %arg2[%add3A_213, %dma_wait3A_214] : memref<4096x2048xf32, #tpu.memory_space<hbm>> -> memref<1x2048xf32, #tpu.memory_space<hbm>>
      %dma_wait3A_216 = tpu.memref_squeeze %dma_wait3A_215 : memref<1x2048xf32, #tpu.memory_space<hbm>> -> memref<2048xf32, #tpu.memory_space<hbm>>
      %dma_wait3A_217 = arith.constant 0 : i32
      %dma_wait3A_218 = tpu.memref_slice %arg2[%add3A_213, %dma_wait3A_217] : memref<4096x2048xf32, #tpu.memory_space<hbm>> -> memref<1x2048xf32, #tpu.memory_space<hbm>>
      %dma_wait3A_219 = tpu.memref_squeeze %dma_wait3A_218 : memref<1x2048xf32, #tpu.memory_space<hbm>> -> memref<2048xf32, #tpu.memory_space<hbm>>
      tpu.wait_dma2 semaphore(%arg22 : memref<!tpu.dma_semaphore, #tpu.memory_space<semaphore_mem>>) src(%dma_wait3A_219 : memref<2048xf32, #tpu.memory_space<hbm>>) dst(%arg13 : memref<2048xf32, #tpu.memory_space<vmem>>)
      %add3A_220 = arith.constant 1 : i32
      %add3A_221 = arith.addi %add3A_213, %add3A_220 : i32
      %min3A_222 = arith.constant 4095 : i32
      %min3A_223 = arith.minsi %add3A_221, %min3A_222 : i32
      %dma_start3A_224 = arith.constant 0 : i32
      %dma_start3A_225 = tpu.memref_slice %arg2[%min3A_223, %dma_start3A_224] : memref<4096x2048xf32, #tpu.memory_space<hbm>> -> memref<1x2048xf32, #tpu.memory_space<hbm>>
      %dma_start3A_226 = tpu.memref_squeeze %dma_start3A_225 : memref<1x2048xf32, #tpu.memory_space<hbm>> -> memref<2048xf32, #tpu.memory_space<hbm>>
      %dma_start3A_227 = arith.constant 0 : i32
      %dma_start3A_228 = tpu.memref_slice %arg2[%min3A_223, %dma_start3A_227] : memref<4096x2048xf32, #tpu.memory_space<hbm>> -> memref<1x2048xf32, #tpu.memory_space<hbm>>
      %dma_start3A_229 = tpu.memref_squeeze %dma_start3A_228 : memref<1x2048xf32, #tpu.memory_space<hbm>> -> memref<2048xf32, #tpu.memory_space<hbm>>
      tpu.enqueue_dma source(%dma_start3A_229 : memref<2048xf32, #tpu.memory_space<hbm>>) target(%arg12 : memref<2048xf32, #tpu.memory_space<vmem>>) target_semaphore(%arg21 : memref<!tpu.dma_semaphore, #tpu.memory_space<semaphore_mem>>)
      %broadcast_in_dim3A_230 = arith.constant 2047 : i32
      %broadcast_in_dim3A_231 = vector.broadcast %broadcast_in_dim3A_230 : i32 to vector<16xi32>
      %while3A_232 = arith.constant 0 : i32
      %while3A_233 = arith.constant 0 : i32
      %while3A_234:3 = scf.while (%while3A_920 = %while3A_232, %while3A_921 = %while3A_233, %while3A_922 = %broadcast_in_dim3A_231) : (i32, i32, vector<16xi32>) -> (i32, i32, vector<16xi32>) {
        %lt3A_923 = arith.constant 128 : i32
        %lt3A_924 = arith.cmpi slt, %while3A_920, %lt3A_923 : i32
        %lt3A_925 = arith.constant 32 : i32
        %lt3A_926 = arith.cmpi slt, %while3A_921, %lt3A_925 : i32
        %and3A_927 = arith.andi %lt3A_924, %lt3A_926 : i1
        scf.condition(%and3A_927) %while3A_920, %while3A_921, %while3A_922 : i32, i32, vector<16xi32>
      } do {
      ^bb0(%while3A_920: i32, %while3A_921: i32, %while3A_922: vector<16xi32>):
        %broadcast_in_dim3A_923 = arith.constant 0 : i32
        %broadcast_in_dim3A_924 = vector.broadcast %broadcast_in_dim3A_923 : i32 to vector<16xi32>
        %add3A_925 = vector.broadcast %while3A_921 : i32 to vector<16xi32>
        %add3A_926 = arith.addi %broadcast_in_dim3A_924, %add3A_925 : vector<16xi32>
        %add3A_927 = arith.constant 0 : i32
        %add3A_928 = arith.addi %while3A_920, %add3A_927 : i32
        %mul3A_929 = arith.constant 16 : i32
        %mul3A_930 = arith.muli %add3A_928, %mul3A_929 : i32
        %get3A_931 = arith.index_cast %mul3A_930 : i32 to index
        %get3A_932 = tpu.vector_load %arg13[%get3A_931] {strides = array<i32>} : memref<2048xf32, #tpu.memory_space<vmem>>, vector<16xf32>,
        %le3A = vector.broadcast %scan3A : f32 to vector<16xf32>
        %le3A_933 = arith.cmpf ole, %get3A_932, %le3A : vector<16xf32>
        %convert_element_type3A = arith.extui %le3A_933 : vector<16xi1> to vector<16xi32>
        %broadcast_in_dim3A_934 = arith.constant true
        %broadcast_in_dim3A_935 = vector.broadcast %broadcast_in_dim3A_934 : i1 to vector<16xi1>
        %masked_cumsum3A = tpu.scan <sum>, %convert_element_type3A masked %broadcast_in_dim3A_935 : vector<16xi32>, vector<16xi1> -> vector<16xi32>
        %add3A_936 = arith.addi %masked_cumsum3A, %add3A_926 : vector<16xi32>
        %le3A_937 = arith.constant 32 : i32
        %le3A_938 = vector.broadcast %le3A_937 : i32 to vector<16xi32>
        %le3A_939 = arith.cmpi sle, %add3A_936, %le3A_938 : vector<16xi32>
        %and3A_940 = arith.andi %le3A_933, %le3A_939 : vector<16xi1>
        %sub3A_941 = arith.constant 1 : i32
        %sub3A_942 = vector.broadcast %sub3A_941 : i32 to vector<16xi32>
        %sub3A_943 = arith.subi %add3A_936, %sub3A_942 : vector<16xi32>
        %jit3A_944 = arith.constant 0 : i32
        %jit3A_945 = arith.constant 31 : i32
        %max3A = vector.broadcast %jit3A_944 : i32 to vector<16xi32>
        %max3A_946 = arith.maxsi %max3A, %sub3A_943 : vector<16xi32>
        %min3A_947 = vector.broadcast %jit3A_945 : i32 to vector<16xi32>
        %min3A_948 = arith.minsi %min3A_947, %max3A_946 : vector<16xi32>
        %add3A_949 = vector.broadcast %mul3A_930 : i32 to vector<16xi32>
        %add3A_950 = arith.addi %add3A_949, %iota3A : vector<16xi32>
        tpu.vector_store_idx %arg14[%min3A_948], %add3A_950 masked %and3A_940 : memref<32xi32, #tpu.memory_space<vmem>>[vector<16xi32>], vector<16xi32>, vector<16xi1>
        %add3A_951 = vector.broadcast %mul3A_930 : i32 to vector<16xi32>
        %add3A_952 = arith.addi %add3A_951, %iota3A : vector<16xi32>
        %jit3A_953 = arith.constant 2047 : i32
        %broadcast_in_dim3A_954 = vector.broadcast %jit3A_953 : i32 to vector<16xi32>
        %select_n3A_955 = arith.select %le3A_933, %add3A_952, %broadcast_in_dim3A_954 : vector<16xi1>, vector<16xi32>
        %min3A_956 = arith.minsi %while3A_922, %select_n3A_955 : vector<16xi32>
        %all_reduce_population_count3A = tpu.all_reduce %le3A_933 {dim = 0 : i64, kind = #tpu.reduction_kind<sum>} : vector<16xi1> -> vector<16xi32>
        %add3A_957 = arith.addi %add3A_926, %all_reduce_population_count3A : vector<16xi32>
        %add3A_958 = arith.constant 1 : i32
        %add3A_959 = arith.addi %while3A_920, %add3A_958 : i32
        %mul3A_960 = arith.constant 16 : i32
        %mul3A_961 = arith.muli %add3A_959, %mul3A_960 : i32
        %get3A_962 = arith.index_cast %mul3A_961 : i32 to index
        %get3A_963 = tpu.vector_load %arg13[%get3A_962] {strides = array<i32>} : memref<2048xf32, #tpu.memory_space<vmem>>, vector<16xf32>,
        %le3A_964 = vector.broadcast %scan3A : f32 to vector<16xf32>
        %le3A_965 = arith.cmpf ole, %get3A_963, %le3A_964 : vector<16xf32>
        %convert_element_type3A_966 = arith.extui %le3A_965 : vector<16xi1> to vector<16xi32>
        %broadcast_in_dim3A_967 = arith.constant true
        %broadcast_in_dim3A_968 = vector.broadcast %broadcast_in_dim3A_967 : i1 to vector<16xi1>
        %masked_cumsum3A_969 = tpu.scan <sum>, %convert_element_type3A_966 masked %broadcast_in_dim3A_968 : vector<16xi32>, vector<16xi1> -> vector<16xi32>
        %add3A_970 = arith.addi %masked_cumsum3A_969, %add3A_957 : vector<16xi32>
        %le3A_971 = arith.constant 32 : i32
        %le3A_972 = vector.broadcast %le3A_971 : i32 to vector<16xi32>
        %le3A_973 = arith.cmpi sle, %add3A_970, %le3A_972 : vector<16xi32>
        %and3A_974 = arith.andi %le3A_965, %le3A_973 : vector<16xi1>
        %sub3A_975 = arith.constant 1 : i32
        %sub3A_976 = vector.broadcast %sub3A_975 : i32 to vector<16xi32>
        %sub3A_977 = arith.subi %add3A_970, %sub3A_976 : vector<16xi32>
        %jit3A_978 = arith.constant 0 : i32
        %jit3A_979 = arith.constant 31 : i32
        %max3A_980 = vector.broadcast %jit3A_978 : i32 to vector<16xi32>
        %max3A_981 = arith.maxsi %max3A_980, %sub3A_977 : vector<16xi32>
        %min3A_982 = vector.broadcast %jit3A_979 : i32 to vector<16xi32>
        %min3A_983 = arith.minsi %min3A_982, %max3A_981 : vector<16xi32>
        %add3A_984 = vector.broadcast %mul3A_961 : i32 to vector<16xi32>
        %add3A_985 = arith.addi %add3A_984, %iota3A : vector<16xi32>
        tpu.vector_store_idx %arg14[%min3A_983], %add3A_985 masked %and3A_974 : memref<32xi32, #tpu.memory_space<vmem>>[vector<16xi32>], vector<16xi32>, vector<16xi1>
        %add3A_986 = vector.broadcast %mul3A_961 : i32 to vector<16xi32>
        %add3A_987 = arith.addi %add3A_986, %iota3A : vector<16xi32>
        %jit3A_988 = arith.constant 2047 : i32
        %broadcast_in_dim3A_989 = vector.broadcast %jit3A_988 : i32 to vector<16xi32>
        %select_n3A_990 = arith.select %le3A_965, %add3A_987, %broadcast_in_dim3A_989 : vector<16xi1>, vector<16xi32>
        %min3A_991 = arith.minsi %min3A_956, %select_n3A_990 : vector<16xi32>
        %all_reduce_population_count3A_992 = tpu.all_reduce %le3A_965 {dim = 0 : i64, kind = #tpu.reduction_kind<sum>} : vector<16xi1> -> vector<16xi32>
        %add3A_993 = arith.addi %add3A_957, %all_reduce_population_count3A_992 : vector<16xi32>
        %add3A_994 = arith.constant 2 : i32
        %add3A_995 = arith.addi %while3A_920, %add3A_994 : i32
        %mul3A_996 = arith.constant 16 : i32
        %mul3A_997 = arith.muli %add3A_995, %mul3A_996 : i32
        %get3A_998 = arith.index_cast %mul3A_997 : i32 to index
        %get3A_999 = tpu.vector_load %arg13[%get3A_998] {strides = array<i32>} : memref<2048xf32, #tpu.memory_space<vmem>>, vector<16xf32>,
        %le3A_1000 = vector.broadcast %scan3A : f32 to vector<16xf32>
        %le3A_1001 = arith.cmpf ole, %get3A_999, %le3A_1000 : vector<16xf32>
        %convert_element_type3A_1002 = arith.extui %le3A_1001 : vector<16xi1> to vector<16xi32>
        %broadcast_in_dim3A_1003 = arith.constant true
        %broadcast_in_dim3A_1004 = vector.broadcast %broadcast_in_dim3A_1003 : i1 to vector<16xi1>
        %masked_cumsum3A_1005 = tpu.scan <sum>, %convert_element_type3A_1002 masked %broadcast_in_dim3A_1004 : vector<16xi32>, vector<16xi1> -> vector<16xi32>
        %add3A_1006 = arith.addi %masked_cumsum3A_1005, %add3A_993 : vector<16xi32>
        %le3A_1007 = arith.constant 32 : i32
        %le3A_1008 = vector.broadcast %le3A_1007 : i32 to vector<16xi32>
        %le3A_1009 = arith.cmpi sle, %add3A_1006, %le3A_1008 : vector<16xi32>
        %and3A_1010 = arith.andi %le3A_1001, %le3A_1009 : vector<16xi1>
        %sub3A_1011 = arith.constant 1 : i32
        %sub3A_1012 = vector.broadcast %sub3A_1011 : i32 to vector<16xi32>
        %sub3A_1013 = arith.subi %add3A_1006, %sub3A_1012 : vector<16xi32>
        %jit3A_1014 = arith.constant 0 : i32
        %jit3A_1015 = arith.constant 31 : i32
        %max3A_1016 = vector.broadcast %jit3A_1014 : i32 to vector<16xi32>
        %max3A_1017 = arith.maxsi %max3A_1016, %sub3A_1013 : vector<16xi32>
        %min3A_1018 = vector.broadcast %jit3A_1015 : i32 to vector<16xi32>
        %min3A_1019 = arith.minsi %min3A_1018, %max3A_1017 : vector<16xi32>
        %add3A_1020 = vector.broadcast %mul3A_997 : i32 to vector<16xi32>
        %add3A_1021 = arith.addi %add3A_1020, %iota3A : vector<16xi32>
        tpu.vector_store_idx %arg14[%min3A_1019], %add3A_1021 masked %and3A_1010 : memref<32xi32, #tpu.memory_space<vmem>>[vector<16xi32>], vector<16xi32>, vector<16xi1>
        %add3A_1022 = vector.broadcast %mul3A_997 : i32 to vector<16xi32>
        %add3A_1023 = arith.addi %add3A_1022, %iota3A : vector<16xi32>
        %jit3A_1024 = arith.constant 2047 : i32
        %broadcast_in_dim3A_1025 = vector.broadcast %jit3A_1024 : i32 to vector<16xi32>
        %select_n3A_1026 = arith.select %le3A_1001, %add3A_1023, %broadcast_in_dim3A_1025 : vector<16xi1>, vector<16xi32>
        %min3A_1027 = arith.minsi %min3A_991, %select_n3A_1026 : vector<16xi32>
        %all_reduce_population_count3A_1028 = tpu.all_reduce %le3A_1001 {dim = 0 : i64, kind = #tpu.reduction_kind<sum>} : vector<16xi1> -> vector<16xi32>
        %add3A_1029 = arith.addi %add3A_993, %all_reduce_population_count3A_1028 : vector<16xi32>
        %add3A_1030 = arith.constant 3 : i32
        %add3A_1031 = arith.addi %while3A_920, %add3A_1030 : i32
        %mul3A_1032 = arith.constant 16 : i32
        %mul3A_1033 = arith.muli %add3A_1031, %mul3A_1032 : i32
        %get3A_1034 = arith.index_cast %mul3A_1033 : i32 to index
        %get3A_1035 = tpu.vector_load %arg13[%get3A_1034] {strides = array<i32>} : memref<2048xf32, #tpu.memory_space<vmem>>, vector<16xf32>,
        %le3A_1036 = vector.broadcast %scan3A : f32 to vector<16xf32>
        %le3A_1037 = arith.cmpf ole, %get3A_1035, %le3A_1036 : vector<16xf32>
        %convert_element_type3A_1038 = arith.extui %le3A_1037 : vector<16xi1> to vector<16xi32>
        %broadcast_in_dim3A_1039 = arith.constant true
        %broadcast_in_dim3A_1040 = vector.broadcast %broadcast_in_dim3A_1039 : i1 to vector<16xi1>
        %masked_cumsum3A_1041 = tpu.scan <sum>, %convert_element_type3A_1038 masked %broadcast_in_dim3A_1040 : vector<16xi32>, vector<16xi1> -> vector<16xi32>
        %add3A_1042 = arith.addi %masked_cumsum3A_1041, %add3A_1029 : vector<16xi32>
        %le3A_1043 = arith.constant 32 : i32
        %le3A_1044 = vector.broadcast %le3A_1043 : i32 to vector<16xi32>
        %le3A_1045 = arith.cmpi sle, %add3A_1042, %le3A_1044 : vector<16xi32>
        %and3A_1046 = arith.andi %le3A_1037, %le3A_1045 : vector<16xi1>
        %sub3A_1047 = arith.constant 1 : i32
        %sub3A_1048 = vector.broadcast %sub3A_1047 : i32 to vector<16xi32>
        %sub3A_1049 = arith.subi %add3A_1042, %sub3A_1048 : vector<16xi32>
        %jit3A_1050 = arith.constant 0 : i32
        %jit3A_1051 = arith.constant 31 : i32
        %max3A_1052 = vector.broadcast %jit3A_1050 : i32 to vector<16xi32>
        %max3A_1053 = arith.maxsi %max3A_1052, %sub3A_1049 : vector<16xi32>
        %min3A_1054 = vector.broadcast %jit3A_1051 : i32 to vector<16xi32>
        %min3A_1055 = arith.minsi %min3A_1054, %max3A_1053 : vector<16xi32>
        %add3A_1056 = vector.broadcast %mul3A_1033 : i32 to vector<16xi32>
        %add3A_1057 = arith.addi %add3A_1056, %iota3A : vector<16xi32>
        tpu.vector_store_idx %arg14[%min3A_1055], %add3A_1057 masked %and3A_1046 : memref<32xi32, #tpu.memory_space<vmem>>[vector<16xi32>], vector<16xi32>, vector<16xi1>
        %add3A_1058 = vector.broadcast %mul3A_1033 : i32 to vector<16xi32>
        %add3A_1059 = arith.addi %add3A_1058, %iota3A : vector<16xi32>
        %jit3A_1060 = arith.constant 2047 : i32
        %broadcast_in_dim3A_1061 = vector.broadcast %jit3A_1060 : i32 to vector<16xi32>
        %select_n3A_1062 = arith.select %le3A_1037, %add3A_1059, %broadcast_in_dim3A_1061 : vector<16xi1>, vector<16xi32>
        %min3A_1063 = arith.minsi %min3A_1027, %select_n3A_1062 : vector<16xi32>
        %all_reduce_population_count3A_1064 = tpu.all_reduce %le3A_1037 {dim = 0 : i64, kind = #tpu.reduction_kind<sum>} : vector<16xi1> -> vector<16xi32>
        %add3A_1065 = arith.addi %add3A_1029, %all_reduce_population_count3A_1064 : vector<16xi32>
        %add3A_1066 = arith.constant 4 : i32
        %add3A_1067 = arith.addi %while3A_920, %add3A_1066 : i32
        %reduce_max3A = arith.constant true
        %reduce_max3A_1068 = vector.broadcast %reduce_max3A : i1 to vector<16xi1>
        %reduce_max3A_1069 = arith.constant -2147483648 : i32
        %reduce_max3A_1070 = vector.broadcast %reduce_max3A_1069 : i32 to vector<16xi32>
        %reduce_max3A_1071 = arith.xori %add3A_1065, %reduce_max3A_1070 : vector<16xi32>
        %reduce_max3A_1072 = tpu.scan <max>, %reduce_max3A_1071 masked %reduce_max3A_1068 : vector<16xi32>, vector<16xi1> -> vector<16xi32>
        %reduce_max3A_1073 = arith.xori %reduce_max3A_1072, %reduce_max3A_1070 : vector<16xi32>
        %reduce_max3A_1074 = vector.extract %reduce_max3A_1073[15] : i32 from vector<16xi32>
        scf.yield %add3A_1067, %reduce_max3A_1074, %min3A_1063 : i32, i32, vector<16xi32>
      }
      %reduce_min3A_235 = arith.constant true
      %reduce_min3A_236 = vector.broadcast %reduce_min3A_235 : i1 to vector<16xi1>
      %reduce_min3A_237 = arith.constant -2147483648 : i32
      %reduce_min3A_238 = vector.broadcast %reduce_min3A_237 : i32 to vector<16xi32>
      %reduce_min3A_239 = arith.xori %while3A_234#2, %reduce_min3A_238 : vector<16xi32>
      %reduce_min3A_240 = tpu.scan <min>, %reduce_min3A_239 masked %reduce_min3A_236 : vector<16xi32>, vector<16xi1> -> vector<16xi32>
      %reduce_min3A_241 = arith.xori %reduce_min3A_240, %reduce_min3A_238 : vector<16xi32>
      %reduce_min3A_242 = vector.extract %reduce_min3A_241[15] : i32 from vector<16xi32>
      %broadcast_in_dim3A_243 = arith.constant 0 : i32
      %broadcast_in_dim3A_244 = vector.broadcast %broadcast_in_dim3A_243 : i32 to vector<16xi32>
      %add3A_245 = vector.broadcast %reduce_min3A_242 : i32 to vector<16xi32>
      %add3A_246 = arith.addi %broadcast_in_dim3A_244, %add3A_245 : vector<16xi32>
      %add3A_247 = arith.constant 0 : i32
      %add3A_248 = vector.broadcast %add3A_247 : i32 to vector<16xi32>
      %add3A_249 = arith.addi %iota3A, %add3A_248 : vector<16xi32>
      %get3A_250 = arith.constant 0 : index
      %get3A_251 = tpu.vector_load %arg14[%get3A_250] {strides = array<i32>} : memref<32xi32, #tpu.memory_space<vmem>>, vector<16xi32>,
      %lt3A_252 = vector.broadcast %while3A_234#1 : i32 to vector<16xi32>
      %lt3A_253 = arith.cmpi slt, %add3A_249, %lt3A_252 : vector<16xi32>
      %select_n3A_254 = arith.select %lt3A_253, %get3A_251, %add3A_246 : vector<16xi1>, vector<16xi32>
      %add3A_255 = vector.broadcast %mul3A_20 : i32 to vector<16xi32>
      %add3A_256 = arith.addi %select_n3A_254, %add3A_255 : vector<16xi32>
      %swap3A_257 = arith.constant 32 : index
      %swap3A_258 = tpu.vector_load %arg15[%swap3A_257] {strides = array<i32>} : memref<128xi32, #tpu.memory_space<vmem>>, vector<16xi32>,
      tpu.vector_store %arg15[%swap3A_257], %add3A_256 {strides = array<i32>} : memref<128xi32, #tpu.memory_space<vmem>>, vector<16xi32>,
      %gather3A_259 = tpu.vector_load_idx %arg9[%select_n3A_254] : memref<2048xf32, #tpu.memory_space<vmem>>[vector<16xi32>], vector<16xf32>,
      %gather3A_260 = tpu.vector_load_idx %arg10[%select_n3A_254] : memref<2048xf32, #tpu.memory_space<vmem>>[vector<16xi32>], vector<16xf32>,
      %gather3A_261 = tpu.vector_load_idx %arg11[%select_n3A_254] : memref<2048xf32, #tpu.memory_space<vmem>>[vector<16xi32>], vector<16xf32>,
      %add3A_262 = arith.constant 32 : i32
      %add3A_263 = vector.broadcast %add3A_262 : i32 to vector<16xi32>
      %add3A_264 = arith.addi %add3A_263, %add3A_249 : vector<16xi32>
      %mul3A_265 = arith.constant 3 : i32
      %mul3A_266 = vector.broadcast %mul3A_265 : i32 to vector<16xi32>
      %mul3A_267 = arith.muli %add3A_264, %mul3A_266 : vector<16xi32>
      tpu.vector_store_idx %arg17[%mul3A_267], %gather3A_259 : memref<384xf32, #tpu.memory_space<vmem>>[vector<16xi32>], vector<16xf32>,
      %add3A_268 = arith.constant 1 : i32
      %add3A_269 = vector.broadcast %add3A_268 : i32 to vector<16xi32>
      %add3A_270 = arith.addi %mul3A_267, %add3A_269 : vector<16xi32>
      tpu.vector_store_idx %arg17[%add3A_270], %gather3A_260 : memref<384xf32, #tpu.memory_space<vmem>>[vector<16xi32>], vector<16xf32>,
      %add3A_271 = arith.constant 2 : i32
      %add3A_272 = vector.broadcast %add3A_271 : i32 to vector<16xi32>
      %add3A_273 = arith.addi %mul3A_267, %add3A_272 : vector<16xi32>
      tpu.vector_store_idx %arg17[%add3A_273], %gather3A_261 : memref<384xf32, #tpu.memory_space<vmem>>[vector<16xi32>], vector<16xf32>,
      %add3A_274 = arith.constant 16 : i32
      %add3A_275 = vector.broadcast %add3A_274 : i32 to vector<16xi32>
      %add3A_276 = arith.addi %iota3A, %add3A_275 : vector<16xi32>
      %get3A_277 = arith.constant 16 : index
      %get3A_278 = tpu.vector_load %arg14[%get3A_277] {strides = array<i32>} : memref<32xi32, #tpu.memory_space<vmem>>, vector<16xi32>,
      %lt3A_279 = vector.broadcast %while3A_234#1 : i32 to vector<16xi32>
      %lt3A_280 = arith.cmpi slt, %add3A_276, %lt3A_279 : vector<16xi32>
      %select_n3A_281 = arith.select %lt3A_280, %get3A_278, %add3A_246 : vector<16xi1>, vector<16xi32>
      %add3A_282 = vector.broadcast %mul3A_20 : i32 to vector<16xi32>
      %add3A_283 = arith.addi %select_n3A_281, %add3A_282 : vector<16xi32>
      %swap3A_284 = arith.constant 48 : index
      %swap3A_285 = tpu.vector_load %arg15[%swap3A_284] {strides = array<i32>} : memref<128xi32, #tpu.memory_space<vmem>>, vector<16xi32>,
      tpu.vector_store %arg15[%swap3A_284], %add3A_283 {strides = array<i32>} : memref<128xi32, #tpu.memory_space<vmem>>, vector<16xi32>,
      %gather3A_286 = tpu.vector_load_idx %arg9[%select_n3A_281] : memref<2048xf32, #tpu.memory_space<vmem>>[vector<16xi32>], vector<16xf32>,
      %gather3A_287 = tpu.vector_load_idx %arg10[%select_n3A_281] : memref<2048xf32, #tpu.memory_space<vmem>>[vector<16xi32>], vector<16xf32>,
      %gather3A_288 = tpu.vector_load_idx %arg11[%select_n3A_281] : memref<2048xf32, #tpu.memory_space<vmem>>[vector<16xi32>], vector<16xf32>,
      %add3A_289 = arith.constant 32 : i32
      %add3A_290 = vector.broadcast %add3A_289 : i32 to vector<16xi32>
      %add3A_291 = arith.addi %add3A_290, %add3A_276 : vector<16xi32>
      %mul3A_292 = arith.constant 3 : i32
      %mul3A_293 = vector.broadcast %mul3A_292 : i32 to vector<16xi32>
      %mul3A_294 = arith.muli %add3A_291, %mul3A_293 : vector<16xi32>
      tpu.vector_store_idx %arg17[%mul3A_294], %gather3A_286 : memref<384xf32, #tpu.memory_space<vmem>>[vector<16xi32>], vector<16xf32>,
      %add3A_295 = arith.constant 1 : i32
      %add3A_296 = vector.broadcast %add3A_295 : i32 to vector<16xi32>
      %add3A_297 = arith.addi %mul3A_294, %add3A_296 : vector<16xi32>
      tpu.vector_store_idx %arg17[%add3A_297], %gather3A_287 : memref<384xf32, #tpu.memory_space<vmem>>[vector<16xi32>], vector<16xf32>,
      %add3A_298 = arith.constant 2 : i32
      %add3A_299 = vector.broadcast %add3A_298 : i32 to vector<16xi32>
      %add3A_300 = arith.addi %mul3A_294, %add3A_299 : vector<16xi32>
      tpu.vector_store_idx %arg17[%add3A_300], %gather3A_288 : memref<384xf32, #tpu.memory_space<vmem>>[vector<16xi32>], vector<16xf32>,
      %mul3A_301 = arith.constant 4 : i32
      %mul3A_302 = arith.muli %mul3A_301, %mul3A_108 : i32
      %add3A_303 = arith.constant 2 : i32
      %add3A_304 = arith.addi %mul3A_302, %add3A_303 : i32
      %add3A_305 = arith.addi %mul3A_18, %add3A_304 : i32
      %dma_wait3A_306 = arith.constant 0 : i32
      %dma_wait3A_307 = tpu.memref_slice %arg2[%add3A_305, %dma_wait3A_306] : memref<4096x2048xf32, #tpu.memory_space<hbm>> -> memref<1x2048xf32, #tpu.memory_space<hbm>>
      %dma_wait3A_308 = tpu.memref_squeeze %dma_wait3A_307 : memref<1x2048xf32, #tpu.memory_space<hbm>> -> memref<2048xf32, #tpu.memory_space<hbm>>
      %dma_wait3A_309 = arith.constant 0 : i32
      %dma_wait3A_310 = tpu.memref_slice %arg2[%add3A_305, %dma_wait3A_309] : memref<4096x2048xf32, #tpu.memory_space<hbm>> -> memref<1x2048xf32, #tpu.memory_space<hbm>>
      %dma_wait3A_311 = tpu.memref_squeeze %dma_wait3A_310 : memref<1x2048xf32, #tpu.memory_space<hbm>> -> memref<2048xf32, #tpu.memory_space<hbm>>
      tpu.wait_dma2 semaphore(%arg21 : memref<!tpu.dma_semaphore, #tpu.memory_space<semaphore_mem>>) src(%dma_wait3A_311 : memref<2048xf32, #tpu.memory_space<hbm>>) dst(%arg12 : memref<2048xf32, #tpu.memory_space<vmem>>)
      %add3A_312 = arith.constant 1 : i32
      %add3A_313 = arith.addi %add3A_305, %add3A_312 : i32
      %min3A_314 = arith.constant 4095 : i32
      %min3A_315 = arith.minsi %add3A_313, %min3A_314 : i32
      %dma_start3A_316 = arith.constant 0 : i32
      %dma_start3A_317 = tpu.memref_slice %arg2[%min3A_315, %dma_start3A_316] : memref<4096x2048xf32, #tpu.memory_space<hbm>> -> memref<1x2048xf32, #tpu.memory_space<hbm>>
      %dma_start3A_318 = tpu.memref_squeeze %dma_start3A_317 : memref<1x2048xf32, #tpu.memory_space<hbm>> -> memref<2048xf32, #tpu.memory_space<hbm>>
      %dma_start3A_319 = arith.constant 0 : i32
      %dma_start3A_320 = tpu.memref_slice %arg2[%min3A_315, %dma_start3A_319] : memref<4096x2048xf32, #tpu.memory_space<hbm>> -> memref<1x2048xf32, #tpu.memory_space<hbm>>
      %dma_start3A_321 = tpu.memref_squeeze %dma_start3A_320 : memref<1x2048xf32, #tpu.memory_space<hbm>> -> memref<2048xf32, #tpu.memory_space<hbm>>
      tpu.enqueue_dma source(%dma_start3A_321 : memref<2048xf32, #tpu.memory_space<hbm>>) target(%arg13 : memref<2048xf32, #tpu.memory_space<vmem>>) target_semaphore(%arg22 : memref<!tpu.dma_semaphore, #tpu.memory_space<semaphore_mem>>)
      %broadcast_in_dim3A_322 = arith.constant 2047 : i32
      %broadcast_in_dim3A_323 = vector.broadcast %broadcast_in_dim3A_322 : i32 to vector<16xi32>
      %while3A_324 = arith.constant 0 : i32
      %while3A_325 = arith.constant 0 : i32
      %while3A_326:3 = scf.while (%while3A_920 = %while3A_324, %while3A_921 = %while3A_325, %while3A_922 = %broadcast_in_dim3A_323) : (i32, i32, vector<16xi32>) -> (i32, i32, vector<16xi32>) {
        %lt3A_923 = arith.constant 128 : i32
        %lt3A_924 = arith.cmpi slt, %while3A_920, %lt3A_923 : i32
        %lt3A_925 = arith.constant 32 : i32
        %lt3A_926 = arith.cmpi slt, %while3A_921, %lt3A_925 : i32
        %and3A_927 = arith.andi %lt3A_924, %lt3A_926 : i1
        scf.condition(%and3A_927) %while3A_920, %while3A_921, %while3A_922 : i32, i32, vector<16xi32>
      } do {
      ^bb0(%while3A_920: i32, %while3A_921: i32, %while3A_922: vector<16xi32>):
        %broadcast_in_dim3A_923 = arith.constant 0 : i32
        %broadcast_in_dim3A_924 = vector.broadcast %broadcast_in_dim3A_923 : i32 to vector<16xi32>
        %add3A_925 = vector.broadcast %while3A_921 : i32 to vector<16xi32>
        %add3A_926 = arith.addi %broadcast_in_dim3A_924, %add3A_925 : vector<16xi32>
        %add3A_927 = arith.constant 0 : i32
        %add3A_928 = arith.addi %while3A_920, %add3A_927 : i32
        %mul3A_929 = arith.constant 16 : i32
        %mul3A_930 = arith.muli %add3A_928, %mul3A_929 : i32
        %get3A_931 = arith.index_cast %mul3A_930 : i32 to index
        %get3A_932 = tpu.vector_load %arg12[%get3A_931] {strides = array<i32>} : memref<2048xf32, #tpu.memory_space<vmem>>, vector<16xf32>,
        %le3A = vector.broadcast %scan3A : f32 to vector<16xf32>
        %le3A_933 = arith.cmpf ole, %get3A_932, %le3A : vector<16xf32>
        %convert_element_type3A = arith.extui %le3A_933 : vector<16xi1> to vector<16xi32>
        %broadcast_in_dim3A_934 = arith.constant true
        %broadcast_in_dim3A_935 = vector.broadcast %broadcast_in_dim3A_934 : i1 to vector<16xi1>
        %masked_cumsum3A = tpu.scan <sum>, %convert_element_type3A masked %broadcast_in_dim3A_935 : vector<16xi32>, vector<16xi1> -> vector<16xi32>
        %add3A_936 = arith.addi %masked_cumsum3A, %add3A_926 : vector<16xi32>
        %le3A_937 = arith.constant 32 : i32
        %le3A_938 = vector.broadcast %le3A_937 : i32 to vector<16xi32>
        %le3A_939 = arith.cmpi sle, %add3A_936, %le3A_938 : vector<16xi32>
        %and3A_940 = arith.andi %le3A_933, %le3A_939 : vector<16xi1>
        %sub3A_941 = arith.constant 1 : i32
        %sub3A_942 = vector.broadcast %sub3A_941 : i32 to vector<16xi32>
        %sub3A_943 = arith.subi %add3A_936, %sub3A_942 : vector<16xi32>
        %jit3A_944 = arith.constant 0 : i32
        %jit3A_945 = arith.constant 31 : i32
        %max3A = vector.broadcast %jit3A_944 : i32 to vector<16xi32>
        %max3A_946 = arith.maxsi %max3A, %sub3A_943 : vector<16xi32>
        %min3A_947 = vector.broadcast %jit3A_945 : i32 to vector<16xi32>
        %min3A_948 = arith.minsi %min3A_947, %max3A_946 : vector<16xi32>
        %add3A_949 = vector.broadcast %mul3A_930 : i32 to vector<16xi32>
        %add3A_950 = arith.addi %add3A_949, %iota3A : vector<16xi32>
        tpu.vector_store_idx %arg14[%min3A_948], %add3A_950 masked %and3A_940 : memref<32xi32, #tpu.memory_space<vmem>>[vector<16xi32>], vector<16xi32>, vector<16xi1>
        %add3A_951 = vector.broadcast %mul3A_930 : i32 to vector<16xi32>
        %add3A_952 = arith.addi %add3A_951, %iota3A : vector<16xi32>
        %jit3A_953 = arith.constant 2047 : i32
        %broadcast_in_dim3A_954 = vector.broadcast %jit3A_953 : i32 to vector<16xi32>
        %select_n3A_955 = arith.select %le3A_933, %add3A_952, %broadcast_in_dim3A_954 : vector<16xi1>, vector<16xi32>
        %min3A_956 = arith.minsi %while3A_922, %select_n3A_955 : vector<16xi32>
        %all_reduce_population_count3A = tpu.all_reduce %le3A_933 {dim = 0 : i64, kind = #tpu.reduction_kind<sum>} : vector<16xi1> -> vector<16xi32>
        %add3A_957 = arith.addi %add3A_926, %all_reduce_population_count3A : vector<16xi32>
        %add3A_958 = arith.constant 1 : i32
        %add3A_959 = arith.addi %while3A_920, %add3A_958 : i32
        %mul3A_960 = arith.constant 16 : i32
        %mul3A_961 = arith.muli %add3A_959, %mul3A_960 : i32
        %get3A_962 = arith.index_cast %mul3A_961 : i32 to index
        %get3A_963 = tpu.vector_load %arg12[%get3A_962] {strides = array<i32>} : memref<2048xf32, #tpu.memory_space<vmem>>, vector<16xf32>,
        %le3A_964 = vector.broadcast %scan3A : f32 to vector<16xf32>
        %le3A_965 = arith.cmpf ole, %get3A_963, %le3A_964 : vector<16xf32>
        %convert_element_type3A_966 = arith.extui %le3A_965 : vector<16xi1> to vector<16xi32>
        %broadcast_in_dim3A_967 = arith.constant true
        %broadcast_in_dim3A_968 = vector.broadcast %broadcast_in_dim3A_967 : i1 to vector<16xi1>
        %masked_cumsum3A_969 = tpu.scan <sum>, %convert_element_type3A_966 masked %broadcast_in_dim3A_968 : vector<16xi32>, vector<16xi1> -> vector<16xi32>
        %add3A_970 = arith.addi %masked_cumsum3A_969, %add3A_957 : vector<16xi32>
        %le3A_971 = arith.constant 32 : i32
        %le3A_972 = vector.broadcast %le3A_971 : i32 to vector<16xi32>
        %le3A_973 = arith.cmpi sle, %add3A_970, %le3A_972 : vector<16xi32>
        %and3A_974 = arith.andi %le3A_965, %le3A_973 : vector<16xi1>
        %sub3A_975 = arith.constant 1 : i32
        %sub3A_976 = vector.broadcast %sub3A_975 : i32 to vector<16xi32>
        %sub3A_977 = arith.subi %add3A_970, %sub3A_976 : vector<16xi32>
        %jit3A_978 = arith.constant 0 : i32
        %jit3A_979 = arith.constant 31 : i32
        %max3A_980 = vector.broadcast %jit3A_978 : i32 to vector<16xi32>
        %max3A_981 = arith.maxsi %max3A_980, %sub3A_977 : vector<16xi32>
        %min3A_982 = vector.broadcast %jit3A_979 : i32 to vector<16xi32>
        %min3A_983 = arith.minsi %min3A_982, %max3A_981 : vector<16xi32>
        %add3A_984 = vector.broadcast %mul3A_961 : i32 to vector<16xi32>
        %add3A_985 = arith.addi %add3A_984, %iota3A : vector<16xi32>
        tpu.vector_store_idx %arg14[%min3A_983], %add3A_985 masked %and3A_974 : memref<32xi32, #tpu.memory_space<vmem>>[vector<16xi32>], vector<16xi32>, vector<16xi1>
        %add3A_986 = vector.broadcast %mul3A_961 : i32 to vector<16xi32>
        %add3A_987 = arith.addi %add3A_986, %iota3A : vector<16xi32>
        %jit3A_988 = arith.constant 2047 : i32
        %broadcast_in_dim3A_989 = vector.broadcast %jit3A_988 : i32 to vector<16xi32>
        %select_n3A_990 = arith.select %le3A_965, %add3A_987, %broadcast_in_dim3A_989 : vector<16xi1>, vector<16xi32>
        %min3A_991 = arith.minsi %min3A_956, %select_n3A_990 : vector<16xi32>
        %all_reduce_population_count3A_992 = tpu.all_reduce %le3A_965 {dim = 0 : i64, kind = #tpu.reduction_kind<sum>} : vector<16xi1> -> vector<16xi32>
        %add3A_993 = arith.addi %add3A_957, %all_reduce_population_count3A_992 : vector<16xi32>
        %add3A_994 = arith.constant 2 : i32
        %add3A_995 = arith.addi %while3A_920, %add3A_994 : i32
        %mul3A_996 = arith.constant 16 : i32
        %mul3A_997 = arith.muli %add3A_995, %mul3A_996 : i32
        %get3A_998 = arith.index_cast %mul3A_997 : i32 to index
        %get3A_999 = tpu.vector_load %arg12[%get3A_998] {strides = array<i32>} : memref<2048xf32, #tpu.memory_space<vmem>>, vector<16xf32>,
        %le3A_1000 = vector.broadcast %scan3A : f32 to vector<16xf32>
        %le3A_1001 = arith.cmpf ole, %get3A_999, %le3A_1000 : vector<16xf32>
        %convert_element_type3A_1002 = arith.extui %le3A_1001 : vector<16xi1> to vector<16xi32>
        %broadcast_in_dim3A_1003 = arith.constant true
        %broadcast_in_dim3A_1004 = vector.broadcast %broadcast_in_dim3A_1003 : i1 to vector<16xi1>
        %masked_cumsum3A_1005 = tpu.scan <sum>, %convert_element_type3A_1002 masked %broadcast_in_dim3A_1004 : vector<16xi32>, vector<16xi1> -> vector<16xi32>
        %add3A_1006 = arith.addi %masked_cumsum3A_1005, %add3A_993 : vector<16xi32>
        %le3A_1007 = arith.constant 32 : i32
        %le3A_1008 = vector.broadcast %le3A_1007 : i32 to vector<16xi32>
        %le3A_1009 = arith.cmpi sle, %add3A_1006, %le3A_1008 : vector<16xi32>
        %and3A_1010 = arith.andi %le3A_1001, %le3A_1009 : vector<16xi1>
        %sub3A_1011 = arith.constant 1 : i32
        %sub3A_1012 = vector.broadcast %sub3A_1011 : i32 to vector<16xi32>
        %sub3A_1013 = arith.subi %add3A_1006, %sub3A_1012 : vector<16xi32>
        %jit3A_1014 = arith.constant 0 : i32
        %jit3A_1015 = arith.constant 31 : i32
        %max3A_1016 = vector.broadcast %jit3A_1014 : i32 to vector<16xi32>
        %max3A_1017 = arith.maxsi %max3A_1016, %sub3A_1013 : vector<16xi32>
        %min3A_1018 = vector.broadcast %jit3A_1015 : i32 to vector<16xi32>
        %min3A_1019 = arith.minsi %min3A_1018, %max3A_1017 : vector<16xi32>
        %add3A_1020 = vector.broadcast %mul3A_997 : i32 to vector<16xi32>
        %add3A_1021 = arith.addi %add3A_1020, %iota3A : vector<16xi32>
        tpu.vector_store_idx %arg14[%min3A_1019], %add3A_1021 masked %and3A_1010 : memref<32xi32, #tpu.memory_space<vmem>>[vector<16xi32>], vector<16xi32>, vector<16xi1>
        %add3A_1022 = vector.broadcast %mul3A_997 : i32 to vector<16xi32>
        %add3A_1023 = arith.addi %add3A_1022, %iota3A : vector<16xi32>
        %jit3A_1024 = arith.constant 2047 : i32
        %broadcast_in_dim3A_1025 = vector.broadcast %jit3A_1024 : i32 to vector<16xi32>
        %select_n3A_1026 = arith.select %le3A_1001, %add3A_1023, %broadcast_in_dim3A_1025 : vector<16xi1>, vector<16xi32>
        %min3A_1027 = arith.minsi %min3A_991, %select_n3A_1026 : vector<16xi32>
        %all_reduce_population_count3A_1028 = tpu.all_reduce %le3A_1001 {dim = 0 : i64, kind = #tpu.reduction_kind<sum>} : vector<16xi1> -> vector<16xi32>
        %add3A_1029 = arith.addi %add3A_993, %all_reduce_population_count3A_1028 : vector<16xi32>
        %add3A_1030 = arith.constant 3 : i32
        %add3A_1031 = arith.addi %while3A_920, %add3A_1030 : i32
        %mul3A_1032 = arith.constant 16 : i32
        %mul3A_1033 = arith.muli %add3A_1031, %mul3A_1032 : i32
        %get3A_1034 = arith.index_cast %mul3A_1033 : i32 to index
        %get3A_1035 = tpu.vector_load %arg12[%get3A_1034] {strides = array<i32>} : memref<2048xf32, #tpu.memory_space<vmem>>, vector<16xf32>,
        %le3A_1036 = vector.broadcast %scan3A : f32 to vector<16xf32>
        %le3A_1037 = arith.cmpf ole, %get3A_1035, %le3A_1036 : vector<16xf32>
        %convert_element_type3A_1038 = arith.extui %le3A_1037 : vector<16xi1> to vector<16xi32>
        %broadcast_in_dim3A_1039 = arith.constant true
        %broadcast_in_dim3A_1040 = vector.broadcast %broadcast_in_dim3A_1039 : i1 to vector<16xi1>
        %masked_cumsum3A_1041 = tpu.scan <sum>, %convert_element_type3A_1038 masked %broadcast_in_dim3A_1040 : vector<16xi32>, vector<16xi1> -> vector<16xi32>
        %add3A_1042 = arith.addi %masked_cumsum3A_1041, %add3A_1029 : vector<16xi32>
        %le3A_1043 = arith.constant 32 : i32
        %le3A_1044 = vector.broadcast %le3A_1043 : i32 to vector<16xi32>
        %le3A_1045 = arith.cmpi sle, %add3A_1042, %le3A_1044 : vector<16xi32>
        %and3A_1046 = arith.andi %le3A_1037, %le3A_1045 : vector<16xi1>
        %sub3A_1047 = arith.constant 1 : i32
        %sub3A_1048 = vector.broadcast %sub3A_1047 : i32 to vector<16xi32>
        %sub3A_1049 = arith.subi %add3A_1042, %sub3A_1048 : vector<16xi32>
        %jit3A_1050 = arith.constant 0 : i32
        %jit3A_1051 = arith.constant 31 : i32
        %max3A_1052 = vector.broadcast %jit3A_1050 : i32 to vector<16xi32>
        %max3A_1053 = arith.maxsi %max3A_1052, %sub3A_1049 : vector<16xi32>
        %min3A_1054 = vector.broadcast %jit3A_1051 : i32 to vector<16xi32>
        %min3A_1055 = arith.minsi %min3A_1054, %max3A_1053 : vector<16xi32>
        %add3A_1056 = vector.broadcast %mul3A_1033 : i32 to vector<16xi32>
        %add3A_1057 = arith.addi %add3A_1056, %iota3A : vector<16xi32>
        tpu.vector_store_idx %arg14[%min3A_1055], %add3A_1057 masked %and3A_1046 : memref<32xi32, #tpu.memory_space<vmem>>[vector<16xi32>], vector<16xi32>, vector<16xi1>
        %add3A_1058 = vector.broadcast %mul3A_1033 : i32 to vector<16xi32>
        %add3A_1059 = arith.addi %add3A_1058, %iota3A : vector<16xi32>
        %jit3A_1060 = arith.constant 2047 : i32
        %broadcast_in_dim3A_1061 = vector.broadcast %jit3A_1060 : i32 to vector<16xi32>
        %select_n3A_1062 = arith.select %le3A_1037, %add3A_1059, %broadcast_in_dim3A_1061 : vector<16xi1>, vector<16xi32>
        %min3A_1063 = arith.minsi %min3A_1027, %select_n3A_1062 : vector<16xi32>
        %all_reduce_population_count3A_1064 = tpu.all_reduce %le3A_1037 {dim = 0 : i64, kind = #tpu.reduction_kind<sum>} : vector<16xi1> -> vector<16xi32>
        %add3A_1065 = arith.addi %add3A_1029, %all_reduce_population_count3A_1064 : vector<16xi32>
        %add3A_1066 = arith.constant 4 : i32
        %add3A_1067 = arith.addi %while3A_920, %add3A_1066 : i32
        %reduce_max3A = arith.constant true
        %reduce_max3A_1068 = vector.broadcast %reduce_max3A : i1 to vector<16xi1>
        %reduce_max3A_1069 = arith.constant -2147483648 : i32
        %reduce_max3A_1070 = vector.broadcast %reduce_max3A_1069 : i32 to vector<16xi32>
        %reduce_max3A_1071 = arith.xori %add3A_1065, %reduce_max3A_1070 : vector<16xi32>
        %reduce_max3A_1072 = tpu.scan <max>, %reduce_max3A_1071 masked %reduce_max3A_1068 : vector<16xi32>, vector<16xi1> -> vector<16xi32>
        %reduce_max3A_1073 = arith.xori %reduce_max3A_1072, %reduce_max3A_1070 : vector<16xi32>
        %reduce_max3A_1074 = vector.extract %reduce_max3A_1073[15] : i32 from vector<16xi32>
        scf.yield %add3A_1067, %reduce_max3A_1074, %min3A_1063 : i32, i32, vector<16xi32>
      }
      %reduce_min3A_327 = arith.constant true
      %reduce_min3A_328 = vector.broadcast %reduce_min3A_327 : i1 to vector<16xi1>
      %reduce_min3A_329 = arith.constant -2147483648 : i32
      %reduce_min3A_330 = vector.broadcast %reduce_min3A_329 : i32 to vector<16xi32>
      %reduce_min3A_331 = arith.xori %while3A_326#2, %reduce_min3A_330 : vector<16xi32>
      %reduce_min3A_332 = tpu.scan <min>, %reduce_min3A_331 masked %reduce_min3A_328 : vector<16xi32>, vector<16xi1> -> vector<16xi32>
      %reduce_min3A_333 = arith.xori %reduce_min3A_332, %reduce_min3A_330 : vector<16xi32>
      %reduce_min3A_334 = vector.extract %reduce_min3A_333[15] : i32 from vector<16xi32>
      %broadcast_in_dim3A_335 = arith.constant 0 : i32
      %broadcast_in_dim3A_336 = vector.broadcast %broadcast_in_dim3A_335 : i32 to vector<16xi32>
      %add3A_337 = vector.broadcast %reduce_min3A_334 : i32 to vector<16xi32>
      %add3A_338 = arith.addi %broadcast_in_dim3A_336, %add3A_337 : vector<16xi32>
      %add3A_339 = arith.constant 0 : i32
      %add3A_340 = vector.broadcast %add3A_339 : i32 to vector<16xi32>
      %add3A_341 = arith.addi %iota3A, %add3A_340 : vector<16xi32>
      %get3A_342 = arith.constant 0 : index
      %get3A_343 = tpu.vector_load %arg14[%get3A_342] {strides = array<i32>} : memref<32xi32, #tpu.memory_space<vmem>>, vector<16xi32>,
      %lt3A_344 = vector.broadcast %while3A_326#1 : i32 to vector<16xi32>
      %lt3A_345 = arith.cmpi slt, %add3A_341, %lt3A_344 : vector<16xi32>
      %select_n3A_346 = arith.select %lt3A_345, %get3A_343, %add3A_338 : vector<16xi1>, vector<16xi32>
      %add3A_347 = vector.broadcast %mul3A_20 : i32 to vector<16xi32>
      %add3A_348 = arith.addi %select_n3A_346, %add3A_347 : vector<16xi32>
      %swap3A_349 = arith.constant 64 : index
      %swap3A_350 = tpu.vector_load %arg15[%swap3A_349] {strides = array<i32>} : memref<128xi32, #tpu.memory_space<vmem>>, vector<16xi32>,
      tpu.vector_store %arg15[%swap3A_349], %add3A_348 {strides = array<i32>} : memref<128xi32, #tpu.memory_space<vmem>>, vector<16xi32>,
      %gather3A_351 = tpu.vector_load_idx %arg9[%select_n3A_346] : memref<2048xf32, #tpu.memory_space<vmem>>[vector<16xi32>], vector<16xf32>,
      %gather3A_352 = tpu.vector_load_idx %arg10[%select_n3A_346] : memref<2048xf32, #tpu.memory_space<vmem>>[vector<16xi32>], vector<16xf32>,
      %gather3A_353 = tpu.vector_load_idx %arg11[%select_n3A_346] : memref<2048xf32, #tpu.memory_space<vmem>>[vector<16xi32>], vector<16xf32>,
      %add3A_354 = arith.constant 64 : i32
      %add3A_355 = vector.broadcast %add3A_354 : i32 to vector<16xi32>
      %add3A_356 = arith.addi %add3A_355, %add3A_341 : vector<16xi32>
      %mul3A_357 = arith.constant 3 : i32
      %mul3A_358 = vector.broadcast %mul3A_357 : i32 to vector<16xi32>
      %mul3A_359 = arith.muli %add3A_356, %mul3A_358 : vector<16xi32>
      tpu.vector_store_idx %arg17[%mul3A_359], %gather3A_351 : memref<384xf32, #tpu.memory_space<vmem>>[vector<16xi32>], vector<16xf32>,
      %add3A_360 = arith.constant 1 : i32
      %add3A_361 = vector.broadcast %add3A_360 : i32 to vector<16xi32>
      %add3A_362 = arith.addi %mul3A_359, %add3A_361 : vector<16xi32>
      tpu.vector_store_idx %arg17[%add3A_362], %gather3A_352 : memref<384xf32, #tpu.memory_space<vmem>>[vector<16xi32>], vector<16xf32>,
      %add3A_363 = arith.constant 2 : i32
      %add3A_364 = vector.broadcast %add3A_363 : i32 to vector<16xi32>
      %add3A_365 = arith.addi %mul3A_359, %add3A_364 : vector<16xi32>
      tpu.vector_store_idx %arg17[%add3A_365], %gather3A_353 : memref<384xf32, #tpu.memory_space<vmem>>[vector<16xi32>], vector<16xf32>,
      %add3A_366 = arith.constant 16 : i32
      %add3A_367 = vector.broadcast %add3A_366 : i32 to vector<16xi32>
      %add3A_368 = arith.addi %iota3A, %add3A_367 : vector<16xi32>
      %get3A_369 = arith.constant 16 : index
      %get3A_370 = tpu.vector_load %arg14[%get3A_369] {strides = array<i32>} : memref<32xi32, #tpu.memory_space<vmem>>, vector<16xi32>,
      %lt3A_371 = vector.broadcast %while3A_326#1 : i32 to vector<16xi32>
      %lt3A_372 = arith.cmpi slt, %add3A_368, %lt3A_371 : vector<16xi32>
      %select_n3A_373 = arith.select %lt3A_372, %get3A_370, %add3A_338 : vector<16xi1>, vector<16xi32>
      %add3A_374 = vector.broadcast %mul3A_20 : i32 to vector<16xi32>
      %add3A_375 = arith.addi %select_n3A_373, %add3A_374 : vector<16xi32>
      %swap3A_376 = arith.constant 80 : index
      %swap3A_377 = tpu.vector_load %arg15[%swap3A_376] {strides = array<i32>} : memref<128xi32, #tpu.memory_space<vmem>>, vector<16xi32>,
      tpu.vector_store %arg15[%swap3A_376], %add3A_375 {strides = array<i32>} : memref<128xi32, #tpu.memory_space<vmem>>, vector<16xi32>,
      %gather3A_378 = tpu.vector_load_idx %arg9[%select_n3A_373] : memref<2048xf32, #tpu.memory_space<vmem>>[vector<16xi32>], vector<16xf32>,
      %gather3A_379 = tpu.vector_load_idx %arg10[%select_n3A_373] : memref<2048xf32, #tpu.memory_space<vmem>>[vector<16xi32>], vector<16xf32>,
      %gather3A_380 = tpu.vector_load_idx %arg11[%select_n3A_373] : memref<2048xf32, #tpu.memory_space<vmem>>[vector<16xi32>], vector<16xf32>,
      %add3A_381 = arith.constant 64 : i32
      %add3A_382 = vector.broadcast %add3A_381 : i32 to vector<16xi32>
      %add3A_383 = arith.addi %add3A_382, %add3A_368 : vector<16xi32>
      %mul3A_384 = arith.constant 3 : i32
      %mul3A_385 = vector.broadcast %mul3A_384 : i32 to vector<16xi32>
      %mul3A_386 = arith.muli %add3A_383, %mul3A_385 : vector<16xi32>
      tpu.vector_store_idx %arg17[%mul3A_386], %gather3A_378 : memref<384xf32, #tpu.memory_space<vmem>>[vector<16xi32>], vector<16xf32>,
      %add3A_387 = arith.constant 1 : i32
      %add3A_388 = vector.broadcast %add3A_387 : i32 to vector<16xi32>
      %add3A_389 = arith.addi %mul3A_386, %add3A_388 : vector<16xi32>
      tpu.vector_store_idx %arg17[%add3A_389], %gather3A_379 : memref<384xf32, #tpu.memory_space<vmem>>[vector<16xi32>], vector<16xf32>,
      %add3A_390 = arith.constant 2 : i32
      %add3A_391 = vector.broadcast %add3A_390 : i32 to vector<16xi32>
      %add3A_392 = arith.addi %mul3A_386, %add3A_391 : vector<16xi32>
      tpu.vector_store_idx %arg17[%add3A_392], %gather3A_380 : memref<384xf32, #tpu.memory_space<vmem>>[vector<16xi32>], vector<16xf32>,
      %mul3A_393 = arith.constant 4 : i32
      %mul3A_394 = arith.muli %mul3A_393, %mul3A_108 : i32
      %add3A_395 = arith.constant 3 : i32
      %add3A_396 = arith.addi %mul3A_394, %add3A_395 : i32
      %add3A_397 = arith.addi %mul3A_18, %add3A_396 : i32
      %dma_wait3A_398 = arith.constant 0 : i32
      %dma_wait3A_399 = tpu.memref_slice %arg2[%add3A_397, %dma_wait3A_398] : memref<4096x2048xf32, #tpu.memory_space<hbm>> -> memref<1x2048xf32, #tpu.memory_space<hbm>>
      %dma_wait3A_400 = tpu.memref_squeeze %dma_wait3A_399 : memref<1x2048xf32, #tpu.memory_space<hbm>> -> memref<2048xf32, #tpu.memory_space<hbm>>
      %dma_wait3A_401 = arith.constant 0 : i32
      %dma_wait3A_402 = tpu.memref_slice %arg2[%add3A_397, %dma_wait3A_401] : memref<4096x2048xf32, #tpu.memory_space<hbm>> -> memref<1x2048xf32, #tpu.memory_space<hbm>>
      %dma_wait3A_403 = tpu.memref_squeeze %dma_wait3A_402 : memref<1x2048xf32, #tpu.memory_space<hbm>> -> memref<2048xf32, #tpu.memory_space<hbm>>
      tpu.wait_dma2 semaphore(%arg22 : memref<!tpu.dma_semaphore, #tpu.memory_space<semaphore_mem>>) src(%dma_wait3A_403 : memref<2048xf32, #tpu.memory_space<hbm>>) dst(%arg13 : memref<2048xf32, #tpu.memory_space<vmem>>)
      %add3A_404 = arith.constant 1 : i32
      %add3A_405 = arith.addi %add3A_397, %add3A_404 : i32
      %min3A_406 = arith.constant 4095 : i32
      %min3A_407 = arith.minsi %add3A_405, %min3A_406 : i32
      %dma_start3A_408 = arith.constant 0 : i32
      %dma_start3A_409 = tpu.memref_slice %arg2[%min3A_407, %dma_start3A_408] : memref<4096x2048xf32, #tpu.memory_space<hbm>> -> memref<1x2048xf32, #tpu.memory_space<hbm>>
      %dma_start3A_410 = tpu.memref_squeeze %dma_start3A_409 : memref<1x2048xf32, #tpu.memory_space<hbm>> -> memref<2048xf32, #tpu.memory_space<hbm>>
      %dma_start3A_411 = arith.constant 0 : i32
      %dma_start3A_412 = tpu.memref_slice %arg2[%min3A_407, %dma_start3A_411] : memref<4096x2048xf32, #tpu.memory_space<hbm>> -> memref<1x2048xf32, #tpu.memory_space<hbm>>
      %dma_start3A_413 = tpu.memref_squeeze %dma_start3A_412 : memref<1x2048xf32, #tpu.memory_space<hbm>> -> memref<2048xf32, #tpu.memory_space<hbm>>
      tpu.enqueue_dma source(%dma_start3A_413 : memref<2048xf32, #tpu.memory_space<hbm>>) target(%arg12 : memref<2048xf32, #tpu.memory_space<vmem>>) target_semaphore(%arg21 : memref<!tpu.dma_semaphore, #tpu.memory_space<semaphore_mem>>)
      %broadcast_in_dim3A_414 = arith.constant 2047 : i32
      %broadcast_in_dim3A_415 = vector.broadcast %broadcast_in_dim3A_414 : i32 to vector<16xi32>
      %while3A_416 = arith.constant 0 : i32
      %while3A_417 = arith.constant 0 : i32
      %while3A_418:3 = scf.while (%while3A_920 = %while3A_416, %while3A_921 = %while3A_417, %while3A_922 = %broadcast_in_dim3A_415) : (i32, i32, vector<16xi32>) -> (i32, i32, vector<16xi32>) {
        %lt3A_923 = arith.constant 128 : i32
        %lt3A_924 = arith.cmpi slt, %while3A_920, %lt3A_923 : i32
        %lt3A_925 = arith.constant 32 : i32
        %lt3A_926 = arith.cmpi slt, %while3A_921, %lt3A_925 : i32
        %and3A_927 = arith.andi %lt3A_924, %lt3A_926 : i1
        scf.condition(%and3A_927) %while3A_920, %while3A_921, %while3A_922 : i32, i32, vector<16xi32>
      } do {
      ^bb0(%while3A_920: i32, %while3A_921: i32, %while3A_922: vector<16xi32>):
        %broadcast_in_dim3A_923 = arith.constant 0 : i32
        %broadcast_in_dim3A_924 = vector.broadcast %broadcast_in_dim3A_923 : i32 to vector<16xi32>
        %add3A_925 = vector.broadcast %while3A_921 : i32 to vector<16xi32>
        %add3A_926 = arith.addi %broadcast_in_dim3A_924, %add3A_925 : vector<16xi32>
        %add3A_927 = arith.constant 0 : i32
        %add3A_928 = arith.addi %while3A_920, %add3A_927 : i32
        %mul3A_929 = arith.constant 16 : i32
        %mul3A_930 = arith.muli %add3A_928, %mul3A_929 : i32
        %get3A_931 = arith.index_cast %mul3A_930 : i32 to index
        %get3A_932 = tpu.vector_load %arg13[%get3A_931] {strides = array<i32>} : memref<2048xf32, #tpu.memory_space<vmem>>, vector<16xf32>,
        %le3A = vector.broadcast %scan3A : f32 to vector<16xf32>
        %le3A_933 = arith.cmpf ole, %get3A_932, %le3A : vector<16xf32>
        %convert_element_type3A = arith.extui %le3A_933 : vector<16xi1> to vector<16xi32>
        %broadcast_in_dim3A_934 = arith.constant true
        %broadcast_in_dim3A_935 = vector.broadcast %broadcast_in_dim3A_934 : i1 to vector<16xi1>
        %masked_cumsum3A = tpu.scan <sum>, %convert_element_type3A masked %broadcast_in_dim3A_935 : vector<16xi32>, vector<16xi1> -> vector<16xi32>
        %add3A_936 = arith.addi %masked_cumsum3A, %add3A_926 : vector<16xi32>
        %le3A_937 = arith.constant 32 : i32
        %le3A_938 = vector.broadcast %le3A_937 : i32 to vector<16xi32>
        %le3A_939 = arith.cmpi sle, %add3A_936, %le3A_938 : vector<16xi32>
        %and3A_940 = arith.andi %le3A_933, %le3A_939 : vector<16xi1>
        %sub3A_941 = arith.constant 1 : i32
        %sub3A_942 = vector.broadcast %sub3A_941 : i32 to vector<16xi32>
        %sub3A_943 = arith.subi %add3A_936, %sub3A_942 : vector<16xi32>
        %jit3A_944 = arith.constant 0 : i32
        %jit3A_945 = arith.constant 31 : i32
        %max3A = vector.broadcast %jit3A_944 : i32 to vector<16xi32>
        %max3A_946 = arith.maxsi %max3A, %sub3A_943 : vector<16xi32>
        %min3A_947 = vector.broadcast %jit3A_945 : i32 to vector<16xi32>
        %min3A_948 = arith.minsi %min3A_947, %max3A_946 : vector<16xi32>
        %add3A_949 = vector.broadcast %mul3A_930 : i32 to vector<16xi32>
        %add3A_950 = arith.addi %add3A_949, %iota3A : vector<16xi32>
        tpu.vector_store_idx %arg14[%min3A_948], %add3A_950 masked %and3A_940 : memref<32xi32, #tpu.memory_space<vmem>>[vector<16xi32>], vector<16xi32>, vector<16xi1>
        %add3A_951 = vector.broadcast %mul3A_930 : i32 to vector<16xi32>
        %add3A_952 = arith.addi %add3A_951, %iota3A : vector<16xi32>
        %jit3A_953 = arith.constant 2047 : i32
        %broadcast_in_dim3A_954 = vector.broadcast %jit3A_953 : i32 to vector<16xi32>
        %select_n3A_955 = arith.select %le3A_933, %add3A_952, %broadcast_in_dim3A_954 : vector<16xi1>, vector<16xi32>
        %min3A_956 = arith.minsi %while3A_922, %select_n3A_955 : vector<16xi32>
        %all_reduce_population_count3A = tpu.all_reduce %le3A_933 {dim = 0 : i64, kind = #tpu.reduction_kind<sum>} : vector<16xi1> -> vector<16xi32>
        %add3A_957 = arith.addi %add3A_926, %all_reduce_population_count3A : vector<16xi32>
        %add3A_958 = arith.constant 1 : i32
        %add3A_959 = arith.addi %while3A_920, %add3A_958 : i32
        %mul3A_960 = arith.constant 16 : i32
        %mul3A_961 = arith.muli %add3A_959, %mul3A_960 : i32
        %get3A_962 = arith.index_cast %mul3A_961 : i32 to index
        %get3A_963 = tpu.vector_load %arg13[%get3A_962] {strides = array<i32>} : memref<2048xf32, #tpu.memory_space<vmem>>, vector<16xf32>,
        %le3A_964 = vector.broadcast %scan3A : f32 to vector<16xf32>
        %le3A_965 = arith.cmpf ole, %get3A_963, %le3A_964 : vector<16xf32>
        %convert_element_type3A_966 = arith.extui %le3A_965 : vector<16xi1> to vector<16xi32>
        %broadcast_in_dim3A_967 = arith.constant true
        %broadcast_in_dim3A_968 = vector.broadcast %broadcast_in_dim3A_967 : i1 to vector<16xi1>
        %masked_cumsum3A_969 = tpu.scan <sum>, %convert_element_type3A_966 masked %broadcast_in_dim3A_968 : vector<16xi32>, vector<16xi1> -> vector<16xi32>
        %add3A_970 = arith.addi %masked_cumsum3A_969, %add3A_957 : vector<16xi32>
        %le3A_971 = arith.constant 32 : i32
        %le3A_972 = vector.broadcast %le3A_971 : i32 to vector<16xi32>
        %le3A_973 = arith.cmpi sle, %add3A_970, %le3A_972 : vector<16xi32>
        %and3A_974 = arith.andi %le3A_965, %le3A_973 : vector<16xi1>
        %sub3A_975 = arith.constant 1 : i32
        %sub3A_976 = vector.broadcast %sub3A_975 : i32 to vector<16xi32>
        %sub3A_977 = arith.subi %add3A_970, %sub3A_976 : vector<16xi32>
        %jit3A_978 = arith.constant 0 : i32
        %jit3A_979 = arith.constant 31 : i32
        %max3A_980 = vector.broadcast %jit3A_978 : i32 to vector<16xi32>
        %max3A_981 = arith.maxsi %max3A_980, %sub3A_977 : vector<16xi32>
        %min3A_982 = vector.broadcast %jit3A_979 : i32 to vector<16xi32>
        %min3A_983 = arith.minsi %min3A_982, %max3A_981 : vector<16xi32>
        %add3A_984 = vector.broadcast %mul3A_961 : i32 to vector<16xi32>
        %add3A_985 = arith.addi %add3A_984, %iota3A : vector<16xi32>
        tpu.vector_store_idx %arg14[%min3A_983], %add3A_985 masked %and3A_974 : memref<32xi32, #tpu.memory_space<vmem>>[vector<16xi32>], vector<16xi32>, vector<16xi1>
        %add3A_986 = vector.broadcast %mul3A_961 : i32 to vector<16xi32>
        %add3A_987 = arith.addi %add3A_986, %iota3A : vector<16xi32>
        %jit3A_988 = arith.constant 2047 : i32
        %broadcast_in_dim3A_989 = vector.broadcast %jit3A_988 : i32 to vector<16xi32>
        %select_n3A_990 = arith.select %le3A_965, %add3A_987, %broadcast_in_dim3A_989 : vector<16xi1>, vector<16xi32>
        %min3A_991 = arith.minsi %min3A_956, %select_n3A_990 : vector<16xi32>
        %all_reduce_population_count3A_992 = tpu.all_reduce %le3A_965 {dim = 0 : i64, kind = #tpu.reduction_kind<sum>} : vector<16xi1> -> vector<16xi32>
        %add3A_993 = arith.addi %add3A_957, %all_reduce_population_count3A_992 : vector<16xi32>
        %add3A_994 = arith.constant 2 : i32
        %add3A_995 = arith.addi %while3A_920, %add3A_994 : i32
        %mul3A_996 = arith.constant 16 : i32
        %mul3A_997 = arith.muli %add3A_995, %mul3A_996 : i32
        %get3A_998 = arith.index_cast %mul3A_997 : i32 to index
        %get3A_999 = tpu.vector_load %arg13[%get3A_998] {strides = array<i32>} : memref<2048xf32, #tpu.memory_space<vmem>>, vector<16xf32>,
        %le3A_1000 = vector.broadcast %scan3A : f32 to vector<16xf32>
        %le3A_1001 = arith.cmpf ole, %get3A_999, %le3A_1000 : vector<16xf32>
        %convert_element_type3A_1002 = arith.extui %le3A_1001 : vector<16xi1> to vector<16xi32>
        %broadcast_in_dim3A_1003 = arith.constant true
        %broadcast_in_dim3A_1004 = vector.broadcast %broadcast_in_dim3A_1003 : i1 to vector<16xi1>
        %masked_cumsum3A_1005 = tpu.scan <sum>, %convert_element_type3A_1002 masked %broadcast_in_dim3A_1004 : vector<16xi32>, vector<16xi1> -> vector<16xi32>
        %add3A_1006 = arith.addi %masked_cumsum3A_1005, %add3A_993 : vector<16xi32>
        %le3A_1007 = arith.constant 32 : i32
        %le3A_1008 = vector.broadcast %le3A_1007 : i32 to vector<16xi32>
        %le3A_1009 = arith.cmpi sle, %add3A_1006, %le3A_1008 : vector<16xi32>
        %and3A_1010 = arith.andi %le3A_1001, %le3A_1009 : vector<16xi1>
        %sub3A_1011 = arith.constant 1 : i32
        %sub3A_1012 = vector.broadcast %sub3A_1011 : i32 to vector<16xi32>
        %sub3A_1013 = arith.subi %add3A_1006, %sub3A_1012 : vector<16xi32>
        %jit3A_1014 = arith.constant 0 : i32
        %jit3A_1015 = arith.constant 31 : i32
        %max3A_1016 = vector.broadcast %jit3A_1014 : i32 to vector<16xi32>
        %max3A_1017 = arith.maxsi %max3A_1016, %sub3A_1013 : vector<16xi32>
        %min3A_1018 = vector.broadcast %jit3A_1015 : i32 to vector<16xi32>
        %min3A_1019 = arith.minsi %min3A_1018, %max3A_1017 : vector<16xi32>
        %add3A_1020 = vector.broadcast %mul3A_997 : i32 to vector<16xi32>
        %add3A_1021 = arith.addi %add3A_1020, %iota3A : vector<16xi32>
        tpu.vector_store_idx %arg14[%min3A_1019], %add3A_1021 masked %and3A_1010 : memref<32xi32, #tpu.memory_space<vmem>>[vector<16xi32>], vector<16xi32>, vector<16xi1>
        %add3A_1022 = vector.broadcast %mul3A_997 : i32 to vector<16xi32>
        %add3A_1023 = arith.addi %add3A_1022, %iota3A : vector<16xi32>
        %jit3A_1024 = arith.constant 2047 : i32
        %broadcast_in_dim3A_1025 = vector.broadcast %jit3A_1024 : i32 to vector<16xi32>
        %select_n3A_1026 = arith.select %le3A_1001, %add3A_1023, %broadcast_in_dim3A_1025 : vector<16xi1>, vector<16xi32>
        %min3A_1027 = arith.minsi %min3A_991, %select_n3A_1026 : vector<16xi32>
        %all_reduce_population_count3A_1028 = tpu.all_reduce %le3A_1001 {dim = 0 : i64, kind = #tpu.reduction_kind<sum>} : vector<16xi1> -> vector<16xi32>
        %add3A_1029 = arith.addi %add3A_993, %all_reduce_population_count3A_1028 : vector<16xi32>
        %add3A_1030 = arith.constant 3 : i32
        %add3A_1031 = arith.addi %while3A_920, %add3A_1030 : i32
        %mul3A_1032 = arith.constant 16 : i32
        %mul3A_1033 = arith.muli %add3A_1031, %mul3A_1032 : i32
        %get3A_1034 = arith.index_cast %mul3A_1033 : i32 to index
        %get3A_1035 = tpu.vector_load %arg13[%get3A_1034] {strides = array<i32>} : memref<2048xf32, #tpu.memory_space<vmem>>, vector<16xf32>,
        %le3A_1036 = vector.broadcast %scan3A : f32 to vector<16xf32>
        %le3A_1037 = arith.cmpf ole, %get3A_1035, %le3A_1036 : vector<16xf32>
        %convert_element_type3A_1038 = arith.extui %le3A_1037 : vector<16xi1> to vector<16xi32>
        %broadcast_in_dim3A_1039 = arith.constant true
        %broadcast_in_dim3A_1040 = vector.broadcast %broadcast_in_dim3A_1039 : i1 to vector<16xi1>
        %masked_cumsum3A_1041 = tpu.scan <sum>, %convert_element_type3A_1038 masked %broadcast_in_dim3A_1040 : vector<16xi32>, vector<16xi1> -> vector<16xi32>
        %add3A_1042 = arith.addi %masked_cumsum3A_1041, %add3A_1029 : vector<16xi32>
        %le3A_1043 = arith.constant 32 : i32
        %le3A_1044 = vector.broadcast %le3A_1043 : i32 to vector<16xi32>
        %le3A_1045 = arith.cmpi sle, %add3A_1042, %le3A_1044 : vector<16xi32>
        %and3A_1046 = arith.andi %le3A_1037, %le3A_1045 : vector<16xi1>
        %sub3A_1047 = arith.constant 1 : i32
        %sub3A_1048 = vector.broadcast %sub3A_1047 : i32 to vector<16xi32>
        %sub3A_1049 = arith.subi %add3A_1042, %sub3A_1048 : vector<16xi32>
        %jit3A_1050 = arith.constant 0 : i32
        %jit3A_1051 = arith.constant 31 : i32
        %max3A_1052 = vector.broadcast %jit3A_1050 : i32 to vector<16xi32>
        %max3A_1053 = arith.maxsi %max3A_1052, %sub3A_1049 : vector<16xi32>
        %min3A_1054 = vector.broadcast %jit3A_1051 : i32 to vector<16xi32>
        %min3A_1055 = arith.minsi %min3A_1054, %max3A_1053 : vector<16xi32>
        %add3A_1056 = vector.broadcast %mul3A_1033 : i32 to vector<16xi32>
        %add3A_1057 = arith.addi %add3A_1056, %iota3A : vector<16xi32>
        tpu.vector_store_idx %arg14[%min3A_1055], %add3A_1057 masked %and3A_1046 : memref<32xi32, #tpu.memory_space<vmem>>[vector<16xi32>], vector<16xi32>, vector<16xi1>
        %add3A_1058 = vector.broadcast %mul3A_1033 : i32 to vector<16xi32>
        %add3A_1059 = arith.addi %add3A_1058, %iota3A : vector<16xi32>
        %jit3A_1060 = arith.constant 2047 : i32
        %broadcast_in_dim3A_1061 = vector.broadcast %jit3A_1060 : i32 to vector<16xi32>
        %select_n3A_1062 = arith.select %le3A_1037, %add3A_1059, %broadcast_in_dim3A_1061 : vector<16xi1>, vector<16xi32>
        %min3A_1063 = arith.minsi %min3A_1027, %select_n3A_1062 : vector<16xi32>
        %all_reduce_population_count3A_1064 = tpu.all_reduce %le3A_1037 {dim = 0 : i64, kind = #tpu.reduction_kind<sum>} : vector<16xi1> -> vector<16xi32>
        %add3A_1065 = arith.addi %add3A_1029, %all_reduce_population_count3A_1064 : vector<16xi32>
        %add3A_1066 = arith.constant 4 : i32
        %add3A_1067 = arith.addi %while3A_920, %add3A_1066 : i32
        %reduce_max3A = arith.constant true
        %reduce_max3A_1068 = vector.broadcast %reduce_max3A : i1 to vector<16xi1>
        %reduce_max3A_1069 = arith.constant -2147483648 : i32
        %reduce_max3A_1070 = vector.broadcast %reduce_max3A_1069 : i32 to vector<16xi32>
        %reduce_max3A_1071 = arith.xori %add3A_1065, %reduce_max3A_1070 : vector<16xi32>
        %reduce_max3A_1072 = tpu.scan <max>, %reduce_max3A_1071 masked %reduce_max3A_1068 : vector<16xi32>, vector<16xi1> -> vector<16xi32>
        %reduce_max3A_1073 = arith.xori %reduce_max3A_1072, %reduce_max3A_1070 : vector<16xi32>
        %reduce_max3A_1074 = vector.extract %reduce_max3A_1073[15] : i32 from vector<16xi32>
        scf.yield %add3A_1067, %reduce_max3A_1074, %min3A_1063 : i32, i32, vector<16xi32>
      }
      %reduce_min3A_419 = arith.constant true
      %reduce_min3A_420 = vector.broadcast %reduce_min3A_419 : i1 to vector<16xi1>
      %reduce_min3A_421 = arith.constant -2147483648 : i32
      %reduce_min3A_422 = vector.broadcast %reduce_min3A_421 : i32 to vector<16xi32>
      %reduce_min3A_423 = arith.xori %while3A_418#2, %reduce_min3A_422 : vector<16xi32>
      %reduce_min3A_424 = tpu.scan <min>, %reduce_min3A_423 masked %reduce_min3A_420 : vector<16xi32>, vector<16xi1> -> vector<16xi32>
      %reduce_min3A_425 = arith.xori %reduce_min3A_424, %reduce_min3A_422 : vector<16xi32>
      %reduce_min3A_426 = vector.extract %reduce_min3A_425[15] : i32 from vector<16xi32>
      %broadcast_in_dim3A_427 = arith.constant 0 : i32
      %broadcast_in_dim3A_428 = vector.broadcast %broadcast_in_dim3A_427 : i32 to vector<16xi32>
      %add3A_429 = vector.broadcast %reduce_min3A_426 : i32 to vector<16xi32>
      %add3A_430 = arith.addi %broadcast_in_dim3A_428, %add3A_429 : vector<16xi32>
      %add3A_431 = arith.constant 0 : i32
      %add3A_432 = vector.broadcast %add3A_431 : i32 to vector<16xi32>
      %add3A_433 = arith.addi %iota3A, %add3A_432 : vector<16xi32>
      %get3A_434 = arith.constant 0 : index
      %get3A_435 = tpu.vector_load %arg14[%get3A_434] {strides = array<i32>} : memref<32xi32, #tpu.memory_space<vmem>>, vector<16xi32>,
      %lt3A_436 = vector.broadcast %while3A_418#1 : i32 to vector<16xi32>
      %lt3A_437 = arith.cmpi slt, %add3A_433, %lt3A_436 : vector<16xi32>
      %select_n3A_438 = arith.select %lt3A_437, %get3A_435, %add3A_430 : vector<16xi1>, vector<16xi32>
      %add3A_439 = vector.broadcast %mul3A_20 : i32 to vector<16xi32>
      %add3A_440 = arith.addi %select_n3A_438, %add3A_439 : vector<16xi32>
      %swap3A_441 = arith.constant 96 : index
      %swap3A_442 = tpu.vector_load %arg15[%swap3A_441] {strides = array<i32>} : memref<128xi32, #tpu.memory_space<vmem>>, vector<16xi32>,
      tpu.vector_store %arg15[%swap3A_441], %add3A_440 {strides = array<i32>} : memref<128xi32, #tpu.memory_space<vmem>>, vector<16xi32>,
      %gather3A_443 = tpu.vector_load_idx %arg9[%select_n3A_438] : memref<2048xf32, #tpu.memory_space<vmem>>[vector<16xi32>], vector<16xf32>,
      %gather3A_444 = tpu.vector_load_idx %arg10[%select_n3A_438] : memref<2048xf32, #tpu.memory_space<vmem>>[vector<16xi32>], vector<16xf32>,
      %gather3A_445 = tpu.vector_load_idx %arg11[%select_n3A_438] : memref<2048xf32, #tpu.memory_space<vmem>>[vector<16xi32>], vector<16xf32>,
      %add3A_446 = arith.constant 96 : i32
      %add3A_447 = vector.broadcast %add3A_446 : i32 to vector<16xi32>
      %add3A_448 = arith.addi %add3A_447, %add3A_433 : vector<16xi32>
      %mul3A_449 = arith.constant 3 : i32
      %mul3A_450 = vector.broadcast %mul3A_449 : i32 to vector<16xi32>
      %mul3A_451 = arith.muli %add3A_448, %mul3A_450 : vector<16xi32>
      tpu.vector_store_idx %arg17[%mul3A_451], %gather3A_443 : memref<384xf32, #tpu.memory_space<vmem>>[vector<16xi32>], vector<16xf32>,
      %add3A_452 = arith.constant 1 : i32
      %add3A_453 = vector.broadcast %add3A_452 : i32 to vector<16xi32>
      %add3A_454 = arith.addi %mul3A_451, %add3A_453 : vector<16xi32>
      tpu.vector_store_idx %arg17[%add3A_454], %gather3A_444 : memref<384xf32, #tpu.memory_space<vmem>>[vector<16xi32>], vector<16xf32>,
      %add3A_455 = arith.constant 2 : i32
      %add3A_456 = vector.broadcast %add3A_455 : i32 to vector<16xi32>
      %add3A_457 = arith.addi %mul3A_451, %add3A_456 : vector<16xi32>
      tpu.vector_store_idx %arg17[%add3A_457], %gather3A_445 : memref<384xf32, #tpu.memory_space<vmem>>[vector<16xi32>], vector<16xf32>,
      %add3A_458 = arith.constant 16 : i32
      %add3A_459 = vector.broadcast %add3A_458 : i32 to vector<16xi32>
      %add3A_460 = arith.addi %iota3A, %add3A_459 : vector<16xi32>
      %get3A_461 = arith.constant 16 : index
      %get3A_462 = tpu.vector_load %arg14[%get3A_461] {strides = array<i32>} : memref<32xi32, #tpu.memory_space<vmem>>, vector<16xi32>,
      %lt3A_463 = vector.broadcast %while3A_418#1 : i32 to vector<16xi32>
      %lt3A_464 = arith.cmpi slt, %add3A_460, %lt3A_463 : vector<16xi32>
      %select_n3A_465 = arith.select %lt3A_464, %get3A_462, %add3A_430 : vector<16xi1>, vector<16xi32>
      %add3A_466 = vector.broadcast %mul3A_20 : i32 to vector<16xi32>
      %add3A_467 = arith.addi %select_n3A_465, %add3A_466 : vector<16xi32>
      %swap3A_468 = arith.constant 112 : index
      %swap3A_469 = tpu.vector_load %arg15[%swap3A_468] {strides = array<i32>} : memref<128xi32, #tpu.memory_space<vmem>>, vector<16xi32>,
      tpu.vector_store %arg15[%swap3A_468], %add3A_467 {strides = array<i32>} : memref<128xi32, #tpu.memory_space<vmem>>, vector<16xi32>,
      %gather3A_470 = tpu.vector_load_idx %arg9[%select_n3A_465] : memref<2048xf32, #tpu.memory_space<vmem>>[vector<16xi32>], vector<16xf32>,
      %gather3A_471 = tpu.vector_load_idx %arg10[%select_n3A_465] : memref<2048xf32, #tpu.memory_space<vmem>>[vector<16xi32>], vector<16xf32>,
      %gather3A_472 = tpu.vector_load_idx %arg11[%select_n3A_465] : memref<2048xf32, #tpu.memory_space<vmem>>[vector<16xi32>], vector<16xf32>,
      %add3A_473 = arith.constant 96 : i32
      %add3A_474 = vector.broadcast %add3A_473 : i32 to vector<16xi32>
      %add3A_475 = arith.addi %add3A_474, %add3A_460 : vector<16xi32>
      %mul3A_476 = arith.constant 3 : i32
      %mul3A_477 = vector.broadcast %mul3A_476 : i32 to vector<16xi32>
      %mul3A_478 = arith.muli %add3A_475, %mul3A_477 : vector<16xi32>
      tpu.vector_store_idx %arg17[%mul3A_478], %gather3A_470 : memref<384xf32, #tpu.memory_space<vmem>>[vector<16xi32>], vector<16xf32>,
      %add3A_479 = arith.constant 1 : i32
      %add3A_480 = vector.broadcast %add3A_479 : i32 to vector<16xi32>
      %add3A_481 = arith.addi %mul3A_478, %add3A_480 : vector<16xi32>
      tpu.vector_store_idx %arg17[%add3A_481], %gather3A_471 : memref<384xf32, #tpu.memory_space<vmem>>[vector<16xi32>], vector<16xf32>,
      %add3A_482 = arith.constant 2 : i32
      %add3A_483 = vector.broadcast %add3A_482 : i32 to vector<16xi32>
      %add3A_484 = arith.addi %mul3A_478, %add3A_483 : vector<16xi32>
      tpu.vector_store_idx %arg17[%add3A_484], %gather3A_472 : memref<384xf32, #tpu.memory_space<vmem>>[vector<16xi32>], vector<16xf32>,
      %dma_start3A_485 = arith.constant 0 : i32
      %dma_start3A_486 = arith.constant 0 : i32
      %dma_start3A_487 = tpu.memref_slice %arg6[%dma_start3A_485, %dma_start3A_486] : memref<16384x128xf32, #tpu.memory_space<hbm>> -> memref<16384x128xf32, #tpu.memory_space<hbm>>
      tpu.enqueue_indirect_dma source(%dma_start3A_487 : memref<16384x128xf32, #tpu.memory_space<hbm>>) target(%arg19 : memref<128x128xf32, #tpu.memory_space<vmem>>) offsets(%arg15 : memref<128xi32, #tpu.memory_space<vmem>>) semaphore(%arg23 : memref<!tpu.dma_semaphore, #tpu.memory_space<semaphore_mem>>)
      %dma_wait3A_488 = arith.constant 0 : i32
      %dma_wait3A_489 = arith.constant 0 : i32
      %dma_wait3A_490 = arith.constant 0 : i32
      %dma_wait3A_491 = tpu.memref_slice %arg7[%dma_wait3A_488, %dma_wait3A_489, %dma_wait3A_490] : memref<1024x128x128xf32, #tpu.memory_space<hbm>> -> memref<1x128x128xf32, #tpu.memory_space<hbm>>
      %dma_wait3A_492 = tpu.memref_squeeze %dma_wait3A_491 : memref<1x128x128xf32, #tpu.memory_space<hbm>> -> memref<128x128xf32, #tpu.memory_space<hbm>>
      %dma_wait3A_493 = arith.constant 0 : i32
      %dma_wait3A_494 = arith.constant 0 : i32
      %dma_wait3A_495 = tpu.memref_slice %arg7[%dma_wait3A_488, %dma_wait3A_493, %dma_wait3A_494] : memref<1024x128x128xf32, #tpu.memory_space<hbm>> -> memref<1x128x128xf32, #tpu.memory_space<hbm>>
      %dma_wait3A_496 = tpu.memref_squeeze %dma_wait3A_495 : memref<1x128x128xf32, #tpu.memory_space<hbm>> -> memref<128x128xf32, #tpu.memory_space<hbm>>
      tpu.wait_dma2 semaphore(%arg26 : memref<!tpu.dma_semaphore, #tpu.memory_space<semaphore_mem>>) src(%arg20 : memref<128x128xf32, #tpu.memory_space<vmem>>) dst(%dma_wait3A_496 : memref<128x128xf32, #tpu.memory_space<hbm>>)
      %dma_wait3A_497 = arith.constant 0 : i32
      %dma_wait3A_498 = arith.constant 0 : i32
      %dma_wait3A_499 = tpu.memref_slice %arg8[%dma_wait3A_497, %dma_wait3A_498] : memref<1024x384xf32, #tpu.memory_space<hbm>> -> memref<1x384xf32, #tpu.memory_space<hbm>>
      %dma_wait3A_500 = tpu.memref_squeeze %dma_wait3A_499 : memref<1x384xf32, #tpu.memory_space<hbm>> -> memref<384xf32, #tpu.memory_space<hbm>>
      %dma_wait3A_501 = arith.constant 0 : i32
      %dma_wait3A_502 = tpu.memref_slice %arg8[%dma_wait3A_497, %dma_wait3A_501] : memref<1024x384xf32, #tpu.memory_space<hbm>> -> memref<1x384xf32, #tpu.memory_space<hbm>>
      %dma_wait3A_503 = tpu.memref_squeeze %dma_wait3A_502 : memref<1x384xf32, #tpu.memory_space<hbm>> -> memref<384xf32, #tpu.memory_space<hbm>>
      tpu.wait_dma2 semaphore(%arg26 : memref<!tpu.dma_semaphore, #tpu.memory_space<semaphore_mem>>) src(%arg18 : memref<384xf32, #tpu.memory_space<vmem>>) dst(%dma_wait3A_503 : memref<384xf32, #tpu.memory_space<hbm>>)
      %add3A_504 = arith.constant 1 : i32
      %add3A_505 = arith.addi %mul3A_108, %add3A_504 : i32
      %mul3A_506 = arith.constant 4 : i32
      %mul3A_507 = arith.muli %mul3A_506, %add3A_505 : i32
      %add3A_508 = arith.constant 0 : i32
      %add3A_509 = arith.addi %mul3A_507, %add3A_508 : i32
      %add3A_510 = arith.addi %mul3A_18, %add3A_509 : i32
      %dma_wait3A_511 = arith.constant 0 : i32
      %dma_wait3A_512 = tpu.memref_slice %arg2[%add3A_510, %dma_wait3A_511] : memref<4096x2048xf32, #tpu.memory_space<hbm>> -> memref<1x2048xf32, #tpu.memory_space<hbm>>
      %dma_wait3A_513 = tpu.memref_squeeze %dma_wait3A_512 : memref<1x2048xf32, #tpu.memory_space<hbm>> -> memref<2048xf32, #tpu.memory_space<hbm>>
      %dma_wait3A_514 = arith.constant 0 : i32
      %dma_wait3A_515 = tpu.memref_slice %arg2[%add3A_510, %dma_wait3A_514] : memref<4096x2048xf32, #tpu.memory_space<hbm>> -> memref<1x2048xf32, #tpu.memory_space<hbm>>
      %dma_wait3A_516 = tpu.memref_squeeze %dma_wait3A_515 : memref<1x2048xf32, #tpu.memory_space<hbm>> -> memref<2048xf32, #tpu.memory_space<hbm>>
      tpu.wait_dma2 semaphore(%arg21 : memref<!tpu.dma_semaphore, #tpu.memory_space<semaphore_mem>>) src(%dma_wait3A_516 : memref<2048xf32, #tpu.memory_space<hbm>>) dst(%arg12 : memref<2048xf32, #tpu.memory_space<vmem>>)
      %add3A_517 = arith.constant 1 : i32
      %add3A_518 = arith.addi %add3A_510, %add3A_517 : i32
      %min3A_519 = arith.constant 4095 : i32
      %min3A_520 = arith.minsi %add3A_518, %min3A_519 : i32
      %dma_start3A_521 = arith.constant 0 : i32
      %dma_start3A_522 = tpu.memref_slice %arg2[%min3A_520, %dma_start3A_521] : memref<4096x2048xf32, #tpu.memory_space<hbm>> -> memref<1x2048xf32, #tpu.memory_space<hbm>>
      %dma_start3A_523 = tpu.memref_squeeze %dma_start3A_522 : memref<1x2048xf32, #tpu.memory_space<hbm>> -> memref<2048xf32, #tpu.memory_space<hbm>>
      %dma_start3A_524 = arith.constant 0 : i32
      %dma_start3A_525 = tpu.memref_slice %arg2[%min3A_520, %dma_start3A_524] : memref<4096x2048xf32, #tpu.memory_space<hbm>> -> memref<1x2048xf32, #tpu.memory_space<hbm>>
      %dma_start3A_526 = tpu.memref_squeeze %dma_start3A_525 : memref<1x2048xf32, #tpu.memory_space<hbm>> -> memref<2048xf32, #tpu.memory_space<hbm>>
      tpu.enqueue_dma source(%dma_start3A_526 : memref<2048xf32, #tpu.memory_space<hbm>>) target(%arg13 : memref<2048xf32, #tpu.memory_space<vmem>>) target_semaphore(%arg22 : memref<!tpu.dma_semaphore, #tpu.memory_space<semaphore_mem>>)
      %broadcast_in_dim3A_527 = arith.constant 2047 : i32
      %broadcast_in_dim3A_528 = vector.broadcast %broadcast_in_dim3A_527 : i32 to vector<16xi32>
      %while3A_529 = arith.constant 0 : i32
      %while3A_530 = arith.constant 0 : i32
      %while3A_531:3 = scf.while (%while3A_920 = %while3A_529, %while3A_921 = %while3A_530, %while3A_922 = %broadcast_in_dim3A_528) : (i32, i32, vector<16xi32>) -> (i32, i32, vector<16xi32>) {
        %lt3A_923 = arith.constant 128 : i32
        %lt3A_924 = arith.cmpi slt, %while3A_920, %lt3A_923 : i32
        %lt3A_925 = arith.constant 32 : i32
        %lt3A_926 = arith.cmpi slt, %while3A_921, %lt3A_925 : i32
        %and3A_927 = arith.andi %lt3A_924, %lt3A_926 : i1
        scf.condition(%and3A_927) %while3A_920, %while3A_921, %while3A_922 : i32, i32, vector<16xi32>
      } do {
      ^bb0(%while3A_920: i32, %while3A_921: i32, %while3A_922: vector<16xi32>):
        %broadcast_in_dim3A_923 = arith.constant 0 : i32
        %broadcast_in_dim3A_924 = vector.broadcast %broadcast_in_dim3A_923 : i32 to vector<16xi32>
        %add3A_925 = vector.broadcast %while3A_921 : i32 to vector<16xi32>
        %add3A_926 = arith.addi %broadcast_in_dim3A_924, %add3A_925 : vector<16xi32>
        %add3A_927 = arith.constant 0 : i32
        %add3A_928 = arith.addi %while3A_920, %add3A_927 : i32
        %mul3A_929 = arith.constant 16 : i32
        %mul3A_930 = arith.muli %add3A_928, %mul3A_929 : i32
        %get3A_931 = arith.index_cast %mul3A_930 : i32 to index
        %get3A_932 = tpu.vector_load %arg12[%get3A_931] {strides = array<i32>} : memref<2048xf32, #tpu.memory_space<vmem>>, vector<16xf32>,
        %le3A = vector.broadcast %scan3A : f32 to vector<16xf32>
        %le3A_933 = arith.cmpf ole, %get3A_932, %le3A : vector<16xf32>
        %convert_element_type3A = arith.extui %le3A_933 : vector<16xi1> to vector<16xi32>
        %broadcast_in_dim3A_934 = arith.constant true
        %broadcast_in_dim3A_935 = vector.broadcast %broadcast_in_dim3A_934 : i1 to vector<16xi1>
        %masked_cumsum3A = tpu.scan <sum>, %convert_element_type3A masked %broadcast_in_dim3A_935 : vector<16xi32>, vector<16xi1> -> vector<16xi32>
        %add3A_936 = arith.addi %masked_cumsum3A, %add3A_926 : vector<16xi32>
        %le3A_937 = arith.constant 32 : i32
        %le3A_938 = vector.broadcast %le3A_937 : i32 to vector<16xi32>
        %le3A_939 = arith.cmpi sle, %add3A_936, %le3A_938 : vector<16xi32>
        %and3A_940 = arith.andi %le3A_933, %le3A_939 : vector<16xi1>
        %sub3A_941 = arith.constant 1 : i32
        %sub3A_942 = vector.broadcast %sub3A_941 : i32 to vector<16xi32>
        %sub3A_943 = arith.subi %add3A_936, %sub3A_942 : vector<16xi32>
        %jit3A_944 = arith.constant 0 : i32
        %jit3A_945 = arith.constant 31 : i32
        %max3A = vector.broadcast %jit3A_944 : i32 to vector<16xi32>
        %max3A_946 = arith.maxsi %max3A, %sub3A_943 : vector<16xi32>
        %min3A_947 = vector.broadcast %jit3A_945 : i32 to vector<16xi32>
        %min3A_948 = arith.minsi %min3A_947, %max3A_946 : vector<16xi32>
        %add3A_949 = vector.broadcast %mul3A_930 : i32 to vector<16xi32>
        %add3A_950 = arith.addi %add3A_949, %iota3A : vector<16xi32>
        tpu.vector_store_idx %arg14[%min3A_948], %add3A_950 masked %and3A_940 : memref<32xi32, #tpu.memory_space<vmem>>[vector<16xi32>], vector<16xi32>, vector<16xi1>
        %add3A_951 = vector.broadcast %mul3A_930 : i32 to vector<16xi32>
        %add3A_952 = arith.addi %add3A_951, %iota3A : vector<16xi32>
        %jit3A_953 = arith.constant 2047 : i32
        %broadcast_in_dim3A_954 = vector.broadcast %jit3A_953 : i32 to vector<16xi32>
        %select_n3A_955 = arith.select %le3A_933, %add3A_952, %broadcast_in_dim3A_954 : vector<16xi1>, vector<16xi32>
        %min3A_956 = arith.minsi %while3A_922, %select_n3A_955 : vector<16xi32>
        %all_reduce_population_count3A = tpu.all_reduce %le3A_933 {dim = 0 : i64, kind = #tpu.reduction_kind<sum>} : vector<16xi1> -> vector<16xi32>
        %add3A_957 = arith.addi %add3A_926, %all_reduce_population_count3A : vector<16xi32>
        %add3A_958 = arith.constant 1 : i32
        %add3A_959 = arith.addi %while3A_920, %add3A_958 : i32
        %mul3A_960 = arith.constant 16 : i32
        %mul3A_961 = arith.muli %add3A_959, %mul3A_960 : i32
        %get3A_962 = arith.index_cast %mul3A_961 : i32 to index
        %get3A_963 = tpu.vector_load %arg12[%get3A_962] {strides = array<i32>} : memref<2048xf32, #tpu.memory_space<vmem>>, vector<16xf32>,
        %le3A_964 = vector.broadcast %scan3A : f32 to vector<16xf32>
        %le3A_965 = arith.cmpf ole, %get3A_963, %le3A_964 : vector<16xf32>
        %convert_element_type3A_966 = arith.extui %le3A_965 : vector<16xi1> to vector<16xi32>
        %broadcast_in_dim3A_967 = arith.constant true
        %broadcast_in_dim3A_968 = vector.broadcast %broadcast_in_dim3A_967 : i1 to vector<16xi1>
        %masked_cumsum3A_969 = tpu.scan <sum>, %convert_element_type3A_966 masked %broadcast_in_dim3A_968 : vector<16xi32>, vector<16xi1> -> vector<16xi32>
        %add3A_970 = arith.addi %masked_cumsum3A_969, %add3A_957 : vector<16xi32>
        %le3A_971 = arith.constant 32 : i32
        %le3A_972 = vector.broadcast %le3A_971 : i32 to vector<16xi32>
        %le3A_973 = arith.cmpi sle, %add3A_970, %le3A_972 : vector<16xi32>
        %and3A_974 = arith.andi %le3A_965, %le3A_973 : vector<16xi1>
        %sub3A_975 = arith.constant 1 : i32
        %sub3A_976 = vector.broadcast %sub3A_975 : i32 to vector<16xi32>
        %sub3A_977 = arith.subi %add3A_970, %sub3A_976 : vector<16xi32>
        %jit3A_978 = arith.constant 0 : i32
        %jit3A_979 = arith.constant 31 : i32
        %max3A_980 = vector.broadcast %jit3A_978 : i32 to vector<16xi32>
        %max3A_981 = arith.maxsi %max3A_980, %sub3A_977 : vector<16xi32>
        %min3A_982 = vector.broadcast %jit3A_979 : i32 to vector<16xi32>
        %min3A_983 = arith.minsi %min3A_982, %max3A_981 : vector<16xi32>
        %add3A_984 = vector.broadcast %mul3A_961 : i32 to vector<16xi32>
        %add3A_985 = arith.addi %add3A_984, %iota3A : vector<16xi32>
        tpu.vector_store_idx %arg14[%min3A_983], %add3A_985 masked %and3A_974 : memref<32xi32, #tpu.memory_space<vmem>>[vector<16xi32>], vector<16xi32>, vector<16xi1>
        %add3A_986 = vector.broadcast %mul3A_961 : i32 to vector<16xi32>
        %add3A_987 = arith.addi %add3A_986, %iota3A : vector<16xi32>
        %jit3A_988 = arith.constant 2047 : i32
        %broadcast_in_dim3A_989 = vector.broadcast %jit3A_988 : i32 to vector<16xi32>
        %select_n3A_990 = arith.select %le3A_965, %add3A_987, %broadcast_in_dim3A_989 : vector<16xi1>, vector<16xi32>
        %min3A_991 = arith.minsi %min3A_956, %select_n3A_990 : vector<16xi32>
        %all_reduce_population_count3A_992 = tpu.all_reduce %le3A_965 {dim = 0 : i64, kind = #tpu.reduction_kind<sum>} : vector<16xi1> -> vector<16xi32>
        %add3A_993 = arith.addi %add3A_957, %all_reduce_population_count3A_992 : vector<16xi32>
        %add3A_994 = arith.constant 2 : i32
        %add3A_995 = arith.addi %while3A_920, %add3A_994 : i32
        %mul3A_996 = arith.constant 16 : i32
        %mul3A_997 = arith.muli %add3A_995, %mul3A_996 : i32
        %get3A_998 = arith.index_cast %mul3A_997 : i32 to index
        %get3A_999 = tpu.vector_load %arg12[%get3A_998] {strides = array<i32>} : memref<2048xf32, #tpu.memory_space<vmem>>, vector<16xf32>,
        %le3A_1000 = vector.broadcast %scan3A : f32 to vector<16xf32>
        %le3A_1001 = arith.cmpf ole, %get3A_999, %le3A_1000 : vector<16xf32>
        %convert_element_type3A_1002 = arith.extui %le3A_1001 : vector<16xi1> to vector<16xi32>
        %broadcast_in_dim3A_1003 = arith.constant true
        %broadcast_in_dim3A_1004 = vector.broadcast %broadcast_in_dim3A_1003 : i1 to vector<16xi1>
        %masked_cumsum3A_1005 = tpu.scan <sum>, %convert_element_type3A_1002 masked %broadcast_in_dim3A_1004 : vector<16xi32>, vector<16xi1> -> vector<16xi32>
        %add3A_1006 = arith.addi %masked_cumsum3A_1005, %add3A_993 : vector<16xi32>
        %le3A_1007 = arith.constant 32 : i32
        %le3A_1008 = vector.broadcast %le3A_1007 : i32 to vector<16xi32>
        %le3A_1009 = arith.cmpi sle, %add3A_1006, %le3A_1008 : vector<16xi32>
        %and3A_1010 = arith.andi %le3A_1001, %le3A_1009 : vector<16xi1>
        %sub3A_1011 = arith.constant 1 : i32
        %sub3A_1012 = vector.broadcast %sub3A_1011 : i32 to vector<16xi32>
        %sub3A_1013 = arith.subi %add3A_1006, %sub3A_1012 : vector<16xi32>
        %jit3A_1014 = arith.constant 0 : i32
        %jit3A_1015 = arith.constant 31 : i32
        %max3A_1016 = vector.broadcast %jit3A_1014 : i32 to vector<16xi32>
        %max3A_1017 = arith.maxsi %max3A_1016, %sub3A_1013 : vector<16xi32>
        %min3A_1018 = vector.broadcast %jit3A_1015 : i32 to vector<16xi32>
        %min3A_1019 = arith.minsi %min3A_1018, %max3A_1017 : vector<16xi32>
        %add3A_1020 = vector.broadcast %mul3A_997 : i32 to vector<16xi32>
        %add3A_1021 = arith.addi %add3A_1020, %iota3A : vector<16xi32>
        tpu.vector_store_idx %arg14[%min3A_1019], %add3A_1021 masked %and3A_1010 : memref<32xi32, #tpu.memory_space<vmem>>[vector<16xi32>], vector<16xi32>, vector<16xi1>
        %add3A_1022 = vector.broadcast %mul3A_997 : i32 to vector<16xi32>
        %add3A_1023 = arith.addi %add3A_1022, %iota3A : vector<16xi32>
        %jit3A_1024 = arith.constant 2047 : i32
        %broadcast_in_dim3A_1025 = vector.broadcast %jit3A_1024 : i32 to vector<16xi32>
        %select_n3A_1026 = arith.select %le3A_1001, %add3A_1023, %broadcast_in_dim3A_1025 : vector<16xi1>, vector<16xi32>
        %min3A_1027 = arith.minsi %min3A_991, %select_n3A_1026 : vector<16xi32>
        %all_reduce_population_count3A_1028 = tpu.all_reduce %le3A_1001 {dim = 0 : i64, kind = #tpu.reduction_kind<sum>} : vector<16xi1> -> vector<16xi32>
        %add3A_1029 = arith.addi %add3A_993, %all_reduce_population_count3A_1028 : vector<16xi32>
        %add3A_1030 = arith.constant 3 : i32
        %add3A_1031 = arith.addi %while3A_920, %add3A_1030 : i32
        %mul3A_1032 = arith.constant 16 : i32
        %mul3A_1033 = arith.muli %add3A_1031, %mul3A_1032 : i32
        %get3A_1034 = arith.index_cast %mul3A_1033 : i32 to index
        %get3A_1035 = tpu.vector_load %arg12[%get3A_1034] {strides = array<i32>} : memref<2048xf32, #tpu.memory_space<vmem>>, vector<16xf32>,
        %le3A_1036 = vector.broadcast %scan3A : f32 to vector<16xf32>
        %le3A_1037 = arith.cmpf ole, %get3A_1035, %le3A_1036 : vector<16xf32>
        %convert_element_type3A_1038 = arith.extui %le3A_1037 : vector<16xi1> to vector<16xi32>
        %broadcast_in_dim3A_1039 = arith.constant true
        %broadcast_in_dim3A_1040 = vector.broadcast %broadcast_in_dim3A_1039 : i1 to vector<16xi1>
        %masked_cumsum3A_1041 = tpu.scan <sum>, %convert_element_type3A_1038 masked %broadcast_in_dim3A_1040 : vector<16xi32>, vector<16xi1> -> vector<16xi32>
        %add3A_1042 = arith.addi %masked_cumsum3A_1041, %add3A_1029 : vector<16xi32>
        %le3A_1043 = arith.constant 32 : i32
        %le3A_1044 = vector.broadcast %le3A_1043 : i32 to vector<16xi32>
        %le3A_1045 = arith.cmpi sle, %add3A_1042, %le3A_1044 : vector<16xi32>
        %and3A_1046 = arith.andi %le3A_1037, %le3A_1045 : vector<16xi1>
        %sub3A_1047 = arith.constant 1 : i32
        %sub3A_1048 = vector.broadcast %sub3A_1047 : i32 to vector<16xi32>
        %sub3A_1049 = arith.subi %add3A_1042, %sub3A_1048 : vector<16xi32>
        %jit3A_1050 = arith.constant 0 : i32
        %jit3A_1051 = arith.constant 31 : i32
        %max3A_1052 = vector.broadcast %jit3A_1050 : i32 to vector<16xi32>
        %max3A_1053 = arith.maxsi %max3A_1052, %sub3A_1049 : vector<16xi32>
        %min3A_1054 = vector.broadcast %jit3A_1051 : i32 to vector<16xi32>
        %min3A_1055 = arith.minsi %min3A_1054, %max3A_1053 : vector<16xi32>
        %add3A_1056 = vector.broadcast %mul3A_1033 : i32 to vector<16xi32>
        %add3A_1057 = arith.addi %add3A_1056, %iota3A : vector<16xi32>
        tpu.vector_store_idx %arg14[%min3A_1055], %add3A_1057 masked %and3A_1046 : memref<32xi32, #tpu.memory_space<vmem>>[vector<16xi32>], vector<16xi32>, vector<16xi1>
        %add3A_1058 = vector.broadcast %mul3A_1033 : i32 to vector<16xi32>
        %add3A_1059 = arith.addi %add3A_1058, %iota3A : vector<16xi32>
        %jit3A_1060 = arith.constant 2047 : i32
        %broadcast_in_dim3A_1061 = vector.broadcast %jit3A_1060 : i32 to vector<16xi32>
        %select_n3A_1062 = arith.select %le3A_1037, %add3A_1059, %broadcast_in_dim3A_1061 : vector<16xi1>, vector<16xi32>
        %min3A_1063 = arith.minsi %min3A_1027, %select_n3A_1062 : vector<16xi32>
        %all_reduce_population_count3A_1064 = tpu.all_reduce %le3A_1037 {dim = 0 : i64, kind = #tpu.reduction_kind<sum>} : vector<16xi1> -> vector<16xi32>
        %add3A_1065 = arith.addi %add3A_1029, %all_reduce_population_count3A_1064 : vector<16xi32>
        %add3A_1066 = arith.constant 4 : i32
        %add3A_1067 = arith.addi %while3A_920, %add3A_1066 : i32
        %reduce_max3A = arith.constant true
        %reduce_max3A_1068 = vector.broadcast %reduce_max3A : i1 to vector<16xi1>
        %reduce_max3A_1069 = arith.constant -2147483648 : i32
        %reduce_max3A_1070 = vector.broadcast %reduce_max3A_1069 : i32 to vector<16xi32>
        %reduce_max3A_1071 = arith.xori %add3A_1065, %reduce_max3A_1070 : vector<16xi32>
        %reduce_max3A_1072 = tpu.scan <max>, %reduce_max3A_1071 masked %reduce_max3A_1068 : vector<16xi32>, vector<16xi1> -> vector<16xi32>
        %reduce_max3A_1073 = arith.xori %reduce_max3A_1072, %reduce_max3A_1070 : vector<16xi32>
        %reduce_max3A_1074 = vector.extract %reduce_max3A_1073[15] : i32 from vector<16xi32>
        scf.yield %add3A_1067, %reduce_max3A_1074, %min3A_1063 : i32, i32, vector<16xi32>
      }
      %reduce_min3A_532 = arith.constant true
      %reduce_min3A_533 = vector.broadcast %reduce_min3A_532 : i1 to vector<16xi1>
      %reduce_min3A_534 = arith.constant -2147483648 : i32
      %reduce_min3A_535 = vector.broadcast %reduce_min3A_534 : i32 to vector<16xi32>
      %reduce_min3A_536 = arith.xori %while3A_531#2, %reduce_min3A_535 : vector<16xi32>
      %reduce_min3A_537 = tpu.scan <min>, %reduce_min3A_536 masked %reduce_min3A_533 : vector<16xi32>, vector<16xi1> -> vector<16xi32>
      %reduce_min3A_538 = arith.xori %reduce_min3A_537, %reduce_min3A_535 : vector<16xi32>
      %reduce_min3A_539 = vector.extract %reduce_min3A_538[15] : i32 from vector<16xi32>
      %broadcast_in_dim3A_540 = arith.constant 0 : i32
      %broadcast_in_dim3A_541 = vector.broadcast %broadcast_in_dim3A_540 : i32 to vector<16xi32>
      %add3A_542 = vector.broadcast %reduce_min3A_539 : i32 to vector<16xi32>
      %add3A_543 = arith.addi %broadcast_in_dim3A_541, %add3A_542 : vector<16xi32>
      %add3A_544 = arith.constant 0 : i32
      %add3A_545 = vector.broadcast %add3A_544 : i32 to vector<16xi32>
      %add3A_546 = arith.addi %iota3A, %add3A_545 : vector<16xi32>
      %get3A_547 = arith.constant 0 : index
      %get3A_548 = tpu.vector_load %arg14[%get3A_547] {strides = array<i32>} : memref<32xi32, #tpu.memory_space<vmem>>, vector<16xi32>,
      %lt3A_549 = vector.broadcast %while3A_531#1 : i32 to vector<16xi32>
      %lt3A_550 = arith.cmpi slt, %add3A_546, %lt3A_549 : vector<16xi32>
      %select_n3A_551 = arith.select %lt3A_550, %get3A_548, %add3A_543 : vector<16xi1>, vector<16xi32>
      %add3A_552 = vector.broadcast %mul3A_20 : i32 to vector<16xi32>
      %add3A_553 = arith.addi %select_n3A_551, %add3A_552 : vector<16xi32>
      %swap3A_554 = arith.constant 0 : index
      %swap3A_555 = tpu.vector_load %arg16[%swap3A_554] {strides = array<i32>} : memref<128xi32, #tpu.memory_space<vmem>>, vector<16xi32>,
      tpu.vector_store %arg16[%swap3A_554], %add3A_553 {strides = array<i32>} : memref<128xi32, #tpu.memory_space<vmem>>, vector<16xi32>,
      %gather3A_556 = tpu.vector_load_idx %arg9[%select_n3A_551] : memref<2048xf32, #tpu.memory_space<vmem>>[vector<16xi32>], vector<16xf32>,
      %gather3A_557 = tpu.vector_load_idx %arg10[%select_n3A_551] : memref<2048xf32, #tpu.memory_space<vmem>>[vector<16xi32>], vector<16xf32>,
      %gather3A_558 = tpu.vector_load_idx %arg11[%select_n3A_551] : memref<2048xf32, #tpu.memory_space<vmem>>[vector<16xi32>], vector<16xf32>,
      %add3A_559 = arith.constant 0 : i32
      %add3A_560 = vector.broadcast %add3A_559 : i32 to vector<16xi32>
      %add3A_561 = arith.addi %add3A_560, %add3A_546 : vector<16xi32>
      %mul3A_562 = arith.constant 3 : i32
      %mul3A_563 = vector.broadcast %mul3A_562 : i32 to vector<16xi32>
      %mul3A_564 = arith.muli %add3A_561, %mul3A_563 : vector<16xi32>
      tpu.vector_store_idx %arg18[%mul3A_564], %gather3A_556 : memref<384xf32, #tpu.memory_space<vmem>>[vector<16xi32>], vector<16xf32>,
      %add3A_565 = arith.constant 1 : i32
      %add3A_566 = vector.broadcast %add3A_565 : i32 to vector<16xi32>
      %add3A_567 = arith.addi %mul3A_564, %add3A_566 : vector<16xi32>
      tpu.vector_store_idx %arg18[%add3A_567], %gather3A_557 : memref<384xf32, #tpu.memory_space<vmem>>[vector<16xi32>], vector<16xf32>,
      %add3A_568 = arith.constant 2 : i32
      %add3A_569 = vector.broadcast %add3A_568 : i32 to vector<16xi32>
      %add3A_570 = arith.addi %mul3A_564, %add3A_569 : vector<16xi32>
      tpu.vector_store_idx %arg18[%add3A_570], %gather3A_558 : memref<384xf32, #tpu.memory_space<vmem>>[vector<16xi32>], vector<16xf32>,
      %add3A_571 = arith.constant 16 : i32
      %add3A_572 = vector.broadcast %add3A_571 : i32 to vector<16xi32>
      %add3A_573 = arith.addi %iota3A, %add3A_572 : vector<16xi32>
      %get3A_574 = arith.constant 16 : index
      %get3A_575 = tpu.vector_load %arg14[%get3A_574] {strides = array<i32>} : memref<32xi32, #tpu.memory_space<vmem>>, vector<16xi32>,
      %lt3A_576 = vector.broadcast %while3A_531#1 : i32 to vector<16xi32>
      %lt3A_577 = arith.cmpi slt, %add3A_573, %lt3A_576 : vector<16xi32>
      %select_n3A_578 = arith.select %lt3A_577, %get3A_575, %add3A_543 : vector<16xi1>, vector<16xi32>
      %add3A_579 = vector.broadcast %mul3A_20 : i32 to vector<16xi32>
      %add3A_580 = arith.addi %select_n3A_578, %add3A_579 : vector<16xi32>
      %swap3A_581 = arith.constant 16 : index
      %swap3A_582 = tpu.vector_load %arg16[%swap3A_581] {strides = array<i32>} : memref<128xi32, #tpu.memory_space<vmem>>, vector<16xi32>,
      tpu.vector_store %arg16[%swap3A_581], %add3A_580 {strides = array<i32>} : memref<128xi32, #tpu.memory_space<vmem>>, vector<16xi32>,
      %gather3A_583 = tpu.vector_load_idx %arg9[%select_n3A_578] : memref<2048xf32, #tpu.memory_space<vmem>>[vector<16xi32>], vector<16xf32>,
      %gather3A_584 = tpu.vector_load_idx %arg10[%select_n3A_578] : memref<2048xf32, #tpu.memory_space<vmem>>[vector<16xi32>], vector<16xf32>,
      %gather3A_585 = tpu.vector_load_idx %arg11[%select_n3A_578] : memref<2048xf32, #tpu.memory_space<vmem>>[vector<16xi32>], vector<16xf32>,
      %add3A_586 = arith.constant 0 : i32
      %add3A_587 = vector.broadcast %add3A_586 : i32 to vector<16xi32>
      %add3A_588 = arith.addi %add3A_587, %add3A_573 : vector<16xi32>
      %mul3A_589 = arith.constant 3 : i32
      %mul3A_590 = vector.broadcast %mul3A_589 : i32 to vector<16xi32>
      %mul3A_591 = arith.muli %add3A_588, %mul3A_590 : vector<16xi32>
      tpu.vector_store_idx %arg18[%mul3A_591], %gather3A_583 : memref<384xf32, #tpu.memory_space<vmem>>[vector<16xi32>], vector<16xf32>,
      %add3A_592 = arith.constant 1 : i32
      %add3A_593 = vector.broadcast %add3A_592 : i32 to vector<16xi32>
      %add3A_594 = arith.addi %mul3A_591, %add3A_593 : vector<16xi32>
      tpu.vector_store_idx %arg18[%add3A_594], %gather3A_584 : memref<384xf32, #tpu.memory_space<vmem>>[vector<16xi32>], vector<16xf32>,
      %add3A_595 = arith.constant 2 : i32
      %add3A_596 = vector.broadcast %add3A_595 : i32 to vector<16xi32>
      %add3A_597 = arith.addi %mul3A_591, %add3A_596 : vector<16xi32>
      tpu.vector_store_idx %arg18[%add3A_597], %gather3A_585 : memref<384xf32, #tpu.memory_space<vmem>>[vector<16xi32>], vector<16xf32>,
      %mul3A_598 = arith.constant 4 : i32
      %mul3A_599 = arith.muli %mul3A_598, %add3A_505 : i32
      %add3A_600 = arith.constant 1 : i32
      %add3A_601 = arith.addi %mul3A_599, %add3A_600 : i32
      %add3A_602 = arith.addi %mul3A_18, %add3A_601 : i32
      %dma_wait3A_603 = arith.constant 0 : i32
      %dma_wait3A_604 = tpu.memref_slice %arg2[%add3A_602, %dma_wait3A_603] : memref<4096x2048xf32, #tpu.memory_space<hbm>> -> memref<1x2048xf32, #tpu.memory_space<hbm>>
      %dma_wait3A_605 = tpu.memref_squeeze %dma_wait3A_604 : memref<1x2048xf32, #tpu.memory_space<hbm>> -> memref<2048xf32, #tpu.memory_space<hbm>>
      %dma_wait3A_606 = arith.constant 0 : i32
      %dma_wait3A_607 = tpu.memref_slice %arg2[%add3A_602, %dma_wait3A_606] : memref<4096x2048xf32, #tpu.memory_space<hbm>> -> memref<1x2048xf32, #tpu.memory_space<hbm>>
      %dma_wait3A_608 = tpu.memref_squeeze %dma_wait3A_607 : memref<1x2048xf32, #tpu.memory_space<hbm>> -> memref<2048xf32, #tpu.memory_space<hbm>>
      tpu.wait_dma2 semaphore(%arg22 : memref<!tpu.dma_semaphore, #tpu.memory_space<semaphore_mem>>) src(%dma_wait3A_608 : memref<2048xf32, #tpu.memory_space<hbm>>) dst(%arg13 : memref<2048xf32, #tpu.memory_space<vmem>>)
      %add3A_609 = arith.constant 1 : i32
      %add3A_610 = arith.addi %add3A_602, %add3A_609 : i32
      %min3A_611 = arith.constant 4095 : i32
      %min3A_612 = arith.minsi %add3A_610, %min3A_611 : i32
      %dma_start3A_613 = arith.constant 0 : i32
      %dma_start3A_614 = tpu.memref_slice %arg2[%min3A_612, %dma_start3A_613] : memref<4096x2048xf32, #tpu.memory_space<hbm>> -> memref<1x2048xf32, #tpu.memory_space<hbm>>
      %dma_start3A_615 = tpu.memref_squeeze %dma_start3A_614 : memref<1x2048xf32, #tpu.memory_space<hbm>> -> memref<2048xf32, #tpu.memory_space<hbm>>
      %dma_start3A_616 = arith.constant 0 : i32
      %dma_start3A_617 = tpu.memref_slice %arg2[%min3A_612, %dma_start3A_616] : memref<4096x2048xf32, #tpu.memory_space<hbm>> -> memref<1x2048xf32, #tpu.memory_space<hbm>>
      %dma_start3A_618 = tpu.memref_squeeze %dma_start3A_617 : memref<1x2048xf32, #tpu.memory_space<hbm>> -> memref<2048xf32, #tpu.memory_space<hbm>>
      tpu.enqueue_dma source(%dma_start3A_618 : memref<2048xf32, #tpu.memory_space<hbm>>) target(%arg12 : memref<2048xf32, #tpu.memory_space<vmem>>) target_semaphore(%arg21 : memref<!tpu.dma_semaphore, #tpu.memory_space<semaphore_mem>>)
      %broadcast_in_dim3A_619 = arith.constant 2047 : i32
      %broadcast_in_dim3A_620 = vector.broadcast %broadcast_in_dim3A_619 : i32 to vector<16xi32>
      %while3A_621 = arith.constant 0 : i32
      %while3A_622 = arith.constant 0 : i32
      %while3A_623:3 = scf.while (%while3A_920 = %while3A_621, %while3A_921 = %while3A_622, %while3A_922 = %broadcast_in_dim3A_620) : (i32, i32, vector<16xi32>) -> (i32, i32, vector<16xi32>) {
        %lt3A_923 = arith.constant 128 : i32
        %lt3A_924 = arith.cmpi slt, %while3A_920, %lt3A_923 : i32
        %lt3A_925 = arith.constant 32 : i32
        %lt3A_926 = arith.cmpi slt, %while3A_921, %lt3A_925 : i32
        %and3A_927 = arith.andi %lt3A_924, %lt3A_926 : i1
        scf.condition(%and3A_927) %while3A_920, %while3A_921, %while3A_922 : i32, i32, vector<16xi32>
      } do {
      ^bb0(%while3A_920: i32, %while3A_921: i32, %while3A_922: vector<16xi32>):
        %broadcast_in_dim3A_923 = arith.constant 0 : i32
        %broadcast_in_dim3A_924 = vector.broadcast %broadcast_in_dim3A_923 : i32 to vector<16xi32>
        %add3A_925 = vector.broadcast %while3A_921 : i32 to vector<16xi32>
        %add3A_926 = arith.addi %broadcast_in_dim3A_924, %add3A_925 : vector<16xi32>
        %add3A_927 = arith.constant 0 : i32
        %add3A_928 = arith.addi %while3A_920, %add3A_927 : i32
        %mul3A_929 = arith.constant 16 : i32
        %mul3A_930 = arith.muli %add3A_928, %mul3A_929 : i32
        %get3A_931 = arith.index_cast %mul3A_930 : i32 to index
        %get3A_932 = tpu.vector_load %arg13[%get3A_931] {strides = array<i32>} : memref<2048xf32, #tpu.memory_space<vmem>>, vector<16xf32>,
        %le3A = vector.broadcast %scan3A : f32 to vector<16xf32>
        %le3A_933 = arith.cmpf ole, %get3A_932, %le3A : vector<16xf32>
        %convert_element_type3A = arith.extui %le3A_933 : vector<16xi1> to vector<16xi32>
        %broadcast_in_dim3A_934 = arith.constant true
        %broadcast_in_dim3A_935 = vector.broadcast %broadcast_in_dim3A_934 : i1 to vector<16xi1>
        %masked_cumsum3A = tpu.scan <sum>, %convert_element_type3A masked %broadcast_in_dim3A_935 : vector<16xi32>, vector<16xi1> -> vector<16xi32>
        %add3A_936 = arith.addi %masked_cumsum3A, %add3A_926 : vector<16xi32>
        %le3A_937 = arith.constant 32 : i32
        %le3A_938 = vector.broadcast %le3A_937 : i32 to vector<16xi32>
        %le3A_939 = arith.cmpi sle, %add3A_936, %le3A_938 : vector<16xi32>
        %and3A_940 = arith.andi %le3A_933, %le3A_939 : vector<16xi1>
        %sub3A_941 = arith.constant 1 : i32
        %sub3A_942 = vector.broadcast %sub3A_941 : i32 to vector<16xi32>
        %sub3A_943 = arith.subi %add3A_936, %sub3A_942 : vector<16xi32>
        %jit3A_944 = arith.constant 0 : i32
        %jit3A_945 = arith.constant 31 : i32
        %max3A = vector.broadcast %jit3A_944 : i32 to vector<16xi32>
        %max3A_946 = arith.maxsi %max3A, %sub3A_943 : vector<16xi32>
        %min3A_947 = vector.broadcast %jit3A_945 : i32 to vector<16xi32>
        %min3A_948 = arith.minsi %min3A_947, %max3A_946 : vector<16xi32>
        %add3A_949 = vector.broadcast %mul3A_930 : i32 to vector<16xi32>
        %add3A_950 = arith.addi %add3A_949, %iota3A : vector<16xi32>
        tpu.vector_store_idx %arg14[%min3A_948], %add3A_950 masked %and3A_940 : memref<32xi32, #tpu.memory_space<vmem>>[vector<16xi32>], vector<16xi32>, vector<16xi1>
        %add3A_951 = vector.broadcast %mul3A_930 : i32 to vector<16xi32>
        %add3A_952 = arith.addi %add3A_951, %iota3A : vector<16xi32>
        %jit3A_953 = arith.constant 2047 : i32
        %broadcast_in_dim3A_954 = vector.broadcast %jit3A_953 : i32 to vector<16xi32>
        %select_n3A_955 = arith.select %le3A_933, %add3A_952, %broadcast_in_dim3A_954 : vector<16xi1>, vector<16xi32>
        %min3A_956 = arith.minsi %while3A_922, %select_n3A_955 : vector<16xi32>
        %all_reduce_population_count3A = tpu.all_reduce %le3A_933 {dim = 0 : i64, kind = #tpu.reduction_kind<sum>} : vector<16xi1> -> vector<16xi32>
        %add3A_957 = arith.addi %add3A_926, %all_reduce_population_count3A : vector<16xi32>
        %add3A_958 = arith.constant 1 : i32
        %add3A_959 = arith.addi %while3A_920, %add3A_958 : i32
        %mul3A_960 = arith.constant 16 : i32
        %mul3A_961 = arith.muli %add3A_959, %mul3A_960 : i32
        %get3A_962 = arith.index_cast %mul3A_961 : i32 to index
        %get3A_963 = tpu.vector_load %arg13[%get3A_962] {strides = array<i32>} : memref<2048xf32, #tpu.memory_space<vmem>>, vector<16xf32>,
        %le3A_964 = vector.broadcast %scan3A : f32 to vector<16xf32>
        %le3A_965 = arith.cmpf ole, %get3A_963, %le3A_964 : vector<16xf32>
        %convert_element_type3A_966 = arith.extui %le3A_965 : vector<16xi1> to vector<16xi32>
        %broadcast_in_dim3A_967 = arith.constant true
        %broadcast_in_dim3A_968 = vector.broadcast %broadcast_in_dim3A_967 : i1 to vector<16xi1>
        %masked_cumsum3A_969 = tpu.scan <sum>, %convert_element_type3A_966 masked %broadcast_in_dim3A_968 : vector<16xi32>, vector<16xi1> -> vector<16xi32>
        %add3A_970 = arith.addi %masked_cumsum3A_969, %add3A_957 : vector<16xi32>
        %le3A_971 = arith.constant 32 : i32
        %le3A_972 = vector.broadcast %le3A_971 : i32 to vector<16xi32>
        %le3A_973 = arith.cmpi sle, %add3A_970, %le3A_972 : vector<16xi32>
        %and3A_974 = arith.andi %le3A_965, %le3A_973 : vector<16xi1>
        %sub3A_975 = arith.constant 1 : i32
        %sub3A_976 = vector.broadcast %sub3A_975 : i32 to vector<16xi32>
        %sub3A_977 = arith.subi %add3A_970, %sub3A_976 : vector<16xi32>
        %jit3A_978 = arith.constant 0 : i32
        %jit3A_979 = arith.constant 31 : i32
        %max3A_980 = vector.broadcast %jit3A_978 : i32 to vector<16xi32>
        %max3A_981 = arith.maxsi %max3A_980, %sub3A_977 : vector<16xi32>
        %min3A_982 = vector.broadcast %jit3A_979 : i32 to vector<16xi32>
        %min3A_983 = arith.minsi %min3A_982, %max3A_981 : vector<16xi32>
        %add3A_984 = vector.broadcast %mul3A_961 : i32 to vector<16xi32>
        %add3A_985 = arith.addi %add3A_984, %iota3A : vector<16xi32>
        tpu.vector_store_idx %arg14[%min3A_983], %add3A_985 masked %and3A_974 : memref<32xi32, #tpu.memory_space<vmem>>[vector<16xi32>], vector<16xi32>, vector<16xi1>
        %add3A_986 = vector.broadcast %mul3A_961 : i32 to vector<16xi32>
        %add3A_987 = arith.addi %add3A_986, %iota3A : vector<16xi32>
        %jit3A_988 = arith.constant 2047 : i32
        %broadcast_in_dim3A_989 = vector.broadcast %jit3A_988 : i32 to vector<16xi32>
        %select_n3A_990 = arith.select %le3A_965, %add3A_987, %broadcast_in_dim3A_989 : vector<16xi1>, vector<16xi32>
        %min3A_991 = arith.minsi %min3A_956, %select_n3A_990 : vector<16xi32>
        %all_reduce_population_count3A_992 = tpu.all_reduce %le3A_965 {dim = 0 : i64, kind = #tpu.reduction_kind<sum>} : vector<16xi1> -> vector<16xi32>
        %add3A_993 = arith.addi %add3A_957, %all_reduce_population_count3A_992 : vector<16xi32>
        %add3A_994 = arith.constant 2 : i32
        %add3A_995 = arith.addi %while3A_920, %add3A_994 : i32
        %mul3A_996 = arith.constant 16 : i32
        %mul3A_997 = arith.muli %add3A_995, %mul3A_996 : i32
        %get3A_998 = arith.index_cast %mul3A_997 : i32 to index
        %get3A_999 = tpu.vector_load %arg13[%get3A_998] {strides = array<i32>} : memref<2048xf32, #tpu.memory_space<vmem>>, vector<16xf32>,
        %le3A_1000 = vector.broadcast %scan3A : f32 to vector<16xf32>
        %le3A_1001 = arith.cmpf ole, %get3A_999, %le3A_1000 : vector<16xf32>
        %convert_element_type3A_1002 = arith.extui %le3A_1001 : vector<16xi1> to vector<16xi32>
        %broadcast_in_dim3A_1003 = arith.constant true
        %broadcast_in_dim3A_1004 = vector.broadcast %broadcast_in_dim3A_1003 : i1 to vector<16xi1>
        %masked_cumsum3A_1005 = tpu.scan <sum>, %convert_element_type3A_1002 masked %broadcast_in_dim3A_1004 : vector<16xi32>, vector<16xi1> -> vector<16xi32>
        %add3A_1006 = arith.addi %masked_cumsum3A_1005, %add3A_993 : vector<16xi32>
        %le3A_1007 = arith.constant 32 : i32
        %le3A_1008 = vector.broadcast %le3A_1007 : i32 to vector<16xi32>
        %le3A_1009 = arith.cmpi sle, %add3A_1006, %le3A_1008 : vector<16xi32>
        %and3A_1010 = arith.andi %le3A_1001, %le3A_1009 : vector<16xi1>
        %sub3A_1011 = arith.constant 1 : i32
        %sub3A_1012 = vector.broadcast %sub3A_1011 : i32 to vector<16xi32>
        %sub3A_1013 = arith.subi %add3A_1006, %sub3A_1012 : vector<16xi32>
        %jit3A_1014 = arith.constant 0 : i32
        %jit3A_1015 = arith.constant 31 : i32
        %max3A_1016 = vector.broadcast %jit3A_1014 : i32 to vector<16xi32>
        %max3A_1017 = arith.maxsi %max3A_1016, %sub3A_1013 : vector<16xi32>
        %min3A_1018 = vector.broadcast %jit3A_1015 : i32 to vector<16xi32>
        %min3A_1019 = arith.minsi %min3A_1018, %max3A_1017 : vector<16xi32>
        %add3A_1020 = vector.broadcast %mul3A_997 : i32 to vector<16xi32>
        %add3A_1021 = arith.addi %add3A_1020, %iota3A : vector<16xi32>
        tpu.vector_store_idx %arg14[%min3A_1019], %add3A_1021 masked %and3A_1010 : memref<32xi32, #tpu.memory_space<vmem>>[vector<16xi32>], vector<16xi32>, vector<16xi1>
        %add3A_1022 = vector.broadcast %mul3A_997 : i32 to vector<16xi32>
        %add3A_1023 = arith.addi %add3A_1022, %iota3A : vector<16xi32>
        %jit3A_1024 = arith.constant 2047 : i32
        %broadcast_in_dim3A_1025 = vector.broadcast %jit3A_1024 : i32 to vector<16xi32>
        %select_n3A_1026 = arith.select %le3A_1001, %add3A_1023, %broadcast_in_dim3A_1025 : vector<16xi1>, vector<16xi32>
        %min3A_1027 = arith.minsi %min3A_991, %select_n3A_1026 : vector<16xi32>
        %all_reduce_population_count3A_1028 = tpu.all_reduce %le3A_1001 {dim = 0 : i64, kind = #tpu.reduction_kind<sum>} : vector<16xi1> -> vector<16xi32>
        %add3A_1029 = arith.addi %add3A_993, %all_reduce_population_count3A_1028 : vector<16xi32>
        %add3A_1030 = arith.constant 3 : i32
        %add3A_1031 = arith.addi %while3A_920, %add3A_1030 : i32
        %mul3A_1032 = arith.constant 16 : i32
        %mul3A_1033 = arith.muli %add3A_1031, %mul3A_1032 : i32
        %get3A_1034 = arith.index_cast %mul3A_1033 : i32 to index
        %get3A_1035 = tpu.vector_load %arg13[%get3A_1034] {strides = array<i32>} : memref<2048xf32, #tpu.memory_space<vmem>>, vector<16xf32>,
        %le3A_1036 = vector.broadcast %scan3A : f32 to vector<16xf32>
        %le3A_1037 = arith.cmpf ole, %get3A_1035, %le3A_1036 : vector<16xf32>
        %convert_element_type3A_1038 = arith.extui %le3A_1037 : vector<16xi1> to vector<16xi32>
        %broadcast_in_dim3A_1039 = arith.constant true
        %broadcast_in_dim3A_1040 = vector.broadcast %broadcast_in_dim3A_1039 : i1 to vector<16xi1>
        %masked_cumsum3A_1041 = tpu.scan <sum>, %convert_element_type3A_1038 masked %broadcast_in_dim3A_1040 : vector<16xi32>, vector<16xi1> -> vector<16xi32>
        %add3A_1042 = arith.addi %masked_cumsum3A_1041, %add3A_1029 : vector<16xi32>
        %le3A_1043 = arith.constant 32 : i32
        %le3A_1044 = vector.broadcast %le3A_1043 : i32 to vector<16xi32>
        %le3A_1045 = arith.cmpi sle, %add3A_1042, %le3A_1044 : vector<16xi32>
        %and3A_1046 = arith.andi %le3A_1037, %le3A_1045 : vector<16xi1>
        %sub3A_1047 = arith.constant 1 : i32
        %sub3A_1048 = vector.broadcast %sub3A_1047 : i32 to vector<16xi32>
        %sub3A_1049 = arith.subi %add3A_1042, %sub3A_1048 : vector<16xi32>
        %jit3A_1050 = arith.constant 0 : i32
        %jit3A_1051 = arith.constant 31 : i32
        %max3A_1052 = vector.broadcast %jit3A_1050 : i32 to vector<16xi32>
        %max3A_1053 = arith.maxsi %max3A_1052, %sub3A_1049 : vector<16xi32>
        %min3A_1054 = vector.broadcast %jit3A_1051 : i32 to vector<16xi32>
        %min3A_1055 = arith.minsi %min3A_1054, %max3A_1053 : vector<16xi32>
        %add3A_1056 = vector.broadcast %mul3A_1033 : i32 to vector<16xi32>
        %add3A_1057 = arith.addi %add3A_1056, %iota3A : vector<16xi32>
        tpu.vector_store_idx %arg14[%min3A_1055], %add3A_1057 masked %and3A_1046 : memref<32xi32, #tpu.memory_space<vmem>>[vector<16xi32>], vector<16xi32>, vector<16xi1>
        %add3A_1058 = vector.broadcast %mul3A_1033 : i32 to vector<16xi32>
        %add3A_1059 = arith.addi %add3A_1058, %iota3A : vector<16xi32>
        %jit3A_1060 = arith.constant 2047 : i32
        %broadcast_in_dim3A_1061 = vector.broadcast %jit3A_1060 : i32 to vector<16xi32>
        %select_n3A_1062 = arith.select %le3A_1037, %add3A_1059, %broadcast_in_dim3A_1061 : vector<16xi1>, vector<16xi32>
        %min3A_1063 = arith.minsi %min3A_1027, %select_n3A_1062 : vector<16xi32>
        %all_reduce_population_count3A_1064 = tpu.all_reduce %le3A_1037 {dim = 0 : i64, kind = #tpu.reduction_kind<sum>} : vector<16xi1> -> vector<16xi32>
        %add3A_1065 = arith.addi %add3A_1029, %all_reduce_population_count3A_1064 : vector<16xi32>
        %add3A_1066 = arith.constant 4 : i32
        %add3A_1067 = arith.addi %while3A_920, %add3A_1066 : i32
        %reduce_max3A = arith.constant true
        %reduce_max3A_1068 = vector.broadcast %reduce_max3A : i1 to vector<16xi1>
        %reduce_max3A_1069 = arith.constant -2147483648 : i32
        %reduce_max3A_1070 = vector.broadcast %reduce_max3A_1069 : i32 to vector<16xi32>
        %reduce_max3A_1071 = arith.xori %add3A_1065, %reduce_max3A_1070 : vector<16xi32>
        %reduce_max3A_1072 = tpu.scan <max>, %reduce_max3A_1071 masked %reduce_max3A_1068 : vector<16xi32>, vector<16xi1> -> vector<16xi32>
        %reduce_max3A_1073 = arith.xori %reduce_max3A_1072, %reduce_max3A_1070 : vector<16xi32>
        %reduce_max3A_1074 = vector.extract %reduce_max3A_1073[15] : i32 from vector<16xi32>
        scf.yield %add3A_1067, %reduce_max3A_1074, %min3A_1063 : i32, i32, vector<16xi32>
      }
      %reduce_min3A_624 = arith.constant true
      %reduce_min3A_625 = vector.broadcast %reduce_min3A_624 : i1 to vector<16xi1>
      %reduce_min3A_626 = arith.constant -2147483648 : i32
      %reduce_min3A_627 = vector.broadcast %reduce_min3A_626 : i32 to vector<16xi32>
      %reduce_min3A_628 = arith.xori %while3A_623#2, %reduce_min3A_627 : vector<16xi32>
      %reduce_min3A_629 = tpu.scan <min>, %reduce_min3A_628 masked %reduce_min3A_625 : vector<16xi32>, vector<16xi1> -> vector<16xi32>
      %reduce_min3A_630 = arith.xori %reduce_min3A_629, %reduce_min3A_627 : vector<16xi32>
      %reduce_min3A_631 = vector.extract %reduce_min3A_630[15] : i32 from vector<16xi32>
      %broadcast_in_dim3A_632 = arith.constant 0 : i32
      %broadcast_in_dim3A_633 = vector.broadcast %broadcast_in_dim3A_632 : i32 to vector<16xi32>
      %add3A_634 = vector.broadcast %reduce_min3A_631 : i32 to vector<16xi32>
      %add3A_635 = arith.addi %broadcast_in_dim3A_633, %add3A_634 : vector<16xi32>
      %add3A_636 = arith.constant 0 : i32
      %add3A_637 = vector.broadcast %add3A_636 : i32 to vector<16xi32>
      %add3A_638 = arith.addi %iota3A, %add3A_637 : vector<16xi32>
      %get3A_639 = arith.constant 0 : index
      %get3A_640 = tpu.vector_load %arg14[%get3A_639] {strides = array<i32>} : memref<32xi32, #tpu.memory_space<vmem>>, vector<16xi32>,
      %lt3A_641 = vector.broadcast %while3A_623#1 : i32 to vector<16xi32>
      %lt3A_642 = arith.cmpi slt, %add3A_638, %lt3A_641 : vector<16xi32>
      %select_n3A_643 = arith.select %lt3A_642, %get3A_640, %add3A_635 : vector<16xi1>, vector<16xi32>
      %add3A_644 = vector.broadcast %mul3A_20 : i32 to vector<16xi32>
      %add3A_645 = arith.addi %select_n3A_643, %add3A_644 : vector<16xi32>
      %swap3A_646 = arith.constant 32 : index
      %swap3A_647 = tpu.vector_load %arg16[%swap3A_646] {strides = array<i32>} : memref<128xi32, #tpu.memory_space<vmem>>, vector<16xi32>,
      tpu.vector_store %arg16[%swap3A_646], %add3A_645 {strides = array<i32>} : memref<128xi32, #tpu.memory_space<vmem>>, vector<16xi32>,
      %gather3A_648 = tpu.vector_load_idx %arg9[%select_n3A_643] : memref<2048xf32, #tpu.memory_space<vmem>>[vector<16xi32>], vector<16xf32>,
      %gather3A_649 = tpu.vector_load_idx %arg10[%select_n3A_643] : memref<2048xf32, #tpu.memory_space<vmem>>[vector<16xi32>], vector<16xf32>,
      %gather3A_650 = tpu.vector_load_idx %arg11[%select_n3A_643] : memref<2048xf32, #tpu.memory_space<vmem>>[vector<16xi32>], vector<16xf32>,
      %add3A_651 = arith.constant 32 : i32
      %add3A_652 = vector.broadcast %add3A_651 : i32 to vector<16xi32>
      %add3A_653 = arith.addi %add3A_652, %add3A_638 : vector<16xi32>
      %mul3A_654 = arith.constant 3 : i32
      %mul3A_655 = vector.broadcast %mul3A_654 : i32 to vector<16xi32>
      %mul3A_656 = arith.muli %add3A_653, %mul3A_655 : vector<16xi32>
      tpu.vector_store_idx %arg18[%mul3A_656], %gather3A_648 : memref<384xf32, #tpu.memory_space<vmem>>[vector<16xi32>], vector<16xf32>,
      %add3A_657 = arith.constant 1 : i32
      %add3A_658 = vector.broadcast %add3A_657 : i32 to vector<16xi32>
      %add3A_659 = arith.addi %mul3A_656, %add3A_658 : vector<16xi32>
      tpu.vector_store_idx %arg18[%add3A_659], %gather3A_649 : memref<384xf32, #tpu.memory_space<vmem>>[vector<16xi32>], vector<16xf32>,
      %add3A_660 = arith.constant 2 : i32
      %add3A_661 = vector.broadcast %add3A_660 : i32 to vector<16xi32>
      %add3A_662 = arith.addi %mul3A_656, %add3A_661 : vector<16xi32>
      tpu.vector_store_idx %arg18[%add3A_662], %gather3A_650 : memref<384xf32, #tpu.memory_space<vmem>>[vector<16xi32>], vector<16xf32>,
      %add3A_663 = arith.constant 16 : i32
      %add3A_664 = vector.broadcast %add3A_663 : i32 to vector<16xi32>
      %add3A_665 = arith.addi %iota3A, %add3A_664 : vector<16xi32>
      %get3A_666 = arith.constant 16 : index
      %get3A_667 = tpu.vector_load %arg14[%get3A_666] {strides = array<i32>} : memref<32xi32, #tpu.memory_space<vmem>>, vector<16xi32>,
      %lt3A_668 = vector.broadcast %while3A_623#1 : i32 to vector<16xi32>
      %lt3A_669 = arith.cmpi slt, %add3A_665, %lt3A_668 : vector<16xi32>
      %select_n3A_670 = arith.select %lt3A_669, %get3A_667, %add3A_635 : vector<16xi1>, vector<16xi32>
      %add3A_671 = vector.broadcast %mul3A_20 : i32 to vector<16xi32>
      %add3A_672 = arith.addi %select_n3A_670, %add3A_671 : vector<16xi32>
      %swap3A_673 = arith.constant 48 : index
      %swap3A_674 = tpu.vector_load %arg16[%swap3A_673] {strides = array<i32>} : memref<128xi32, #tpu.memory_space<vmem>>, vector<16xi32>,
      tpu.vector_store %arg16[%swap3A_673], %add3A_672 {strides = array<i32>} : memref<128xi32, #tpu.memory_space<vmem>>, vector<16xi32>,
      %gather3A_675 = tpu.vector_load_idx %arg9[%select_n3A_670] : memref<2048xf32, #tpu.memory_space<vmem>>[vector<16xi32>], vector<16xf32>,
      %gather3A_676 = tpu.vector_load_idx %arg10[%select_n3A_670] : memref<2048xf32, #tpu.memory_space<vmem>>[vector<16xi32>], vector<16xf32>,
      %gather3A_677 = tpu.vector_load_idx %arg11[%select_n3A_670] : memref<2048xf32, #tpu.memory_space<vmem>>[vector<16xi32>], vector<16xf32>,
      %add3A_678 = arith.constant 32 : i32
      %add3A_679 = vector.broadcast %add3A_678 : i32 to vector<16xi32>
      %add3A_680 = arith.addi %add3A_679, %add3A_665 : vector<16xi32>
      %mul3A_681 = arith.constant 3 : i32
      %mul3A_682 = vector.broadcast %mul3A_681 : i32 to vector<16xi32>
      %mul3A_683 = arith.muli %add3A_680, %mul3A_682 : vector<16xi32>
      tpu.vector_store_idx %arg18[%mul3A_683], %gather3A_675 : memref<384xf32, #tpu.memory_space<vmem>>[vector<16xi32>], vector<16xf32>,
      %add3A_684 = arith.constant 1 : i32
      %add3A_685 = vector.broadcast %add3A_684 : i32 to vector<16xi32>
      %add3A_686 = arith.addi %mul3A_683, %add3A_685 : vector<16xi32>
      tpu.vector_store_idx %arg18[%add3A_686], %gather3A_676 : memref<384xf32, #tpu.memory_space<vmem>>[vector<16xi32>], vector<16xf32>,
      %add3A_687 = arith.constant 2 : i32
      %add3A_688 = vector.broadcast %add3A_687 : i32 to vector<16xi32>
      %add3A_689 = arith.addi %mul3A_683, %add3A_688 : vector<16xi32>
      tpu.vector_store_idx %arg18[%add3A_689], %gather3A_677 : memref<384xf32, #tpu.memory_space<vmem>>[vector<16xi32>], vector<16xf32>,
      %mul3A_690 = arith.constant 4 : i32
      %mul3A_691 = arith.muli %mul3A_690, %add3A_505 : i32
      %add3A_692 = arith.constant 2 : i32
      %add3A_693 = arith.addi %mul3A_691, %add3A_692 : i32
      %add3A_694 = arith.addi %mul3A_18, %add3A_693 : i32
      %dma_wait3A_695 = arith.constant 0 : i32
      %dma_wait3A_696 = tpu.memref_slice %arg2[%add3A_694, %dma_wait3A_695] : memref<4096x2048xf32, #tpu.memory_space<hbm>> -> memref<1x2048xf32, #tpu.memory_space<hbm>>
      %dma_wait3A_697 = tpu.memref_squeeze %dma_wait3A_696 : memref<1x2048xf32, #tpu.memory_space<hbm>> -> memref<2048xf32, #tpu.memory_space<hbm>>
      %dma_wait3A_698 = arith.constant 0 : i32
      %dma_wait3A_699 = tpu.memref_slice %arg2[%add3A_694, %dma_wait3A_698] : memref<4096x2048xf32, #tpu.memory_space<hbm>> -> memref<1x2048xf32, #tpu.memory_space<hbm>>
      %dma_wait3A_700 = tpu.memref_squeeze %dma_wait3A_699 : memref<1x2048xf32, #tpu.memory_space<hbm>> -> memref<2048xf32, #tpu.memory_space<hbm>>
      tpu.wait_dma2 semaphore(%arg21 : memref<!tpu.dma_semaphore, #tpu.memory_space<semaphore_mem>>) src(%dma_wait3A_700 : memref<2048xf32, #tpu.memory_space<hbm>>) dst(%arg12 : memref<2048xf32, #tpu.memory_space<vmem>>)
      %add3A_701 = arith.constant 1 : i32
      %add3A_702 = arith.addi %add3A_694, %add3A_701 : i32
      %min3A_703 = arith.constant 4095 : i32
      %min3A_704 = arith.minsi %add3A_702, %min3A_703 : i32
      %dma_start3A_705 = arith.constant 0 : i32
      %dma_start3A_706 = tpu.memref_slice %arg2[%min3A_704, %dma_start3A_705] : memref<4096x2048xf32, #tpu.memory_space<hbm>> -> memref<1x2048xf32, #tpu.memory_space<hbm>>
      %dma_start3A_707 = tpu.memref_squeeze %dma_start3A_706 : memref<1x2048xf32, #tpu.memory_space<hbm>> -> memref<2048xf32, #tpu.memory_space<hbm>>
      %dma_start3A_708 = arith.constant 0 : i32
      %dma_start3A_709 = tpu.memref_slice %arg2[%min3A_704, %dma_start3A_708] : memref<4096x2048xf32, #tpu.memory_space<hbm>> -> memref<1x2048xf32, #tpu.memory_space<hbm>>
      %dma_start3A_710 = tpu.memref_squeeze %dma_start3A_709 : memref<1x2048xf32, #tpu.memory_space<hbm>> -> memref<2048xf32, #tpu.memory_space<hbm>>
      tpu.enqueue_dma source(%dma_start3A_710 : memref<2048xf32, #tpu.memory_space<hbm>>) target(%arg13 : memref<2048xf32, #tpu.memory_space<vmem>>) target_semaphore(%arg22 : memref<!tpu.dma_semaphore, #tpu.memory_space<semaphore_mem>>)
      %broadcast_in_dim3A_711 = arith.constant 2047 : i32
      %broadcast_in_dim3A_712 = vector.broadcast %broadcast_in_dim3A_711 : i32 to vector<16xi32>
      %while3A_713 = arith.constant 0 : i32
      %while3A_714 = arith.constant 0 : i32
      %while3A_715:3 = scf.while (%while3A_920 = %while3A_713, %while3A_921 = %while3A_714, %while3A_922 = %broadcast_in_dim3A_712) : (i32, i32, vector<16xi32>) -> (i32, i32, vector<16xi32>) {
        %lt3A_923 = arith.constant 128 : i32
        %lt3A_924 = arith.cmpi slt, %while3A_920, %lt3A_923 : i32
        %lt3A_925 = arith.constant 32 : i32
        %lt3A_926 = arith.cmpi slt, %while3A_921, %lt3A_925 : i32
        %and3A_927 = arith.andi %lt3A_924, %lt3A_926 : i1
        scf.condition(%and3A_927) %while3A_920, %while3A_921, %while3A_922 : i32, i32, vector<16xi32>
      } do {
      ^bb0(%while3A_920: i32, %while3A_921: i32, %while3A_922: vector<16xi32>):
        %broadcast_in_dim3A_923 = arith.constant 0 : i32
        %broadcast_in_dim3A_924 = vector.broadcast %broadcast_in_dim3A_923 : i32 to vector<16xi32>
        %add3A_925 = vector.broadcast %while3A_921 : i32 to vector<16xi32>
        %add3A_926 = arith.addi %broadcast_in_dim3A_924, %add3A_925 : vector<16xi32>
        %add3A_927 = arith.constant 0 : i32
        %add3A_928 = arith.addi %while3A_920, %add3A_927 : i32
        %mul3A_929 = arith.constant 16 : i32
        %mul3A_930 = arith.muli %add3A_928, %mul3A_929 : i32
        %get3A_931 = arith.index_cast %mul3A_930 : i32 to index
        %get3A_932 = tpu.vector_load %arg12[%get3A_931] {strides = array<i32>} : memref<2048xf32, #tpu.memory_space<vmem>>, vector<16xf32>,
        %le3A = vector.broadcast %scan3A : f32 to vector<16xf32>
        %le3A_933 = arith.cmpf ole, %get3A_932, %le3A : vector<16xf32>
        %convert_element_type3A = arith.extui %le3A_933 : vector<16xi1> to vector<16xi32>
        %broadcast_in_dim3A_934 = arith.constant true
        %broadcast_in_dim3A_935 = vector.broadcast %broadcast_in_dim3A_934 : i1 to vector<16xi1>
        %masked_cumsum3A = tpu.scan <sum>, %convert_element_type3A masked %broadcast_in_dim3A_935 : vector<16xi32>, vector<16xi1> -> vector<16xi32>
        %add3A_936 = arith.addi %masked_cumsum3A, %add3A_926 : vector<16xi32>
        %le3A_937 = arith.constant 32 : i32
        %le3A_938 = vector.broadcast %le3A_937 : i32 to vector<16xi32>
        %le3A_939 = arith.cmpi sle, %add3A_936, %le3A_938 : vector<16xi32>
        %and3A_940 = arith.andi %le3A_933, %le3A_939 : vector<16xi1>
        %sub3A_941 = arith.constant 1 : i32
        %sub3A_942 = vector.broadcast %sub3A_941 : i32 to vector<16xi32>
        %sub3A_943 = arith.subi %add3A_936, %sub3A_942 : vector<16xi32>
        %jit3A_944 = arith.constant 0 : i32
        %jit3A_945 = arith.constant 31 : i32
        %max3A = vector.broadcast %jit3A_944 : i32 to vector<16xi32>
        %max3A_946 = arith.maxsi %max3A, %sub3A_943 : vector<16xi32>
        %min3A_947 = vector.broadcast %jit3A_945 : i32 to vector<16xi32>
        %min3A_948 = arith.minsi %min3A_947, %max3A_946 : vector<16xi32>
        %add3A_949 = vector.broadcast %mul3A_930 : i32 to vector<16xi32>
        %add3A_950 = arith.addi %add3A_949, %iota3A : vector<16xi32>
        tpu.vector_store_idx %arg14[%min3A_948], %add3A_950 masked %and3A_940 : memref<32xi32, #tpu.memory_space<vmem>>[vector<16xi32>], vector<16xi32>, vector<16xi1>
        %add3A_951 = vector.broadcast %mul3A_930 : i32 to vector<16xi32>
        %add3A_952 = arith.addi %add3A_951, %iota3A : vector<16xi32>
        %jit3A_953 = arith.constant 2047 : i32
        %broadcast_in_dim3A_954 = vector.broadcast %jit3A_953 : i32 to vector<16xi32>
        %select_n3A_955 = arith.select %le3A_933, %add3A_952, %broadcast_in_dim3A_954 : vector<16xi1>, vector<16xi32>
        %min3A_956 = arith.minsi %while3A_922, %select_n3A_955 : vector<16xi32>
        %all_reduce_population_count3A = tpu.all_reduce %le3A_933 {dim = 0 : i64, kind = #tpu.reduction_kind<sum>} : vector<16xi1> -> vector<16xi32>
        %add3A_957 = arith.addi %add3A_926, %all_reduce_population_count3A : vector<16xi32>
        %add3A_958 = arith.constant 1 : i32
        %add3A_959 = arith.addi %while3A_920, %add3A_958 : i32
        %mul3A_960 = arith.constant 16 : i32
        %mul3A_961 = arith.muli %add3A_959, %mul3A_960 : i32
        %get3A_962 = arith.index_cast %mul3A_961 : i32 to index
        %get3A_963 = tpu.vector_load %arg12[%get3A_962] {strides = array<i32>} : memref<2048xf32, #tpu.memory_space<vmem>>, vector<16xf32>,
        %le3A_964 = vector.broadcast %scan3A : f32 to vector<16xf32>
        %le3A_965 = arith.cmpf ole, %get3A_963, %le3A_964 : vector<16xf32>
        %convert_element_type3A_966 = arith.extui %le3A_965 : vector<16xi1> to vector<16xi32>
        %broadcast_in_dim3A_967 = arith.constant true
        %broadcast_in_dim3A_968 = vector.broadcast %broadcast_in_dim3A_967 : i1 to vector<16xi1>
        %masked_cumsum3A_969 = tpu.scan <sum>, %convert_element_type3A_966 masked %broadcast_in_dim3A_968 : vector<16xi32>, vector<16xi1> -> vector<16xi32>
        %add3A_970 = arith.addi %masked_cumsum3A_969, %add3A_957 : vector<16xi32>
        %le3A_971 = arith.constant 32 : i32
        %le3A_972 = vector.broadcast %le3A_971 : i32 to vector<16xi32>
        %le3A_973 = arith.cmpi sle, %add3A_970, %le3A_972 : vector<16xi32>
        %and3A_974 = arith.andi %le3A_965, %le3A_973 : vector<16xi1>
        %sub3A_975 = arith.constant 1 : i32
        %sub3A_976 = vector.broadcast %sub3A_975 : i32 to vector<16xi32>
        %sub3A_977 = arith.subi %add3A_970, %sub3A_976 : vector<16xi32>
        %jit3A_978 = arith.constant 0 : i32
        %jit3A_979 = arith.constant 31 : i32
        %max3A_980 = vector.broadcast %jit3A_978 : i32 to vector<16xi32>
        %max3A_981 = arith.maxsi %max3A_980, %sub3A_977 : vector<16xi32>
        %min3A_982 = vector.broadcast %jit3A_979 : i32 to vector<16xi32>
        %min3A_983 = arith.minsi %min3A_982, %max3A_981 : vector<16xi32>
        %add3A_984 = vector.broadcast %mul3A_961 : i32 to vector<16xi32>
        %add3A_985 = arith.addi %add3A_984, %iota3A : vector<16xi32>
        tpu.vector_store_idx %arg14[%min3A_983], %add3A_985 masked %and3A_974 : memref<32xi32, #tpu.memory_space<vmem>>[vector<16xi32>], vector<16xi32>, vector<16xi1>
        %add3A_986 = vector.broadcast %mul3A_961 : i32 to vector<16xi32>
        %add3A_987 = arith.addi %add3A_986, %iota3A : vector<16xi32>
        %jit3A_988 = arith.constant 2047 : i32
        %broadcast_in_dim3A_989 = vector.broadcast %jit3A_988 : i32 to vector<16xi32>
        %select_n3A_990 = arith.select %le3A_965, %add3A_987, %broadcast_in_dim3A_989 : vector<16xi1>, vector<16xi32>
        %min3A_991 = arith.minsi %min3A_956, %select_n3A_990 : vector<16xi32>
        %all_reduce_population_count3A_992 = tpu.all_reduce %le3A_965 {dim = 0 : i64, kind = #tpu.reduction_kind<sum>} : vector<16xi1> -> vector<16xi32>
        %add3A_993 = arith.addi %add3A_957, %all_reduce_population_count3A_992 : vector<16xi32>
        %add3A_994 = arith.constant 2 : i32
        %add3A_995 = arith.addi %while3A_920, %add3A_994 : i32
        %mul3A_996 = arith.constant 16 : i32
        %mul3A_997 = arith.muli %add3A_995, %mul3A_996 : i32
        %get3A_998 = arith.index_cast %mul3A_997 : i32 to index
        %get3A_999 = tpu.vector_load %arg12[%get3A_998] {strides = array<i32>} : memref<2048xf32, #tpu.memory_space<vmem>>, vector<16xf32>,
        %le3A_1000 = vector.broadcast %scan3A : f32 to vector<16xf32>
        %le3A_1001 = arith.cmpf ole, %get3A_999, %le3A_1000 : vector<16xf32>
        %convert_element_type3A_1002 = arith.extui %le3A_1001 : vector<16xi1> to vector<16xi32>
        %broadcast_in_dim3A_1003 = arith.constant true
        %broadcast_in_dim3A_1004 = vector.broadcast %broadcast_in_dim3A_1003 : i1 to vector<16xi1>
        %masked_cumsum3A_1005 = tpu.scan <sum>, %convert_element_type3A_1002 masked %broadcast_in_dim3A_1004 : vector<16xi32>, vector<16xi1> -> vector<16xi32>
        %add3A_1006 = arith.addi %masked_cumsum3A_1005, %add3A_993 : vector<16xi32>
        %le3A_1007 = arith.constant 32 : i32
        %le3A_1008 = vector.broadcast %le3A_1007 : i32 to vector<16xi32>
        %le3A_1009 = arith.cmpi sle, %add3A_1006, %le3A_1008 : vector<16xi32>
        %and3A_1010 = arith.andi %le3A_1001, %le3A_1009 : vector<16xi1>
        %sub3A_1011 = arith.constant 1 : i32
        %sub3A_1012 = vector.broadcast %sub3A_1011 : i32 to vector<16xi32>
        %sub3A_1013 = arith.subi %add3A_1006, %sub3A_1012 : vector<16xi32>
        %jit3A_1014 = arith.constant 0 : i32
        %jit3A_1015 = arith.constant 31 : i32
        %max3A_1016 = vector.broadcast %jit3A_1014 : i32 to vector<16xi32>
        %max3A_1017 = arith.maxsi %max3A_1016, %sub3A_1013 : vector<16xi32>
        %min3A_1018 = vector.broadcast %jit3A_1015 : i32 to vector<16xi32>
        %min3A_1019 = arith.minsi %min3A_1018, %max3A_1017 : vector<16xi32>
        %add3A_1020 = vector.broadcast %mul3A_997 : i32 to vector<16xi32>
        %add3A_1021 = arith.addi %add3A_1020, %iota3A : vector<16xi32>
        tpu.vector_store_idx %arg14[%min3A_1019], %add3A_1021 masked %and3A_1010 : memref<32xi32, #tpu.memory_space<vmem>>[vector<16xi32>], vector<16xi32>, vector<16xi1>
        %add3A_1022 = vector.broadcast %mul3A_997 : i32 to vector<16xi32>
        %add3A_1023 = arith.addi %add3A_1022, %iota3A : vector<16xi32>
        %jit3A_1024 = arith.constant 2047 : i32
        %broadcast_in_dim3A_1025 = vector.broadcast %jit3A_1024 : i32 to vector<16xi32>
        %select_n3A_1026 = arith.select %le3A_1001, %add3A_1023, %broadcast_in_dim3A_1025 : vector<16xi1>, vector<16xi32>
        %min3A_1027 = arith.minsi %min3A_991, %select_n3A_1026 : vector<16xi32>
        %all_reduce_population_count3A_1028 = tpu.all_reduce %le3A_1001 {dim = 0 : i64, kind = #tpu.reduction_kind<sum>} : vector<16xi1> -> vector<16xi32>
        %add3A_1029 = arith.addi %add3A_993, %all_reduce_population_count3A_1028 : vector<16xi32>
        %add3A_1030 = arith.constant 3 : i32
        %add3A_1031 = arith.addi %while3A_920, %add3A_1030 : i32
        %mul3A_1032 = arith.constant 16 : i32
        %mul3A_1033 = arith.muli %add3A_1031, %mul3A_1032 : i32
        %get3A_1034 = arith.index_cast %mul3A_1033 : i32 to index
        %get3A_1035 = tpu.vector_load %arg12[%get3A_1034] {strides = array<i32>} : memref<2048xf32, #tpu.memory_space<vmem>>, vector<16xf32>,
        %le3A_1036 = vector.broadcast %scan3A : f32 to vector<16xf32>
        %le3A_1037 = arith.cmpf ole, %get3A_1035, %le3A_1036 : vector<16xf32>
        %convert_element_type3A_1038 = arith.extui %le3A_1037 : vector<16xi1> to vector<16xi32>
        %broadcast_in_dim3A_1039 = arith.constant true
        %broadcast_in_dim3A_1040 = vector.broadcast %broadcast_in_dim3A_1039 : i1 to vector<16xi1>
        %masked_cumsum3A_1041 = tpu.scan <sum>, %convert_element_type3A_1038 masked %broadcast_in_dim3A_1040 : vector<16xi32>, vector<16xi1> -> vector<16xi32>
        %add3A_1042 = arith.addi %masked_cumsum3A_1041, %add3A_1029 : vector<16xi32>
        %le3A_1043 = arith.constant 32 : i32
        %le3A_1044 = vector.broadcast %le3A_1043 : i32 to vector<16xi32>
        %le3A_1045 = arith.cmpi sle, %add3A_1042, %le3A_1044 : vector<16xi32>
        %and3A_1046 = arith.andi %le3A_1037, %le3A_1045 : vector<16xi1>
        %sub3A_1047 = arith.constant 1 : i32
        %sub3A_1048 = vector.broadcast %sub3A_1047 : i32 to vector<16xi32>
        %sub3A_1049 = arith.subi %add3A_1042, %sub3A_1048 : vector<16xi32>
        %jit3A_1050 = arith.constant 0 : i32
        %jit3A_1051 = arith.constant 31 : i32
        %max3A_1052 = vector.broadcast %jit3A_1050 : i32 to vector<16xi32>
        %max3A_1053 = arith.maxsi %max3A_1052, %sub3A_1049 : vector<16xi32>
        %min3A_1054 = vector.broadcast %jit3A_1051 : i32 to vector<16xi32>
        %min3A_1055 = arith.minsi %min3A_1054, %max3A_1053 : vector<16xi32>
        %add3A_1056 = vector.broadcast %mul3A_1033 : i32 to vector<16xi32>
        %add3A_1057 = arith.addi %add3A_1056, %iota3A : vector<16xi32>
        tpu.vector_store_idx %arg14[%min3A_1055], %add3A_1057 masked %and3A_1046 : memref<32xi32, #tpu.memory_space<vmem>>[vector<16xi32>], vector<16xi32>, vector<16xi1>
        %add3A_1058 = vector.broadcast %mul3A_1033 : i32 to vector<16xi32>
        %add3A_1059 = arith.addi %add3A_1058, %iota3A : vector<16xi32>
        %jit3A_1060 = arith.constant 2047 : i32
        %broadcast_in_dim3A_1061 = vector.broadcast %jit3A_1060 : i32 to vector<16xi32>
        %select_n3A_1062 = arith.select %le3A_1037, %add3A_1059, %broadcast_in_dim3A_1061 : vector<16xi1>, vector<16xi32>
        %min3A_1063 = arith.minsi %min3A_1027, %select_n3A_1062 : vector<16xi32>
        %all_reduce_population_count3A_1064 = tpu.all_reduce %le3A_1037 {dim = 0 : i64, kind = #tpu.reduction_kind<sum>} : vector<16xi1> -> vector<16xi32>
        %add3A_1065 = arith.addi %add3A_1029, %all_reduce_population_count3A_1064 : vector<16xi32>
        %add3A_1066 = arith.constant 4 : i32
        %add3A_1067 = arith.addi %while3A_920, %add3A_1066 : i32
        %reduce_max3A = arith.constant true
        %reduce_max3A_1068 = vector.broadcast %reduce_max3A : i1 to vector<16xi1>
        %reduce_max3A_1069 = arith.constant -2147483648 : i32
        %reduce_max3A_1070 = vector.broadcast %reduce_max3A_1069 : i32 to vector<16xi32>
        %reduce_max3A_1071 = arith.xori %add3A_1065, %reduce_max3A_1070 : vector<16xi32>
        %reduce_max3A_1072 = tpu.scan <max>, %reduce_max3A_1071 masked %reduce_max3A_1068 : vector<16xi32>, vector<16xi1> -> vector<16xi32>
        %reduce_max3A_1073 = arith.xori %reduce_max3A_1072, %reduce_max3A_1070 : vector<16xi32>
        %reduce_max3A_1074 = vector.extract %reduce_max3A_1073[15] : i32 from vector<16xi32>
        scf.yield %add3A_1067, %reduce_max3A_1074, %min3A_1063 : i32, i32, vector<16xi32>
      }
      %reduce_min3A_716 = arith.constant true
      %reduce_min3A_717 = vector.broadcast %reduce_min3A_716 : i1 to vector<16xi1>
      %reduce_min3A_718 = arith.constant -2147483648 : i32
      %reduce_min3A_719 = vector.broadcast %reduce_min3A_718 : i32 to vector<16xi32>
      %reduce_min3A_720 = arith.xori %while3A_715#2, %reduce_min3A_719 : vector<16xi32>
      %reduce_min3A_721 = tpu.scan <min>, %reduce_min3A_720 masked %reduce_min3A_717 : vector<16xi32>, vector<16xi1> -> vector<16xi32>
      %reduce_min3A_722 = arith.xori %reduce_min3A_721, %reduce_min3A_719 : vector<16xi32>
      %reduce_min3A_723 = vector.extract %reduce_min3A_722[15] : i32 from vector<16xi32>
      %broadcast_in_dim3A_724 = arith.constant 0 : i32
      %broadcast_in_dim3A_725 = vector.broadcast %broadcast_in_dim3A_724 : i32 to vector<16xi32>
      %add3A_726 = vector.broadcast %reduce_min3A_723 : i32 to vector<16xi32>
      %add3A_727 = arith.addi %broadcast_in_dim3A_725, %add3A_726 : vector<16xi32>
      %add3A_728 = arith.constant 0 : i32
      %add3A_729 = vector.broadcast %add3A_728 : i32 to vector<16xi32>
      %add3A_730 = arith.addi %iota3A, %add3A_729 : vector<16xi32>
      %get3A_731 = arith.constant 0 : index
      %get3A_732 = tpu.vector_load %arg14[%get3A_731] {strides = array<i32>} : memref<32xi32, #tpu.memory_space<vmem>>, vector<16xi32>,
      %lt3A_733 = vector.broadcast %while3A_715#1 : i32 to vector<16xi32>
      %lt3A_734 = arith.cmpi slt, %add3A_730, %lt3A_733 : vector<16xi32>
      %select_n3A_735 = arith.select %lt3A_734, %get3A_732, %add3A_727 : vector<16xi1>, vector<16xi32>
      %add3A_736 = vector.broadcast %mul3A_20 : i32 to vector<16xi32>
      %add3A_737 = arith.addi %select_n3A_735, %add3A_736 : vector<16xi32>
      %swap3A_738 = arith.constant 64 : index
      %swap3A_739 = tpu.vector_load %arg16[%swap3A_738] {strides = array<i32>} : memref<128xi32, #tpu.memory_space<vmem>>, vector<16xi32>,
      tpu.vector_store %arg16[%swap3A_738], %add3A_737 {strides = array<i32>} : memref<128xi32, #tpu.memory_space<vmem>>, vector<16xi32>,
      %gather3A_740 = tpu.vector_load_idx %arg9[%select_n3A_735] : memref<2048xf32, #tpu.memory_space<vmem>>[vector<16xi32>], vector<16xf32>,
      %gather3A_741 = tpu.vector_load_idx %arg10[%select_n3A_735] : memref<2048xf32, #tpu.memory_space<vmem>>[vector<16xi32>], vector<16xf32>,
      %gather3A_742 = tpu.vector_load_idx %arg11[%select_n3A_735] : memref<2048xf32, #tpu.memory_space<vmem>>[vector<16xi32>], vector<16xf32>,
      %add3A_743 = arith.constant 64 : i32
      %add3A_744 = vector.broadcast %add3A_743 : i32 to vector<16xi32>
      %add3A_745 = arith.addi %add3A_744, %add3A_730 : vector<16xi32>
      %mul3A_746 = arith.constant 3 : i32
      %mul3A_747 = vector.broadcast %mul3A_746 : i32 to vector<16xi32>
      %mul3A_748 = arith.muli %add3A_745, %mul3A_747 : vector<16xi32>
      tpu.vector_store_idx %arg18[%mul3A_748], %gather3A_740 : memref<384xf32, #tpu.memory_space<vmem>>[vector<16xi32>], vector<16xf32>,
      %add3A_749 = arith.constant 1 : i32
      %add3A_750 = vector.broadcast %add3A_749 : i32 to vector<16xi32>
      %add3A_751 = arith.addi %mul3A_748, %add3A_750 : vector<16xi32>
      tpu.vector_store_idx %arg18[%add3A_751], %gather3A_741 : memref<384xf32, #tpu.memory_space<vmem>>[vector<16xi32>], vector<16xf32>,
      %add3A_752 = arith.constant 2 : i32
      %add3A_753 = vector.broadcast %add3A_752 : i32 to vector<16xi32>
      %add3A_754 = arith.addi %mul3A_748, %add3A_753 : vector<16xi32>
      tpu.vector_store_idx %arg18[%add3A_754], %gather3A_742 : memref<384xf32, #tpu.memory_space<vmem>>[vector<16xi32>], vector<16xf32>,
      %add3A_755 = arith.constant 16 : i32
      %add3A_756 = vector.broadcast %add3A_755 : i32 to vector<16xi32>
      %add3A_757 = arith.addi %iota3A, %add3A_756 : vector<16xi32>
      %get3A_758 = arith.constant 16 : index
      %get3A_759 = tpu.vector_load %arg14[%get3A_758] {strides = array<i32>} : memref<32xi32, #tpu.memory_space<vmem>>, vector<16xi32>,
      %lt3A_760 = vector.broadcast %while3A_715#1 : i32 to vector<16xi32>
      %lt3A_761 = arith.cmpi slt, %add3A_757, %lt3A_760 : vector<16xi32>
      %select_n3A_762 = arith.select %lt3A_761, %get3A_759, %add3A_727 : vector<16xi1>, vector<16xi32>
      %add3A_763 = vector.broadcast %mul3A_20 : i32 to vector<16xi32>
      %add3A_764 = arith.addi %select_n3A_762, %add3A_763 : vector<16xi32>
      %swap3A_765 = arith.constant 80 : index
      %swap3A_766 = tpu.vector_load %arg16[%swap3A_765] {strides = array<i32>} : memref<128xi32, #tpu.memory_space<vmem>>, vector<16xi32>,
      tpu.vector_store %arg16[%swap3A_765], %add3A_764 {strides = array<i32>} : memref<128xi32, #tpu.memory_space<vmem>>, vector<16xi32>,
      %gather3A_767 = tpu.vector_load_idx %arg9[%select_n3A_762] : memref<2048xf32, #tpu.memory_space<vmem>>[vector<16xi32>], vector<16xf32>,
      %gather3A_768 = tpu.vector_load_idx %arg10[%select_n3A_762] : memref<2048xf32, #tpu.memory_space<vmem>>[vector<16xi32>], vector<16xf32>,
      %gather3A_769 = tpu.vector_load_idx %arg11[%select_n3A_762] : memref<2048xf32, #tpu.memory_space<vmem>>[vector<16xi32>], vector<16xf32>,
      %add3A_770 = arith.constant 64 : i32
      %add3A_771 = vector.broadcast %add3A_770 : i32 to vector<16xi32>
      %add3A_772 = arith.addi %add3A_771, %add3A_757 : vector<16xi32>
      %mul3A_773 = arith.constant 3 : i32
      %mul3A_774 = vector.broadcast %mul3A_773 : i32 to vector<16xi32>
      %mul3A_775 = arith.muli %add3A_772, %mul3A_774 : vector<16xi32>
      tpu.vector_store_idx %arg18[%mul3A_775], %gather3A_767 : memref<384xf32, #tpu.memory_space<vmem>>[vector<16xi32>], vector<16xf32>,
      %add3A_776 = arith.constant 1 : i32
      %add3A_777 = vector.broadcast %add3A_776 : i32 to vector<16xi32>
      %add3A_778 = arith.addi %mul3A_775, %add3A_777 : vector<16xi32>
      tpu.vector_store_idx %arg18[%add3A_778], %gather3A_768 : memref<384xf32, #tpu.memory_space<vmem>>[vector<16xi32>], vector<16xf32>,
      %add3A_779 = arith.constant 2 : i32
      %add3A_780 = vector.broadcast %add3A_779 : i32 to vector<16xi32>
      %add3A_781 = arith.addi %mul3A_775, %add3A_780 : vector<16xi32>
      tpu.vector_store_idx %arg18[%add3A_781], %gather3A_769 : memref<384xf32, #tpu.memory_space<vmem>>[vector<16xi32>], vector<16xf32>,
      %mul3A_782 = arith.constant 4 : i32
      %mul3A_783 = arith.muli %mul3A_782, %add3A_505 : i32
      %add3A_784 = arith.constant 3 : i32
      %add3A_785 = arith.addi %mul3A_783, %add3A_784 : i32
      %add3A_786 = arith.addi %mul3A_18, %add3A_785 : i32
      %dma_wait3A_787 = arith.constant 0 : i32
      %dma_wait3A_788 = tpu.memref_slice %arg2[%add3A_786, %dma_wait3A_787] : memref<4096x2048xf32, #tpu.memory_space<hbm>> -> memref<1x2048xf32, #tpu.memory_space<hbm>>
      %dma_wait3A_789 = tpu.memref_squeeze %dma_wait3A_788 : memref<1x2048xf32, #tpu.memory_space<hbm>> -> memref<2048xf32, #tpu.memory_space<hbm>>
      %dma_wait3A_790 = arith.constant 0 : i32
      %dma_wait3A_791 = tpu.memref_slice %arg2[%add3A_786, %dma_wait3A_790] : memref<4096x2048xf32, #tpu.memory_space<hbm>> -> memref<1x2048xf32, #tpu.memory_space<hbm>>
      %dma_wait3A_792 = tpu.memref_squeeze %dma_wait3A_791 : memref<1x2048xf32, #tpu.memory_space<hbm>> -> memref<2048xf32, #tpu.memory_space<hbm>>
      tpu.wait_dma2 semaphore(%arg22 : memref<!tpu.dma_semaphore, #tpu.memory_space<semaphore_mem>>) src(%dma_wait3A_792 : memref<2048xf32, #tpu.memory_space<hbm>>) dst(%arg13 : memref<2048xf32, #tpu.memory_space<vmem>>)
      %add3A_793 = arith.constant 1 : i32
      %add3A_794 = arith.addi %add3A_786, %add3A_793 : i32
      %min3A_795 = arith.constant 4095 : i32
      %min3A_796 = arith.minsi %add3A_794, %min3A_795 : i32
      %dma_start3A_797 = arith.constant 0 : i32
      %dma_start3A_798 = tpu.memref_slice %arg2[%min3A_796, %dma_start3A_797] : memref<4096x2048xf32, #tpu.memory_space<hbm>> -> memref<1x2048xf32, #tpu.memory_space<hbm>>
      %dma_start3A_799 = tpu.memref_squeeze %dma_start3A_798 : memref<1x2048xf32, #tpu.memory_space<hbm>> -> memref<2048xf32, #tpu.memory_space<hbm>>
      %dma_start3A_800 = arith.constant 0 : i32
      %dma_start3A_801 = tpu.memref_slice %arg2[%min3A_796, %dma_start3A_800] : memref<4096x2048xf32, #tpu.memory_space<hbm>> -> memref<1x2048xf32, #tpu.memory_space<hbm>>
      %dma_start3A_802 = tpu.memref_squeeze %dma_start3A_801 : memref<1x2048xf32, #tpu.memory_space<hbm>> -> memref<2048xf32, #tpu.memory_space<hbm>>
      tpu.enqueue_dma source(%dma_start3A_802 : memref<2048xf32, #tpu.memory_space<hbm>>) target(%arg12 : memref<2048xf32, #tpu.memory_space<vmem>>) target_semaphore(%arg21 : memref<!tpu.dma_semaphore, #tpu.memory_space<semaphore_mem>>)
      %broadcast_in_dim3A_803 = arith.constant 2047 : i32
      %broadcast_in_dim3A_804 = vector.broadcast %broadcast_in_dim3A_803 : i32 to vector<16xi32>
      %while3A_805 = arith.constant 0 : i32
      %while3A_806 = arith.constant 0 : i32
      %while3A_807:3 = scf.while (%while3A_920 = %while3A_805, %while3A_921 = %while3A_806, %while3A_922 = %broadcast_in_dim3A_804) : (i32, i32, vector<16xi32>) -> (i32, i32, vector<16xi32>) {
        %lt3A_923 = arith.constant 128 : i32
        %lt3A_924 = arith.cmpi slt, %while3A_920, %lt3A_923 : i32
        %lt3A_925 = arith.constant 32 : i32
        %lt3A_926 = arith.cmpi slt, %while3A_921, %lt3A_925 : i32
        %and3A_927 = arith.andi %lt3A_924, %lt3A_926 : i1
        scf.condition(%and3A_927) %while3A_920, %while3A_921, %while3A_922 : i32, i32, vector<16xi32>
      } do {
      ^bb0(%while3A_920: i32, %while3A_921: i32, %while3A_922: vector<16xi32>):
        %broadcast_in_dim3A_923 = arith.constant 0 : i32
        %broadcast_in_dim3A_924 = vector.broadcast %broadcast_in_dim3A_923 : i32 to vector<16xi32>
        %add3A_925 = vector.broadcast %while3A_921 : i32 to vector<16xi32>
        %add3A_926 = arith.addi %broadcast_in_dim3A_924, %add3A_925 : vector<16xi32>
        %add3A_927 = arith.constant 0 : i32
        %add3A_928 = arith.addi %while3A_920, %add3A_927 : i32
        %mul3A_929 = arith.constant 16 : i32
        %mul3A_930 = arith.muli %add3A_928, %mul3A_929 : i32
        %get3A_931 = arith.index_cast %mul3A_930 : i32 to index
        %get3A_932 = tpu.vector_load %arg13[%get3A_931] {strides = array<i32>} : memref<2048xf32, #tpu.memory_space<vmem>>, vector<16xf32>,
        %le3A = vector.broadcast %scan3A : f32 to vector<16xf32>
        %le3A_933 = arith.cmpf ole, %get3A_932, %le3A : vector<16xf32>
        %convert_element_type3A = arith.extui %le3A_933 : vector<16xi1> to vector<16xi32>
        %broadcast_in_dim3A_934 = arith.constant true
        %broadcast_in_dim3A_935 = vector.broadcast %broadcast_in_dim3A_934 : i1 to vector<16xi1>
        %masked_cumsum3A = tpu.scan <sum>, %convert_element_type3A masked %broadcast_in_dim3A_935 : vector<16xi32>, vector<16xi1> -> vector<16xi32>
        %add3A_936 = arith.addi %masked_cumsum3A, %add3A_926 : vector<16xi32>
        %le3A_937 = arith.constant 32 : i32
        %le3A_938 = vector.broadcast %le3A_937 : i32 to vector<16xi32>
        %le3A_939 = arith.cmpi sle, %add3A_936, %le3A_938 : vector<16xi32>
        %and3A_940 = arith.andi %le3A_933, %le3A_939 : vector<16xi1>
        %sub3A_941 = arith.constant 1 : i32
        %sub3A_942 = vector.broadcast %sub3A_941 : i32 to vector<16xi32>
        %sub3A_943 = arith.subi %add3A_936, %sub3A_942 : vector<16xi32>
        %jit3A_944 = arith.constant 0 : i32
        %jit3A_945 = arith.constant 31 : i32
        %max3A = vector.broadcast %jit3A_944 : i32 to vector<16xi32>
        %max3A_946 = arith.maxsi %max3A, %sub3A_943 : vector<16xi32>
        %min3A_947 = vector.broadcast %jit3A_945 : i32 to vector<16xi32>
        %min3A_948 = arith.minsi %min3A_947, %max3A_946 : vector<16xi32>
        %add3A_949 = vector.broadcast %mul3A_930 : i32 to vector<16xi32>
        %add3A_950 = arith.addi %add3A_949, %iota3A : vector<16xi32>
        tpu.vector_store_idx %arg14[%min3A_948], %add3A_950 masked %and3A_940 : memref<32xi32, #tpu.memory_space<vmem>>[vector<16xi32>], vector<16xi32>, vector<16xi1>
        %add3A_951 = vector.broadcast %mul3A_930 : i32 to vector<16xi32>
        %add3A_952 = arith.addi %add3A_951, %iota3A : vector<16xi32>
        %jit3A_953 = arith.constant 2047 : i32
        %broadcast_in_dim3A_954 = vector.broadcast %jit3A_953 : i32 to vector<16xi32>
        %select_n3A_955 = arith.select %le3A_933, %add3A_952, %broadcast_in_dim3A_954 : vector<16xi1>, vector<16xi32>
        %min3A_956 = arith.minsi %while3A_922, %select_n3A_955 : vector<16xi32>
        %all_reduce_population_count3A = tpu.all_reduce %le3A_933 {dim = 0 : i64, kind = #tpu.reduction_kind<sum>} : vector<16xi1> -> vector<16xi32>
        %add3A_957 = arith.addi %add3A_926, %all_reduce_population_count3A : vector<16xi32>
        %add3A_958 = arith.constant 1 : i32
        %add3A_959 = arith.addi %while3A_920, %add3A_958 : i32
        %mul3A_960 = arith.constant 16 : i32
        %mul3A_961 = arith.muli %add3A_959, %mul3A_960 : i32
        %get3A_962 = arith.index_cast %mul3A_961 : i32 to index
        %get3A_963 = tpu.vector_load %arg13[%get3A_962] {strides = array<i32>} : memref<2048xf32, #tpu.memory_space<vmem>>, vector<16xf32>,
        %le3A_964 = vector.broadcast %scan3A : f32 to vector<16xf32>
        %le3A_965 = arith.cmpf ole, %get3A_963, %le3A_964 : vector<16xf32>
        %convert_element_type3A_966 = arith.extui %le3A_965 : vector<16xi1> to vector<16xi32>
        %broadcast_in_dim3A_967 = arith.constant true
        %broadcast_in_dim3A_968 = vector.broadcast %broadcast_in_dim3A_967 : i1 to vector<16xi1>
        %masked_cumsum3A_969 = tpu.scan <sum>, %convert_element_type3A_966 masked %broadcast_in_dim3A_968 : vector<16xi32>, vector<16xi1> -> vector<16xi32>
        %add3A_970 = arith.addi %masked_cumsum3A_969, %add3A_957 : vector<16xi32>
        %le3A_971 = arith.constant 32 : i32
        %le3A_972 = vector.broadcast %le3A_971 : i32 to vector<16xi32>
        %le3A_973 = arith.cmpi sle, %add3A_970, %le3A_972 : vector<16xi32>
        %and3A_974 = arith.andi %le3A_965, %le3A_973 : vector<16xi1>
        %sub3A_975 = arith.constant 1 : i32
        %sub3A_976 = vector.broadcast %sub3A_975 : i32 to vector<16xi32>
        %sub3A_977 = arith.subi %add3A_970, %sub3A_976 : vector<16xi32>
        %jit3A_978 = arith.constant 0 : i32
        %jit3A_979 = arith.constant 31 : i32
        %max3A_980 = vector.broadcast %jit3A_978 : i32 to vector<16xi32>
        %max3A_981 = arith.maxsi %max3A_980, %sub3A_977 : vector<16xi32>
        %min3A_982 = vector.broadcast %jit3A_979 : i32 to vector<16xi32>
        %min3A_983 = arith.minsi %min3A_982, %max3A_981 : vector<16xi32>
        %add3A_984 = vector.broadcast %mul3A_961 : i32 to vector<16xi32>
        %add3A_985 = arith.addi %add3A_984, %iota3A : vector<16xi32>
        tpu.vector_store_idx %arg14[%min3A_983], %add3A_985 masked %and3A_974 : memref<32xi32, #tpu.memory_space<vmem>>[vector<16xi32>], vector<16xi32>, vector<16xi1>
        %add3A_986 = vector.broadcast %mul3A_961 : i32 to vector<16xi32>
        %add3A_987 = arith.addi %add3A_986, %iota3A : vector<16xi32>
        %jit3A_988 = arith.constant 2047 : i32
        %broadcast_in_dim3A_989 = vector.broadcast %jit3A_988 : i32 to vector<16xi32>
        %select_n3A_990 = arith.select %le3A_965, %add3A_987, %broadcast_in_dim3A_989 : vector<16xi1>, vector<16xi32>
        %min3A_991 = arith.minsi %min3A_956, %select_n3A_990 : vector<16xi32>
        %all_reduce_population_count3A_992 = tpu.all_reduce %le3A_965 {dim = 0 : i64, kind = #tpu.reduction_kind<sum>} : vector<16xi1> -> vector<16xi32>
        %add3A_993 = arith.addi %add3A_957, %all_reduce_population_count3A_992 : vector<16xi32>
        %add3A_994 = arith.constant 2 : i32
        %add3A_995 = arith.addi %while3A_920, %add3A_994 : i32
        %mul3A_996 = arith.constant 16 : i32
        %mul3A_997 = arith.muli %add3A_995, %mul3A_996 : i32
        %get3A_998 = arith.index_cast %mul3A_997 : i32 to index
        %get3A_999 = tpu.vector_load %arg13[%get3A_998] {strides = array<i32>} : memref<2048xf32, #tpu.memory_space<vmem>>, vector<16xf32>,
        %le3A_1000 = vector.broadcast %scan3A : f32 to vector<16xf32>
        %le3A_1001 = arith.cmpf ole, %get3A_999, %le3A_1000 : vector<16xf32>
        %convert_element_type3A_1002 = arith.extui %le3A_1001 : vector<16xi1> to vector<16xi32>
        %broadcast_in_dim3A_1003 = arith.constant true
        %broadcast_in_dim3A_1004 = vector.broadcast %broadcast_in_dim3A_1003 : i1 to vector<16xi1>
        %masked_cumsum3A_1005 = tpu.scan <sum>, %convert_element_type3A_1002 masked %broadcast_in_dim3A_1004 : vector<16xi32>, vector<16xi1> -> vector<16xi32>
        %add3A_1006 = arith.addi %masked_cumsum3A_1005, %add3A_993 : vector<16xi32>
        %le3A_1007 = arith.constant 32 : i32
        %le3A_1008 = vector.broadcast %le3A_1007 : i32 to vector<16xi32>
        %le3A_1009 = arith.cmpi sle, %add3A_1006, %le3A_1008 : vector<16xi32>
        %and3A_1010 = arith.andi %le3A_1001, %le3A_1009 : vector<16xi1>
        %sub3A_1011 = arith.constant 1 : i32
        %sub3A_1012 = vector.broadcast %sub3A_1011 : i32 to vector<16xi32>
        %sub3A_1013 = arith.subi %add3A_1006, %sub3A_1012 : vector<16xi32>
        %jit3A_1014 = arith.constant 0 : i32
        %jit3A_1015 = arith.constant 31 : i32
        %max3A_1016 = vector.broadcast %jit3A_1014 : i32 to vector<16xi32>
        %max3A_1017 = arith.maxsi %max3A_1016, %sub3A_1013 : vector<16xi32>
        %min3A_1018 = vector.broadcast %jit3A_1015 : i32 to vector<16xi32>
        %min3A_1019 = arith.minsi %min3A_1018, %max3A_1017 : vector<16xi32>
        %add3A_1020 = vector.broadcast %mul3A_997 : i32 to vector<16xi32>
        %add3A_1021 = arith.addi %add3A_1020, %iota3A : vector<16xi32>
        tpu.vector_store_idx %arg14[%min3A_1019], %add3A_1021 masked %and3A_1010 : memref<32xi32, #tpu.memory_space<vmem>>[vector<16xi32>], vector<16xi32>, vector<16xi1>
        %add3A_1022 = vector.broadcast %mul3A_997 : i32 to vector<16xi32>
        %add3A_1023 = arith.addi %add3A_1022, %iota3A : vector<16xi32>
        %jit3A_1024 = arith.constant 2047 : i32
        %broadcast_in_dim3A_1025 = vector.broadcast %jit3A_1024 : i32 to vector<16xi32>
        %select_n3A_1026 = arith.select %le3A_1001, %add3A_1023, %broadcast_in_dim3A_1025 : vector<16xi1>, vector<16xi32>
        %min3A_1027 = arith.minsi %min3A_991, %select_n3A_1026 : vector<16xi32>
        %all_reduce_population_count3A_1028 = tpu.all_reduce %le3A_1001 {dim = 0 : i64, kind = #tpu.reduction_kind<sum>} : vector<16xi1> -> vector<16xi32>
        %add3A_1029 = arith.addi %add3A_993, %all_reduce_population_count3A_1028 : vector<16xi32>
        %add3A_1030 = arith.constant 3 : i32
        %add3A_1031 = arith.addi %while3A_920, %add3A_1030 : i32
        %mul3A_1032 = arith.constant 16 : i32
        %mul3A_1033 = arith.muli %add3A_1031, %mul3A_1032 : i32
        %get3A_1034 = arith.index_cast %mul3A_1033 : i32 to index
        %get3A_1035 = tpu.vector_load %arg13[%get3A_1034] {strides = array<i32>} : memref<2048xf32, #tpu.memory_space<vmem>>, vector<16xf32>,
        %le3A_1036 = vector.broadcast %scan3A : f32 to vector<16xf32>
        %le3A_1037 = arith.cmpf ole, %get3A_1035, %le3A_1036 : vector<16xf32>
        %convert_element_type3A_1038 = arith.extui %le3A_1037 : vector<16xi1> to vector<16xi32>
        %broadcast_in_dim3A_1039 = arith.constant true
        %broadcast_in_dim3A_1040 = vector.broadcast %broadcast_in_dim3A_1039 : i1 to vector<16xi1>
        %masked_cumsum3A_1041 = tpu.scan <sum>, %convert_element_type3A_1038 masked %broadcast_in_dim3A_1040 : vector<16xi32>, vector<16xi1> -> vector<16xi32>
        %add3A_1042 = arith.addi %masked_cumsum3A_1041, %add3A_1029 : vector<16xi32>
        %le3A_1043 = arith.constant 32 : i32
        %le3A_1044 = vector.broadcast %le3A_1043 : i32 to vector<16xi32>
        %le3A_1045 = arith.cmpi sle, %add3A_1042, %le3A_1044 : vector<16xi32>
        %and3A_1046 = arith.andi %le3A_1037, %le3A_1045 : vector<16xi1>
        %sub3A_1047 = arith.constant 1 : i32
        %sub3A_1048 = vector.broadcast %sub3A_1047 : i32 to vector<16xi32>
        %sub3A_1049 = arith.subi %add3A_1042, %sub3A_1048 : vector<16xi32>
        %jit3A_1050 = arith.constant 0 : i32
        %jit3A_1051 = arith.constant 31 : i32
        %max3A_1052 = vector.broadcast %jit3A_1050 : i32 to vector<16xi32>
        %max3A_1053 = arith.maxsi %max3A_1052, %sub3A_1049 : vector<16xi32>
        %min3A_1054 = vector.broadcast %jit3A_1051 : i32 to vector<16xi32>
        %min3A_1055 = arith.minsi %min3A_1054, %max3A_1053 : vector<16xi32>
        %add3A_1056 = vector.broadcast %mul3A_1033 : i32 to vector<16xi32>
        %add3A_1057 = arith.addi %add3A_1056, %iota3A : vector<16xi32>
        tpu.vector_store_idx %arg14[%min3A_1055], %add3A_1057 masked %and3A_1046 : memref<32xi32, #tpu.memory_space<vmem>>[vector<16xi32>], vector<16xi32>, vector<16xi1>
        %add3A_1058 = vector.broadcast %mul3A_1033 : i32 to vector<16xi32>
        %add3A_1059 = arith.addi %add3A_1058, %iota3A : vector<16xi32>
        %jit3A_1060 = arith.constant 2047 : i32
        %broadcast_in_dim3A_1061 = vector.broadcast %jit3A_1060 : i32 to vector<16xi32>
        %select_n3A_1062 = arith.select %le3A_1037, %add3A_1059, %broadcast_in_dim3A_1061 : vector<16xi1>, vector<16xi32>
        %min3A_1063 = arith.minsi %min3A_1027, %select_n3A_1062 : vector<16xi32>
        %all_reduce_population_count3A_1064 = tpu.all_reduce %le3A_1037 {dim = 0 : i64, kind = #tpu.reduction_kind<sum>} : vector<16xi1> -> vector<16xi32>
        %add3A_1065 = arith.addi %add3A_1029, %all_reduce_population_count3A_1064 : vector<16xi32>
        %add3A_1066 = arith.constant 4 : i32
        %add3A_1067 = arith.addi %while3A_920, %add3A_1066 : i32
        %reduce_max3A = arith.constant true
        %reduce_max3A_1068 = vector.broadcast %reduce_max3A : i1 to vector<16xi1>
        %reduce_max3A_1069 = arith.constant -2147483648 : i32
        %reduce_max3A_1070 = vector.broadcast %reduce_max3A_1069 : i32 to vector<16xi32>
        %reduce_max3A_1071 = arith.xori %add3A_1065, %reduce_max3A_1070 : vector<16xi32>
        %reduce_max3A_1072 = tpu.scan <max>, %reduce_max3A_1071 masked %reduce_max3A_1068 : vector<16xi32>, vector<16xi1> -> vector<16xi32>
        %reduce_max3A_1073 = arith.xori %reduce_max3A_1072, %reduce_max3A_1070 : vector<16xi32>
        %reduce_max3A_1074 = vector.extract %reduce_max3A_1073[15] : i32 from vector<16xi32>
        scf.yield %add3A_1067, %reduce_max3A_1074, %min3A_1063 : i32, i32, vector<16xi32>
      }
      %reduce_min3A_808 = arith.constant true
      %reduce_min3A_809 = vector.broadcast %reduce_min3A_808 : i1 to vector<16xi1>
      %reduce_min3A_810 = arith.constant -2147483648 : i32
      %reduce_min3A_811 = vector.broadcast %reduce_min3A_810 : i32 to vector<16xi32>
      %reduce_min3A_812 = arith.xori %while3A_807#2, %reduce_min3A_811 : vector<16xi32>
      %reduce_min3A_813 = tpu.scan <min>, %reduce_min3A_812 masked %reduce_min3A_809 : vector<16xi32>, vector<16xi1> -> vector<16xi32>
      %reduce_min3A_814 = arith.xori %reduce_min3A_813, %reduce_min3A_811 : vector<16xi32>
      %reduce_min3A_815 = vector.extract %reduce_min3A_814[15] : i32 from vector<16xi32>
      %broadcast_in_dim3A_816 = arith.constant 0 : i32
      %broadcast_in_dim3A_817 = vector.broadcast %broadcast_in_dim3A_816 : i32 to vector<16xi32>
      %add3A_818 = vector.broadcast %reduce_min3A_815 : i32 to vector<16xi32>
      %add3A_819 = arith.addi %broadcast_in_dim3A_817, %add3A_818 : vector<16xi32>
      %add3A_820 = arith.constant 0 : i32
      %add3A_821 = vector.broadcast %add3A_820 : i32 to vector<16xi32>
      %add3A_822 = arith.addi %iota3A, %add3A_821 : vector<16xi32>
      %get3A_823 = arith.constant 0 : index
      %get3A_824 = tpu.vector_load %arg14[%get3A_823] {strides = array<i32>} : memref<32xi32, #tpu.memory_space<vmem>>, vector<16xi32>,
      %lt3A_825 = vector.broadcast %while3A_807#1 : i32 to vector<16xi32>
      %lt3A_826 = arith.cmpi slt, %add3A_822, %lt3A_825 : vector<16xi32>
      %select_n3A_827 = arith.select %lt3A_826, %get3A_824, %add3A_819 : vector<16xi1>, vector<16xi32>
      %add3A_828 = vector.broadcast %mul3A_20 : i32 to vector<16xi32>
      %add3A_829 = arith.addi %select_n3A_827, %add3A_828 : vector<16xi32>
      %swap3A_830 = arith.constant 96 : index
      %swap3A_831 = tpu.vector_load %arg16[%swap3A_830] {strides = array<i32>} : memref<128xi32, #tpu.memory_space<vmem>>, vector<16xi32>,
      tpu.vector_store %arg16[%swap3A_830], %add3A_829 {strides = array<i32>} : memref<128xi32, #tpu.memory_space<vmem>>, vector<16xi32>,
      %gather3A_832 = tpu.vector_load_idx %arg9[%select_n3A_827] : memref<2048xf32, #tpu.memory_space<vmem>>[vector<16xi32>], vector<16xf32>,
      %gather3A_833 = tpu.vector_load_idx %arg10[%select_n3A_827] : memref<2048xf32, #tpu.memory_space<vmem>>[vector<16xi32>], vector<16xf32>,
      %gather3A_834 = tpu.vector_load_idx %arg11[%select_n3A_827] : memref<2048xf32, #tpu.memory_space<vmem>>[vector<16xi32>], vector<16xf32>,
      %add3A_835 = arith.constant 96 : i32
      %add3A_836 = vector.broadcast %add3A_835 : i32 to vector<16xi32>
      %add3A_837 = arith.addi %add3A_836, %add3A_822 : vector<16xi32>
      %mul3A_838 = arith.constant 3 : i32
      %mul3A_839 = vector.broadcast %mul3A_838 : i32 to vector<16xi32>
      %mul3A_840 = arith.muli %add3A_837, %mul3A_839 : vector<16xi32>
      tpu.vector_store_idx %arg18[%mul3A_840], %gather3A_832 : memref<384xf32, #tpu.memory_space<vmem>>[vector<16xi32>], vector<16xf32>,
      %add3A_841 = arith.constant 1 : i32
      %add3A_842 = vector.broadcast %add3A_841 : i32 to vector<16xi32>
      %add3A_843 = arith.addi %mul3A_840, %add3A_842 : vector<16xi32>
      tpu.vector_store_idx %arg18[%add3A_843], %gather3A_833 : memref<384xf32, #tpu.memory_space<vmem>>[vector<16xi32>], vector<16xf32>,
      %add3A_844 = arith.constant 2 : i32
      %add3A_845 = vector.broadcast %add3A_844 : i32 to vector<16xi32>
      %add3A_846 = arith.addi %mul3A_840, %add3A_845 : vector<16xi32>
      tpu.vector_store_idx %arg18[%add3A_846], %gather3A_834 : memref<384xf32, #tpu.memory_space<vmem>>[vector<16xi32>], vector<16xf32>,
      %add3A_847 = arith.constant 16 : i32
      %add3A_848 = vector.broadcast %add3A_847 : i32 to vector<16xi32>
      %add3A_849 = arith.addi %iota3A, %add3A_848 : vector<16xi32>
      %get3A_850 = arith.constant 16 : index
      %get3A_851 = tpu.vector_load %arg14[%get3A_850] {strides = array<i32>} : memref<32xi32, #tpu.memory_space<vmem>>, vector<16xi32>,
      %lt3A_852 = vector.broadcast %while3A_807#1 : i32 to vector<16xi32>
      %lt3A_853 = arith.cmpi slt, %add3A_849, %lt3A_852 : vector<16xi32>
      %select_n3A_854 = arith.select %lt3A_853, %get3A_851, %add3A_819 : vector<16xi1>, vector<16xi32>
      %add3A_855 = vector.broadcast %mul3A_20 : i32 to vector<16xi32>
      %add3A_856 = arith.addi %select_n3A_854, %add3A_855 : vector<16xi32>
      %swap3A_857 = arith.constant 112 : index
      %swap3A_858 = tpu.vector_load %arg16[%swap3A_857] {strides = array<i32>} : memref<128xi32, #tpu.memory_space<vmem>>, vector<16xi32>,
      tpu.vector_store %arg16[%swap3A_857], %add3A_856 {strides = array<i32>} : memref<128xi32, #tpu.memory_space<vmem>>, vector<16xi32>,
      %gather3A_859 = tpu.vector_load_idx %arg9[%select_n3A_854] : memref<2048xf32, #tpu.memory_space<vmem>>[vector<16xi32>], vector<16xf32>,
      %gather3A_860 = tpu.vector_load_idx %arg10[%select_n3A_854] : memref<2048xf32, #tpu.memory_space<vmem>>[vector<16xi32>], vector<16xf32>,
      %gather3A_861 = tpu.vector_load_idx %arg11[%select_n3A_854] : memref<2048xf32, #tpu.memory_space<vmem>>[vector<16xi32>], vector<16xf32>,
      %add3A_862 = arith.constant 96 : i32
      %add3A_863 = vector.broadcast %add3A_862 : i32 to vector<16xi32>
      %add3A_864 = arith.addi %add3A_863, %add3A_849 : vector<16xi32>
      %mul3A_865 = arith.constant 3 : i32
      %mul3A_866 = vector.broadcast %mul3A_865 : i32 to vector<16xi32>
      %mul3A_867 = arith.muli %add3A_864, %mul3A_866 : vector<16xi32>
      tpu.vector_store_idx %arg18[%mul3A_867], %gather3A_859 : memref<384xf32, #tpu.memory_space<vmem>>[vector<16xi32>], vector<16xf32>,
      %add3A_868 = arith.constant 1 : i32
      %add3A_869 = vector.broadcast %add3A_868 : i32 to vector<16xi32>
      %add3A_870 = arith.addi %mul3A_867, %add3A_869 : vector<16xi32>
      tpu.vector_store_idx %arg18[%add3A_870], %gather3A_860 : memref<384xf32, #tpu.memory_space<vmem>>[vector<16xi32>], vector<16xf32>,
      %add3A_871 = arith.constant 2 : i32
      %add3A_872 = vector.broadcast %add3A_871 : i32 to vector<16xi32>
      %add3A_873 = arith.addi %mul3A_867, %add3A_872 : vector<16xi32>
      tpu.vector_store_idx %arg18[%add3A_873], %gather3A_861 : memref<384xf32, #tpu.memory_space<vmem>>[vector<16xi32>], vector<16xf32>,
      %dma_start3A_874 = arith.constant 0 : i32
      %dma_start3A_875 = arith.constant 0 : i32
      %dma_start3A_876 = tpu.memref_slice %arg6[%dma_start3A_874, %dma_start3A_875] : memref<16384x128xf32, #tpu.memory_space<hbm>> -> memref<16384x128xf32, #tpu.memory_space<hbm>>
      tpu.enqueue_indirect_dma source(%dma_start3A_876 : memref<16384x128xf32, #tpu.memory_space<hbm>>) target(%arg20 : memref<128x128xf32, #tpu.memory_space<vmem>>) offsets(%arg16 : memref<128xi32, #tpu.memory_space<vmem>>) semaphore(%arg24 : memref<!tpu.dma_semaphore, #tpu.memory_space<semaphore_mem>>)
      %mul3A_877 = arith.constant 32 : i32
      %mul3A_878 = arith.muli %add3A, %mul3A_877 : i32
      %add3A_879 = arith.addi %mul3A_878, %mul3A_108 : i32
      %dma_wait3A_880 = arith.constant 0 : i32
      %dma_wait3A_881 = arith.constant 0 : i32
      %dma_wait3A_882 = tpu.memref_slice %arg6[%dma_wait3A_880, %dma_wait3A_881] : memref<16384x128xf32, #tpu.memory_space<hbm>> -> memref<16384x128xf32, #tpu.memory_space<hbm>>
      tpu.wait_indirect_dma semaphore(%arg23 : memref<!tpu.dma_semaphore, #tpu.memory_space<semaphore_mem>>) src(%dma_wait3A_882 : memref<16384x128xf32, #tpu.memory_space<hbm>>) dst(%arg19 : memref<128x128xf32, #tpu.memory_space<vmem>>)
      %dma_start3A_883 = arith.constant 0 : i32
      %dma_start3A_884 = arith.constant 0 : i32
      %dma_start3A_885 = tpu.memref_slice %arg7[%add3A_879, %dma_start3A_883, %dma_start3A_884] : memref<1024x128x128xf32, #tpu.memory_space<hbm>> -> memref<1x128x128xf32, #tpu.memory_space<hbm>>
      %dma_start3A_886 = tpu.memref_squeeze %dma_start3A_885 : memref<1x128x128xf32, #tpu.memory_space<hbm>> -> memref<128x128xf32, #tpu.memory_space<hbm>>
      %dma_start3A_887 = arith.constant 0 : i32
      %dma_start3A_888 = arith.constant 0 : i32
      %dma_start3A_889 = tpu.memref_slice %arg7[%add3A_879, %dma_start3A_887, %dma_start3A_888] : memref<1024x128x128xf32, #tpu.memory_space<hbm>> -> memref<1x128x128xf32, #tpu.memory_space<hbm>>
      %dma_start3A_890 = tpu.memref_squeeze %dma_start3A_889 : memref<1x128x128xf32, #tpu.memory_space<hbm>> -> memref<128x128xf32, #tpu.memory_space<hbm>>
      tpu.enqueue_dma source(%arg19 : memref<128x128xf32, #tpu.memory_space<vmem>>) target(%dma_start3A_890 : memref<128x128xf32, #tpu.memory_space<hbm>>) target_semaphore(%arg25 : memref<!tpu.dma_semaphore, #tpu.memory_space<semaphore_mem>>)
      %dma_start3A_891 = arith.constant 0 : i32
      %dma_start3A_892 = tpu.memref_slice %arg8[%add3A_879, %dma_start3A_891] : memref<1024x384xf32, #tpu.memory_space<hbm>> -> memref<1x384xf32, #tpu.memory_space<hbm>>
      %dma_start3A_893 = tpu.memref_squeeze %dma_start3A_892 : memref<1x384xf32, #tpu.memory_space<hbm>> -> memref<384xf32, #tpu.memory_space<hbm>>
      %dma_start3A_894 = arith.constant 0 : i32
      %dma_start3A_895 = tpu.memref_slice %arg8[%add3A_879, %dma_start3A_894] : memref<1024x384xf32, #tpu.memory_space<hbm>> -> memref<1x384xf32, #tpu.memory_space<hbm>>
      %dma_start3A_896 = tpu.memref_squeeze %dma_start3A_895 : memref<1x384xf32, #tpu.memory_space<hbm>> -> memref<384xf32, #tpu.memory_space<hbm>>
      tpu.enqueue_dma source(%arg17 : memref<384xf32, #tpu.memory_space<vmem>>) target(%dma_start3A_896 : memref<384xf32, #tpu.memory_space<hbm>>) target_semaphore(%arg25 : memref<!tpu.dma_semaphore, #tpu.memory_space<semaphore_mem>>)
      %add3A_897 = arith.constant 1 : i32
      %add3A_898 = arith.addi %mul3A_108, %add3A_897 : i32
      %mul3A_899 = arith.constant 32 : i32
      %mul3A_900 = arith.muli %add3A, %mul3A_899 : i32
      %add3A_901 = arith.addi %mul3A_900, %add3A_898 : i32
      %dma_wait3A_902 = arith.constant 0 : i32
      %dma_wait3A_903 = arith.constant 0 : i32
      %dma_wait3A_904 = tpu.memref_slice %arg6[%dma_wait3A_902, %dma_wait3A_903] : memref<16384x128xf32, #tpu.memory_space<hbm>> -> memref<16384x128xf32, #tpu.memory_space<hbm>>
      tpu.wait_indirect_dma semaphore(%arg24 : memref<!tpu.dma_semaphore, #tpu.memory_space<semaphore_mem>>) src(%dma_wait3A_904 : memref<16384x128xf32, #tpu.memory_space<hbm>>) dst(%arg20 : memref<128x128xf32, #tpu.memory_space<vmem>>)
      %dma_start3A_905 = arith.constant 0 : i32
      %dma_start3A_906 = arith.constant 0 : i32
      %dma_start3A_907 = tpu.memref_slice %arg7[%add3A_901, %dma_start3A_905, %dma_start3A_906] : memref<1024x128x128xf32, #tpu.memory_space<hbm>> -> memref<1x128x128xf32, #tpu.memory_space<hbm>>
      %dma_start3A_908 = tpu.memref_squeeze %dma_start3A_907 : memref<1x128x128xf32, #tpu.memory_space<hbm>> -> memref<128x128xf32, #tpu.memory_space<hbm>>
      %dma_start3A_909 = arith.constant 0 : i32
      %dma_start3A_910 = arith.constant 0 : i32
      %dma_start3A_911 = tpu.memref_slice %arg7[%add3A_901, %dma_start3A_909, %dma_start3A_910] : memref<1024x128x128xf32, #tpu.memory_space<hbm>> -> memref<1x128x128xf32, #tpu.memory_space<hbm>>
      %dma_start3A_912 = tpu.memref_squeeze %dma_start3A_911 : memref<1x128x128xf32, #tpu.memory_space<hbm>> -> memref<128x128xf32, #tpu.memory_space<hbm>>
      tpu.enqueue_dma source(%arg20 : memref<128x128xf32, #tpu.memory_space<vmem>>) target(%dma_start3A_912 : memref<128x128xf32, #tpu.memory_space<hbm>>) target_semaphore(%arg26 : memref<!tpu.dma_semaphore, #tpu.memory_space<semaphore_mem>>)
      %dma_start3A_913 = arith.constant 0 : i32
      %dma_start3A_914 = tpu.memref_slice %arg8[%add3A_901, %dma_start3A_913] : memref<1024x384xf32, #tpu.memory_space<hbm>> -> memref<1x384xf32, #tpu.memory_space<hbm>>
      %dma_start3A_915 = tpu.memref_squeeze %dma_start3A_914 : memref<1x384xf32, #tpu.memory_space<hbm>> -> memref<384xf32, #tpu.memory_space<hbm>>
      %dma_start3A_916 = arith.constant 0 : i32
      %dma_start3A_917 = tpu.memref_slice %arg8[%add3A_901, %dma_start3A_916] : memref<1024x384xf32, #tpu.memory_space<hbm>> -> memref<1x384xf32, #tpu.memory_space<hbm>>
      %dma_start3A_918 = tpu.memref_squeeze %dma_start3A_917 : memref<1x384xf32, #tpu.memory_space<hbm>> -> memref<384xf32, #tpu.memory_space<hbm>>
      tpu.enqueue_dma source(%arg18 : memref<384xf32, #tpu.memory_space<vmem>>) target(%dma_start3A_918 : memref<384xf32, #tpu.memory_space<hbm>>) target_semaphore(%arg26 : memref<!tpu.dma_semaphore, #tpu.memory_space<semaphore_mem>>)
      %scan3A_919 = arith.constant 0 : i32
      scf.yield %scan3A_919 : i32
    }
    %scan3A_66 = arith.constant 16 : i32
    %dma_wait3A = arith.constant 0 : i32
    %dma_wait3A_67 = arith.constant 0 : i32
    %dma_wait3A_68 = arith.constant 0 : i32
    %dma_wait3A_69 = tpu.memref_slice %arg7[%dma_wait3A, %dma_wait3A_67, %dma_wait3A_68] : memref<1024x128x128xf32, #tpu.memory_space<hbm>> -> memref<1x128x128xf32, #tpu.memory_space<hbm>>
    %dma_wait3A_70 = tpu.memref_squeeze %dma_wait3A_69 : memref<1x128x128xf32, #tpu.memory_space<hbm>> -> memref<128x128xf32, #tpu.memory_space<hbm>>
    %dma_wait3A_71 = arith.constant 0 : i32
    %dma_wait3A_72 = arith.constant 0 : i32
    %dma_wait3A_73 = tpu.memref_slice %arg7[%dma_wait3A, %dma_wait3A_71, %dma_wait3A_72] : memref<1024x128x128xf32, #tpu.memory_space<hbm>> -> memref<1x128x128xf32, #tpu.memory_space<hbm>>
    %dma_wait3A_74 = tpu.memref_squeeze %dma_wait3A_73 : memref<1x128x128xf32, #tpu.memory_space<hbm>> -> memref<128x128xf32, #tpu.memory_space<hbm>>
    tpu.wait_dma2 semaphore(%arg25 : memref<!tpu.dma_semaphore, #tpu.memory_space<semaphore_mem>>) src(%arg19 : memref<128x128xf32, #tpu.memory_space<vmem>>) dst(%dma_wait3A_74 : memref<128x128xf32, #tpu.memory_space<hbm>>)
    %dma_wait3A_75 = arith.constant 0 : i32
    %dma_wait3A_76 = arith.constant 0 : i32
    %dma_wait3A_77 = tpu.memref_slice %arg8[%dma_wait3A_75, %dma_wait3A_76] : memref<1024x384xf32, #tpu.memory_space<hbm>> -> memref<1x384xf32, #tpu.memory_space<hbm>>
    %dma_wait3A_78 = tpu.memref_squeeze %dma_wait3A_77 : memref<1x384xf32, #tpu.memory_space<hbm>> -> memref<384xf32, #tpu.memory_space<hbm>>
    %dma_wait3A_79 = arith.constant 0 : i32
    %dma_wait3A_80 = tpu.memref_slice %arg8[%dma_wait3A_75, %dma_wait3A_79] : memref<1024x384xf32, #tpu.memory_space<hbm>> -> memref<1x384xf32, #tpu.memory_space<hbm>>
    %dma_wait3A_81 = tpu.memref_squeeze %dma_wait3A_80 : memref<1x384xf32, #tpu.memory_space<hbm>> -> memref<384xf32, #tpu.memory_space<hbm>>
    tpu.wait_dma2 semaphore(%arg25 : memref<!tpu.dma_semaphore, #tpu.memory_space<semaphore_mem>>) src(%arg17 : memref<384xf32, #tpu.memory_space<vmem>>) dst(%dma_wait3A_81 : memref<384xf32, #tpu.memory_space<hbm>>)
    %dma_wait3A_82 = arith.constant 0 : i32
    %dma_wait3A_83 = arith.constant 0 : i32
    %dma_wait3A_84 = arith.constant 0 : i32
    %dma_wait3A_85 = tpu.memref_slice %arg7[%dma_wait3A_82, %dma_wait3A_83, %dma_wait3A_84] : memref<1024x128x128xf32, #tpu.memory_space<hbm>> -> memref<1x128x128xf32, #tpu.memory_space<hbm>>
    %dma_wait3A_86 = tpu.memref_squeeze %dma_wait3A_85 : memref<1x128x128xf32, #tpu.memory_space<hbm>> -> memref<128x128xf32, #tpu.memory_space<hbm>>
    %dma_wait3A_87 = arith.constant 0 : i32
    %dma_wait3A_88 = arith.constant 0 : i32
    %dma_wait3A_89 = tpu.memref_slice %arg7[%dma_wait3A_82, %dma_wait3A_87, %dma_wait3A_88] : memref<1024x128x128xf32, #tpu.memory_space<hbm>> -> memref<1x128x128xf32, #tpu.memory_space<hbm>>
    %dma_wait3A_90 = tpu.memref_squeeze %dma_wait3A_89 : memref<1x128x128xf32, #tpu.memory_space<hbm>> -> memref<128x128xf32, #tpu.memory_space<hbm>>
    tpu.wait_dma2 semaphore(%arg26 : memref<!tpu.dma_semaphore, #tpu.memory_space<semaphore_mem>>) src(%arg20 : memref<128x128xf32, #tpu.memory_space<vmem>>) dst(%dma_wait3A_90 : memref<128x128xf32, #tpu.memory_space<hbm>>)
    %dma_wait3A_91 = arith.constant 0 : i32
    %dma_wait3A_92 = arith.constant 0 : i32
    %dma_wait3A_93 = tpu.memref_slice %arg8[%dma_wait3A_91, %dma_wait3A_92] : memref<1024x384xf32, #tpu.memory_space<hbm>> -> memref<1x384xf32, #tpu.memory_space<hbm>>
    %dma_wait3A_94 = tpu.memref_squeeze %dma_wait3A_93 : memref<1x384xf32, #tpu.memory_space<hbm>> -> memref<384xf32, #tpu.memory_space<hbm>>
    %dma_wait3A_95 = arith.constant 0 : i32
    %dma_wait3A_96 = tpu.memref_slice %arg8[%dma_wait3A_91, %dma_wait3A_95] : memref<1024x384xf32, #tpu.memory_space<hbm>> -> memref<1x384xf32, #tpu.memory_space<hbm>>
    %dma_wait3A_97 = tpu.memref_squeeze %dma_wait3A_96 : memref<1x384xf32, #tpu.memory_space<hbm>> -> memref<384xf32, #tpu.memory_space<hbm>>
    tpu.wait_dma2 semaphore(%arg26 : memref<!tpu.dma_semaphore, #tpu.memory_space<semaphore_mem>>) src(%arg18 : memref<384xf32, #tpu.memory_space<vmem>>) dst(%dma_wait3A_97 : memref<384xf32, #tpu.memory_space<hbm>>)
    %dma_wait3A_98 = arith.constant 0 : i32
    %dma_wait3A_99 = arith.constant 0 : i32
    %dma_wait3A_100 = tpu.memref_slice %arg2[%dma_wait3A_98, %dma_wait3A_99] : memref<4096x2048xf32, #tpu.memory_space<hbm>> -> memref<1x2048xf32, #tpu.memory_space<hbm>>
    %dma_wait3A_101 = tpu.memref_squeeze %dma_wait3A_100 : memref<1x2048xf32, #tpu.memory_space<hbm>> -> memref<2048xf32, #tpu.memory_space<hbm>>
    %dma_wait3A_102 = arith.constant 0 : i32
    %dma_wait3A_103 = tpu.memref_slice %arg2[%dma_wait3A_98, %dma_wait3A_102] : memref<4096x2048xf32, #tpu.memory_space<hbm>> -> memref<1x2048xf32, #tpu.memory_space<hbm>>
    %dma_wait3A_104 = tpu.memref_squeeze %dma_wait3A_103 : memref<1x2048xf32, #tpu.memory_space<hbm>> -> memref<2048xf32, #tpu.memory_space<hbm>>
    tpu.wait_dma2 semaphore(%arg21 : memref<!tpu.dma_semaphore, #tpu.memory_space<semaphore_mem>>) src(%dma_wait3A_104 : memref<2048xf32, #tpu.memory_space<hbm>>) dst(%arg12 : memref<2048xf32, #tpu.memory_space<vmem>>)
    return
  }
}

module attributes {stable_mosaic.version = 14 : i64} {
  func.func @_fps_body(%arg0: memref<3x8x2048xf32, #tpu.memory_space<vmem>>, %arg1: memref<512x8x3xf32, #tpu.memory_space<vmem>>) attributes {dimension_semantics = [], scalar_prefetch = 0 : i64, scratch_operands = 0 : i64, tpu.core_type = #tpu.core_type<tc>} {
    %get3A = arith.constant 0 : index
    %get3A_0 = arith.constant 0 : index
    %get3A_1 = arith.constant 0 : index
    %get3A_2 = vector.load %arg0[%get3A, %get3A_0, %get3A_1] : memref<3x8x2048xf32, #tpu.memory_space<vmem>>, vector<1x8x2048xf32>
    %get3A_3 = vector.shape_cast %get3A_2 : vector<1x8x2048xf32> to vector<8x2048xf32>
    %get3A_4 = arith.constant 1 : index
    %get3A_5 = arith.constant 0 : index
    %get3A_6 = arith.constant 0 : index
    %get3A_7 = vector.load %arg0[%get3A_4, %get3A_5, %get3A_6] : memref<3x8x2048xf32, #tpu.memory_space<vmem>>, vector<1x8x2048xf32>
    %get3A_8 = vector.shape_cast %get3A_7 : vector<1x8x2048xf32> to vector<8x2048xf32>
    %get3A_9 = arith.constant 2 : index
    %get3A_10 = arith.constant 0 : index
    %get3A_11 = arith.constant 0 : index
    %get3A_12 = vector.load %arg0[%get3A_9, %get3A_10, %get3A_11] : memref<3x8x2048xf32, #tpu.memory_space<vmem>>, vector<1x8x2048xf32>
    %get3A_13 = vector.shape_cast %get3A_12 : vector<1x8x2048xf32> to vector<8x2048xf32>
    %iota3A = tpu.iota {dimensions = array<i32: 1>} : vector<8x2048xi32>
    %broadcast_in_dim3A = arith.constant 1.000000e+10 : f32
    %broadcast_in_dim3A_14 = vector.broadcast %broadcast_in_dim3A : f32 to vector<8x2048xf32>
    %broadcast_in_dim3A_15 = arith.constant 0 : i32
    %broadcast_in_dim3A_16 = vector.broadcast %broadcast_in_dim3A_15 : i32 to vector<8x1xi32>
    %scan3A = arith.constant 0.000000e+00 : f32
    %scan3A_17 = arith.constant 0 : i32
    %scan3A_18 = arith.constant 512 : i32
    %scan3A_19 = arith.addi %scan3A_17, %scan3A_18 : i32
    %scan3A_20 = arith.constant 1 : i32
    %scan3A_21:2 = scf.for %scan3A_23 = %scan3A_17 to %scan3A_19 step %scan3A_20 iter_args(%scan3A_24 = %broadcast_in_dim3A_14, %scan3A_25 = %broadcast_in_dim3A_16) -> (vector<8x2048xf32>, vector<8x1xi32>)  : i32 {
      %eq3A = vector.broadcast %scan3A_25 : vector<8x1xi32> to vector<8x2048xi32>
      %eq3A_26 = arith.cmpi eq, %iota3A, %eq3A : vector<8x2048xi32>
      %broadcast_in_dim3A_27 = vector.broadcast %scan3A : f32 to vector<8x2048xf32>
      %select_n3A = arith.select %eq3A_26, %get3A_3, %broadcast_in_dim3A_27 : vector<8x2048xi1>, vector<8x2048xf32>
      %reduce_sum3A = arith.constant dense<0.000000e+00> : vector<8xf32>
      %reduce_sum3A_28 = vector.multi_reduction <add>, %select_n3A, %reduce_sum3A [1] : vector<8x2048xf32> to vector<8xf32>
      %broadcast_in_dim3A_29 = vector.shape_cast %reduce_sum3A_28 : vector<8xf32> to vector<8x1xf32>
      %broadcast_in_dim3A_30 = vector.broadcast %scan3A : f32 to vector<8x2048xf32>
      %select_n3A_31 = arith.select %eq3A_26, %get3A_8, %broadcast_in_dim3A_30 : vector<8x2048xi1>, vector<8x2048xf32>
      %reduce_sum3A_32 = arith.constant dense<0.000000e+00> : vector<8xf32>
      %reduce_sum3A_33 = vector.multi_reduction <add>, %select_n3A_31, %reduce_sum3A_32 [1] : vector<8x2048xf32> to vector<8xf32>
      %broadcast_in_dim3A_34 = vector.shape_cast %reduce_sum3A_33 : vector<8xf32> to vector<8x1xf32>
      %broadcast_in_dim3A_35 = vector.broadcast %scan3A : f32 to vector<8x2048xf32>
      %select_n3A_36 = arith.select %eq3A_26, %get3A_13, %broadcast_in_dim3A_35 : vector<8x2048xi1>, vector<8x2048xf32>
      %reduce_sum3A_37 = arith.constant dense<0.000000e+00> : vector<8xf32>
      %reduce_sum3A_38 = vector.multi_reduction <add>, %select_n3A_36, %reduce_sum3A_37 [1] : vector<8x2048xf32> to vector<8xf32>
      %broadcast_in_dim3A_39 = vector.shape_cast %reduce_sum3A_38 : vector<8xf32> to vector<8x1xf32>
      %concatenate3A = tpu.concatenate %broadcast_in_dim3A_29, %broadcast_in_dim3A_34, %broadcast_in_dim3A_39 in 1 : vector<8x1xf32>, vector<8x1xf32>, vector<8x1xf32> -> vector<8x3xf32>
      %broadcast_in_dim3A_40 = vector.shape_cast %concatenate3A : vector<8x3xf32> to vector<1x8x3xf32>
      %swap3A = arith.index_cast %scan3A_23 : i32 to index
      %swap3A_41 = arith.constant 0 : index
      %swap3A_42 = arith.constant 0 : index
      %swap3A_43 = vector.load %arg1[%swap3A, %swap3A_41, %swap3A_42] : memref<512x8x3xf32, #tpu.memory_space<vmem>>, vector<1x8x3xf32>
      tpu.vector_store %arg1[%swap3A, %swap3A_41, %swap3A_42], %broadcast_in_dim3A_40 {strides = array<i32>} : memref<512x8x3xf32, #tpu.memory_space<vmem>>, vector<1x8x3xf32>,
      %sub3A = vector.broadcast %broadcast_in_dim3A_29 : vector<8x1xf32> to vector<8x2048xf32>
      %sub3A_44 = arith.subf %get3A_3, %sub3A : vector<8x2048xf32>
      %sub3A_45 = vector.broadcast %broadcast_in_dim3A_34 : vector<8x1xf32> to vector<8x2048xf32>
      %sub3A_46 = arith.subf %get3A_8, %sub3A_45 : vector<8x2048xf32>
      %sub3A_47 = vector.broadcast %broadcast_in_dim3A_39 : vector<8x1xf32> to vector<8x2048xf32>
      %sub3A_48 = arith.subf %get3A_13, %sub3A_47 : vector<8x2048xf32>
      %mul3A = arith.mulf %sub3A_44, %sub3A_44 : vector<8x2048xf32>
      %mul3A_49 = arith.mulf %sub3A_46, %sub3A_46 : vector<8x2048xf32>
      %add3A = arith.addf %mul3A, %mul3A_49 : vector<8x2048xf32>
      %mul3A_50 = arith.mulf %sub3A_48, %sub3A_48 : vector<8x2048xf32>
      %add3A_51 = arith.addf %add3A, %mul3A_50 : vector<8x2048xf32>
      %min3A = arith.minimumf %scan3A_24, %add3A_51 : vector<8x2048xf32>
      %reduce_max3A = arith.constant dense<0xFF800000> : vector<8xf32>
      %reduce_max3A_52 = vector.multi_reduction <maximumf>, %min3A, %reduce_max3A [1] : vector<8x2048xf32> to vector<8xf32>
      %broadcast_in_dim3A_53 = vector.shape_cast %reduce_max3A_52 : vector<8xf32> to vector<8x1xf32>
      %eq3A_54 = vector.broadcast %broadcast_in_dim3A_53 : vector<8x1xf32> to vector<8x2048xf32>
      %eq3A_55 = arith.cmpf oeq, %min3A, %eq3A_54 : vector<8x2048xf32>
      %jit3A = arith.constant 2048 : i32
      %broadcast_in_dim3A_56 = vector.broadcast %jit3A : i32 to vector<8x2048xi32>
      %select_n3A_57 = arith.select %eq3A_55, %iota3A, %broadcast_in_dim3A_56 : vector<8x2048xi1>, vector<8x2048xi32>
      %reduce_min3A = arith.constant dense<2147483647> : vector<8xi32>
      %reduce_min3A_58 = vector.multi_reduction <minsi>, %select_n3A_57, %reduce_min3A [1] : vector<8x2048xi32> to vector<8xi32>
      %broadcast_in_dim3A_59 = vector.shape_cast %reduce_min3A_58 : vector<8xi32> to vector<8x1xi32>
      scf.yield %min3A, %broadcast_in_dim3A_59 : vector<8x2048xf32>, vector<8x1xi32>
    }
    %scan3A_22 = arith.constant 512 : i32
    return
  }
}

module attributes {stable_mosaic.version = 14 : i64} {
  func.func @_dist_body(%arg0: i32, %arg1: memref<1x512x3xf32, #tpu.memory_space<vmem>>, %arg2: memref<1x3x2048xf32, #tpu.memory_space<vmem>>, %arg3: memref<1x512x2048xf32, #tpu.memory_space<vmem>>) attributes {dimension_semantics = [#tpu.dimension_semantics<arbitrary>], iteration_bounds = array<i64: 8>, scalar_prefetch = 0 : i64, scratch_operands = 0 : i64, tpu.core_type = #tpu.core_type<tc>, window_params = [{transform_indices = @transform_0, window_bounds = array<i64: 1, 512, 3>}, {transform_indices = @transform_1, window_bounds = array<i64: 1, 3, 2048>}, {transform_indices = @transform_2, window_bounds = array<i64: 1, 512, 2048>}]} {
    %get3A = arith.constant 0 : index
    %get3A_0 = arith.constant 0 : index
    %get3A_1 = arith.constant 0 : index
    %get3A_2 = vector.load %arg1[%get3A, %get3A_0, %get3A_1] : memref<1x512x3xf32, #tpu.memory_space<vmem>>, vector<1x512x3xf32>
    %get3A_3 = vector.shape_cast %get3A_2 : vector<1x512x3xf32> to vector<512x3xf32>
    %get3A_4 = arith.constant 0 : index
    %get3A_5 = arith.constant 0 : index
    %get3A_6 = arith.constant 0 : index
    %get3A_7 = vector.load %arg2[%get3A_4, %get3A_5, %get3A_6] : memref<1x3x2048xf32, #tpu.memory_space<vmem>>, vector<1x3x2048xf32>
    %get3A_8 = vector.shape_cast %get3A_7 : vector<1x3x2048xf32> to vector<3x2048xf32>
    %dot_general3A = arith.constant dense<0.000000e+00> : vector<512x2048xf32>
    %dot_general3A_9 = tpu.matmul %get3A_3, %get3A_8, %dot_general3A {dimension_numbers = #tpu.dot_dimension_numbers<[1], [0], [0], [1], [0, 0, 1, 1], [], []>, transpose_lhs_hint = false} : vector<512x3xf32>, vector<3x2048xf32>, vector<512x2048xf32> -> vector<512x2048xf32>
    %mul3A = arith.mulf %get3A_3, %get3A_3 : vector<512x3xf32>
    %reduce_sum3A = arith.constant dense<0.000000e+00> : vector<512xf32>
    %reduce_sum3A_10 = vector.multi_reduction <add>, %mul3A, %reduce_sum3A [1] : vector<512x3xf32> to vector<512xf32>
    %broadcast_in_dim3A = vector.shape_cast %reduce_sum3A_10 : vector<512xf32> to vector<512x1xf32>
    %mul3A_11 = arith.mulf %get3A_8, %get3A_8 : vector<3x2048xf32>
    %reduce_sum3A_12 = arith.constant dense<0.000000e+00> : vector<2048xf32>
    %reduce_sum3A_13 = vector.multi_reduction <add>, %mul3A_11, %reduce_sum3A_12 [0] : vector<3x2048xf32> to vector<2048xf32>
    %broadcast_in_dim3A_14 = vector.shape_cast %reduce_sum3A_13 : vector<2048xf32> to vector<1x2048xf32>
    %mul3A_15 = arith.constant -2.000000e+00 : f32
    %mul3A_16 = vector.broadcast %mul3A_15 : f32 to vector<512x2048xf32>
    %mul3A_17 = arith.mulf %mul3A_16, %dot_general3A_9 : vector<512x2048xf32>
    %add3A = vector.broadcast %broadcast_in_dim3A : vector<512x1xf32> to vector<512x2048xf32>
    %add3A_18 = arith.addf %mul3A_17, %add3A : vector<512x2048xf32>
    %add3A_19 = vector.broadcast %broadcast_in_dim3A_14 : vector<1x2048xf32> to vector<512x2048xf32>
    %add3A_20 = arith.addf %add3A_18, %add3A_19 : vector<512x2048xf32>
    %swap3A = arith.constant 0 : index
    %swap3A_21 = arith.constant 0 : index
    %swap3A_22 = arith.constant 0 : index
    %swap3A_23 = vector.load %arg3[%swap3A, %swap3A_21, %swap3A_22] : memref<1x512x2048xf32, #tpu.memory_space<vmem>>, vector<1x512x2048xf32>
    %swap3A_24 = vector.shape_cast %swap3A_23 : vector<1x512x2048xf32> to vector<512x2048xf32>
    %swap3A_25 = vector.shape_cast %add3A_20 : vector<512x2048xf32> to vector<1x512x2048xf32>
    tpu.vector_store %arg3[%swap3A, %swap3A_21, %swap3A_22], %swap3A_25 {strides = array<i32>} : memref<1x512x2048xf32, #tpu.memory_space<vmem>>, vector<1x512x2048xf32>,
    return
  }
  func.func @transform_0(%arg0: i32) -> (i32, i32, i32) {
    %c0_i32 = arith.constant 0 : i32
    %c0_i32_0 = arith.constant 0 : i32
    %c0_i32_1 = arith.constant 0 : i32
    return %arg0, %c0_i32, %c0_i32_0 : i32, i32, i32
  }
  func.func @transform_1(%arg0: i32) -> (i32, i32, i32) {
    %c0_i32 = arith.constant 0 : i32
    %c0_i32_0 = arith.constant 0 : i32
    %c0_i32_1 = arith.constant 0 : i32
    return %arg0, %c0_i32, %c0_i32_0 : i32, i32, i32
  }
  func.func @transform_2(%arg0: i32) -> (i32, i32, i32) {
    %c0_i32 = arith.constant 0 : i32
    %c0_i32_0 = arith.constant 0 : i32
    %c0_i32_1 = arith.constant 0 : i32
    return %arg0, %c0_i32, %c0_i32_0 : i32, i32, i32
  }
}

module attributes {stable_mosaic.version = 14 : i64} {
  func.func @_mlp1_body(%arg0: i32, %arg1: i32, %arg2: memref<1x2048x128xf32, #tpu.memory_space<vmem>>, %arg3: memref<1x2048x3xf32, #tpu.memory_space<vmem>>, %arg4: memref<1x64x3xf32, #tpu.memory_space<vmem>>, %arg5: memref<128x128xf32, #tpu.memory_space<vmem>>, %arg6: memref<3x128xf32, #tpu.memory_space<vmem>>, %arg7: memref<1x128xf32, #tpu.memory_space<vmem>>, %arg8: memref<1x2048x128xf32, #tpu.memory_space<vmem>>, %arg9: memref<8x128xf32, #tpu.memory_space<vmem>>) attributes {dimension_semantics = [#tpu.dimension_semantics<arbitrary>, #tpu.dimension_semantics<arbitrary>], iteration_bounds = array<i64: 8, 8>, scalar_prefetch = 0 : i64, scratch_operands = 0 : i64, tpu.core_type = #tpu.core_type<tc>, window_params = [{transform_indices = @transform_0, window_bounds = array<i64: 1, 2048, 128>}, {transform_indices = @transform_1, window_bounds = array<i64: 1, 2048, 3>}, {transform_indices = @transform_2, window_bounds = array<i64: 1, 64, 3>}, {pipeline_mode = #tpu.pipeline_mode<synchronous>, transform_indices = @transform_3, window_bounds = array<i64: 128, 128>}, {pipeline_mode = #tpu.pipeline_mode<synchronous>, transform_indices = @transform_4, window_bounds = array<i64: 3, 128>}, {pipeline_mode = #tpu.pipeline_mode<synchronous>, transform_indices = @transform_5, window_bounds = array<i64: 1, 128>}, {transform_indices = @transform_6, window_bounds = array<i64: 1, 2048, 128>}, {pipeline_mode = #tpu.pipeline_mode<synchronous>, transform_indices = @transform_7, window_bounds = array<i64: 8, 128>}]} {
    %get3A = arith.constant 0 : index
    %get3A_0 = arith.constant 0 : index
    %get3A_1 = arith.constant 0 : index
    %get3A_2 = vector.load %arg2[%get3A, %get3A_0, %get3A_1] : memref<1x2048x128xf32, #tpu.memory_space<vmem>>, vector<1x2048x128xf32>
    %get3A_3 = vector.shape_cast %get3A_2 : vector<1x2048x128xf32> to vector<2048x128xf32>
    %get3A_4 = arith.constant 0 : index
    %get3A_5 = arith.constant 0 : index
    %get3A_6 = vector.load %arg5[%get3A_4, %get3A_5] : memref<128x128xf32, #tpu.memory_space<vmem>>, vector<128x128xf32>
    %dot_general3A = arith.constant dense<0.000000e+00> : vector<2048x128xf32>
    %dot_general3A_7 = tpu.matmul %get3A_3, %get3A_6, %dot_general3A {dimension_numbers = #tpu.dot_dimension_numbers<[1], [0], [0], [1], [0, 0, 1, 1], [], []>, transpose_lhs_hint = false} : vector<2048x128xf32>, vector<128x128xf32>, vector<2048x128xf32> -> vector<2048x128xf32>
    %get3A_8 = arith.constant 0 : index
    %get3A_9 = arith.constant 0 : index
    %get3A_10 = arith.constant 0 : index
    %get3A_11 = vector.load %arg3[%get3A_8, %get3A_9, %get3A_10] : memref<1x2048x3xf32, #tpu.memory_space<vmem>>, vector<1x2048x3xf32>
    %get3A_12 = vector.shape_cast %get3A_11 : vector<1x2048x3xf32> to vector<2048x3xf32>
    %get3A_13 = arith.constant 0 : index
    %get3A_14 = arith.constant 0 : index
    %get3A_15 = vector.load %arg6[%get3A_13, %get3A_14] : memref<3x128xf32, #tpu.memory_space<vmem>>, vector<3x128xf32>
    %dot_general3A_16 = arith.constant dense<0.000000e+00> : vector<2048x128xf32>
    %dot_general3A_17 = tpu.matmul %get3A_12, %get3A_15, %dot_general3A_16 {dimension_numbers = #tpu.dot_dimension_numbers<[1], [0], [0], [1], [0, 0, 1, 1], [], []>, transpose_lhs_hint = false} : vector<2048x3xf32>, vector<3x128xf32>, vector<2048x128xf32> -> vector<2048x128xf32>
    %add3A = arith.addf %dot_general3A_7, %dot_general3A_17 : vector<2048x128xf32>
    %get3A_18 = arith.constant 0 : index
    %get3A_19 = arith.constant 0 : index
    %get3A_20 = arith.constant 0 : index
    %get3A_21 = vector.load %arg4[%get3A_18, %get3A_19, %get3A_20] : memref<1x64x3xf32, #tpu.memory_space<vmem>>, vector<1x64x3xf32>
    %get3A_22 = vector.shape_cast %get3A_21 : vector<1x64x3xf32> to vector<64x3xf32>
    %get3A_23 = arith.constant 0 : index
    %get3A_24 = arith.constant 0 : index
    %get3A_25 = vector.load %arg6[%get3A_23, %get3A_24] : memref<3x128xf32, #tpu.memory_space<vmem>>, vector<3x128xf32>
    %dot_general3A_26 = arith.constant dense<0.000000e+00> : vector<64x128xf32>
    %dot_general3A_27 = tpu.matmul %get3A_22, %get3A_25, %dot_general3A_26 {dimension_numbers = #tpu.dot_dimension_numbers<[1], [0], [0], [1], [0, 0, 1, 1], [], []>, transpose_lhs_hint = false} : vector<64x3xf32>, vector<3x128xf32>, vector<64x128xf32> -> vector<64x128xf32>
    %broadcast_in_dim3A = vector.shape_cast %dot_general3A_27 : vector<64x128xf32> to vector<64x1x128xf32>
    %broadcast_in_dim3A_28 = vector.shape_cast %broadcast_in_dim3A : vector<64x1x128xf32> to vector<64x1x128xf32>
    %broadcast_in_dim3A_29 = vector.broadcast %broadcast_in_dim3A_28 : vector<64x1x128xf32> to vector<64x32x128xf32>
    %reshape3A = vector.shape_cast %broadcast_in_dim3A_29 : vector<64x32x128xf32> to vector<2048x128xf32>
    %sub3A = arith.subf %add3A, %reshape3A : vector<2048x128xf32>
    %get3A_30 = arith.constant 0 : index
    %get3A_31 = arith.constant 0 : index
    %get3A_32 = vector.load %arg7[%get3A_30, %get3A_31] : memref<1x128xf32, #tpu.memory_space<vmem>>, vector<1x128xf32>
    %add3A_33 = vector.broadcast %get3A_32 : vector<1x128xf32> to vector<2048x128xf32>
    %add3A_34 = arith.addf %sub3A, %add3A_33 : vector<2048x128xf32>
    %swap3A = arith.constant 0 : index
    %swap3A_35 = arith.constant 0 : index
    %swap3A_36 = arith.constant 0 : index
    %swap3A_37 = vector.load %arg8[%swap3A, %swap3A_35, %swap3A_36] : memref<1x2048x128xf32, #tpu.memory_space<vmem>>, vector<1x2048x128xf32>
    %swap3A_38 = vector.shape_cast %swap3A_37 : vector<1x2048x128xf32> to vector<2048x128xf32>
    %swap3A_39 = vector.shape_cast %add3A_34 : vector<2048x128xf32> to vector<1x2048x128xf32>
    tpu.vector_store %arg8[%swap3A, %swap3A_35, %swap3A_36], %swap3A_39 {strides = array<i32>} : memref<1x2048x128xf32, #tpu.memory_space<vmem>>, vector<1x2048x128xf32>,
    %eq3A = arith.constant 0 : i32
    %eq3A_40 = arith.cmpi eq, %arg0, %eq3A : i32
    %eq3A_41 = arith.constant 0 : i32
    %eq3A_42 = arith.cmpi eq, %arg1, %eq3A_41 : i32
    %and3A = arith.andi %eq3A_40, %eq3A_42 : i1
    %convert_element_type3A = arith.extui %and3A : i1 to i32
    %cond3A = arith.constant 0 : i32
    %cond3A_43 = arith.cmpi ne, %convert_element_type3A, %cond3A : i32
    scf.if %cond3A_43 {
      %broadcast_in_dim3A_63 = arith.constant 0.000000e+00 : f32
      %broadcast_in_dim3A_64 = vector.broadcast %broadcast_in_dim3A_63 : f32 to vector<8x128xf32>
      %swap3A_65 = arith.constant 0 : index
      %swap3A_66 = arith.constant 0 : index
      %swap3A_67 = vector.load %arg9[%swap3A_65, %swap3A_66] : memref<8x128xf32, #tpu.memory_space<vmem>>, vector<8x128xf32>
      tpu.vector_store %arg9[%swap3A_65, %swap3A_66], %broadcast_in_dim3A_64 {strides = array<i32>} : memref<8x128xf32, #tpu.memory_space<vmem>>, vector<8x128xf32>,
    } else {
    }
    %get3A_44 = arith.constant 0 : index
    %get3A_45 = arith.constant 0 : index
    %get3A_46 = vector.load %arg9[%get3A_44, %get3A_45] : memref<8x128xf32, #tpu.memory_space<vmem>>, vector<1x128xf32>
    %reduce_sum3A = arith.constant dense<0.000000e+00> : vector<128xf32>
    %reduce_sum3A_47 = vector.multi_reduction <add>, %add3A_34, %reduce_sum3A [0] : vector<2048x128xf32> to vector<128xf32>
    %broadcast_in_dim3A_48 = vector.shape_cast %reduce_sum3A_47 : vector<128xf32> to vector<1x128xf32>
    %add3A_49 = arith.addf %get3A_46, %broadcast_in_dim3A_48 : vector<1x128xf32>
    %swap3A_50 = arith.constant 0 : index
    %swap3A_51 = arith.constant 0 : index
    %swap3A_52 = vector.load %arg9[%swap3A_50, %swap3A_51] : memref<8x128xf32, #tpu.memory_space<vmem>>, vector<1x128xf32>
    tpu.vector_store %arg9[%swap3A_50, %swap3A_51], %add3A_49 {strides = array<i32>} : memref<8x128xf32, #tpu.memory_space<vmem>>, vector<1x128xf32>,
    %get3A_53 = arith.constant 1 : index
    %get3A_54 = arith.constant 0 : index
    %get3A_55 = vector.load %arg9[%get3A_53, %get3A_54] : memref<8x128xf32, #tpu.memory_space<vmem>>, vector<1x128xf32>
    %mul3A = arith.mulf %add3A_34, %add3A_34 : vector<2048x128xf32>
    %reduce_sum3A_56 = arith.constant dense<0.000000e+00> : vector<128xf32>
    %reduce_sum3A_57 = vector.multi_reduction <add>, %mul3A, %reduce_sum3A_56 [0] : vector<2048x128xf32> to vector<128xf32>
    %broadcast_in_dim3A_58 = vector.shape_cast %reduce_sum3A_57 : vector<128xf32> to vector<1x128xf32>
    %add3A_59 = arith.addf %get3A_55, %broadcast_in_dim3A_58 : vector<1x128xf32>
    %swap3A_60 = arith.constant 1 : index
    %swap3A_61 = arith.constant 0 : index
    %swap3A_62 = vector.load %arg9[%swap3A_60, %swap3A_61] : memref<8x128xf32, #tpu.memory_space<vmem>>, vector<1x128xf32>
    tpu.vector_store %arg9[%swap3A_60, %swap3A_61], %add3A_59 {strides = array<i32>} : memref<8x128xf32, #tpu.memory_space<vmem>>, vector<1x128xf32>,
    return
  }
  func.func @transform_0(%arg0: i32, %arg1: i32) -> (i32, i32, i32) {
    %c0_i32 = arith.constant 0 : i32
    %c0_i32_0 = arith.constant 0 : i32
    return %arg0, %arg1, %c0_i32 : i32, i32, i32
  }
  func.func @transform_1(%arg0: i32, %arg1: i32) -> (i32, i32, i32) {
    %c0_i32 = arith.constant 0 : i32
    %c0_i32_0 = arith.constant 0 : i32
    return %arg0, %arg1, %c0_i32 : i32, i32, i32
  }
  func.func @transform_2(%arg0: i32, %arg1: i32) -> (i32, i32, i32) {
    %c0_i32 = arith.constant 0 : i32
    %c0_i32_0 = arith.constant 0 : i32
    return %arg0, %arg1, %c0_i32 : i32, i32, i32
  }
  func.func @transform_3(%arg0: i32, %arg1: i32) -> (i32, i32) {
    %c0_i32 = arith.constant 0 : i32
    %c0_i32_0 = arith.constant 0 : i32
    %c0_i32_1 = arith.constant 0 : i32
    return %c0_i32, %c0_i32_0 : i32, i32
  }
  func.func @transform_4(%arg0: i32, %arg1: i32) -> (i32, i32) {
    %c0_i32 = arith.constant 0 : i32
    %c0_i32_0 = arith.constant 0 : i32
    %c0_i32_1 = arith.constant 0 : i32
    return %c0_i32, %c0_i32_0 : i32, i32
  }
  func.func @transform_5(%arg0: i32, %arg1: i32) -> (i32, i32) {
    %c0_i32 = arith.constant 0 : i32
    %c0_i32_0 = arith.constant 0 : i32
    %c0_i32_1 = arith.constant 0 : i32
    return %c0_i32, %c0_i32_0 : i32, i32
  }
  func.func @transform_6(%arg0: i32, %arg1: i32) -> (i32, i32, i32) {
    %c0_i32 = arith.constant 0 : i32
    %c0_i32_0 = arith.constant 0 : i32
    return %arg0, %arg1, %c0_i32 : i32, i32, i32
  }
  func.func @transform_7(%arg0: i32, %arg1: i32) -> (i32, i32) {
    %c0_i32 = arith.constant 0 : i32
    %c0_i32_0 = arith.constant 0 : i32
    %c0_i32_1 = arith.constant 0 : i32
    return %c0_i32, %c0_i32_0 : i32, i32
  }
}

module attributes {stable_mosaic.version = 14 : i64} {
  func.func @_mlp_mid_body(%arg0: i32, %arg1: i32, %arg2: memref<1x2048x128xf32, #tpu.memory_space<vmem>>, %arg3: memref<8x128xf32, #tpu.memory_space<vmem>>, %arg4: memref<1x128xf32, #tpu.memory_space<vmem>>, %arg5: memref<1x128xf32, #tpu.memory_space<vmem>>, %arg6: memref<128x128xf32, #tpu.memory_space<vmem>>, %arg7: memref<1x128xf32, #tpu.memory_space<vmem>>, %arg8: memref<1x2048x128xf32, #tpu.memory_space<vmem>>, %arg9: memref<8x128xf32, #tpu.memory_space<vmem>>) attributes {dimension_semantics = [#tpu.dimension_semantics<arbitrary>, #tpu.dimension_semantics<arbitrary>], iteration_bounds = array<i64: 8, 8>, scalar_prefetch = 0 : i64, scratch_operands = 0 : i64, tpu.core_type = #tpu.core_type<tc>, window_params = [{transform_indices = @transform_0, window_bounds = array<i64: 1, 2048, 128>}, {pipeline_mode = #tpu.pipeline_mode<synchronous>, transform_indices = @transform_1, window_bounds = array<i64: 8, 128>}, {pipeline_mode = #tpu.pipeline_mode<synchronous>, transform_indices = @transform_2, window_bounds = array<i64: 1, 128>}, {pipeline_mode = #tpu.pipeline_mode<synchronous>, transform_indices = @transform_3, window_bounds = array<i64: 1, 128>}, {pipeline_mode = #tpu.pipeline_mode<synchronous>, transform_indices = @transform_4, window_bounds = array<i64: 128, 128>}, {pipeline_mode = #tpu.pipeline_mode<synchronous>, transform_indices = @transform_5, window_bounds = array<i64: 1, 128>}, {transform_indices = @transform_6, window_bounds = array<i64: 1, 2048, 128>}, {pipeline_mode = #tpu.pipeline_mode<synchronous>, transform_indices = @transform_7, window_bounds = array<i64: 8, 128>}]} {
    %get3A = arith.constant 0 : index
    %get3A_0 = arith.constant 0 : index
    %get3A_1 = arith.constant 0 : index
    %get3A_2 = vector.load %arg2[%get3A, %get3A_0, %get3A_1] : memref<1x2048x128xf32, #tpu.memory_space<vmem>>, vector<1x2048x128xf32>
    %get3A_3 = vector.shape_cast %get3A_2 : vector<1x2048x128xf32> to vector<2048x128xf32>
    %get3A_4 = arith.constant 0 : index
    %get3A_5 = arith.constant 0 : index
    %get3A_6 = vector.load %arg4[%get3A_4, %get3A_5] : memref<1x128xf32, #tpu.memory_space<vmem>>, vector<1x128xf32>
    %get3A_7 = arith.constant 0 : index
    %get3A_8 = arith.constant 0 : index
    %get3A_9 = vector.load %arg5[%get3A_7, %get3A_8] : memref<1x128xf32, #tpu.memory_space<vmem>>, vector<1x128xf32>
    %get3A_10 = arith.constant 0 : index
    %get3A_11 = arith.constant 0 : index
    %get3A_12 = vector.load %arg3[%get3A_10, %get3A_11] : memref<8x128xf32, #tpu.memory_space<vmem>>, vector<1x128xf32>
    %mul3A = arith.constant 7.62939453E-6 : f32
    %mul3A_13 = vector.broadcast %mul3A : f32 to vector<1x128xf32>
    %mul3A_14 = arith.mulf %get3A_12, %mul3A_13 : vector<1x128xf32>
    %get3A_15 = arith.constant 1 : index
    %get3A_16 = arith.constant 0 : index
    %get3A_17 = vector.load %arg3[%get3A_15, %get3A_16] : memref<8x128xf32, #tpu.memory_space<vmem>>, vector<1x128xf32>
    %mul3A_18 = arith.constant 7.62939453E-6 : f32
    %mul3A_19 = vector.broadcast %mul3A_18 : f32 to vector<1x128xf32>
    %mul3A_20 = arith.mulf %get3A_17, %mul3A_19 : vector<1x128xf32>
    %mul3A_21 = arith.mulf %mul3A_14, %mul3A_14 : vector<1x128xf32>
    %sub3A = arith.subf %mul3A_20, %mul3A_21 : vector<1x128xf32>
    %add3A = arith.constant 9.99999974E-6 : f32
    %add3A_22 = vector.broadcast %add3A : f32 to vector<1x128xf32>
    %add3A_23 = arith.addf %sub3A, %add3A_22 : vector<1x128xf32>
    %rsqrt3A = math.rsqrt %add3A_23 : vector<1x128xf32>
    %mul3A_24 = arith.mulf %rsqrt3A, %get3A_6 : vector<1x128xf32>
    %mul3A_25 = arith.mulf %mul3A_14, %mul3A_24 : vector<1x128xf32>
    %sub3A_26 = arith.subf %get3A_9, %mul3A_25 : vector<1x128xf32>
    %mul3A_27 = vector.broadcast %mul3A_24 : vector<1x128xf32> to vector<2048x128xf32>
    %mul3A_28 = arith.mulf %get3A_3, %mul3A_27 : vector<2048x128xf32>
    %add3A_29 = vector.broadcast %sub3A_26 : vector<1x128xf32> to vector<2048x128xf32>
    %add3A_30 = arith.addf %mul3A_28, %add3A_29 : vector<2048x128xf32>
    %max3A = arith.constant 0.000000e+00 : f32
    %max3A_31 = vector.broadcast %max3A : f32 to vector<2048x128xf32>
    %max3A_32 = arith.maximumf %add3A_30, %max3A_31 : vector<2048x128xf32>
    %get3A_33 = arith.constant 0 : index
    %get3A_34 = arith.constant 0 : index
    %get3A_35 = vector.load %arg6[%get3A_33, %get3A_34] : memref<128x128xf32, #tpu.memory_space<vmem>>, vector<128x128xf32>
    %dot_general3A = arith.constant dense<0.000000e+00> : vector<2048x128xf32>
    %dot_general3A_36 = tpu.matmul %max3A_32, %get3A_35, %dot_general3A {dimension_numbers = #tpu.dot_dimension_numbers<[1], [0], [0], [1], [0, 0, 1, 1], [], []>, transpose_lhs_hint = false} : vector<2048x128xf32>, vector<128x128xf32>, vector<2048x128xf32> -> vector<2048x128xf32>
    %get3A_37 = arith.constant 0 : index
    %get3A_38 = arith.constant 0 : index
    %get3A_39 = vector.load %arg7[%get3A_37, %get3A_38] : memref<1x128xf32, #tpu.memory_space<vmem>>, vector<1x128xf32>
    %add3A_40 = vector.broadcast %get3A_39 : vector<1x128xf32> to vector<2048x128xf32>
    %add3A_41 = arith.addf %dot_general3A_36, %add3A_40 : vector<2048x128xf32>
    %swap3A = arith.constant 0 : index
    %swap3A_42 = arith.constant 0 : index
    %swap3A_43 = arith.constant 0 : index
    %swap3A_44 = vector.load %arg8[%swap3A, %swap3A_42, %swap3A_43] : memref<1x2048x128xf32, #tpu.memory_space<vmem>>, vector<1x2048x128xf32>
    %swap3A_45 = vector.shape_cast %swap3A_44 : vector<1x2048x128xf32> to vector<2048x128xf32>
    %swap3A_46 = vector.shape_cast %add3A_41 : vector<2048x128xf32> to vector<1x2048x128xf32>
    tpu.vector_store %arg8[%swap3A, %swap3A_42, %swap3A_43], %swap3A_46 {strides = array<i32>} : memref<1x2048x128xf32, #tpu.memory_space<vmem>>, vector<1x2048x128xf32>,
    %eq3A = arith.constant 0 : i32
    %eq3A_47 = arith.cmpi eq, %arg0, %eq3A : i32
    %eq3A_48 = arith.constant 0 : i32
    %eq3A_49 = arith.cmpi eq, %arg1, %eq3A_48 : i32
    %and3A = arith.andi %eq3A_47, %eq3A_49 : i1
    %convert_element_type3A = arith.extui %and3A : i1 to i32
    %cond3A = arith.constant 0 : i32
    %cond3A_50 = arith.cmpi ne, %convert_element_type3A, %cond3A : i32
    scf.if %cond3A_50 {
      %broadcast_in_dim3A_70 = arith.constant 0.000000e+00 : f32
      %broadcast_in_dim3A_71 = vector.broadcast %broadcast_in_dim3A_70 : f32 to vector<8x128xf32>
      %swap3A_72 = arith.constant 0 : index
      %swap3A_73 = arith.constant 0 : index
      %swap3A_74 = vector.load %arg9[%swap3A_72, %swap3A_73] : memref<8x128xf32, #tpu.memory_space<vmem>>, vector<8x128xf32>
      tpu.vector_store %arg9[%swap3A_72, %swap3A_73], %broadcast_in_dim3A_71 {strides = array<i32>} : memref<8x128xf32, #tpu.memory_space<vmem>>, vector<8x128xf32>,
    } else {
    }
    %get3A_51 = arith.constant 0 : index
    %get3A_52 = arith.constant 0 : index
    %get3A_53 = vector.load %arg9[%get3A_51, %get3A_52] : memref<8x128xf32, #tpu.memory_space<vmem>>, vector<1x128xf32>
    %reduce_sum3A = arith.constant dense<0.000000e+00> : vector<128xf32>
    %reduce_sum3A_54 = vector.multi_reduction <add>, %add3A_41, %reduce_sum3A [0] : vector<2048x128xf32> to vector<128xf32>
    %broadcast_in_dim3A = vector.shape_cast %reduce_sum3A_54 : vector<128xf32> to vector<1x128xf32>
    %add3A_55 = arith.addf %get3A_53, %broadcast_in_dim3A : vector<1x128xf32>
    %swap3A_56 = arith.constant 0 : index
    %swap3A_57 = arith.constant 0 : index
    %swap3A_58 = vector.load %arg9[%swap3A_56, %swap3A_57] : memref<8x128xf32, #tpu.memory_space<vmem>>, vector<1x128xf32>
    tpu.vector_store %arg9[%swap3A_56, %swap3A_57], %add3A_55 {strides = array<i32>} : memref<8x128xf32, #tpu.memory_space<vmem>>, vector<1x128xf32>,
    %get3A_59 = arith.constant 1 : index
    %get3A_60 = arith.constant 0 : index
    %get3A_61 = vector.load %arg9[%get3A_59, %get3A_60] : memref<8x128xf32, #tpu.memory_space<vmem>>, vector<1x128xf32>
    %mul3A_62 = arith.mulf %add3A_41, %add3A_41 : vector<2048x128xf32>
    %reduce_sum3A_63 = arith.constant dense<0.000000e+00> : vector<128xf32>
    %reduce_sum3A_64 = vector.multi_reduction <add>, %mul3A_62, %reduce_sum3A_63 [0] : vector<2048x128xf32> to vector<128xf32>
    %broadcast_in_dim3A_65 = vector.shape_cast %reduce_sum3A_64 : vector<128xf32> to vector<1x128xf32>
    %add3A_66 = arith.addf %get3A_61, %broadcast_in_dim3A_65 : vector<1x128xf32>
    %swap3A_67 = arith.constant 1 : index
    %swap3A_68 = arith.constant 0 : index
    %swap3A_69 = vector.load %arg9[%swap3A_67, %swap3A_68] : memref<8x128xf32, #tpu.memory_space<vmem>>, vector<1x128xf32>
    tpu.vector_store %arg9[%swap3A_67, %swap3A_68], %add3A_66 {strides = array<i32>} : memref<8x128xf32, #tpu.memory_space<vmem>>, vector<1x128xf32>,
    return
  }
  func.func @transform_0(%arg0: i32, %arg1: i32) -> (i32, i32, i32) {
    %c0_i32 = arith.constant 0 : i32
    %c0_i32_0 = arith.constant 0 : i32
    return %arg0, %arg1, %c0_i32 : i32, i32, i32
  }
  func.func @transform_1(%arg0: i32, %arg1: i32) -> (i32, i32) {
    %c0_i32 = arith.constant 0 : i32
    %c0_i32_0 = arith.constant 0 : i32
    %c0_i32_1 = arith.constant 0 : i32
    return %c0_i32, %c0_i32_0 : i32, i32
  }
  func.func @transform_2(%arg0: i32, %arg1: i32) -> (i32, i32) {
    %c0_i32 = arith.constant 0 : i32
    %c0_i32_0 = arith.constant 0 : i32
    %c0_i32_1 = arith.constant 0 : i32
    return %c0_i32, %c0_i32_0 : i32, i32
  }
  func.func @transform_3(%arg0: i32, %arg1: i32) -> (i32, i32) {
    %c0_i32 = arith.constant 0 : i32
    %c0_i32_0 = arith.constant 0 : i32
    %c0_i32_1 = arith.constant 0 : i32
    return %c0_i32, %c0_i32_0 : i32, i32
  }
  func.func @transform_4(%arg0: i32, %arg1: i32) -> (i32, i32) {
    %c0_i32 = arith.constant 0 : i32
    %c0_i32_0 = arith.constant 0 : i32
    %c0_i32_1 = arith.constant 0 : i32
    return %c0_i32, %c0_i32_0 : i32, i32
  }
  func.func @transform_5(%arg0: i32, %arg1: i32) -> (i32, i32) {
    %c0_i32 = arith.constant 0 : i32
    %c0_i32_0 = arith.constant 0 : i32
    %c0_i32_1 = arith.constant 0 : i32
    return %c0_i32, %c0_i32_0 : i32, i32
  }
  func.func @transform_6(%arg0: i32, %arg1: i32) -> (i32, i32, i32) {
    %c0_i32 = arith.constant 0 : i32
    %c0_i32_0 = arith.constant 0 : i32
    return %arg0, %arg1, %c0_i32 : i32, i32, i32
  }
  func.func @transform_7(%arg0: i32, %arg1: i32) -> (i32, i32) {
    %c0_i32 = arith.constant 0 : i32
    %c0_i32_0 = arith.constant 0 : i32
    %c0_i32_1 = arith.constant 0 : i32
    return %c0_i32, %c0_i32_0 : i32, i32
  }
}

module attributes {stable_mosaic.version = 14 : i64} {
  func.func @_mlp_stat3_body(%arg0: i32, %arg1: i32, %arg2: memref<1x2048x128xf32, #tpu.memory_space<vmem>>, %arg3: memref<8x128xf32, #tpu.memory_space<vmem>>, %arg4: memref<1x128xf32, #tpu.memory_space<vmem>>, %arg5: memref<1x128xf32, #tpu.memory_space<vmem>>, %arg6: memref<128x128xf32, #tpu.memory_space<vmem>>, %arg7: memref<8x128xf32, #tpu.memory_space<vmem>>) attributes {dimension_semantics = [#tpu.dimension_semantics<arbitrary>, #tpu.dimension_semantics<arbitrary>], iteration_bounds = array<i64: 8, 8>, scalar_prefetch = 0 : i64, scratch_operands = 0 : i64, tpu.core_type = #tpu.core_type<tc>, window_params = [{transform_indices = @transform_0, window_bounds = array<i64: 1, 2048, 128>}, {pipeline_mode = #tpu.pipeline_mode<synchronous>, transform_indices = @transform_1, window_bounds = array<i64: 8, 128>}, {pipeline_mode = #tpu.pipeline_mode<synchronous>, transform_indices = @transform_2, window_bounds = array<i64: 1, 128>}, {pipeline_mode = #tpu.pipeline_mode<synchronous>, transform_indices = @transform_3, window_bounds = array<i64: 1, 128>}, {pipeline_mode = #tpu.pipeline_mode<synchronous>, transform_indices = @transform_4, window_bounds = array<i64: 128, 128>}, {pipeline_mode = #tpu.pipeline_mode<synchronous>, transform_indices = @transform_5, window_bounds = array<i64: 8, 128>}]} {
    %get3A = arith.constant 0 : index
    %get3A_0 = arith.constant 0 : index
    %get3A_1 = arith.constant 0 : index
    %get3A_2 = vector.load %arg2[%get3A, %get3A_0, %get3A_1] : memref<1x2048x128xf32, #tpu.memory_space<vmem>>, vector<1x2048x128xf32>
    %get3A_3 = vector.shape_cast %get3A_2 : vector<1x2048x128xf32> to vector<2048x128xf32>
    %get3A_4 = arith.constant 0 : index
    %get3A_5 = arith.constant 0 : index
    %get3A_6 = vector.load %arg4[%get3A_4, %get3A_5] : memref<1x128xf32, #tpu.memory_space<vmem>>, vector<1x128xf32>
    %get3A_7 = arith.constant 0 : index
    %get3A_8 = arith.constant 0 : index
    %get3A_9 = vector.load %arg5[%get3A_7, %get3A_8] : memref<1x128xf32, #tpu.memory_space<vmem>>, vector<1x128xf32>
    %get3A_10 = arith.constant 0 : index
    %get3A_11 = arith.constant 0 : index
    %get3A_12 = vector.load %arg3[%get3A_10, %get3A_11] : memref<8x128xf32, #tpu.memory_space<vmem>>, vector<1x128xf32>
    %mul3A = arith.constant 7.62939453E-6 : f32
    %mul3A_13 = vector.broadcast %mul3A : f32 to vector<1x128xf32>
    %mul3A_14 = arith.mulf %get3A_12, %mul3A_13 : vector<1x128xf32>
    %get3A_15 = arith.constant 1 : index
    %get3A_16 = arith.constant 0 : index
    %get3A_17 = vector.load %arg3[%get3A_15, %get3A_16] : memref<8x128xf32, #tpu.memory_space<vmem>>, vector<1x128xf32>
    %mul3A_18 = arith.constant 7.62939453E-6 : f32
    %mul3A_19 = vector.broadcast %mul3A_18 : f32 to vector<1x128xf32>
    %mul3A_20 = arith.mulf %get3A_17, %mul3A_19 : vector<1x128xf32>
    %mul3A_21 = arith.mulf %mul3A_14, %mul3A_14 : vector<1x128xf32>
    %sub3A = arith.subf %mul3A_20, %mul3A_21 : vector<1x128xf32>
    %add3A = arith.constant 9.99999974E-6 : f32
    %add3A_22 = vector.broadcast %add3A : f32 to vector<1x128xf32>
    %add3A_23 = arith.addf %sub3A, %add3A_22 : vector<1x128xf32>
    %rsqrt3A = math.rsqrt %add3A_23 : vector<1x128xf32>
    %mul3A_24 = arith.mulf %rsqrt3A, %get3A_6 : vector<1x128xf32>
    %mul3A_25 = arith.mulf %mul3A_14, %mul3A_24 : vector<1x128xf32>
    %sub3A_26 = arith.subf %get3A_9, %mul3A_25 : vector<1x128xf32>
    %mul3A_27 = vector.broadcast %mul3A_24 : vector<1x128xf32> to vector<2048x128xf32>
    %mul3A_28 = arith.mulf %get3A_3, %mul3A_27 : vector<2048x128xf32>
    %add3A_29 = vector.broadcast %sub3A_26 : vector<1x128xf32> to vector<2048x128xf32>
    %add3A_30 = arith.addf %mul3A_28, %add3A_29 : vector<2048x128xf32>
    %max3A = arith.constant 0.000000e+00 : f32
    %max3A_31 = vector.broadcast %max3A : f32 to vector<2048x128xf32>
    %max3A_32 = arith.maximumf %add3A_30, %max3A_31 : vector<2048x128xf32>
    %eq3A = arith.constant 0 : i32
    %eq3A_33 = arith.cmpi eq, %arg0, %eq3A : i32
    %eq3A_34 = arith.constant 0 : i32
    %eq3A_35 = arith.cmpi eq, %arg1, %eq3A_34 : i32
    %and3A = arith.andi %eq3A_33, %eq3A_35 : i1
    %convert_element_type3A = arith.extui %and3A : i1 to i32
    %cond3A = arith.constant 0 : i32
    %cond3A_36 = arith.cmpi ne, %convert_element_type3A, %cond3A : i32
    scf.if %cond3A_36 {
      %broadcast_in_dim3A_52 = arith.constant 0.000000e+00 : f32
      %broadcast_in_dim3A_53 = vector.broadcast %broadcast_in_dim3A_52 : f32 to vector<128x128xf32>
      %swap3A_54 = arith.constant 0 : index
      %swap3A_55 = arith.constant 0 : index
      %swap3A_56 = vector.load %arg6[%swap3A_54, %swap3A_55] : memref<128x128xf32, #tpu.memory_space<vmem>>, vector<128x128xf32>
      tpu.vector_store %arg6[%swap3A_54, %swap3A_55], %broadcast_in_dim3A_53 {strides = array<i32>} : memref<128x128xf32, #tpu.memory_space<vmem>>, vector<128x128xf32>,
      %broadcast_in_dim3A_57 = arith.constant 0.000000e+00 : f32
      %broadcast_in_dim3A_58 = vector.broadcast %broadcast_in_dim3A_57 : f32 to vector<8x128xf32>
      %swap3A_59 = arith.constant 0 : index
      %swap3A_60 = arith.constant 0 : index
      %swap3A_61 = vector.load %arg7[%swap3A_59, %swap3A_60] : memref<8x128xf32, #tpu.memory_space<vmem>>, vector<8x128xf32>
      tpu.vector_store %arg7[%swap3A_59, %swap3A_60], %broadcast_in_dim3A_58 {strides = array<i32>} : memref<8x128xf32, #tpu.memory_space<vmem>>, vector<8x128xf32>,
    } else {
    }
    %get3A_37 = arith.constant 0 : index
    %get3A_38 = arith.constant 0 : index
    %get3A_39 = vector.load %arg6[%get3A_37, %get3A_38] : memref<128x128xf32, #tpu.memory_space<vmem>>, vector<128x128xf32>
    %dot_general3A = arith.constant dense<0.000000e+00> : vector<128x128xf32>
    %dot_general3A_40 = tpu.matmul %max3A_32, %max3A_32, %dot_general3A {dimension_numbers = #tpu.dot_dimension_numbers<[0], [0], [1], [1], [0, 1, 1, 1], [], []>, transpose_lhs_hint = false} : vector<2048x128xf32>, vector<2048x128xf32>, vector<128x128xf32> -> vector<128x128xf32>
    %add3A_41 = arith.addf %get3A_39, %dot_general3A_40 : vector<128x128xf32>
    %swap3A = arith.constant 0 : index
    %swap3A_42 = arith.constant 0 : index
    %swap3A_43 = vector.load %arg6[%swap3A, %swap3A_42] : memref<128x128xf32, #tpu.memory_space<vmem>>, vector<128x128xf32>
    tpu.vector_store %arg6[%swap3A, %swap3A_42], %add3A_41 {strides = array<i32>} : memref<128x128xf32, #tpu.memory_space<vmem>>, vector<128x128xf32>,
    %get3A_44 = arith.constant 0 : index
    %get3A_45 = arith.constant 0 : index
    %get3A_46 = vector.load %arg7[%get3A_44, %get3A_45] : memref<8x128xf32, #tpu.memory_space<vmem>>, vector<1x128xf32>
    %reduce_sum3A = arith.constant dense<0.000000e+00> : vector<128xf32>
    %reduce_sum3A_47 = vector.multi_reduction <add>, %max3A_32, %reduce_sum3A [0] : vector<2048x128xf32> to vector<128xf32>
    %broadcast_in_dim3A = vector.shape_cast %reduce_sum3A_47 : vector<128xf32> to vector<1x128xf32>
    %add3A_48 = arith.addf %get3A_46, %broadcast_in_dim3A : vector<1x128xf32>
    %swap3A_49 = arith.constant 0 : index
    %swap3A_50 = arith.constant 0 : index
    %swap3A_51 = vector.load %arg7[%swap3A_49, %swap3A_50] : memref<8x128xf32, #tpu.memory_space<vmem>>, vector<1x128xf32>
    tpu.vector_store %arg7[%swap3A_49, %swap3A_50], %add3A_48 {strides = array<i32>} : memref<8x128xf32, #tpu.memory_space<vmem>>, vector<1x128xf32>,
    return
  }
  func.func @transform_0(%arg0: i32, %arg1: i32) -> (i32, i32, i32) {
    %c0_i32 = arith.constant 0 : i32
    %c0_i32_0 = arith.constant 0 : i32
    return %arg0, %arg1, %c0_i32 : i32, i32, i32
  }
  func.func @transform_1(%arg0: i32, %arg1: i32) -> (i32, i32) {
    %c0_i32 = arith.constant 0 : i32
    %c0_i32_0 = arith.constant 0 : i32
    %c0_i32_1 = arith.constant 0 : i32
    return %c0_i32, %c0_i32_0 : i32, i32
  }
  func.func @transform_2(%arg0: i32, %arg1: i32) -> (i32, i32) {
    %c0_i32 = arith.constant 0 : i32
    %c0_i32_0 = arith.constant 0 : i32
    %c0_i32_1 = arith.constant 0 : i32
    return %c0_i32, %c0_i32_0 : i32, i32
  }
  func.func @transform_3(%arg0: i32, %arg1: i32) -> (i32, i32) {
    %c0_i32 = arith.constant 0 : i32
    %c0_i32_0 = arith.constant 0 : i32
    %c0_i32_1 = arith.constant 0 : i32
    return %c0_i32, %c0_i32_0 : i32, i32
  }
  func.func @transform_4(%arg0: i32, %arg1: i32) -> (i32, i32) {
    %c0_i32 = arith.constant 0 : i32
    %c0_i32_0 = arith.constant 0 : i32
    %c0_i32_1 = arith.constant 0 : i32
    return %c0_i32, %c0_i32_0 : i32, i32
  }
  func.func @transform_5(%arg0: i32, %arg1: i32) -> (i32, i32) {
    %c0_i32 = arith.constant 0 : i32
    %c0_i32_0 = arith.constant 0 : i32
    %c0_i32_1 = arith.constant 0 : i32
    return %c0_i32, %c0_i32_0 : i32, i32
  }
}

module attributes {stable_mosaic.version = 14 : i64} {
  func.func @_mlp_final_body(%arg0: i32, %arg1: i32, %arg2: memref<1x2048x128xf32, #tpu.memory_space<vmem>>, %arg3: memref<8x128xf32, #tpu.memory_space<vmem>>, %arg4: memref<1x128xf32, #tpu.memory_space<vmem>>, %arg5: memref<1x128xf32, #tpu.memory_space<vmem>>, %arg6: memref<128x256xf32, #tpu.memory_space<vmem>>, %arg7: memref<1x256xf32, #tpu.memory_space<vmem>>, %arg8: memref<128x128xf32, #tpu.memory_space<vmem>>, %arg9: memref<8x128xf32, #tpu.memory_space<vmem>>, %arg10: memref<1x256xf32, #tpu.memory_space<vmem>>, %arg11: memref<1x256xf32, #tpu.memory_space<vmem>>, %arg12: memref<1x64x256xf32, #tpu.memory_space<vmem>>) attributes {dimension_semantics = [#tpu.dimension_semantics<arbitrary>, #tpu.dimension_semantics<arbitrary>], iteration_bounds = array<i64: 8, 8>, scalar_prefetch = 0 : i64, scratch_operands = 0 : i64, tpu.core_type = #tpu.core_type<tc>, window_params = [{transform_indices = @transform_0, window_bounds = array<i64: 1, 2048, 128>}, {pipeline_mode = #tpu.pipeline_mode<synchronous>, transform_indices = @transform_1, window_bounds = array<i64: 8, 128>}, {pipeline_mode = #tpu.pipeline_mode<synchronous>, transform_indices = @transform_2, window_bounds = array<i64: 1, 128>}, {pipeline_mode = #tpu.pipeline_mode<synchronous>, transform_indices = @transform_3, window_bounds = array<i64: 1, 128>}, {pipeline_mode = #tpu.pipeline_mode<synchronous>, transform_indices = @transform_4, window_bounds = array<i64: 128, 256>}, {pipeline_mode = #tpu.pipeline_mode<synchronous>, transform_indices = @transform_5, window_bounds = array<i64: 1, 256>}, {pipeline_mode = #tpu.pipeline_mode<synchronous>, transform_indices = @transform_6, window_bounds = array<i64: 128, 128>}, {pipeline_mode = #tpu.pipeline_mode<synchronous>, transform_indices = @transform_7, window_bounds = array<i64: 8, 128>}, {pipeline_mode = #tpu.pipeline_mode<synchronous>, transform_indices = @transform_8, window_bounds = array<i64: 1, 256>}, {pipeline_mode = #tpu.pipeline_mode<synchronous>, transform_indices = @transform_9, window_bounds = array<i64: 1, 256>}, {transform_indices = @transform_10, window_bounds = array<i64: 1, 64, 256>}]} {
    %get3A = arith.constant 0 : index
    %get3A_0 = arith.constant 0 : index
    %get3A_1 = arith.constant 0 : index
    %get3A_2 = vector.load %arg2[%get3A, %get3A_0, %get3A_1] : memref<1x2048x128xf32, #tpu.memory_space<vmem>>, vector<1x2048x128xf32>
    %get3A_3 = vector.shape_cast %get3A_2 : vector<1x2048x128xf32> to vector<2048x128xf32>
    %get3A_4 = arith.constant 0 : index
    %get3A_5 = arith.constant 0 : index
    %get3A_6 = vector.load %arg4[%get3A_4, %get3A_5] : memref<1x128xf32, #tpu.memory_space<vmem>>, vector<1x128xf32>
    %get3A_7 = arith.constant 0 : index
    %get3A_8 = arith.constant 0 : index
    %get3A_9 = vector.load %arg5[%get3A_7, %get3A_8] : memref<1x128xf32, #tpu.memory_space<vmem>>, vector<1x128xf32>
    %get3A_10 = arith.constant 0 : index
    %get3A_11 = arith.constant 0 : index
    %get3A_12 = vector.load %arg3[%get3A_10, %get3A_11] : memref<8x128xf32, #tpu.memory_space<vmem>>, vector<1x128xf32>
    %mul3A = arith.constant 7.62939453E-6 : f32
    %mul3A_13 = vector.broadcast %mul3A : f32 to vector<1x128xf32>
    %mul3A_14 = arith.mulf %get3A_12, %mul3A_13 : vector<1x128xf32>
    %get3A_15 = arith.constant 1 : index
    %get3A_16 = arith.constant 0 : index
    %get3A_17 = vector.load %arg3[%get3A_15, %get3A_16] : memref<8x128xf32, #tpu.memory_space<vmem>>, vector<1x128xf32>
    %mul3A_18 = arith.constant 7.62939453E-6 : f32
    %mul3A_19 = vector.broadcast %mul3A_18 : f32 to vector<1x128xf32>
    %mul3A_20 = arith.mulf %get3A_17, %mul3A_19 : vector<1x128xf32>
    %mul3A_21 = arith.mulf %mul3A_14, %mul3A_14 : vector<1x128xf32>
    %sub3A = arith.subf %mul3A_20, %mul3A_21 : vector<1x128xf32>
    %add3A = arith.constant 9.99999974E-6 : f32
    %add3A_22 = vector.broadcast %add3A : f32 to vector<1x128xf32>
    %add3A_23 = arith.addf %sub3A, %add3A_22 : vector<1x128xf32>
    %rsqrt3A = math.rsqrt %add3A_23 : vector<1x128xf32>
    %mul3A_24 = arith.mulf %rsqrt3A, %get3A_6 : vector<1x128xf32>
    %mul3A_25 = arith.mulf %mul3A_14, %mul3A_24 : vector<1x128xf32>
    %sub3A_26 = arith.subf %get3A_9, %mul3A_25 : vector<1x128xf32>
    %mul3A_27 = vector.broadcast %mul3A_24 : vector<1x128xf32> to vector<2048x128xf32>
    %mul3A_28 = arith.mulf %get3A_3, %mul3A_27 : vector<2048x128xf32>
    %add3A_29 = vector.broadcast %sub3A_26 : vector<1x128xf32> to vector<2048x128xf32>
    %add3A_30 = arith.addf %mul3A_28, %add3A_29 : vector<2048x128xf32>
    %max3A = arith.constant 0.000000e+00 : f32
    %max3A_31 = vector.broadcast %max3A : f32 to vector<2048x128xf32>
    %max3A_32 = arith.maximumf %add3A_30, %max3A_31 : vector<2048x128xf32>
    %get3A_33 = arith.constant 0 : index
    %get3A_34 = arith.constant 0 : index
    %get3A_35 = vector.load %arg6[%get3A_33, %get3A_34] : memref<128x256xf32, #tpu.memory_space<vmem>>, vector<128x256xf32>
    %dot_general3A = arith.constant dense<0.000000e+00> : vector<2048x256xf32>
    %dot_general3A_36 = tpu.matmul %max3A_32, %get3A_35, %dot_general3A {dimension_numbers = #tpu.dot_dimension_numbers<[1], [0], [0], [1], [0, 0, 1, 1], [], []>, transpose_lhs_hint = false} : vector<2048x128xf32>, vector<128x256xf32>, vector<2048x256xf32> -> vector<2048x256xf32>
    %get3A_37 = arith.constant 0 : index
    %get3A_38 = arith.constant 0 : index
    %get3A_39 = vector.load %arg7[%get3A_37, %get3A_38] : memref<1x256xf32, #tpu.memory_space<vmem>>, vector<1x256xf32>
    %add3A_40 = vector.broadcast %get3A_39 : vector<1x256xf32> to vector<2048x256xf32>
    %add3A_41 = arith.addf %dot_general3A_36, %add3A_40 : vector<2048x256xf32>
    %get3A_42 = arith.constant 0 : index
    %get3A_43 = arith.constant 0 : index
    %get3A_44 = vector.load %arg9[%get3A_42, %get3A_43] : memref<8x128xf32, #tpu.memory_space<vmem>>, vector<1x128xf32>
    %dot_general3A_45 = arith.constant dense<0.000000e+00> : vector<1x256xf32>
    %dot_general3A_46 = tpu.matmul %get3A_44, %get3A_35, %dot_general3A_45 {dimension_numbers = #tpu.dot_dimension_numbers<[1], [0], [0], [1], [0, 0, 1, 1], [], []>, transpose_lhs_hint = false} : vector<1x128xf32>, vector<128x256xf32>, vector<1x256xf32> -> vector<1x256xf32>
    %mul3A_47 = arith.constant 7.62939453E-6 : f32
    %mul3A_48 = vector.broadcast %mul3A_47 : f32 to vector<1x256xf32>
    %mul3A_49 = arith.mulf %dot_general3A_46, %mul3A_48 : vector<1x256xf32>
    %get3A_50 = arith.constant 0 : index
    %get3A_51 = arith.constant 0 : index
    %get3A_52 = vector.load %arg8[%get3A_50, %get3A_51] : memref<128x128xf32, #tpu.memory_space<vmem>>, vector<128x128xf32>
    %dot_general3A_53 = arith.constant dense<0.000000e+00> : vector<128x256xf32>
    %dot_general3A_54 = tpu.matmul %get3A_52, %get3A_35, %dot_general3A_53 {dimension_numbers = #tpu.dot_dimension_numbers<[1], [0], [0], [1], [0, 0, 1, 1], [], []>, transpose_lhs_hint = false} : vector<128x128xf32>, vector<128x256xf32>, vector<128x256xf32> -> vector<128x256xf32>
    %mul3A_55 = arith.mulf %get3A_35, %dot_general3A_54 : vector<128x256xf32>
    %reduce_sum3A = arith.constant dense<0.000000e+00> : vector<256xf32>
    %reduce_sum3A_56 = vector.multi_reduction <add>, %mul3A_55, %reduce_sum3A [0] : vector<128x256xf32> to vector<256xf32>
    %broadcast_in_dim3A = vector.shape_cast %reduce_sum3A_56 : vector<256xf32> to vector<1x256xf32>
    %mul3A_57 = arith.constant 7.62939453E-6 : f32
    %mul3A_58 = vector.broadcast %mul3A_57 : f32 to vector<1x256xf32>
    %mul3A_59 = arith.mulf %broadcast_in_dim3A, %mul3A_58 : vector<1x256xf32>
    %get3A_60 = arith.constant 0 : index
    %get3A_61 = arith.constant 0 : index
    %get3A_62 = vector.load %arg7[%get3A_60, %get3A_61] : memref<1x256xf32, #tpu.memory_space<vmem>>, vector<1x256xf32>
    %add3A_63 = arith.addf %mul3A_49, %get3A_62 : vector<1x256xf32>
    %mul3A_64 = arith.mulf %mul3A_49, %mul3A_49 : vector<1x256xf32>
    %sub3A_65 = arith.subf %mul3A_59, %mul3A_64 : vector<1x256xf32>
    %add3A_66 = arith.constant 9.99999974E-6 : f32
    %add3A_67 = vector.broadcast %add3A_66 : f32 to vector<1x256xf32>
    %add3A_68 = arith.addf %sub3A_65, %add3A_67 : vector<1x256xf32>
    %rsqrt3A_69 = math.rsqrt %add3A_68 : vector<1x256xf32>
    %get3A_70 = arith.constant 0 : index
    %get3A_71 = arith.constant 0 : index
    %get3A_72 = vector.load %arg10[%get3A_70, %get3A_71] : memref<1x256xf32, #tpu.memory_space<vmem>>, vector<1x256xf32>
    %mul3A_73 = arith.mulf %rsqrt3A_69, %get3A_72 : vector<1x256xf32>
    %get3A_74 = arith.constant 0 : index
    %get3A_75 = arith.constant 0 : index
    %get3A_76 = vector.load %arg11[%get3A_74, %get3A_75] : memref<1x256xf32, #tpu.memory_space<vmem>>, vector<1x256xf32>
    %mul3A_77 = arith.mulf %add3A_63, %mul3A_73 : vector<1x256xf32>
    %sub3A_78 = arith.subf %get3A_76, %mul3A_77 : vector<1x256xf32>
    %mul3A_79 = vector.broadcast %mul3A_73 : vector<1x256xf32> to vector<2048x256xf32>
    %mul3A_80 = arith.mulf %add3A_41, %mul3A_79 : vector<2048x256xf32>
    %add3A_81 = vector.broadcast %sub3A_78 : vector<1x256xf32> to vector<2048x256xf32>
    %add3A_82 = arith.addf %mul3A_80, %add3A_81 : vector<2048x256xf32>
    %max3A_83 = arith.constant 0.000000e+00 : f32
    %max3A_84 = vector.broadcast %max3A_83 : f32 to vector<2048x256xf32>
    %max3A_85 = arith.maximumf %add3A_82, %max3A_84 : vector<2048x256xf32>
    %reshape3A = vector.shape_cast %max3A_85 : vector<2048x256xf32> to vector<64x32x256xf32>
    %reduce_max3A = arith.constant dense<0xFF800000> : vector<64x256xf32>
    %reduce_max3A_86 = vector.multi_reduction <maximumf>, %reshape3A, %reduce_max3A [1] : vector<64x32x256xf32> to vector<64x256xf32>
    %swap3A = arith.constant 0 : index
    %swap3A_87 = arith.constant 0 : index
    %swap3A_88 = arith.constant 0 : index
    %swap3A_89 = vector.load %arg12[%swap3A, %swap3A_87, %swap3A_88] : memref<1x64x256xf32, #tpu.memory_space<vmem>>, vector<1x64x256xf32>
    %swap3A_90 = vector.shape_cast %swap3A_89 : vector<1x64x256xf32> to vector<64x256xf32>
    %swap3A_91 = vector.shape_cast %reduce_max3A_86 : vector<64x256xf32> to vector<1x64x256xf32>
    tpu.vector_store %arg12[%swap3A, %swap3A_87, %swap3A_88], %swap3A_91 {strides = array<i32>} : memref<1x64x256xf32, #tpu.memory_space<vmem>>, vector<1x64x256xf32>,
    return
  }
  func.func @transform_0(%arg0: i32, %arg1: i32) -> (i32, i32, i32) {
    %c0_i32 = arith.constant 0 : i32
    %c0_i32_0 = arith.constant 0 : i32
    return %arg0, %arg1, %c0_i32 : i32, i32, i32
  }
  func.func @transform_1(%arg0: i32, %arg1: i32) -> (i32, i32) {
    %c0_i32 = arith.constant 0 : i32
    %c0_i32_0 = arith.constant 0 : i32
    %c0_i32_1 = arith.constant 0 : i32
    return %c0_i32, %c0_i32_0 : i32, i32
  }
  func.func @transform_2(%arg0: i32, %arg1: i32) -> (i32, i32) {
    %c0_i32 = arith.constant 0 : i32
    %c0_i32_0 = arith.constant 0 : i32
    %c0_i32_1 = arith.constant 0 : i32
    return %c0_i32, %c0_i32_0 : i32, i32
  }
  func.func @transform_3(%arg0: i32, %arg1: i32) -> (i32, i32) {
    %c0_i32 = arith.constant 0 : i32
    %c0_i32_0 = arith.constant 0 : i32
    %c0_i32_1 = arith.constant 0 : i32
    return %c0_i32, %c0_i32_0 : i32, i32
  }
  func.func @transform_4(%arg0: i32, %arg1: i32) -> (i32, i32) {
    %c0_i32 = arith.constant 0 : i32
    %c0_i32_0 = arith.constant 0 : i32
    %c0_i32_1 = arith.constant 0 : i32
    return %c0_i32, %c0_i32_0 : i32, i32
  }
  func.func @transform_5(%arg0: i32, %arg1: i32) -> (i32, i32) {
    %c0_i32 = arith.constant 0 : i32
    %c0_i32_0 = arith.constant 0 : i32
    %c0_i32_1 = arith.constant 0 : i32
    return %c0_i32, %c0_i32_0 : i32, i32
  }
  func.func @transform_6(%arg0: i32, %arg1: i32) -> (i32, i32) {
    %c0_i32 = arith.constant 0 : i32
    %c0_i32_0 = arith.constant 0 : i32
    %c0_i32_1 = arith.constant 0 : i32
    return %c0_i32, %c0_i32_0 : i32, i32
  }
  func.func @transform_7(%arg0: i32, %arg1: i32) -> (i32, i32) {
    %c0_i32 = arith.constant 0 : i32
    %c0_i32_0 = arith.constant 0 : i32
    %c0_i32_1 = arith.constant 0 : i32
    return %c0_i32, %c0_i32_0 : i32, i32
  }
  func.func @transform_8(%arg0: i32, %arg1: i32) -> (i32, i32) {
    %c0_i32 = arith.constant 0 : i32
    %c0_i32_0 = arith.constant 0 : i32
    %c0_i32_1 = arith.constant 0 : i32
    return %c0_i32, %c0_i32_0 : i32, i32
  }
  func.func @transform_9(%arg0: i32, %arg1: i32) -> (i32, i32) {
    %c0_i32 = arith.constant 0 : i32
    %c0_i32_0 = arith.constant 0 : i32
    %c0_i32_1 = arith.constant 0 : i32
    return %c0_i32, %c0_i32_0 : i32, i32
  }
  func.func @transform_10(%arg0: i32, %arg1: i32) -> (i32, i32, i32) {
    %c0_i32 = arith.constant 0 : i32
    %c0_i32_0 = arith.constant 0 : i32
    return %arg0, %arg1, %c0_i32 : i32, i32, i32
  }
}

</mosaic_0001>

<sc_bundles>
// kernel: kernel.9.cloned.1.call-start
scs
__scs_entry_jumppad:
0x0: {  	(pc) =	sbr.rel $0x88, $3  }
0x1: {  	(tag) =	ssettag $0x0;
	lr =	simm.s32 $0x1  }
0x2: {  	[smem:$0x3F93] =	sst lr;
	_ =	strace $0xD0000000  }
0x3: {  	_ = 	snop  }
0x4: {  	_ = 	snop  }
0x5: {  	_ = 	snop  }
0x6: {  	_ = 	snop  }
0x7: {  	_ = 	snop  }
__scs_overlays_trampoline_lowered:
0x8: {  	[smem:$0x3FA2] =	sst s0  }
0x9: {  	[smem:$0x3FA3] =	sst s1  }
0xa: {  	[smem:$0x3FA4] =	sst s2  }
0xb: {  	[smem:$0x3FA5] =	sst s3  }
0xc: {  	[smem:$0x3FA6] =	sst s4  }
0xd: {  	[smem:$0x3FA7] =	sst s5  }
0xe: {  	[smem:$0x3FA8] =	sst s6  }
0xf: {  	[smem:$0x3FA9] =	sst s7  }
0x10: {  	[smem:$0x3FAA] =	sst s8  }
0x11: {  	[smem:$0x3FAB] =	sst s9;
	s0 =	simm.s32 @!p0 $0x0  }
0x12: {  	s1 =	sld [smem:$0x3F91];
	s0 =	simm.s32 @p0 $0x1  }
0x13: {  	[smem:$0x3FAC] =	sst s0;
	s0 =	simm.s32 @!p1 $0x0  }
0x14: {  	s2 =	sld [smem:$0x3F90];
	s0 =	simm.s32 @p1 $0x1  }
0x15: {  	[smem:$0x3FAD] =	sst s0;
	s0 =	simm.s32 @!p2 $0x0  }
0x16: {  	s3 =	sld [smem:$0x3FDB];
	s0 =	simm.s32 @p2 $0x1  }
0x17: {  	s4 =	simm.s32 $0x1BF5;
	[smem:$0x3FAF] =	sst s0  }
0x18: {  	s0 =	sld [smem:$0x3F92];
	_ =	swait.ge [sflag:s4], $0x0  }
0x19: {  	s7 =	sld [smem:$0x3F93]  }
0x1a: {  	s8 =	sadd.s32 $0xFFFFE003, lr  }
0x1b: {  	s9 =	sadd.s32 $0xFFFFFEF7, lr;
	s5 =	simm.s32 $0xFFFFFFFF;
	p2 =	slt.u32 s8, $0xFFFFF086  }
0x1c: {  	p1 =	slt.u32 s9, $0xF7A;
	s5 =	simm.s32 @!p2 $0x0  }
0x1d: {  	s5 =	simm.s32 @p1 $0x1;
	p0 =	seq.s32 s7, s2  }
0x1e: {  	s7 =	smul.u32 @!p0 $0xF7A, s2;
	p2 =	seq.s32 @!p0 s5, $0x0  }
0x1f: {  	s9 =	smul.u32 $0xF7A, s1;
	s8 =	simm.s32 @!p0 $0x1BF5;
	p2 =	por !p2, p0  }
0x20: {  	[sflag:s8] =	ssyncset.s32 @!p0 $0xFFFFF086;
	s6 =	sadd.s32 @!p0 s3, s7;
	s7 =	simm.s32 @!p0 $0x108  }
0x21: {  	s3 =	sadd.s32 s3, s9;
	s6 =	sadd.s32 @!p0 $0x88, s6;
	s7 =	simm.s32 @p2 $0x1082  }
0x22: {  	[simem:s7], [sflag:s8] =	dma.local @!p0 [hbm:s6], $0xF7A  }
0x23: {  	s9 =	sor.u32 $0xD0000000, s2;
	s6 =	simm.s32 $0x108;
	_ =	swait.ge @!p0 [sflag:s8], $0x0  }
0x24: {  	s3 =	sadd.s32 $0x88, s3;
	s6 =	simm.s32 @!p1 $0x1082;
	[sflag:s4] =	ssyncset.s32 $0xFFFFF086  }
0x25: {  	[simem:s6], [sflag:s4] =	dma.local [hbm:s3], $0xF7A  }
0x26: {  	[smem:$0x3F93] =	sst s1;
	(tag) =	ssettag s2;
	_ =	strace s9  }
0x27: {  	s1 =	sld [smem:$0x3FA3]  }
0x28: {  	s2 =	sld [smem:$0x3FA4]  }
0x29: {  	s4 =	sld [smem:$0x3FA6]  }
0x2a: {  	p0 =	seq.s32 s5, $0x0;
	s5 =	sld [smem:$0x3FA7]  }
0x2b: {  	s6 =	sld [smem:$0x3FA8]  }
0x2c: {  	s7 =	sld [smem:$0x3FA9]  }
0x2d: {  	s3 =	simm.s32 $0x108;
	s8 =	sld [smem:$0x3FAA]  }
0x2e: {  	s3 =	simm.s32 @!p0 $0x1082;
	s9 =	sld [smem:$0x3FAB]  }
0x2f: {  	lr =	sadd.s32 s0, s3;
	s0 =	sld [smem:$0x3FA2]  }
0x30: {  	s3 =	sld [smem:$0x3FA5]  }
0x31: {  	[smem:$0x3FAE] =	sst s10  }
0x32: {  	s10 =	sld [smem:$0x3FAC];
	_ =	sdelay $0x3  }
0x33: {  	p0 =	seq.s32 s10, $0x1;
	s10 =	sld [smem:$0x3FAE];
	_ =	sdelay $0x3  }
0x34: {  	[smem:$0x3FAE] =	sst s10  }
0x35: {  	s10 =	sld [smem:$0x3FAD];
	_ =	sdelay $0x3  }
0x36: {  	p1 =	seq.s32 s10, $0x1;
	s10 =	sld [smem:$0x3FAE];
	_ =	sdelay $0x3  }
0x37: {  	[smem:$0x3FAE] =	sst s10  }
0x38: {  	s10 =	sld [smem:$0x3FAF]  }
0x39: {  	_ = 	snop;
	(pc) =	sbr.ind lr, $3  }
0x3a: {  	_ = 	snop  }
0x3b: {  	_ = 	snop  }
0x3c: {  	p2 =	seq.s32 s10, $0x1;
	s10 =	sld [smem:$0x3FAE]  }
0x3d: {  	_ =	shalt  }
0x3e: {  	_ =	shalt  }
0x3f: {  	_ =	shalt  }
0x40: {  	_ =	shalt  }
0x41: {  	_ =	shalt  }
0x42: {  	_ =	shalt  }
0x43: {  	_ =	shalt  }
0x44: {  	_ =	shalt  }
0x45: {  	_ =	shalt  }
0x46: {  	_ =	shalt  }
0x47: {  	_ =	shalt  }
0x48: {  	_ =	shalt  }
0x49: {  	_ =	shalt  }
0x4a: {  	_ =	shalt  }
0x4b: {  	_ =	shalt  }
0x4c: {  	_ =	shalt  }
0x4d: {  	_ =	shalt  }
0x4e: {  	_ =	shalt  }
0x4f: {  	_ =	shalt  }
0x50: {  	_ =	shalt  }
0x51: {  	_ =	shalt  }
0x52: {  	_ =	shalt  }
0x53: {  	_ =	shalt  }
0x54: {  	_ =	shalt  }
0x55: {  	_ =	shalt  }
0x56: {  	_ =	shalt  }
0x57: {  	_ =	shalt  }
0x58: {  	_ =	shalt  }
0x59: {  	_ =	shalt  }
0x5a: {  	_ =	shalt  }
0x5b: {  	_ =	shalt  }
0x5c: {  	_ =	shalt  }
0x5d: {  	_ =	shalt  }
0x5e: {  	_ =	shalt  }
0x5f: {  	_ =	shalt  }
0x60: {  	_ =	shalt  }
0x61: {  	_ =	shalt  }
0x62: {  	_ =	shalt  }
0x63: {  	_ =	shalt  }
0x64: {  	_ =	shalt  }
0x65: {  	_ =	shalt  }
0x66: {  	_ =	shalt  }
0x67: {  	_ =	shalt  }
0x68: {  	_ =	shalt  }
0x69: {  	_ =	shalt  }
0x6a: {  	_ =	shalt  }
0x6b: {  	_ =	shalt  }
0x6c: {  	_ =	shalt  }
0x6d: {  	_ =	shalt  }
0x6e: {  	_ =	shalt  }
0x6f: {  	_ =	shalt  }
0x70: {  	_ =	shalt  }
0x71: {  	_ =	shalt  }
0x72: {  	_ =	shalt  }
0x73: {  	_ =	shalt  }
0x74: {  	_ =	shalt  }
0x75: {  	_ =	shalt  }
0x76: {  	_ =	shalt  }
0x77: {  	_ =	shalt  }
0x78: {  	_ =	shalt  }
0x79: {  	_ =	shalt  }
0x7a: {  	_ =	shalt  }
0x7b: {  	_ =	shalt  }
0x7c: {  	_ =	shalt  }
0x7d: {  	_ =	shalt  }
0x7e: {  	_ =	shalt  }
0x7f: {  	_ =	shalt  }
0x80: {  	_ =	shalt  }
0x81: {  	_ =	shalt  }
0x82: {  	_ =	shalt  }
0x83: {  	_ =	shalt  }
0x84: {  	_ =	shalt  }
0x85: {  	_ =	shalt  }
0x86: {  	_ =	shalt  }
0x87: {  	_ =	shalt  }
.Lfunc_end0:
.L_simem_size_0:
called_computation_lowered:
.L_overlay_start_0:
0x88: {  	s2 =	sld [smem:$0x3FD9]  }
0x89: {  	s3 =	sld [smem:$0x3FFE];
	_ =	sdelay $0x1  }
0x8a: {  	s1 =	srdreg.scid  }
0x8b: {  	s0 =	sand.u32 $0x1, s1  }
0x8c: {  	s14 =	sshll.u32 s0, $0xA;
	s2 =	sadd.s32 s3, s2  }
0x8d: {  	s2 =	sadd.s32 s2, s14  }
0x8e: {  	[smem:$0x3FBA] =	sst s2  }
0x8f: {  	_ = 	snop  }
0x90: {  	s2 =	sld [smem:$0x3FD0];
	_ =	sdelay $0x2  }
0x91: {  	s4 =	simm.s32 $0xA;
	s5 =	simm.s32 $0x10;
	s15 =	sld [smem:$0x3FC8]  }
0x92: {  	[smem:s5], [sflag:s4] =	dma.local [hbm:s2], $0x1  }
0x93: {  	_ =	swait.eq [sflag:s4], $0x1  }
0x94: {  	[sflag:s4] =	ssyncset.done $0x0  }
0x95: {  	[sflag:s4] =	ssyncadd.s32 $0xFFFFFFFF  }
0x96: {  	s16 =	sld [smem:$0x11];
	(tm) =	ssettm $0x1  }
0x97: {  	s17 =	sld [smem:$0x3FFB];
	_ =	sdelay $0x3  }
0x98: {  	_ =	strace s17  }
0x99: {  	s4 =	sld [smem:$0x3FFC];
	_ =	sdelay $0x3  }
0x9a: {  	_ =	strace s4  }
0x9b: {  	s4 =	sld [smem:$0x3FFD];
	_ =	sdelay $0x3  }
0x9c: {  	_ =	strace s4  }
0x9d: {  	_ =	strace $0x8FFFFFFF  }
0x9e: {  	s18 =	sld [smem:$0x3FDB];
	_ =	sdelay $0x1  }
0x9f: {  	s19 =	simm.s32 $_scs_section_size  }
0xa0: {  	s6 =	simm.s32 $_size__tile_overlayer_lowered;
	s7 =	simm.s32 $_tile_overlayer_lowered  }
0xa1: {  	s22 =	simm.s32 $0x1BFF;
	s21 =	sshll.u32 s7, $0x1;
	s4 =	sadd.s32 s19, s18  }
0xa2: {  	s8 =	simm.s32 $0x0;
	s20 =	sshll.u32 s6, $0x1;
	s6 =	sadd.s32 s21, s4  }
0xa3: {  	[timem:s8], [sflag:s22] =	dma.local [hbm:s6], s20  }
0xa4: {  	_ =	swait.ge [sflag:s22], s20  }
0xa5: {  	s5 =	ssub.s32 $0x0, s20;
	[sflag:s22] =	ssyncset.done $0x0  }
0xa6: {  	[sflag:s22] =	ssyncadd.s32 s5;
	_ =	sdelay $0x1  }
0xa7: {  	s23 =	simm.s32 $0x1B8B  }
0xa8: {  	_ =	swait.ge [sflag:s23], $0x1  }
0xa9: {  	[sflag:s23] =	ssyncset.done $0x0  }
0xaa: {  	s25 =	simm.s32 $0x1B8E;
	s24 =	sld [smem:$0x3FFE];
	[sflag:s23] =	ssyncadd.s32 $0xFFFFFFFF  }
0xab: {  	s26 =	simm.s32 $execute0_lowered;
	[smem:$0x3FD2] =	sst s25  }
0xac: {  	s6 =	sshll.u32 s26, $0x1;
	_ =	strace $0x80000046;
	[dreg:$0x1] =	wrdreg $0xFFFFFFFF  }
0xad: {  	s28 =	simm.s32 $_size_execute0_lowered;
	s4 =	sadd.s32 s4, s6;
	[dreg:$0x0] =	wrdreg $0x0  }
0xae: {  	s6 =	sshll.u32 s28, $0x1;
	[dreg:$0x2] =	wrdreg s4  }
0xaf: {  	[dreg:$0x3] =	wrdreg s6  }
0xb0: {  	[dreg:$0x4] =	wrdreg $0xC0  }
0xb1: {  	_ =	task [dreg:s8], $0x5FFFF  }
0xb2: {  	[dreg:$0x1] =	wrdreg $0xFFFFFFFF  }
0xb3: {  	[dreg:$0x0] =	wrdreg $0x60  }
0xb4: {  	[dreg:$0x2] =	wrdreg s24  }
0xb5: {  	[dreg:$0x3] =	wrdreg s15  }
0xb6: {  	[dreg:$0x4] =	wrdreg s16  }
0xb7: {  	[dreg:$0x5] =	wrdreg $0x9  }
0xb8: {  	_ =	task.clear_ibuf [dreg:s8], $0x6FFFF;
	_ =	strace $0x90000046  }
0xb9: {  	s29 =	simm.s32 $0x9;
	_ =	strace $0x80000048  }
0xba: {  	_ =	swait.ge [sflag:s29], $0x1  }
0xbb: {  	[sflag:s29] =	ssyncadd.s32 $0xFFFFFFFF  }
0xbc: {  	_ =	strace $0x90000048  }
0xbd: {  	_ =	sfence  }
0xbe: {  	s30 =	sld [smem:$0x0];
	_ =	sdelay $0x2  }
0xbf: {  	s31 =	sshll.u32 s1, $0xD;
	s1 =	sshrl.u32 s1, $0x2  }
0xc0: {  	s3 =	sand.u32 $0x4000, s31;
	s1 =	sadd.s32 s1, s30  }
0xc1: {  	s0 =	sor.u32 s3, s0;
	s1 =	sshll.u32 s1, $0x11  }
0xc2: {  	s0 =	sor.u32 s1, s0  }
0xc3: {  	s0 =	sadd.s32 $0x8F2B, s0  }
0xc4: {  	[sflag:s0] =	ssyncadd.remote.s32 $0x1  }
0xc5: {  	_ =	sfence.sel $0xFFFF  }
0xc6: {  	[dreg:$0x0] =	wrdreg $0xFFFFFFFF;
	(pc) =	sbr.abs _section_cstart, $3  }
0xc7: {  	[dreg:$0x1] =	wrdreg $0xFFFFFFFF  }
0xc8: {  	_ =	task.clear_ibuf [dreg:s8], $0x2FFFF;
	_ =	strace $0x9FFFFFFF  }
0xc9: {  	(tm) =	ssettm $0x7FFFFFFF  }
tec
execute0_lowered:
.L_overlay_start_1:
0x0: {  	(tag) =	ssettag $0x1  }
0x1: {  	s0 =	rddreg [dreg:$0x0]  }
0x2: {  	s23 =	rddreg [dreg:$0x1]  }
0x3: {  	s13 =	rddreg [dreg:$0x2];
	s4 =	simm.s32 $0x0  }
0x4: {  	s6 =	stileid.u32;
	s1 =	srdreg.scid;
	s28 =	simm.s32 $0x800  }
0x5: {  	s29 =	simm.s32 $0x1000;
	s30 =	simm.s32 $0x1800;
	s31 =	simm.s32 $0x2C80  }
0x6: {  	[smem:$0x7FF] =	sst s4;
	s2 =	sshrl.u32 s6, $0x1;
	s1 =	sand.u32 $0x1, s1  }
0x7: {  	s5 =	sadd.s32 $0x4200, s0;
	s9 =	sshll.u32 s6, $0x1;
	s20 =	sadd.s32 $0x4210, s0  }
0x8: {  	s21 =	sadd.s32 $0x4220, s0;
	_ =	strace $0x80000047;
	[dreg:$0xc] =	wrdreg s20  }
0x9: {  	s6 =	sadd.s32 $0x104200, s0;
	s22 =	sadd.s32 $0x4230, s0;
	[dreg:$0xd] =	wrdreg s21  }
0xa: {  	s24 =	sadd.s32 $0x4240, s0;
	s25 =	sadd.s32 $0x4250, s0;
	[dreg:$0xe] =	wrdreg s22  }
0xb: {  	s3 =	sshll.u32 s2, $0x4;
	s7 =	ssub.s32 $0x2, s1;
	[dreg:$0xf] =	wrdreg s24  }
0xc: {  	s1 =	sor.u32 s1, s9;
	[dreg:$0x10] =	wrdreg s25;
	s24 =	simm.s32 $0x80  }
0xd: {  	s25 =	simm.s32 $0x400;
	s9 =	simm.s32 $0x1;
	s22 =	simm.s32 $0x4  }
0xe: {  	s3 =	sadd.s32 s3, s0;
	s8 =	sshrl.u32 s7, $0x1;
	s12 =	sshll.u32 s1, $0xF  }
0xf: {  	s14 =	smul.u32 $0x600, s1;
	s16 =	sshll.u32 s1, $0x10;
	s0 =	sadd.s32 $0x4270, s0  }
0x10: {  	s7 =	ssub.s32 s7, s8;
	s10 =	sadd.s32 $0x3A00, s3;
	s11 =	sadd.s32 $0x3200, s3  }
0x11: {  	s3 =	sadd.s32 $0x2A00, s3;
	s15 =	sadd.s32 s5, s12;
	[dreg:$0x12] =	wrdreg s0  }
0x12: {  	s12 =	sshll.u32 s1, $0x5;
	s17 =	sadd.s32 s6, s16;
	[dreg:$0x4] =	wrdreg s10  }
0x13: {  	s0 =	simm.s32 $0x2980;
	s8 =	simm.s32 $0x5;
	[dreg:$0x5] =	wrdreg s11  }
0x14: {  	s16 =	simm.s32 $0x2;
	[dreg:$0x6] =	wrdreg s3;
	s10 =	sshll.u32 s1, $0x7  }
0x15: {  	s11 =	sshll.u32 s2, $0xB;
	[dreg:$0x7] =	wrdreg s15;
	s18 =	sadd.s32 s13, s14  }
0x16: {  	v0 =	vlaneseq.u32;
	[dreg:$0x8] =	wrdreg s17;
	s1 =	sadd.s32 $0x800, s17;
	s26 =	smax.u32 s7, $0x1  }
0x17: {  	v1 =	vmul.u32 $0x3, v0;
	s7 =	simm.s32 $0x2B00;
	s15 =	simm.s32 $0x2800;
	[dreg:$0xa] =	wrdreg s1  }
0x18: {  	v3 =	vimm.s32 $0x0;
	v6 =	vor.u32 $0x10, v0;
	s13 =	simm.s32 $0x6;
	s2 =	simm.s32 $0x0;
	[dreg:$0x9] =	wrdreg s18  }
0x19: {  	v4 =	vadd.s32 $0x1, v1;
	v5 =	vadd.s32 $0x2, v1;
	v7 =	vadd.s32 $0x30, v1;
	s19 =	sadd.s32 $0x10, s18;
	[dreg:$0x11] =	wrdreg s26;
	s18 =	simm.s32 $0x6C80  }
0x1a: {  	v8 =	vadd.s32 $0x31, v1;
	v9 =	vadd.s32 $0x32, v1;
	v2 =	vmov s11;
	s11 =	simm.s32 $0x2000;
	s26 =	simm.s32 $0x3;
	[dreg:$0xb] =	wrdreg s19  }
.LBB2_1:
0x1b: {  	[dreg:$0x13] =	wrdreg s2  }
0x1c: {  	s1 =	rddreg [dreg:$0x4];
	s20 =	simm.s32 $0x7  }
0x1d: {  	[tilespmem:s4], [sflag:$0x7] =	stream.strided.gather [hbm4b:s1+s24], $0x800, s25, s24, $0x38;
	[tilespmem:$0xAC80] =	vst v63  }
0x1e: {  	_ =	swait.ge [sflag:s20], $0x800  }
0x1f: {  	[sflag:s20] =	ssyncset.done $0x0  }
0x20: {  	s21 =	rddreg [dreg:$0x5];
	[sflag:s20] =	ssyncadd.s32 $0xFFFFF800  }
0x21: {  	[tilespmem:s28], [sflag:$0x7] =	stream.strided.gather [hbm4b:s21+s24], $0x800, s25, s24, $0x38;
	[tilespmem:$0xAC80] =	vst v63  }
0x22: {  	_ =	swait.ge [sflag:s20], $0x800  }
0x23: {  	[sflag:s20] =	ssyncset.done $0x0  }
0x24: {  	s3 =	rddreg [dreg:$0x6];
	[sflag:s20] =	ssyncadd.s32 $0xFFFFF800  }
0x25: {  	[tilespmem:s29], [sflag:$0x7] =	stream.strided.gather [hbm4b:s3+s24], $0x800, s25, s24, $0x38;
	[tilespmem:$0xAC80] =	vst v63  }
0x26: {  	_ =	swait.ge [sflag:s20], $0x800  }
0x27: {  	[sflag:s20] =	ssyncset.done $0x0  }
0x28: {  	s14 =	rddreg [dreg:$0x7];
	[sflag:s20] =	ssyncadd.s32 $0xFFFFF800  }
0x29: {  	[tilespmem:s30], [sflag:$0x1] =	stream.strided.gather [hbm4b:s14+s24], $0x800, s25, s24, $0x38;
	[tilespmem:$0xAC80] =	vst v63  }
0x2a: {  	s17 =	rddreg [dreg:$0x8]  }
0x2b: {  	[hbm4b:s17+s4] =	stream.linear.scatter [tilespmem:s31], [sflag:$0x5], $0x4000, $0x38;
	[tilespmem:$0xAC80] =	vst v63  }
0x2c: {  	s19 =	rddreg [dreg:$0x9]  }
0x2d: {  	[hbm4b:s19+s24] =	stream.strided.scatter [tilespmem:s0], [sflag:$0x5], $0x180, s25, s24, $0x38;
	[tilespmem:$0xAC80] =	vst v63  }
0x2e: {  	s20 =	rddreg [dreg:$0xa]  }
0x2f: {  	[hbm4b:s20+s4] =	stream.linear.scatter [tilespmem:s18], [sflag:$0x6], $0x4000, $0x38;
	[tilespmem:$0xAC80] =	vst v63  }
0x30: {  	s21 =	rddreg [dreg:$0xb];
	s14 =	simm.s32 $0x0  }
0x31: {  	[hbm4b:s21+s24] =	stream.strided.scatter [tilespmem:s7], [sflag:$0x6], $0x180, s25, s24, $0x38;
	[tilespmem:$0xAC80] =	vst v63  }
.LBB2_2:
0x32: {  	_ =	swait.ge [sflag:s8], $0x4000  }
0x33: {  	[sflag:s8] =	ssyncset.done $0x0  }
0x34: {  	[sflag:s8] =	ssyncadd.s32 $0xFFFFC000  }
0x35: {  	_ =	swait.ge [sflag:s8], $0x180  }
0x36: {  	[sflag:s8] =	ssyncset.done $0x0  }
0x37: {  	s1 =	sshll.u32 s14, $0x3;
	[sflag:s8] =	ssyncadd.s32 $0xFFFFFE80  }
0x38: {  	s3 =	sor.u32 s10, s1;
	_ =	swait.ge [sflag:s9], $0x800  }
0x39: {  	s3 =	sshll.u32 s3, $0x8;
	[sflag:s9] =	ssyncset.done $0x0;
	s2 =	rddreg [dreg:$0xc]  }
0x3a: {  	s19 =	simm.s32 $0x0;
	[sflag:s9] =	ssyncadd.s32 $0xFFFFF800;
	s17 =	sadd.s32 s3, s2  }
0x3b: {  	[tilespmem:s11], [sflag:$0x2] =	stream.strided.gather [hbm4b:s17+s24], $0x800, s25, s24, $0x38;
	[tilespmem:$0xAC80] =	vst v63  }
0x3c: {  	v10 =	vimm.s32 $0x7FF;
	s18 =	simm.s32 $0x0;
	s20 =	simm.s32 $0x0;
	s17 =	simm.s32 $0x1820  }
.LBB2_3:
0x3d: {  	v11 =	vld [tilespmem:s17+$0xFFFFFFE0];
	_ =	sdelay $0x4  }
0x3e: {  	vm0 =	vle.f32 v11, $3.999999910e-02  }
0x3f: {  	v11 =	vsel vm0, $0x1, v3  }
0x40: {  	(xrf0) =	vadd.scan.msk.s32 $0xffff, v11;
	_ =	sdelay $0x5  }
0x41: {  	v11, _, _ =	vpop (xrf0)  }
0x42: {  	v11 =	vadd.s32 s20, v11  }
0x43: {  	v12 =	vadd.s32 $0xFFFFFFFF, v11  }
0x44: {  	vm1 =	vlt.s32 v11, $0x21;
	vm2 =	vgt.s32 v12, $0x0  }
0x45: {  	vm1 =	vmand vm0, vm1;
	v11 =	vnsel vm2, $0x0, v12  }
0x46: {  	v11 =	vmin.u32 v11, $0x1F;
	_ =	sdelay $0x3  }
0x47: {  	v52 =	vor.u32 s18, v0  }
0x48: {  	[tilespmem:v11+s15+$0x0] =	vst.idx.msk vm1, v52  }
0x49: {  	v11 =	vld [tilespmem:s17+$0xFFFFFFF0];
	_ =	sdelay $0x4  }
0x4a: {  	vm9 =	vle.f32 v11, $3.999999910e-02  }
0x4b: {  	v11 =	vsel vm9, $0x1, v3  }
0x4c: {  	(xrf0) =	vadd.scan.msk.s32 $0xffff, v11;
	_ =	sdelay $0x3  }
0x4d: {  	v11 =	vmpcnt.ones.xlane vm0;
	_ =	sdelay $0x1  }
0x4e: {  	v11 =	vadd.s32 s20, v11;
	v13, _, _ =	vpop (xrf0)  }
0x4f: {  	v13 =	vadd.s32 v11, v13  }
0x50: {  	v14 =	vadd.s32 $0xFFFFFFFF, v13  }
0x51: {  	vm10 =	vlt.s32 v13, $0x21;
	vm3 =	vgt.s32 v14, $0x0  }
0x52: {  	vm2 =	vmand vm9, vm10;
	v53 =	vnsel vm3, $0x0, v14  }
0x53: {  	v13 =	vmin.u32 v53, $0x1F;
	_ =	sdelay $0x2  }
0x54: {  	s2 =	sadd.s32 $0x10, s18  }
0x55: {  	v54 =	vor.u32 s2, v0  }
0x56: {  	[tilespmem:v13+s15+$0x0] =	vst.idx.msk vm2, v54  }
0x57: {  	v13 =	vld [tilespmem:s17+$0x0];
	_ =	sdelay $0x4  }
0x58: {  	vm11 =	vle.f32 v13, $3.999999910e-02  }
0x59: {  	v13 =	vsel vm11, $0x1, v3  }
0x5a: {  	(xrf0) =	vadd.scan.msk.s32 $0xffff, v13;
	_ =	sdelay $0x3  }
0x5b: {  	v55 =	vmpcnt.ones.xlane vm9;
	_ =	sdelay $0x1  }
0x5c: {  	v11 =	vadd.s32 v11, v55;
	v56, _, _ =	vpop (xrf0)  }
0x5d: {  	v13 =	vadd.s32 v11, v56  }
0x5e: {  	v15 =	vadd.s32 $0xFFFFFFFF, v13  }
0x5f: {  	vm12 =	vlt.s32 v13, $0x21;
	vm4 =	vgt.s32 v15, $0x0  }
0x60: {  	vm3 =	vmand vm11, vm12;
	v57 =	vnsel vm4, $0x0, v15  }
0x61: {  	v13 =	vmin.u32 v57, $0x1F;
	_ =	sdelay $0x2  }
0x62: {  	s21 =	sadd.s32 $0x20, s18  }
0x63: {  	v58 =	vor.u32 s21, v0  }
0x64: {  	[tilespmem:v13+s15+$0x0] =	vst.idx.msk vm3, v58  }
0x65: {  	v13 =	vld [tilespmem:s17+$0x10];
	_ =	sdelay $0x4  }
0x66: {  	v16 =	vmpcnt.ones.xlane vm11;
	vm13 =	vle.f32 v13, $3.999999910e-02  }
0x67: {  	v13 =	vmpcnt.ones.xlane vm13  }
0x68: {  	v11 =	vadd.s32 v11, v16  }
0x69: {  	v59 =	vsel vm13, $0x1, v3;
	v13 =	vadd.s32 v11, v13  }
0x6a: {  	(xrf0) =	vadd.scan.msk.s32 $0xffff, v59;
	v13 =	vxor.u32 $0x80000000, v13  }
0x6b: {  	(xrf0) =	vmax.scan.msk.u32 $0xffff, v13;
	_ =	sdelay $0x4  }
0x6c: {  	v60, _, _ =	vpop (xrf0)  }
0x6d: {  	v61, _, _ =	vpop (xrf0)  }
0x6e: {  	(v2sf) =	vpush v61, $0xF;
	_ =	sdelay $0xd  }
0x6f: {  	v12 =	vnsel vm0, $0x7FF, v52;
	v11 =	vadd.s32 v11, v60  }
0x70: {  	vm0 =	vlt.s32 v10, v12;
	v13 =	vadd.s32 $0xFFFFFFFF, v11;
	s21 =	spop (v2sf)  }
0x71: {  	p0 =	sgt.u32 s19, $0x7B;
	v10 =	vsel vm0, v10, v12;
	vm14 =	vlt.s32 v11, $0x21;
	vm15 =	vgt.s32 v13, $0x0;
	s20 =	sxor.u32 $0x80000000, s21  }
0x72: {  	v11 =	vnsel vm9, $0x7FF, v54;
	vm0 =	vmand vm13, vm14;
	v62 =	vnsel vm15, $0x0, v13;
	p1 =	slt.s32 @!p0 s20, $0x20  }
0x73: {  	vm1 =	vlt.s32 v10, v11;
	v12 =	vmin.u32 v62, $0x1F;
	p0 =	por p0, !p1  }
.Ltmp0:
0x74: {  	s2 =	sadd.s32 $0x30, s18;
	v10 =	vsel vm1, v10, v11;
	v11 =	vnsel vm11, $0x7FF, v58;
	(pc) =	sbr.rel @!p0 .LBB2_3-.Ltmp0, $4  }
0x75: {  	v63 =	vor.u32 s2, v0;
	vm1 =	vlt.s32 v10, v11  }
0x76: {  	v10 =	vsel vm1, v10, v11;
	v11 =	vnsel vm13, $0x7FF, v63  }
0x77: {  	vm1 =	vlt.s32 v10, v11  }
0x78: {  	s19 =	sadd.s32 $0x4, s19;
	s18 =	sadd.s32 $0x40, s18;
	s17 =	sadd.s32 $0x40, s17;
	v10 =	vsel vm1, v10, v11;
	[tilespmem:v12+s15+$0x0] =	vst.idx.msk vm0, v63  }
0x79: {  	v10 =	vxor.u32 $0x80000000, v10  }
0x7a: {  	(xrf0) =	vmin.scan.msk.u32 $0xffff, v10;
	_ =	sdelay $0x5  }
0x7b: {  	v10, _, _ =	vpop (xrf0)  }
0x7c: {  	(v2sf) =	vpush v10, $0xF;
	_ =	sdelay $0xb  }
0x7d: {  	v10 =	vld [tilespmem:$0x2800];
	_ =	sdelay $0x2  }
0x7e: {  	v11 =	vmov s20;
	s17 =	spop (v2sf)  }
0x7f: {  	vm0 =	vgt.s32 v11, v0;
	s18 =	sxor.u32 $0x80000000, s17  }
0x80: {  	v10 =	vnsel vm0, s18, v10;
	_ =	sdelay $0x2  }
0x81: {  	v12 =	vadd.s32 v2, v10  }
0x82: {  	s17 =	simm.s32 $0x0;
	[tilespmem:$0x2880] =	vst v12  }
0x83: {  	v12 =	vld.idx.msk [tilespmem:v10+s17+$0x0], $0xffff  }
0x84: {  	v13 =	vld.idx.msk [tilespmem:v10+s28+$0x0], $0xffff  }
0x85: {  	v10 =	vld.idx.msk [tilespmem:v10+s29+$0x0], $0xffff;
	_ =	sdelay $0x2  }
0x86: {  	[tilespmem:v1+s0+$0x0] =	vst.idx.msk $0xffff, v12  }
0x87: {  	[tilespmem:v4+s0+$0x0] =	vst.idx.msk $0xffff, v13  }
0x88: {  	[tilespmem:v5+s0+$0x0] =	vst.idx.msk $0xffff, v10  }
0x89: {  	v10 =	vld [tilespmem:$0x2810];
	_ =	sdelay $0x3  }
0x8a: {  	vm15 =	vgt.s32 v11, v6  }
0x8b: {  	v10 =	vnsel vm15, s18, v10;
	_ =	sdelay $0x2  }
0x8c: {  	v11 =	vadd.s32 v2, v10  }
0x8d: {  	[tilespmem:$0x2890] =	vst v11  }
0x8e: {  	v11 =	vld.idx.msk [tilespmem:v10+s17+$0x0], $0xffff  }
0x8f: {  	v12 =	vld.idx.msk [tilespmem:v10+s28+$0x0], $0xffff  }
0x90: {  	v10 =	vld.idx.msk [tilespmem:v10+s29+$0x0], $0xffff;
	_ =	sdelay $0x2  }
0x91: {  	[tilespmem:v7+s0+$0x0] =	vst.idx.msk $0xffff, v11  }
0x92: {  	[tilespmem:v8+s0+$0x0] =	vst.idx.msk $0xffff, v12  }
0x93: {  	s1 =	sadd.s32 s10, s1;
	s19 =	simm.s32 $0x0;
	[tilespmem:v9+s0+$0x0] =	vst.idx.msk $0xffff, v10  }
0x94: {  	s20 =	simm.s32 $0x0;
	s1 =	sshll.u32 s1, $0x8;
	_ =	swait.ge [sflag:s16], $0x800  }
0x95: {  	s1 =	sand.u32 $0xFFFF800, s1;
	[sflag:s16] =	ssyncset.done $0x0;
	s2 =	rddreg [dreg:$0xd]  }
0x96: {  	s18 =	simm.s32 $0x2020;
	[sflag:s16] =	ssyncadd.s32 $0xFFFFF800;
	s21 =	sadd.s32 s1, s2  }
0x97: {  	v10 =	vimm.s32 $0x7FF;
	[tilespmem:s30], [sflag:$0x1] =	stream.strided.gather [hbm4b:s21+s24], $0x800, s25, s24, $0x38;
	[tilespmem:$0xAC80] =	vst v63  }
.LBB2_5:
0x98: {  	v11 =	vld [tilespmem:s18+$0xFFFFFFE0];
	_ =	sdelay $0x4  }
0x99: {  	vm0 =	vle.f32 v11, $3.999999910e-02  }
0x9a: {  	v11 =	vsel vm0, $0x1, v3  }
0x9b: {  	(xrf0) =	vadd.scan.msk.s32 $0xffff, v11;
	_ =	sdelay $0x5  }
0x9c: {  	v11, _, _ =	vpop (xrf0)  }
0x9d: {  	v11 =	vadd.s32 s20, v11  }
0x9e: {  	v12 =	vadd.s32 $0xFFFFFFFF, v11  }
0x9f: {  	vm1 =	vlt.s32 v11, $0x21;
	vm2 =	vgt.s32 v12, $0x0  }
0xa0: {  	vm1 =	vmand vm0, vm1;
	v11 =	vnsel vm2, $0x0, v12  }
0xa1: {  	v11 =	vmin.u32 v11, $0x1F;
	_ =	sdelay $0x3  }
0xa2: {  	v52 =	vor.u32 s19, v0  }
0xa3: {  	[tilespmem:v11+s15+$0x0] =	vst.idx.msk vm1, v52  }
0xa4: {  	v11 =	vld [tilespmem:s18+$0xFFFFFFF0];
	_ =	sdelay $0x4  }
0xa5: {  	vm9 =	vle.f32 v11, $3.999999910e-02  }
0xa6: {  	v11 =	vsel vm9, $0x1, v3  }
0xa7: {  	(xrf0) =	vadd.scan.msk.s32 $0xffff, v11;
	_ =	sdelay $0x3  }
0xa8: {  	v11 =	vmpcnt.ones.xlane vm0;
	_ =	sdelay $0x1  }
0xa9: {  	v11 =	vadd.s32 s20, v11;
	v13, _, _ =	vpop (xrf0)  }
0xaa: {  	v13 =	vadd.s32 v11, v13  }
0xab: {  	v14 =	vadd.s32 $0xFFFFFFFF, v13  }
0xac: {  	vm10 =	vlt.s32 v13, $0x21;
	vm3 =	vgt.s32 v14, $0x0  }
0xad: {  	vm2 =	vmand vm9, vm10;
	v53 =	vnsel vm3, $0x0, v14  }
0xae: {  	v13 =	vmin.u32 v53, $0x1F;
	_ =	sdelay $0x2  }
0xaf: {  	s2 =	sadd.s32 $0x10, s19  }
0xb0: {  	v54 =	vor.u32 s2, v0  }
0xb1: {  	[tilespmem:v13+s15+$0x0] =	vst.idx.msk vm2, v54  }
0xb2: {  	v13 =	vld [tilespmem:s18+$0x0];
	_ =	sdelay $0x4  }
0xb3: {  	vm11 =	vle.f32 v13, $3.999999910e-02  }
0xb4: {  	v13 =	vsel vm11, $0x1, v3  }
0xb5: {  	(xrf0) =	vadd.scan.msk.s32 $0xffff, v13;
	_ =	sdelay $0x3  }
0xb6: {  	v55 =	vmpcnt.ones.xlane vm9;
	_ =	sdelay $0x1  }
0xb7: {  	v11 =	vadd.s32 v11, v55;
	v56, _, _ =	vpop (xrf0)  }
0xb8: {  	v13 =	vadd.s32 v11, v56  }
0xb9: {  	v15 =	vadd.s32 $0xFFFFFFFF, v13  }
0xba: {  	vm12 =	vlt.s32 v13, $0x21;
	vm4 =	vgt.s32 v15, $0x0  }
0xbb: {  	vm3 =	vmand vm11, vm12;
	v57 =	vnsel vm4, $0x0, v15  }
0xbc: {  	v13 =	vmin.u32 v57, $0x1F;
	_ =	sdelay $0x2  }
0xbd: {  	s21 =	sadd.s32 $0x20, s19  }
0xbe: {  	v58 =	vor.u32 s21, v0  }
0xbf: {  	[tilespmem:v13+s15+$0x0] =	vst.idx.msk vm3, v58  }
0xc0: {  	v13 =	vld [tilespmem:s18+$0x10];
	_ =	sdelay $0x4  }
0xc1: {  	v16 =	vmpcnt.ones.xlane vm11;
	vm13 =	vle.f32 v13, $3.999999910e-02  }
0xc2: {  	v13 =	vmpcnt.ones.xlane vm13  }
0xc3: {  	v11 =	vadd.s32 v11, v16  }
0xc4: {  	v59 =	vsel vm13, $0x1, v3;
	v13 =	vadd.s32 v11, v13  }
0xc5: {  	(xrf0) =	vadd.scan.msk.s32 $0xffff, v59;
	v13 =	vxor.u32 $0x80000000, v13  }
0xc6: {  	(xrf0) =	vmax.scan.msk.u32 $0xffff, v13;
	_ =	sdelay $0x4  }
0xc7: {  	v60, _, _ =	vpop (xrf0)  }
0xc8: {  	v61, _, _ =	vpop (xrf0)  }
0xc9: {  	(v2sf) =	vpush v61, $0xF;
	_ =	sdelay $0xd  }
0xca: {  	v12 =	vnsel vm0, $0x7FF, v52;
	v11 =	vadd.s32 v11, v60  }
0xcb: {  	vm0 =	vlt.s32 v10, v12;
	v13 =	vadd.s32 $0xFFFFFFFF, v11;
	s21 =	spop (v2sf)  }
0xcc: {  	p0 =	sgt.u32 s17, $0x7B;
	v10 =	vsel vm0, v10, v12;
	vm14 =	vlt.s32 v11, $0x21;
	vm15 =	vgt.s32 v13, $0x0;
	s20 =	sxor.u32 $0x80000000, s21  }
0xcd: {  	v11 =	vnsel vm9, $0x7FF, v54;
	vm0 =	vmand vm13, vm14;
	v62 =	vnsel vm15, $0x0, v13;
	p1 =	slt.s32 @!p0 s20, $0x20  }
0xce: {  	vm1 =	vlt.s32 v10, v11;
	v12 =	vmin.u32 v62, $0x1F;
	p0 =	por p0, !p1  }
.Ltmp1:
0xcf: {  	s2 =	sadd.s32 $0x30, s19;
	v10 =	vsel vm1, v10, v11;
	v11 =	vnsel vm11, $0x7FF, v58;
	(pc) =	sbr.rel @!p0 .LBB2_5-.Ltmp1, $4  }
0xd0: {  	v63 =	vor.u32 s2, v0;
	vm1 =	vlt.s32 v10, v11  }
0xd1: {  	v10 =	vsel vm1, v10, v11;
	v11 =	vnsel vm13, $0x7FF, v63  }
0xd2: {  	vm1 =	vlt.s32 v10, v11  }
0xd3: {  	s17 =	sadd.s32 $0x4, s17;
	s19 =	sadd.s32 $0x40, s19;
	s18 =	sadd.s32 $0x40, s18;
	v10 =	vsel vm1, v10, v11;
	[tilespmem:v12+s15+$0x0] =	vst.idx.msk vm0, v63  }
0xd4: {  	v10 =	vxor.u32 $0x80000000, v10  }
0xd5: {  	(xrf0) =	vmin.scan.msk.u32 $0xffff, v10;
	_ =	sdelay $0x5  }
0xd6: {  	v10, _, _ =	vpop (xrf0)  }
0xd7: {  	(v2sf) =	vpush v10, $0xF;
	_ =	sdelay $0xb  }
0xd8: {  	v10 =	vld [tilespmem:$0x2800];
	_ =	sdelay $0x2  }
0xd9: {  	v13 =	vmov s20;
	s17 =	spop (v2sf)  }
0xda: {  	vm0 =	vgt.s32 v13, v0;
	s18 =	sxor.u32 $0x80000000, s17  }
0xdb: {  	v12 =	vnsel vm0, s18, v10;
	_ =	sdelay $0x2  }
0xdc: {  	v10 =	vadd.s32 v2, v12  }
0xdd: {  	s17 =	simm.s32 $0x0;
	[tilespmem:$0x28A0] =	vst v10  }
0xde: {  	v10 =	vadd.s32 $0x60, v1;
	v14 =	vld.idx.msk [tilespmem:v12+s17+$0x0], $0xffff  }
0xdf: {  	v11 =	vadd.s32 $0x61, v1;
	v15 =	vld.idx.msk [tilespmem:v12+s28+$0x0], $0xffff  }
0xe0: {  	v16 =	vld.idx.msk [tilespmem:v12+s29+$0x0], $0xffff;
	v12 =	vadd.s32 $0x62, v1;
	_ =	sdelay $0x2  }
0xe1: {  	[tilespmem:v10+s0+$0x0] =	vst.idx.msk $0xffff, v14  }
0xe2: {  	[tilespmem:v11+s0+$0x0] =	vst.idx.msk $0xffff, v15  }
0xe3: {  	[tilespmem:v12+s0+$0x0] =	vst.idx.msk $0xffff, v16  }
0xe4: {  	v14 =	vld [tilespmem:$0x2810];
	_ =	sdelay $0x3  }
0xe5: {  	vm15 =	vgt.s32 v13, v6  }
0xe6: {  	v15 =	vnsel vm15, s18, v14;
	_ =	sdelay $0x2  }
0xe7: {  	v13 =	vadd.s32 v2, v15  }
0xe8: {  	[tilespmem:$0x28B0] =	vst v13  }
0xe9: {  	v13 =	vadd.s32 $0x90, v1;
	v16 =	vld.idx.msk [tilespmem:v15+s17+$0x0], $0xffff  }
0xea: {  	v14 =	vadd.s32 $0x91, v1;
	v18 =	vld.idx.msk [tilespmem:v15+s28+$0x0], $0xffff  }
0xeb: {  	v17 =	vadd.s32 $0x92, v1;
	v15 =	vld.idx.msk [tilespmem:v15+s29+$0x0], $0xffff;
	_ =	sdelay $0x2  }
0xec: {  	[tilespmem:v13+s0+$0x0] =	vst.idx.msk $0xffff, v16  }
0xed: {  	[tilespmem:v14+s0+$0x0] =	vst.idx.msk $0xffff, v18  }
0xee: {  	[tilespmem:v17+s0+$0x0] =	vst.idx.msk $0xffff, v15  }
0xef: {  	_ =	swait.ge [sflag:s9], $0x800  }
0xf0: {  	[sflag:s9] =	ssyncset.done $0x0;
	s2 =	rddreg [dreg:$0xe]  }
0xf1: {  	[sflag:s9] =	ssyncadd.s32 $0xFFFFF800;
	s3 =	sadd.s32 s3, s2  }
0xf2: {  	[tilespmem:s11], [sflag:$0x2] =	stream.strided.gather [hbm4b:s3+s24], $0x800, s25, s24, $0x38;
	[tilespmem:$0xAC80] =	vst v63  }
0xf3: {  	s19 =	simm.s32 $0x0;
	s18 =	simm.s32 $0x0;
	v15 =	vimm.s32 $0x7FF;
	s3 =	simm.s32 $0x1820  }
.LBB2_7:
0xf4: {  	v16 =	vld [tilespmem:s3+$0xFFFFFFE0];
	_ =	sdelay $0x4  }
0xf5: {  	vm0 =	vle.f32 v16, $3.999999910e-02  }
0xf6: {  	v16 =	vsel vm0, $0x1, v3  }
0xf7: {  	(xrf0) =	vadd.scan.msk.s32 $0xffff, v16;
	_ =	sdelay $0x5  }
0xf8: {  	v16, _, _ =	vpop (xrf0)  }
0xf9: {  	v16 =	vadd.s32 s19, v16  }
0xfa: {  	v18 =	vadd.s32 $0xFFFFFFFF, v16  }
0xfb: {  	vm1 =	vlt.s32 v16, $0x21;
	vm2 =	vgt.s32 v18, $0x0  }
0xfc: {  	vm1 =	vmand vm0, vm1;
	v16 =	vnsel vm2, $0x0, v18  }
0xfd: {  	v16 =	vmin.u32 v16, $0x1F;
	_ =	sdelay $0x3  }
0xfe: {  	v18 =	vor.u32 s18, v0  }
0xff: {  	[tilespmem:v16+s15+$0x0] =	vst.idx.msk vm1, v18  }
0x100: {  	v16 =	vld [tilespmem:s3+$0xFFFFFFF0];
	_ =	sdelay $0x4  }
0x101: {  	vm9 =	vle.f32 v16, $3.999999910e-02  }
0x102: {  	v16 =	vsel vm9, $0x1, v3  }
0x103: {  	(xrf0) =	vadd.scan.msk.s32 $0xffff, v16;
	_ =	sdelay $0x3  }
0x104: {  	v16 =	vmpcnt.ones.xlane vm0;
	_ =	sdelay $0x1  }
0x105: {  	v16 =	vadd.s32 s19, v16;
	v19, _, _ =	vpop (xrf0)  }
0x106: {  	v19 =	vadd.s32 v16, v19  }
0x107: {  	v20 =	vadd.s32 $0xFFFFFFFF, v19  }
0x108: {  	vm10 =	vlt.s32 v19, $0x21;
	vm3 =	vgt.s32 v20, $0x0  }
0x109: {  	vm2 =	vmand vm9, vm10;
	v19 =	vnsel vm3, $0x0, v20  }
0x10a: {  	v19 =	vmin.u32 v19, $0x1F;
	_ =	sdelay $0x2  }
0x10b: {  	s2 =	sadd.s32 $0x10, s18  }
0x10c: {  	v60 =	vor.u32 s2, v0  }
0x10d: {  	[tilespmem:v19+s15+$0x0] =	vst.idx.msk vm2, v60  }
0x10e: {  	v19 =	vld [tilespmem:s3+$0x0];
	_ =	sdelay $0x4  }
0x10f: {  	vm11 =	vle.f32 v19, $3.999999910e-02  }
0x110: {  	v19 =	vsel vm11, $0x1, v3  }
0x111: {  	(xrf0) =	vadd.scan.msk.s32 $0xffff, v19;
	_ =	sdelay $0x1  }
0x112: {  	v19 =	vmpcnt.ones.xlane vm9;
	_ =	sdelay $0x3  }
0x113: {  	v16 =	vadd.s32 v16, v19;
	v19, _, _ =	vpop (xrf0)  }
0x114: {  	v19 =	vadd.s32 v16, v19  }
0x115: {  	v21 =	vadd.s32 $0xFFFFFFFF, v19  }
0x116: {  	vm12 =	vlt.s32 v19, $0x21;
	vm4 =	vgt.s32 v21, $0x0  }
0x117: {  	vm3 =	vmand vm11, vm12;
	v19 =	vnsel vm4, $0x0, v21  }
0x118: {  	v19 =	vmin.u32 v19, $0x1F;
	_ =	sdelay $0x2  }
0x119: {  	s20 =	sadd.s32 $0x20, s18  }
0x11a: {  	v61 =	vor.u32 s20, v0  }
0x11b: {  	[tilespmem:v19+s15+$0x0] =	vst.idx.msk vm3, v61  }
0x11c: {  	v19 =	vld [tilespmem:s3+$0x10];
	_ =	sdelay $0x4  }
0x11d: {  	v22 =	vmpcnt.ones.xlane vm11;
	vm13 =	vle.f32 v19, $3.999999910e-02  }
0x11e: {  	v19 =	vmpcnt.ones.xlane vm13  }
0x11f: {  	v16 =	vadd.s32 v16, v22  }
0x120: {  	v62 =	vsel vm13, $0x1, v3;
	v19 =	vadd.s32 v16, v19  }
0x121: {  	(xrf0) =	vadd.scan.msk.s32 $0xffff, v62;
	v19 =	vxor.u32 $0x80000000, v19  }
0x122: {  	(xrf0) =	vmax.scan.msk.u32 $0xffff, v19;
	_ =	sdelay $0x4  }
0x123: {  	v19, _, _ =	vpop (xrf0)  }
0x124: {  	v63, _, _ =	vpop (xrf0)  }
0x125: {  	(v2sf) =	vpush v63, $0xF;
	_ =	sdelay $0xd  }
0x126: {  	v18 =	vnsel vm0, $0x7FF, v18;
	v16 =	vadd.s32 v16, v19  }
0x127: {  	vm0 =	vlt.s32 v15, v18;
	v19 =	vadd.s32 $0xFFFFFFFF, v16;
	s20 =	spop (v2sf)  }
0x128: {  	p0 =	sgt.u32 s17, $0x7B;
	v15 =	vsel vm0, v15, v18;
	vm14 =	vlt.s32 v16, $0x21;
	vm15 =	vgt.s32 v19, $0x0;
	s19 =	sxor.u32 $0x80000000, s20  }
0x129: {  	v16 =	vnsel vm9, $0x7FF, v60;
	vm0 =	vmand vm13, vm14;
	v18 =	vnsel vm15, $0x0, v19;
	p1 =	slt.s32 @!p0 s19, $0x20  }
0x12a: {  	vm1 =	vlt.s32 v15, v16;
	v18 =	vmin.u32 v18, $0x1F;
	p0 =	por p0, !p1  }
.Ltmp2:
0x12b: {  	s21 =	sadd.s32 $0x30, s18;
	v15 =	vsel vm1, v15, v16;
	v16 =	vnsel vm11, $0x7FF, v61;
	(pc) =	sbr.rel @!p0 .LBB2_7-.Ltmp2, $4  }
0x12c: {  	v19 =	vor.u32 s21, v0;
	vm1 =	vlt.s32 v15, v16  }
0x12d: {  	v15 =	vsel vm1, v15, v16;
	v16 =	vnsel vm13, $0x7FF, v19  }
0x12e: {  	vm1 =	vlt.s32 v15, v16  }
0x12f: {  	s17 =	sadd.s32 $0x4, s17;
	s18 =	sadd.s32 $0x40, s18;
	s3 =	sadd.s32 $0x40, s3;
	v15 =	vsel vm1, v15, v16;
	[tilespmem:v18+s15+$0x0] =	vst.idx.msk vm0, v19  }
0x130: {  	v15 =	vxor.u32 $0x80000000, v15  }
0x131: {  	(xrf0) =	vmin.scan.msk.u32 $0xffff, v15;
	_ =	sdelay $0x5  }
0x132: {  	v15, _, _ =	vpop (xrf0)  }
0x133: {  	(v2sf) =	vpush v15, $0xF;
	_ =	sdelay $0xb  }
0x134: {  	v15 =	vld [tilespmem:$0x2800];
	_ =	sdelay $0x2  }
0x135: {  	v16 =	vmov s19;
	s3 =	spop (v2sf)  }
0x136: {  	vm0 =	vgt.s32 v16, v0;
	s17 =	sxor.u32 $0x80000000, s3  }
0x137: {  	v19 =	vnsel vm0, s17, v15;
	_ =	sdelay $0x2  }
0x138: {  	v15 =	vadd.s32 v2, v19  }
0x139: {  	s3 =	simm.s32 $0x0;
	[tilespmem:$0x28C0] =	vst v15  }
0x13a: {  	v15 =	vor.u32 $0xC0, v1;
	v21 =	vld.idx.msk [tilespmem:v19+s3+$0x0], $0xffff  }
0x13b: {  	v18 =	vadd.s32 $0xC1, v1;
	v22 =	vld.idx.msk [tilespmem:v19+s28+$0x0], $0xffff  }
0x13c: {  	v20 =	vadd.s32 $0xC2, v1;
	v19 =	vld.idx.msk [tilespmem:v19+s29+$0x0], $0xffff;
	_ =	sdelay $0x2  }
0x13d: {  	[tilespmem:v15+s0+$0x0] =	vst.idx.msk $0xffff, v21  }
0x13e: {  	[tilespmem:v18+s0+$0x0] =	vst.idx.msk $0xffff, v22  }
0x13f: {  	[tilespmem:v20+s0+$0x0] =	vst.idx.msk $0xffff, v19  }
0x140: {  	v19 =	vld [tilespmem:$0x2810];
	_ =	sdelay $0x3  }
0x141: {  	vm15 =	vgt.s32 v16, v6  }
0x142: {  	v16 =	vnsel vm15, s17, v19;
	_ =	sdelay $0x2  }
0x143: {  	v19 =	vadd.s32 v2, v16  }
0x144: {  	[tilespmem:$0x28D0] =	vst v19  }
0x145: {  	v22 =	vadd.s32 $0xF0, v1;
	v19 =	vld.idx.msk [tilespmem:v16+s3+$0x0], $0xffff  }
0x146: {  	v23 =	vadd.s32 $0xF1, v1;
	v21 =	vld.idx.msk [tilespmem:v16+s28+$0x0], $0xffff  }
0x147: {  	v24 =	vadd.s32 $0xF2, v1;
	v16 =	vld.idx.msk [tilespmem:v16+s29+$0x0], $0xffff;
	_ =	sdelay $0x2  }
0x148: {  	[tilespmem:v22+s0+$0x0] =	vst.idx.msk $0xffff, v19  }
0x149: {  	[tilespmem:v23+s0+$0x0] =	vst.idx.msk $0xffff, v21  }
0x14a: {  	[tilespmem:v24+s0+$0x0] =	vst.idx.msk $0xffff, v16  }
0x14b: {  	_ =	swait.ge [sflag:s16], $0x800  }
0x14c: {  	[sflag:s16] =	ssyncset.done $0x0;
	s2 =	rddreg [dreg:$0xf]  }
0x14d: {  	[sflag:s16] =	ssyncadd.s32 $0xFFFFF800;
	s1 =	sadd.s32 s1, s2  }
0x14e: {  	[tilespmem:s30], [sflag:$0x1] =	stream.strided.gather [hbm4b:s1+s24], $0x800, s25, s24, $0x38;
	[tilespmem:$0xAC80] =	vst v63  }
0x14f: {  	s18 =	simm.s32 $0x0;
	s17 =	simm.s32 $0x0;
	v16 =	vimm.s32 $0x7FF;
	s1 =	simm.s32 $0x2020  }
.LBB2_9:
0x150: {  	v19 =	vld [tilespmem:s1+$0xFFFFFFE0];
	_ =	sdelay $0x4  }
0x151: {  	vm0 =	vle.f32 v19, $3.999999910e-02  }
0x152: {  	v19 =	vsel vm0, $0x1, v3  }
0x153: {  	(xrf0) =	vadd.scan.msk.s32 $0xffff, v19;
	_ =	sdelay $0x5  }
0x154: {  	v19, _, _ =	vpop (xrf0)  }
0x155: {  	v19 =	vadd.s32 s18, v19  }
0x156: {  	v21 =	vadd.s32 $0xFFFFFFFF, v19  }
0x157: {  	vm1 =	vlt.s32 v19, $0x21;
	vm2 =	vgt.s32 v21, $0x0  }
0x158: {  	vm1 =	vmand vm0, vm1;
	v19 =	vnsel vm2, $0x0, v21  }
0x159: {  	v19 =	vmin.u32 v19, $0x1F;
	_ =	sdelay $0x3  }
0x15a: {  	v21 =	vor.u32 s17, v0  }
0x15b: {  	[tilespmem:v19+s15+$0x0] =	vst.idx.msk vm1, v21  }
0x15c: {  	v19 =	vld [tilespmem:s1+$0xFFFFFFF0];
	_ =	sdelay $0x4  }
0x15d: {  	vm9 =	vle.f32 v19, $3.999999910e-02  }
0x15e: {  	v19 =	vsel vm9, $0x1, v3  }
0x15f: {  	(xrf0) =	vadd.scan.msk.s32 $0xffff, v19;
	_ =	sdelay $0x3  }
0x160: {  	v19 =	vmpcnt.ones.xlane vm0;
	_ =	sdelay $0x1  }
0x161: {  	v19 =	vadd.s32 s18, v19;
	v25, _, _ =	vpop (xrf0)  }
0x162: {  	v25 =	vadd.s32 v19, v25  }
0x163: {  	v26 =	vadd.s32 $0xFFFFFFFF, v25  }
0x164: {  	vm10 =	vlt.s32 v25, $0x21;
	vm3 =	vgt.s32 v26, $0x0  }
0x165: {  	vm2 =	vmand vm9, vm10;
	v25 =	vnsel vm3, $0x0, v26  }
0x166: {  	v25 =	vmin.u32 v25, $0x1F;
	_ =	sdelay $0x2  }
0x167: {  	s19 =	sadd.s32 $0x10, s17  }
0x168: {  	v26 =	vor.u32 s19, v0  }
0x169: {  	[tilespmem:v25+s15+$0x0] =	vst.idx.msk vm2, v26  }
0x16a: {  	v25 =	vld [tilespmem:s1+$0x0];
	_ =	sdelay $0x4  }
0x16b: {  	vm11 =	vle.f32 v25, $3.999999910e-02  }
0x16c: {  	v25 =	vsel vm11, $0x1, v3  }
0x16d: {  	(xrf0) =	vadd.scan.msk.s32 $0xffff, v25;
	_ =	sdelay $0x1  }
0x16e: {  	v25 =	vmpcnt.ones.xlane vm9;
	_ =	sdelay $0x3  }
0x16f: {  	v19 =	vadd.s32 v19, v25;
	v25, _, _ =	vpop (xrf0)  }
0x170: {  	v25 =	vadd.s32 v19, v25  }
0x171: {  	v27 =	vadd.s32 $0xFFFFFFFF, v25  }
0x172: {  	vm12 =	vlt.s32 v25, $0x21;
	vm4 =	vgt.s32 v27, $0x0  }
0x173: {  	vm3 =	vmand vm11, vm12;
	v25 =	vnsel vm4, $0x0, v27  }
0x174: {  	v25 =	vmin.u32 v25, $0x1F;
	_ =	sdelay $0x2  }
0x175: {  	s20 =	sadd.s32 $0x20, s17  }
0x176: {  	v27 =	vor.u32 s20, v0  }
0x177: {  	[tilespmem:v25+s15+$0x0] =	vst.idx.msk vm3, v27  }
0x178: {  	v25 =	vld [tilespmem:s1+$0x10];
	_ =	sdelay $0x4  }
0x179: {  	v28 =	vmpcnt.ones.xlane vm11;
	vm13 =	vle.f32 v25, $3.999999910e-02  }
0x17a: {  	v25 =	vmpcnt.ones.xlane vm13  }
0x17b: {  	v19 =	vadd.s32 v19, v28  }
0x17c: {  	v62 =	vsel vm13, $0x1, v3;
	v25 =	vadd.s32 v19, v25  }
0x17d: {  	(xrf0) =	vadd.scan.msk.s32 $0xffff, v62;
	v25 =	vxor.u32 $0x80000000, v25  }
0x17e: {  	(xrf0) =	vmax.scan.msk.u32 $0xffff, v25;
	_ =	sdelay $0x4  }
0x17f: {  	v25, _, _ =	vpop (xrf0)  }
0x180: {  	v63, _, _ =	vpop (xrf0)  }
0x181: {  	(v2sf) =	vpush v63, $0xF;
	_ =	sdelay $0xd  }
0x182: {  	v21 =	vnsel vm0, $0x7FF, v21;
	v19 =	vadd.s32 v19, v25  }
0x183: {  	vm0 =	vlt.s32 v16, v21;
	v25 =	vadd.s32 $0xFFFFFFFF, v19;
	s19 =	spop (v2sf)  }
0x184: {  	p0 =	sgt.u32 s3, $0x7B;
	v16 =	vsel vm0, v16, v21;
	vm14 =	vlt.s32 v19, $0x21;
	vm15 =	vgt.s32 v25, $0x0;
	s18 =	sxor.u32 $0x80000000, s19  }
0x185: {  	v19 =	vnsel vm9, $0x7FF, v26;
	vm0 =	vmand vm13, vm14;
	v21 =	vnsel vm15, $0x0, v25;
	p1 =	slt.s32 @!p0 s18, $0x20  }
0x186: {  	vm1 =	vlt.s32 v16, v19;
	v21 =	vmin.u32 v21, $0x1F;
	p0 =	por p0, !p1  }
.Ltmp3:
0x187: {  	s21 =	sadd.s32 $0x30, s17;
	v16 =	vsel vm1, v16, v19;
	v19 =	vnsel vm11, $0x7FF, v27;
	(pc) =	sbr.rel @!p0 .LBB2_9-.Ltmp3, $4  }
0x188: {  	v25 =	vor.u32 s21, v0;
	vm1 =	vlt.s32 v16, v19  }
0x189: {  	v16 =	vsel vm1, v16, v19;
	v19 =	vnsel vm13, $0x7FF, v25  }
0x18a: {  	vm1 =	vlt.s32 v16, v19  }
0x18b: {  	s3 =	sadd.s32 $0x4, s3;
	s17 =	sadd.s32 $0x40, s17;
	s1 =	sadd.s32 $0x40, s1;
	v16 =	vsel vm1, v16, v19;
	[tilespmem:v21+s15+$0x0] =	vst.idx.msk vm0, v25  }
0x18c: {  	v16 =	vxor.u32 $0x80000000, v16  }
0x18d: {  	(xrf0) =	vmin.scan.msk.u32 $0xffff, v16;
	_ =	sdelay $0x5  }
0x18e: {  	v16, _, _ =	vpop (xrf0)  }
0x18f: {  	(v2sf) =	vpush v16, $0xF;
	_ =	sdelay $0xb  }
0x190: {  	v16 =	vld [tilespmem:$0x2800];
	_ =	sdelay $0x2  }
0x191: {  	v25 =	vmov s18;
	s1 =	spop (v2sf)  }
0x192: {  	vm0 =	vgt.s32 v25, v0;
	s1 =	sxor.u32 $0x80000000, s1  }
0x193: {  	v21 =	vnsel vm0, s1, v16;
	_ =	sdelay $0x2  }
0x194: {  	v16 =	vadd.s32 v2, v21  }
0x195: {  	s18 =	simm.s32 $0x0;
	[tilespmem:$0x28E0] =	vst v16  }
0x196: {  	v16 =	vadd.s32 $0x120, v1;
	v26 =	vld.idx.msk [tilespmem:v21+s18+$0x0], $0xffff  }
0x197: {  	v19 =	vadd.s32 $0x121, v1;
	v27 =	vld.idx.msk [tilespmem:v21+s28+$0x0], $0xffff  }
0x198: {  	v28 =	vld.idx.msk [tilespmem:v21+s29+$0x0], $0xffff;
	v21 =	vadd.s32 $0x122, v1;
	_ =	sdelay $0x2  }
0x199: {  	[tilespmem:v16+s0+$0x0] =	vst.idx.msk $0xffff, v26  }
0x19a: {  	[tilespmem:v19+s0+$0x0] =	vst.idx.msk $0xffff, v27  }
0x19b: {  	[tilespmem:v21+s0+$0x0] =	vst.idx.msk $0xffff, v28  }
0x19c: {  	v26 =	vld [tilespmem:$0x2810];
	_ =	sdelay $0x3  }
0x19d: {  	vm15 =	vgt.s32 v25, v6  }
0x19e: {  	v27 =	vnsel vm15, s1, v26;
	_ =	sdelay $0x2  }
0x19f: {  	v25 =	vadd.s32 v2, v27  }
0x1a0: {  	[tilespmem:$0x28F0] =	vst v25  }
0x1a1: {  	v25 =	vadd.s32 $0x150, v1;
	v28 =	vld.idx.msk [tilespmem:v27+s18+$0x0], $0xffff  }
0x1a2: {  	v26 =	vadd.s32 $0x151, v1;
	v29 =	vld.idx.msk [tilespmem:v27+s28+$0x0], $0xffff  }
0x1a3: {  	v30 =	vld.idx.msk [tilespmem:v27+s29+$0x0], $0xffff;
	v27 =	vadd.s32 $0x152, v1;
	_ =	sdelay $0x2  }
0x1a4: {  	[tilespmem:v25+s0+$0x0] =	vst.idx.msk $0xffff, v28  }
0x1a5: {  	[tilespmem:v26+s0+$0x0] =	vst.idx.msk $0xffff, v29  }
0x1a6: {  	s21 =	simm.s32 $0x2880;
	[tilespmem:v27+s0+$0x0] =	vst.idx.msk $0xffff, v30  }
0x1a7: {  	[tilespmem:s31], [sflag:$0x3] =	stream.indirect.gather [hbm4b:s23+s24], $0x80, s21, s24, $0xb8;
	[tilespmem:$0xAC80] =	vst v63  }
0x1a8: {  	_ =	swait.ge [sflag:s13], $0x4000  }
0x1a9: {  	[sflag:s13] =	ssyncset.done $0x0  }
0x1aa: {  	[sflag:s13] =	ssyncadd.s32 $0xFFFFC000  }
0x1ab: {  	s1 =	sshllo.u32 s14, $0x1;
	_ =	swait.ge [sflag:s13], $0x180  }
0x1ac: {  	s17 =	sshll.u32 s1, $0x2;
	[sflag:s13] =	ssyncset.done $0x0  }
0x1ad: {  	s3 =	sadd.s32 s10, s17;
	[sflag:s13] =	ssyncadd.s32 $0xFFFFFE80  }
0x1ae: {  	s2 =	smov.u32 s23;
	s3 =	sshll.u32 s3, $0x8;
	_ =	swait.ge [sflag:s9], $0x800  }
0x1af: {  	s3 =	sand.u32 $0xFFFF800, s3;
	[sflag:s9] =	ssyncset.done $0x0;
	s19 =	rddreg [dreg:$0x10]  }
0x1b0: {  	s20 =	simm.s32 $0x0;
	[sflag:s9] =	ssyncadd.s32 $0xFFFFF800;
	s3 =	sadd.s32 s3, s19  }
0x1b1: {  	[tilespmem:s11], [sflag:$0x2] =	stream.strided.gather [hbm4b:s3+s24], $0x800, s25, s24, $0x38;
	[tilespmem:$0xAC80] =	vst v63  }
0x1b2: {  	v28 =	vimm.s32 $0x7FF;
	s21 =	simm.s32 $0x0;
	s19 =	simm.s32 $0x1820;
	s3 =	sshll.u32 s14, $0x1  }
.LBB2_11:
0x1b3: {  	v29 =	vld [tilespmem:s19+$0xFFFFFFE0];
	_ =	sdelay $0x4  }
0x1b4: {  	vm0 =	vle.f32 v29, $3.999999910e-02  }
0x1b5: {  	v29 =	vsel vm0, $0x1, v3  }
0x1b6: {  	(xrf0) =	vadd.scan.msk.s32 $0xffff, v29;
	_ =	sdelay $0x5  }
0x1b7: {  	v29, _, _ =	vpop (xrf0)  }
0x1b8: {  	v29 =	vadd.s32 s21, v29  }
0x1b9: {  	v30 =	vadd.s32 $0xFFFFFFFF, v29  }
0x1ba: {  	vm1 =	vlt.s32 v29, $0x21;
	vm2 =	vgt.s32 v30, $0x0  }
0x1bb: {  	vm1 =	vmand vm0, vm1;
	v29 =	vnsel vm2, $0x0, v30  }
0x1bc: {  	v29 =	vmin.u32 v29, $0x1F;
	_ =	sdelay $0x3  }
0x1bd: {  	v30 =	vor.u32 s20, v0  }
0x1be: {  	[tilespmem:v29+s15+$0x0] =	vst.idx.msk vm1, v30  }
0x1bf: {  	v29 =	vld [tilespmem:s19+$0xFFFFFFF0];
	_ =	sdelay $0x4  }
0x1c0: {  	vm9 =	vle.f32 v29, $3.999999910e-02  }
0x1c1: {  	v29 =	vsel vm9, $0x1, v3  }
0x1c2: {  	(xrf0) =	vadd.scan.msk.s32 $0xffff, v29;
	_ =	sdelay $0x3  }
0x1c3: {  	v29 =	vmpcnt.ones.xlane vm0;
	_ =	sdelay $0x1  }
0x1c4: {  	v29 =	vadd.s32 s21, v29;
	v31, _, _ =	vpop (xrf0)  }
0x1c5: {  	v31 =	vadd.s32 v29, v31  }
0x1c6: {  	v32 =	vadd.s32 $0xFFFFFFFF, v31  }
0x1c7: {  	vm10 =	vlt.s32 v31, $0x21;
	vm3 =	vgt.s32 v32, $0x0  }
0x1c8: {  	vm2 =	vmand vm9, vm10;
	v31 =	vnsel vm3, $0x0, v32  }
0x1c9: {  	v31 =	vmin.u32 v31, $0x1F;
	_ =	sdelay $0x2  }
0x1ca: {  	s31 =	sadd.s32 $0x10, s20  }
0x1cb: {  	v60 =	vor.u32 s31, v0  }
0x1cc: {  	[tilespmem:v31+s15+$0x0] =	vst.idx.msk vm2, v60  }
0x1cd: {  	v31 =	vld [tilespmem:s19+$0x0];
	_ =	sdelay $0x4  }
0x1ce: {  	vm11 =	vle.f32 v31, $3.999999910e-02  }
0x1cf: {  	v31 =	vsel vm11, $0x1, v3  }
0x1d0: {  	(xrf0) =	vadd.scan.msk.s32 $0xffff, v31;
	_ =	sdelay $0x1  }
0x1d1: {  	v31 =	vmpcnt.ones.xlane vm9;
	_ =	sdelay $0x3  }
0x1d2: {  	v29 =	vadd.s32 v29, v31;
	v31, _, _ =	vpop (xrf0)  }
0x1d3: {  	v31 =	vadd.s32 v29, v31  }
0x1d4: {  	v33 =	vadd.s32 $0xFFFFFFFF, v31  }
0x1d5: {  	vm12 =	vlt.s32 v31, $0x21;
	vm4 =	vgt.s32 v33, $0x0  }
0x1d6: {  	vm3 =	vmand vm11, vm12;
	v31 =	vnsel vm4, $0x0, v33  }
0x1d7: {  	v31 =	vmin.u32 v31, $0x1F;
	_ =	sdelay $0x2  }
0x1d8: {  	s23 =	sadd.s32 $0x20, s20  }
0x1d9: {  	v61 =	vor.u32 s23, v0  }
0x1da: {  	[tilespmem:v31+s15+$0x0] =	vst.idx.msk vm3, v61  }
0x1db: {  	v31 =	vld [tilespmem:s19+$0x10];
	_ =	sdelay $0x4  }
0x1dc: {  	v34 =	vmpcnt.ones.xlane vm11;
	vm13 =	vle.f32 v31, $3.999999910e-02  }
0x1dd: {  	v31 =	vmpcnt.ones.xlane vm13  }
0x1de: {  	v29 =	vadd.s32 v29, v34  }
0x1df: {  	v62 =	vsel vm13, $0x1, v3;
	v31 =	vadd.s32 v29, v31  }
0x1e0: {  	(xrf0) =	vadd.scan.msk.s32 $0xffff, v62;
	v31 =	vxor.u32 $0x80000000, v31  }
0x1e1: {  	(xrf0) =	vmax.scan.msk.u32 $0xffff, v31;
	_ =	sdelay $0x4  }
0x1e2: {  	v31, _, _ =	vpop (xrf0)  }
0x1e3: {  	v63, _, _ =	vpop (xrf0)  }
0x1e4: {  	(v2sf) =	vpush v63, $0xF;
	_ =	sdelay $0xd  }
0x1e5: {  	v30 =	vnsel vm0, $0x7FF, v30;
	v29 =	vadd.s32 v29, v31  }
0x1e6: {  	vm0 =	vlt.s32 v28, v30;
	v31 =	vadd.s32 $0xFFFFFFFF, v29;
	s23 =	spop (v2sf)  }
0x1e7: {  	p0 =	sgt.u32 s18, $0x7B;
	v28 =	vsel vm0, v28, v30;
	vm14 =	vlt.s32 v29, $0x21;
	vm15 =	vgt.s32 v31, $0x0;
	s21 =	sxor.u32 $0x80000000, s23  }
0x1e8: {  	v29 =	vnsel vm9, $0x7FF, v60;
	vm0 =	vmand vm13, vm14;
	v30 =	vnsel vm15, $0x0, v31;
	p1 =	slt.s32 @!p0 s21, $0x20  }
0x1e9: {  	vm1 =	vlt.s32 v28, v29;
	v30 =	vmin.u32 v30, $0x1F;
	p0 =	por p0, !p1  }
.Ltmp4:
0x1ea: {  	s31 =	sadd.s32 $0x30, s20;
	v28 =	vsel vm1, v28, v29;
	v29 =	vnsel vm11, $0x7FF, v61;
	(pc) =	sbr.rel @!p0 .LBB2_11-.Ltmp4, $4  }
0x1eb: {  	v31 =	vor.u32 s31, v0;
	vm1 =	vlt.s32 v28, v29  }
0x1ec: {  	v28 =	vsel vm1, v28, v29;
	v29 =	vnsel vm13, $0x7FF, v31  }
0x1ed: {  	vm1 =	vlt.s32 v28, v29  }
0x1ee: {  	s18 =	sadd.s32 $0x4, s18;
	s20 =	sadd.s32 $0x40, s20;
	s19 =	sadd.s32 $0x40, s19;
	v28 =	vsel vm1, v28, v29;
	[tilespmem:v30+s15+$0x0] =	vst.idx.msk vm0, v31  }
0x1ef: {  	v28 =	vxor.u32 $0x80000000, v28  }
0x1f0: {  	(xrf0) =	vmin.scan.msk.u32 $0xffff, v28;
	_ =	sdelay $0x5  }
0x1f1: {  	v28, _, _ =	vpop (xrf0)  }
0x1f2: {  	(v2sf) =	vpush v28, $0xF;
	_ =	sdelay $0xb  }
0x1f3: {  	v28 =	vld [tilespmem:$0x2800];
	_ =	sdelay $0x2  }
0x1f4: {  	v29 =	vmov s21;
	s18 =	spop (v2sf)  }
0x1f5: {  	vm0 =	vgt.s32 v29, v0;
	s18 =	sxor.u32 $0x80000000, s18  }
0x1f6: {  	v28 =	vnsel vm0, s18, v28;
	_ =	sdelay $0x2  }
0x1f7: {  	v30 =	vadd.s32 v2, v28  }
0x1f8: {  	s19 =	simm.s32 $0x0;
	[tilespmem:$0x2900] =	vst v30  }
0x1f9: {  	v30 =	vld.idx.msk [tilespmem:v28+s19+$0x0], $0xffff  }
0x1fa: {  	v31 =	vld.idx.msk [tilespmem:v28+s28+$0x0], $0xffff  }
0x1fb: {  	v28 =	vld.idx.msk [tilespmem:v28+s29+$0x0], $0xffff;
	_ =	sdelay $0x2  }
0x1fc: {  	[tilespmem:v1+s7+$0x0] =	vst.idx.msk $0xffff, v30  }
0x1fd: {  	[tilespmem:v4+s7+$0x0] =	vst.idx.msk $0xffff, v31  }
0x1fe: {  	[tilespmem:v5+s7+$0x0] =	vst.idx.msk $0xffff, v28  }
0x1ff: {  	v28 =	vld [tilespmem:$0x2810];
	_ =	sdelay $0x3  }
0x200: {  	vm15 =	vgt.s32 v29, v6  }
0x201: {  	v28 =	vnsel vm15, s18, v28;
	_ =	sdelay $0x2  }
0x202: {  	v29 =	vadd.s32 v2, v28  }
0x203: {  	[tilespmem:$0x2910] =	vst v29  }
0x204: {  	v29 =	vld.idx.msk [tilespmem:v28+s19+$0x0], $0xffff  }
0x205: {  	v30 =	vld.idx.msk [tilespmem:v28+s28+$0x0], $0xffff  }
0x206: {  	v28 =	vld.idx.msk [tilespmem:v28+s29+$0x0], $0xffff;
	_ =	sdelay $0x2  }
0x207: {  	[tilespmem:v7+s7+$0x0] =	vst.idx.msk $0xffff, v29  }
0x208: {  	s17 =	sor.u32 s17, s10;
	[tilespmem:v8+s7+$0x0] =	vst.idx.msk $0xffff, v30  }
0x209: {  	s18 =	sshll.u32 s17, $0x8;
	[tilespmem:v9+s7+$0x0] =	vst.idx.msk $0xffff, v28  }
0x20a: {  	s20 =	sand.u32 $0x1FFFF800, s18;
	_ =	swait.ge [sflag:s16], $0x800  }
0x20b: {  	s20 =	sadd.s32 s20, s5;
	[sflag:s16] =	ssyncset.done $0x0  }
0x20c: {  	s20 =	sadd.s32 $0x60, s20;
	[sflag:s16] =	ssyncadd.s32 $0xFFFFF800  }
0x20d: {  	[tilespmem:s30], [sflag:$0x1] =	stream.strided.gather [hbm4b:s20+s24], $0x800, s25, s24, $0x38;
	[tilespmem:$0xAC80] =	vst v63  }
0x20e: {  	s21 =	simm.s32 $0x0;
	s23 =	simm.s32 $0x0;
	v28 =	vimm.s32 $0x7FF;
	s20 =	simm.s32 $0x2020  }
.LBB2_13:
0x20f: {  	v29 =	vld [tilespmem:s20+$0xFFFFFFE0];
	_ =	sdelay $0x4  }
0x210: {  	vm0 =	vle.f32 v29, $3.999999910e-02  }
0x211: {  	v29 =	vsel vm0, $0x1, v3  }
0x212: {  	(xrf0) =	vadd.scan.msk.s32 $0xffff, v29;
	_ =	sdelay $0x5  }
0x213: {  	v29, _, _ =	vpop (xrf0)  }
0x214: {  	v29 =	vadd.s32 s23, v29  }
0x215: {  	v30 =	vadd.s32 $0xFFFFFFFF, v29  }
0x216: {  	vm1 =	vlt.s32 v29, $0x21;
	vm2 =	vgt.s32 v30, $0x0  }
0x217: {  	vm1 =	vmand vm0, vm1;
	v29 =	vnsel vm2, $0x0, v30  }
0x218: {  	v29 =	vmin.u32 v29, $0x1F;
	_ =	sdelay $0x3  }
0x219: {  	v30 =	vor.u32 s21, v0  }
0x21a: {  	[tilespmem:v29+s15+$0x0] =	vst.idx.msk vm1, v30  }
0x21b: {  	v29 =	vld [tilespmem:s20+$0xFFFFFFF0];
	_ =	sdelay $0x4  }
0x21c: {  	vm9 =	vle.f32 v29, $3.999999910e-02  }
0x21d: {  	v29 =	vsel vm9, $0x1, v3  }
0x21e: {  	(xrf0) =	vadd.scan.msk.s32 $0xffff, v29;
	_ =	sdelay $0x3  }
0x21f: {  	v29 =	vmpcnt.ones.xlane vm0;
	_ =	sdelay $0x1  }
0x220: {  	v29 =	vadd.s32 s23, v29;
	v31, _, _ =	vpop (xrf0)  }
0x221: {  	v31 =	vadd.s32 v29, v31  }
0x222: {  	v32 =	vadd.s32 $0xFFFFFFFF, v31  }
0x223: {  	vm10 =	vlt.s32 v31, $0x21;
	vm3 =	vgt.s32 v32, $0x0  }
0x224: {  	vm2 =	vmand vm9, vm10;
	v31 =	vnsel vm3, $0x0, v32  }
0x225: {  	v31 =	vmin.u32 v31, $0x1F;
	_ =	sdelay $0x2  }
0x226: {  	s31 =	sadd.s32 $0x10, s21  }
0x227: {  	v60 =	vor.u32 s31, v0  }
0x228: {  	[tilespmem:v31+s15+$0x0] =	vst.idx.msk vm2, v60  }
0x229: {  	v31 =	vld [tilespmem:s20+$0x0];
	_ =	sdelay $0x4  }
0x22a: {  	vm11 =	vle.f32 v31, $3.999999910e-02  }
0x22b: {  	v31 =	vsel vm11, $0x1, v3  }
0x22c: {  	(xrf0) =	vadd.scan.msk.s32 $0xffff, v31;
	_ =	sdelay $0x1  }
0x22d: {  	v31 =	vmpcnt.ones.xlane vm9;
	_ =	sdelay $0x3  }
0x22e: {  	v29 =	vadd.s32 v29, v31;
	v31, _, _ =	vpop (xrf0)  }
0x22f: {  	v31 =	vadd.s32 v29, v31  }
0x230: {  	v33 =	vadd.s32 $0xFFFFFFFF, v31  }
0x231: {  	vm12 =	vlt.s32 v31, $0x21;
	vm4 =	vgt.s32 v33, $0x0  }
0x232: {  	vm3 =	vmand vm11, vm12;
	v31 =	vnsel vm4, $0x0, v33  }
0x233: {  	v31 =	vmin.u32 v31, $0x1F;
	_ =	sdelay $0x2  }
0x234: {  	s31 =	sadd.s32 $0x20, s21  }
0x235: {  	v61 =	vor.u32 s31, v0  }
0x236: {  	[tilespmem:v31+s15+$0x0] =	vst.idx.msk vm3, v61  }
0x237: {  	v31 =	vld [tilespmem:s20+$0x10];
	_ =	sdelay $0x4  }
0x238: {  	v34 =	vmpcnt.ones.xlane vm11;
	vm13 =	vle.f32 v31, $3.999999910e-02  }
0x239: {  	v31 =	vmpcnt.ones.xlane vm13  }
0x23a: {  	v29 =	vadd.s32 v29, v34  }
0x23b: {  	v62 =	vsel vm13, $0x1, v3;
	v31 =	vadd.s32 v29, v31  }
0x23c: {  	(xrf0) =	vadd.scan.msk.s32 $0xffff, v62;
	v31 =	vxor.u32 $0x80000000, v31  }
0x23d: {  	(xrf0) =	vmax.scan.msk.u32 $0xffff, v31;
	_ =	sdelay $0x4  }
0x23e: {  	v31, _, _ =	vpop (xrf0)  }
0x23f: {  	v63, _, _ =	vpop (xrf0)  }
0x240: {  	(v2sf) =	vpush v63, $0xF;
	_ =	sdelay $0xc  }
0x241: {  	v30 =	vnsel vm0, $0x7FF, v30;
	v29 =	vadd.s32 v29, v31  }
0x242: {  	vm0 =	vlt.s32 v28, v30;
	v31 =	vadd.s32 $0xFFFFFFFF, v29  }
0x243: {  	v28 =	vsel vm0, v28, v30;
	s23 =	sadd.s32 $0x30, s21;
	vm15 =	vgt.s32 v31, $0x0;
	s31 =	spop (v2sf)  }
0x244: {  	p0 =	sgt.u32 s19, $0x7B;
	vm14 =	vlt.s32 v29, $0x21;
	v30 =	vnsel vm15, $0x0, v31;
	v31 =	vor.u32 s23, v0;
	s23 =	sxor.u32 $0x80000000, s31  }
0x245: {  	v29 =	vnsel vm9, $0x7FF, v60;
	vm0 =	vmand vm13, vm14;
	p1 =	slt.s32 @!p0 s23, $0x20  }
0x246: {  	vm1 =	vlt.s32 v28, v29;
	v30 =	vmin.u32 v30, $0x1F;
	p0 =	por p0, !p1  }
.Ltmp5:
0x247: {  	v28 =	vsel vm1, v28, v29;
	v29 =	vnsel vm11, $0x7FF, v61;
	(pc) =	sbr.rel @!p0 .LBB2_13-.Ltmp5, $4  }
0x248: {  	vm1 =	vlt.s32 v28, v29  }
0x249: {  	v28 =	vsel vm1, v28, v29;
	v29 =	vnsel vm13, $0x7FF, v31  }
0x24a: {  	vm1 =	vlt.s32 v28, v29  }
0x24b: {  	s19 =	sadd.s32 $0x4, s19;
	s21 =	sadd.s32 $0x40, s21;
	s20 =	sadd.s32 $0x40, s20;
	v28 =	vsel vm1, v28, v29;
	[tilespmem:v30+s15+$0x0] =	vst.idx.msk vm0, v31  }
0x24c: {  	v28 =	vxor.u32 $0x80000000, v28  }
0x24d: {  	(xrf0) =	vmin.scan.msk.u32 $0xffff, v28;
	_ =	sdelay $0x5  }
0x24e: {  	v28, _, _ =	vpop (xrf0)  }
0x24f: {  	(v2sf) =	vpush v28, $0xF;
	_ =	sdelay $0xb  }
0x250: {  	v28 =	vld [tilespmem:$0x2800];
	_ =	sdelay $0x2  }
0x251: {  	v29 =	vmov s23;
	s19 =	spop (v2sf)  }
0x252: {  	vm0 =	vgt.s32 v29, v0;
	s20 =	sxor.u32 $0x80000000, s19  }
0x253: {  	v28 =	vnsel vm0, s20, v28;
	_ =	sdelay $0x2  }
0x254: {  	v30 =	vadd.s32 v2, v28  }
0x255: {  	s19 =	simm.s32 $0x0;
	[tilespmem:$0x2920] =	vst v30  }
0x256: {  	v30 =	vld.idx.msk [tilespmem:v28+s19+$0x0], $0xffff  }
0x257: {  	v31 =	vld.idx.msk [tilespmem:v28+s28+$0x0], $0xffff  }
0x258: {  	v28 =	vld.idx.msk [tilespmem:v28+s29+$0x0], $0xffff;
	_ =	sdelay $0x2  }
0x259: {  	[tilespmem:v10+s7+$0x0] =	vst.idx.msk $0xffff, v30  }
0x25a: {  	[tilespmem:v11+s7+$0x0] =	vst.idx.msk $0xffff, v31  }
0x25b: {  	[tilespmem:v12+s7+$0x0] =	vst.idx.msk $0xffff, v28  }
0x25c: {  	v10 =	vld [tilespmem:$0x2810];
	_ =	sdelay $0x3  }
0x25d: {  	vm15 =	vgt.s32 v29, v6  }
0x25e: {  	v10 =	vnsel vm15, s20, v10;
	_ =	sdelay $0x2  }
0x25f: {  	v11 =	vadd.s32 v2, v10  }
0x260: {  	[tilespmem:$0x2930] =	vst v11  }
0x261: {  	v11 =	vld.idx.msk [tilespmem:v10+s19+$0x0], $0xffff  }
0x262: {  	v12 =	vld.idx.msk [tilespmem:v10+s28+$0x0], $0xffff  }
0x263: {  	v10 =	vld.idx.msk [tilespmem:v10+s29+$0x0], $0xffff;
	_ =	sdelay $0x2  }
0x264: {  	[tilespmem:v13+s7+$0x0] =	vst.idx.msk $0xffff, v11  }
0x265: {  	[tilespmem:v14+s7+$0x0] =	vst.idx.msk $0xffff, v12  }
0x266: {  	[tilespmem:v17+s7+$0x0] =	vst.idx.msk $0xffff, v10  }
0x267: {  	_ =	swait.ge [sflag:s9], $0x800  }
0x268: {  	s18 =	sand.u32 $0xFF800, s18;
	[sflag:s9] =	ssyncset.done $0x0;
	s31 =	rddreg [dreg:$0x12]  }
0x269: {  	s17 =	sor.u32 $0x3, s17;
	[sflag:s9] =	ssyncadd.s32 $0xFFFFF800;
	s18 =	sadd.s32 s18, s31  }
0x26a: {  	[tilespmem:s11], [sflag:$0x2] =	stream.strided.gather [hbm4b:s18+s24], $0x800, s25, s24, $0x38;
	[tilespmem:$0xAC80] =	vst v63  }
0x26b: {  	s21 =	simm.s32 $0x0;
	s20 =	simm.s32 $0x0;
	v10 =	vimm.s32 $0x7FF;
	s18 =	simm.s32 $0x1820  }
.LBB2_15:
0x26c: {  	v11 =	vld [tilespmem:s18+$0xFFFFFFE0];
	_ =	sdelay $0x4  }
0x26d: {  	vm0 =	vle.f32 v11, $3.999999910e-02  }
0x26e: {  	v11 =	vsel vm0, $0x1, v3  }
0x26f: {  	(xrf0) =	vadd.scan.msk.s32 $0xffff, v11;
	_ =	sdelay $0x5  }
0x270: {  	v11, _, _ =	vpop (xrf0)  }
0x271: {  	v11 =	vadd.s32 s21, v11  }
0x272: {  	v12 =	vadd.s32 $0xFFFFFFFF, v11  }
0x273: {  	vm1 =	vlt.s32 v11, $0x21;
	vm2 =	vgt.s32 v12, $0x0  }
0x274: {  	vm1 =	vmand vm0, vm1;
	v11 =	vnsel vm2, $0x0, v12  }
0x275: {  	v11 =	vmin.u32 v11, $0x1F;
	_ =	sdelay $0x3  }
0x276: {  	v12 =	vor.u32 s20, v0  }
0x277: {  	[tilespmem:v11+s15+$0x0] =	vst.idx.msk vm1, v12  }
0x278: {  	v11 =	vld [tilespmem:s18+$0xFFFFFFF0];
	_ =	sdelay $0x4  }
0x279: {  	vm9 =	vle.f32 v11, $3.999999910e-02  }
0x27a: {  	v11 =	vsel vm9, $0x1, v3  }
0x27b: {  	(xrf0) =	vadd.scan.msk.s32 $0xffff, v11;
	_ =	sdelay $0x3  }
0x27c: {  	v11 =	vmpcnt.ones.xlane vm0;
	_ =	sdelay $0x1  }
0x27d: {  	v11 =	vadd.s32 s21, v11;
	v13, _, _ =	vpop (xrf0)  }
0x27e: {  	v13 =	vadd.s32 v11, v13  }
0x27f: {  	v14 =	vadd.s32 $0xFFFFFFFF, v13  }
0x280: {  	vm10 =	vlt.s32 v13, $0x21;
	vm3 =	vgt.s32 v14, $0x0  }
0x281: {  	vm2 =	vmand vm9, vm10;
	v13 =	vnsel vm3, $0x0, v14  }
0x282: {  	v13 =	vmin.u32 v13, $0x1F;
	_ =	sdelay $0x2  }
0x283: {  	s31 =	sadd.s32 $0x10, s20  }
0x284: {  	v14 =	vor.u32 s31, v0  }
0x285: {  	[tilespmem:v13+s15+$0x0] =	vst.idx.msk vm2, v14  }
0x286: {  	v13 =	vld [tilespmem:s18+$0x0];
	_ =	sdelay $0x4  }
0x287: {  	vm11 =	vle.f32 v13, $3.999999910e-02  }
0x288: {  	v13 =	vsel vm11, $0x1, v3  }
0x289: {  	(xrf0) =	vadd.scan.msk.s32 $0xffff, v13;
	_ =	sdelay $0x1  }
0x28a: {  	v13 =	vmpcnt.ones.xlane vm9;
	_ =	sdelay $0x3  }
0x28b: {  	v11 =	vadd.s32 v11, v13;
	v13, _, _ =	vpop (xrf0)  }
0x28c: {  	v13 =	vadd.s32 v11, v13  }
0x28d: {  	v17 =	vadd.s32 $0xFFFFFFFF, v13  }
0x28e: {  	vm12 =	vlt.s32 v13, $0x21;
	vm4 =	vgt.s32 v17, $0x0  }
0x28f: {  	vm3 =	vmand vm11, vm12;
	v13 =	vnsel vm4, $0x0, v17  }
0x290: {  	v13 =	vmin.u32 v13, $0x1F;
	_ =	sdelay $0x2  }
0x291: {  	s23 =	sadd.s32 $0x20, s20  }
0x292: {  	v17 =	vor.u32 s23, v0  }
0x293: {  	[tilespmem:v13+s15+$0x0] =	vst.idx.msk vm3, v17  }
0x294: {  	v13 =	vld [tilespmem:s18+$0x10];
	_ =	sdelay $0x4  }
0x295: {  	v28 =	vmpcnt.ones.xlane vm11;
	vm13 =	vle.f32 v13, $3.999999910e-02  }
0x296: {  	v13 =	vmpcnt.ones.xlane vm13  }
0x297: {  	v11 =	vadd.s32 v11, v28  }
0x298: {  	v28 =	vsel vm13, $0x1, v3;
	v13 =	vadd.s32 v11, v13  }
0x299: {  	(xrf0) =	vadd.scan.msk.s32 $0xffff, v28;
	v13 =	vxor.u32 $0x80000000, v13  }
0x29a: {  	(xrf0) =	vmax.scan.msk.u32 $0xffff, v13;
	_ =	sdelay $0x4  }
0x29b: {  	v13, _, _ =	vpop (xrf0)  }
0x29c: {  	v28, _, _ =	vpop (xrf0)  }
0x29d: {  	(v2sf) =	vpush v28, $0xF;
	_ =	sdelay $0xd  }
0x29e: {  	v12 =	vnsel vm0, $0x7FF, v12;
	v11 =	vadd.s32 v11, v13  }
0x29f: {  	vm0 =	vlt.s32 v10, v12;
	v13 =	vadd.s32 $0xFFFFFFFF, v11;
	s23 =	spop (v2sf)  }
0x2a0: {  	p0 =	sgt.u32 s19, $0x7B;
	v10 =	vsel vm0, v10, v12;
	vm14 =	vlt.s32 v11, $0x21;
	vm15 =	vgt.s32 v13, $0x0;
	s21 =	sxor.u32 $0x80000000, s23  }
0x2a1: {  	v11 =	vnsel vm9, $0x7FF, v14;
	vm0 =	vmand vm13, vm14;
	v12 =	vnsel vm15, $0x0, v13;
	p1 =	slt.s32 @!p0 s21, $0x20  }
0x2a2: {  	vm1 =	vlt.s32 v10, v11;
	v12 =	vmin.u32 v12, $0x1F;
	p0 =	por p0, !p1  }
.Ltmp6:
0x2a3: {  	s31 =	sadd.s32 $0x30, s20;
	v10 =	vsel vm1, v10, v11;
	v11 =	vnsel vm11, $0x7FF, v17;
	(pc) =	sbr.rel @!p0 .LBB2_15-.Ltmp6, $4  }
0x2a4: {  	v13 =	vor.u32 s31, v0;
	vm1 =	vlt.s32 v10, v11  }
0x2a5: {  	v10 =	vsel vm1, v10, v11;
	v11 =	vnsel vm13, $0x7FF, v13  }
0x2a6: {  	vm1 =	vlt.s32 v10, v11  }
0x2a7: {  	s19 =	sadd.s32 $0x4, s19;
	s20 =	sadd.s32 $0x40, s20;
	s18 =	sadd.s32 $0x40, s18;
	v10 =	vsel vm1, v10, v11;
	[tilespmem:v12+s15+$0x0] =	vst.idx.msk vm0, v13  }
0x2a8: {  	v10 =	vxor.u32 $0x80000000, v10  }
0x2a9: {  	(xrf0) =	vmin.scan.msk.u32 $0xffff, v10;
	_ =	sdelay $0x5  }
0x2aa: {  	v10, _, _ =	vpop (xrf0)  }
0x2ab: {  	(v2sf) =	vpush v10, $0xF;
	_ =	sdelay $0xb  }
0x2ac: {  	v10 =	vld [tilespmem:$0x2800];
	_ =	sdelay $0x2  }
0x2ad: {  	v11 =	vmov s21;
	s18 =	spop (v2sf)  }
0x2ae: {  	vm0 =	vgt.s32 v11, v0;
	s19 =	sxor.u32 $0x80000000, s18  }
0x2af: {  	v10 =	vnsel vm0, s19, v10;
	_ =	sdelay $0x2  }
0x2b0: {  	v12 =	vadd.s32 v2, v10  }
0x2b1: {  	s18 =	simm.s32 $0x0;
	[tilespmem:$0x2940] =	vst v12  }
0x2b2: {  	v12 =	vld.idx.msk [tilespmem:v10+s18+$0x0], $0xffff  }
0x2b3: {  	v13 =	vld.idx.msk [tilespmem:v10+s28+$0x0], $0xffff  }
0x2b4: {  	v10 =	vld.idx.msk [tilespmem:v10+s29+$0x0], $0xffff;
	_ =	sdelay $0x2  }
0x2b5: {  	[tilespmem:v15+s7+$0x0] =	vst.idx.msk $0xffff, v12  }
0x2b6: {  	[tilespmem:v18+s7+$0x0] =	vst.idx.msk $0xffff, v13  }
0x2b7: {  	[tilespmem:v20+s7+$0x0] =	vst.idx.msk $0xffff, v10  }
0x2b8: {  	v10 =	vld [tilespmem:$0x2810];
	_ =	sdelay $0x3  }
0x2b9: {  	vm15 =	vgt.s32 v11, v6  }
0x2ba: {  	v10 =	vnsel vm15, s19, v10;
	_ =	sdelay $0x2  }
0x2bb: {  	v11 =	vadd.s32 v2, v10  }
0x2bc: {  	[tilespmem:$0x2950] =	vst v11  }
0x2bd: {  	v11 =	vld.idx.msk [tilespmem:v10+s18+$0x0], $0xffff  }
0x2be: {  	v12 =	vld.idx.msk [tilespmem:v10+s28+$0x0], $0xffff  }
0x2bf: {  	v10 =	vld.idx.msk [tilespmem:v10+s29+$0x0], $0xffff;
	_ =	sdelay $0x2  }
0x2c0: {  	s17 =	smin.u32 s17, $0xFFE;
	[tilespmem:v22+s7+$0x0] =	vst.idx.msk $0xffff, v11  }
0x2c1: {  	s17 =	sadd.s32 $0x1, s17;
	[tilespmem:v23+s7+$0x0] =	vst.idx.msk $0xffff, v12  }
0x2c2: {  	s23 =	sshll.u32 s17, $0x4;
	[tilespmem:v24+s7+$0x0] =	vst.idx.msk $0xffff, v10  }
0x2c3: {  	s17 =	sshll.u32 s17, $0x8;
	s19 =	sand.u32 $0x70, s23;
	_ =	swait.ge [sflag:s16], $0x800  }
0x2c4: {  	s17 =	sand.u32 $0x1FF800, s17;
	s19 =	sadd.s32 s5, s19;
	[sflag:s16] =	ssyncset.done $0x0  }
0x2c5: {  	s20 =	simm.s32 $0x0;
	s17 =	sadd.s32 s17, s19;
	[sflag:s16] =	ssyncadd.s32 $0xFFFFF800  }
0x2c6: {  	[tilespmem:s30], [sflag:$0x1] =	stream.strided.gather [hbm4b:s17+s24], $0x800, s25, s24, $0x38;
	[tilespmem:$0xAC80] =	vst v63  }
0x2c7: {  	s31 =	simm.s32 $0x2C80;
	s19 =	simm.s32 $0x0;
	v10 =	vimm.s32 $0x7FF;
	s17 =	simm.s32 $0x2020  }
.LBB2_17:
0x2c8: {  	v11 =	vld [tilespmem:s17+$0xFFFFFFE0];
	_ =	sdelay $0x4  }
0x2c9: {  	vm0 =	vle.f32 v11, $3.999999910e-02  }
0x2ca: {  	v11 =	vsel vm0, $0x1, v3  }
0x2cb: {  	(xrf0) =	vadd.scan.msk.s32 $0xffff, v11;
	_ =	sdelay $0x5  }
0x2cc: {  	v11, _, _ =	vpop (xrf0)  }
0x2cd: {  	v11 =	vadd.s32 s20, v11  }
0x2ce: {  	v12 =	vadd.s32 $0xFFFFFFFF, v11  }
0x2cf: {  	vm1 =	vlt.s32 v11, $0x21;
	vm2 =	vgt.s32 v12, $0x0  }
0x2d0: {  	vm1 =	vmand vm0, vm1;
	v11 =	vnsel vm2, $0x0, v12  }
0x2d1: {  	v11 =	vmin.u32 v11, $0x1F;
	_ =	sdelay $0x3  }
0x2d2: {  	v55 =	vor.u32 s19, v0  }
0x2d3: {  	[tilespmem:v11+s15+$0x0] =	vst.idx.msk vm1, v55  }
0x2d4: {  	v11 =	vld [tilespmem:s17+$0xFFFFFFF0];
	_ =	sdelay $0x4  }
0x2d5: {  	vm9 =	vle.f32 v11, $3.999999910e-02  }
0x2d6: {  	v11 =	vsel vm9, $0x1, v3  }
0x2d7: {  	(xrf0) =	vadd.scan.msk.s32 $0xffff, v11;
	_ =	sdelay $0x3  }
0x2d8: {  	v11 =	vmpcnt.ones.xlane vm0;
	_ =	sdelay $0x1  }
0x2d9: {  	v11 =	vadd.s32 s20, v11;
	v13, _, _ =	vpop (xrf0)  }
0x2da: {  	v13 =	vadd.s32 v11, v13  }
0x2db: {  	v14 =	vadd.s32 $0xFFFFFFFF, v13  }
0x2dc: {  	vm10 =	vlt.s32 v13, $0x21;
	vm3 =	vgt.s32 v14, $0x0  }
0x2dd: {  	vm2 =	vmand vm9, vm10;
	v56 =	vnsel vm3, $0x0, v14  }
0x2de: {  	v13 =	vmin.u32 v56, $0x1F;
	_ =	sdelay $0x2  }
0x2df: {  	s23 =	sadd.s32 $0x10, s19  }
0x2e0: {  	v57 =	vor.u32 s23, v0  }
0x2e1: {  	[tilespmem:v13+s15+$0x0] =	vst.idx.msk vm2, v57  }
0x2e2: {  	v13 =	vld [tilespmem:s17+$0x0];
	_ =	sdelay $0x4  }
0x2e3: {  	vm11 =	vle.f32 v13, $3.999999910e-02  }
0x2e4: {  	v13 =	vsel vm11, $0x1, v3  }
0x2e5: {  	(xrf0) =	vadd.scan.msk.s32 $0xffff, v13;
	_ =	sdelay $0x3  }
0x2e6: {  	v58 =	vmpcnt.ones.xlane vm9;
	_ =	sdelay $0x1  }
0x2e7: {  	v11 =	vadd.s32 v11, v58;
	v59, _, _ =	vpop (xrf0)  }
0x2e8: {  	v13 =	vadd.s32 v11, v59  }
0x2e9: {  	v15 =	vadd.s32 $0xFFFFFFFF, v13  }
0x2ea: {  	vm12 =	vlt.s32 v13, $0x21;
	vm4 =	vgt.s32 v15, $0x0  }
0x2eb: {  	vm3 =	vmand vm11, vm12;
	v60 =	vnsel vm4, $0x0, v15  }
0x2ec: {  	v13 =	vmin.u32 v60, $0x1F;
	_ =	sdelay $0x2  }
0x2ed: {  	s21 =	sadd.s32 $0x20, s19  }
0x2ee: {  	v15 =	vor.u32 s21, v0  }
0x2ef: {  	[tilespmem:v13+s15+$0x0] =	vst.idx.msk vm3, v15  }
0x2f0: {  	v13 =	vld [tilespmem:s17+$0x10];
	_ =	sdelay $0x4  }
0x2f1: {  	v17 =	vmpcnt.ones.xlane vm11;
	vm13 =	vle.f32 v13, $3.999999910e-02  }
0x2f2: {  	v13 =	vmpcnt.ones.xlane vm13  }
0x2f3: {  	v11 =	vadd.s32 v11, v17  }
0x2f4: {  	v17 =	vsel vm13, $0x1, v3;
	v13 =	vadd.s32 v11, v13  }
0x2f5: {  	(xrf0) =	vadd.scan.msk.s32 $0xffff, v17;
	v13 =	vxor.u32 $0x80000000, v13  }
0x2f6: {  	(xrf0) =	vmax.scan.msk.u32 $0xffff, v13;
	_ =	sdelay $0x4  }
0x2f7: {  	v61, _, _ =	vpop (xrf0)  }
0x2f8: {  	v17, _, _ =	vpop (xrf0)  }
0x2f9: {  	(v2sf) =	vpush v17, $0xF;
	_ =	sdelay $0xd  }
0x2fa: {  	v12 =	vnsel vm0, $0x7FF, v55;
	v11 =	vadd.s32 v11, v61  }
0x2fb: {  	vm0 =	vlt.s32 v10, v12;
	v13 =	vadd.s32 $0xFFFFFFFF, v11;
	s21 =	spop (v2sf)  }
0x2fc: {  	p0 =	sgt.u32 s18, $0x7B;
	v10 =	vsel vm0, v10, v12;
	vm14 =	vlt.s32 v11, $0x21;
	vm15 =	vgt.s32 v13, $0x0;
	s20 =	sxor.u32 $0x80000000, s21  }
0x2fd: {  	v11 =	vnsel vm9, $0x7FF, v57;
	vm0 =	vmand vm13, vm14;
	v62 =	vnsel vm15, $0x0, v13;
	p1 =	slt.s32 @!p0 s20, $0x20  }
0x2fe: {  	vm1 =	vlt.s32 v10, v11;
	v12 =	vmin.u32 v62, $0x1F;
	p0 =	por p0, !p1  }
.Ltmp7:
0x2ff: {  	s23 =	sadd.s32 $0x30, s19;
	v10 =	vsel vm1, v10, v11;
	v11 =	vnsel vm11, $0x7FF, v15;
	(pc) =	sbr.rel @!p0 .LBB2_17-.Ltmp7, $4  }
0x300: {  	v63 =	vor.u32 s23, v0;
	vm1 =	vlt.s32 v10, v11  }
0x301: {  	v10 =	vsel vm1, v10, v11;
	v11 =	vnsel vm13, $0x7FF, v63  }
0x302: {  	vm1 =	vlt.s32 v10, v11  }
0x303: {  	s18 =	sadd.s32 $0x4, s18;
	s19 =	sadd.s32 $0x40, s19;
	s17 =	sadd.s32 $0x40, s17;
	v10 =	vsel vm1, v10, v11;
	[tilespmem:v12+s15+$0x0] =	vst.idx.msk vm0, v63  }
0x304: {  	v10 =	vxor.u32 $0x80000000, v10  }
0x305: {  	(xrf0) =	vmin.scan.msk.u32 $0xffff, v10;
	_ =	sdelay $0x5  }
0x306: {  	v10, _, _ =	vpop (xrf0)  }
0x307: {  	(v2sf) =	vpush v10, $0xF;
	_ =	sdelay $0xb  }
0x308: {  	v10 =	vld [tilespmem:$0x2800];
	_ =	sdelay $0x2  }
0x309: {  	v11 =	vmov s20;
	s17 =	spop (v2sf)  }
0x30a: {  	vm0 =	vgt.s32 v11, v0;
	s17 =	sxor.u32 $0x80000000, s17  }
0x30b: {  	v10 =	vnsel vm0, s17, v10;
	_ =	sdelay $0x2  }
0x30c: {  	v12 =	vadd.s32 v2, v10  }
0x30d: {  	[tilespmem:$0x2960] =	vst v12  }
0x30e: {  	v12 =	vld.idx.msk [tilespmem:v10+s4+$0x0], $0xffff  }
0x30f: {  	v13 =	vld.idx.msk [tilespmem:v10+s28+$0x0], $0xffff  }
0x310: {  	v10 =	vld.idx.msk [tilespmem:v10+s29+$0x0], $0xffff;
	_ =	sdelay $0x2  }
0x311: {  	[tilespmem:v16+s7+$0x0] =	vst.idx.msk $0xffff, v12  }
0x312: {  	[tilespmem:v19+s7+$0x0] =	vst.idx.msk $0xffff, v13  }
0x313: {  	[tilespmem:v21+s7+$0x0] =	vst.idx.msk $0xffff, v10  }
0x314: {  	v10 =	vld [tilespmem:$0x2810];
	_ =	sdelay $0x3  }
0x315: {  	vm15 =	vgt.s32 v11, v6  }
0x316: {  	v10 =	vnsel vm15, s17, v10;
	_ =	sdelay $0x2  }
0x317: {  	v11 =	vadd.s32 v2, v10  }
0x318: {  	[tilespmem:$0x2970] =	vst v11  }
0x319: {  	v11 =	vld.idx.msk [tilespmem:v10+s4+$0x0], $0xffff  }
0x31a: {  	v12 =	vld.idx.msk [tilespmem:v10+s28+$0x0], $0xffff  }
0x31b: {  	v10 =	vld.idx.msk [tilespmem:v10+s29+$0x0], $0xffff;
	_ =	sdelay $0x2  }
0x31c: {  	[tilespmem:v25+s7+$0x0] =	vst.idx.msk $0xffff, v11  }
0x31d: {  	[tilespmem:v26+s7+$0x0] =	vst.idx.msk $0xffff, v12  }
0x31e: {  	s23 =	smov.u32 s2;
	s19 =	simm.s32 $0x6C80;
	s17 =	simm.s32 $0x2900;
	[tilespmem:v27+s7+$0x0] =	vst.idx.msk $0xffff, v10  }
0x31f: {  	[tilespmem:s19], [sflag:$0x4] =	stream.indirect.gather [hbm4b:s23+s24], $0x80, s17, s24, $0xb8;
	[tilespmem:$0xAC80] =	vst v63  }
0x320: {  	s3 =	sor.u32 s12, s3;
	s20 =	sshll.u32 s14, $0x8;
	_ =	swait.ge [sflag:s26], $0x4000  }
0x321: {  	s18 =	sshll.u32 s3, $0xB;
	s3 =	sshrl.u32 s3, $0x3;
	[sflag:s26] =	ssyncset.done $0x0  }
0x322: {  	s3 =	smul.u32 $0xC00, s3;
	s17 =	sadd.s32 s6, s18;
	[sflag:s26] =	ssyncadd.s32 $0xFFFFC000  }
0x323: {  	[hbm4b:s17+s4] =	stream.linear.scatter [tilespmem:s31], [sflag:$0x5], $0x4000, $0x38;
	[tilespmem:$0xAC80] =	vst v63  }
0x324: {  	s17 =	sand.u32 $0x300, s20  }
0x325: {  	s3 =	sor.u32 s17, s3  }
0x326: {  	s21 =	sor.u32 s12, s1;
	s2 =	rddreg [dreg:$0x2];
	s3 =	sshrl.u32 s3, $0x3  }
0x327: {  	s14 =	sadd.s32 $0x1, s14;
	s20 =	sshll.u32 s21, $0xB;
	s3 =	sadd.s32 s2, s3  }
0x328: {  	[hbm4b:s3+s24] =	stream.strided.scatter [tilespmem:s0], [sflag:$0x5], $0x180, s25, s24, $0x38;
	[tilespmem:$0xAC80] =	vst v63  }
0x329: {  	p0 =	sne.s32 s14, $0x10;
	s17 =	sand.u32 $0x1FFFF800, s20;
	s3 =	sshrl.u32 s21, $0x3  }
0x32a: {  	s21 =	sshll.u32 s1, $0x7;
	_ =	swait.ge [sflag:s22], $0x4000;
	s3 =	smul.u32 $0xC00, s3  }
0x32b: {  	s17 =	sadd.s32 s6, s17;
	s1 =	sand.u32 $0x380, s21;
	[sflag:s22] =	ssyncset.done $0x0  }
.Ltmp8:
0x32c: {  	[sflag:s22] =	ssyncadd.s32 $0xFFFFC000;
	s1 =	sor.u32 s1, s3;
	(pc) =	sbr.rel @p0 .LBB2_2-.Ltmp8, $4  }
0x32d: {  	[hbm4b:s17+s4] =	stream.linear.scatter [tilespmem:s19], [sflag:$0x6], $0x4000, $0x38;
	[tilespmem:$0xAC80] =	vst v63  }
0x32e: {  	s1 =	sshrl.u32 s1, $0x3  }
0x32f: {  	s18 =	simm.s32 $0x6C80;
	s1 =	sadd.s32 s2, s1  }
0x330: {  	[hbm4b:s1+s24] =	stream.strided.scatter [tilespmem:s7], [sflag:$0x6], $0x180, s25, s24, $0x38;
	[tilespmem:$0xAC80] =	vst v63  }
0x331: {  	_ =	swait.ge [sflag:s8], $0x4000  }
0x332: {  	[sflag:s8] =	ssyncset.done $0x0  }
0x333: {  	[sflag:s8] =	ssyncadd.s32 $0xFFFFC000  }
0x334: {  	_ =	swait.ge [sflag:s8], $0x180  }
0x335: {  	[sflag:s8] =	ssyncset.done $0x0  }
0x336: {  	[sflag:s8] =	ssyncadd.s32 $0xFFFFFE80  }
0x337: {  	_ =	swait.ge [sflag:s13], $0x4000  }
0x338: {  	[sflag:s13] =	ssyncset.done $0x0  }
0x339: {  	[sflag:s13] =	ssyncadd.s32 $0xFFFFC000  }
0x33a: {  	_ =	swait.ge [sflag:s13], $0x180  }
0x33b: {  	[sflag:s13] =	ssyncset.done $0x0  }
0x33c: {  	[sflag:s13] =	ssyncadd.s32 $0xFFFFFE80  }
0x33d: {  	_ =	swait.ge [sflag:s9], $0x800  }
0x33e: {  	s2 =	rddreg [dreg:$0x13]  }
0x33f: {  	s1 =	rddreg [dreg:$0x11];
	s2 =	sadd.s32 $0x1, s2  }
0x340: {  	p0 =	sne.s32 s2, s1  }
.Ltmp9:
0x341: {  	_ = 	snop;
	(pc) =	sbr.rel @p0 .LBB2_1-.Ltmp9, $3  }
0x342: {  	_ =	sdelay $0x1  }
0x343: {  	[sflag:s9] =	ssyncset.done $0x0  }
0x344: {  	[sflag:s9] =	ssyncadd.s32 $0xFFFFF800  }
0x345: {  	_ =	sfence.sel $0x180000  }
0x346: {  	[bflag:$0x0] =	sbarrier.arrive $0xFFFF  }
0x347: {  	_ =	strace $0x90000047  }
0x348: {  	s0 =	stileid.u32;
	[bflag:$0x2] =	sbarrier.arrive $0xFFFF  }
0x349: {  	p0 =	sne.s32 s0, $0x0;
	s0 =	rddreg [dreg:$0x3]  }
0x34a: {  	s0 =	sadd.s32 @!p0 $0x100000, s0  }
0x34b: {  	[sflag:s0] =	ssyncadd.tile.s32 @!p0 $0x1;
	_ =	shalt  }
.Lfunc_end2:
_tile_overlayer_lowered:
.L_overlay_start_2:
0x34c: {  	(tag) =	ssettag $0x2  }
0x34d: {  	s0 =	rddreg [dreg:$0x0];
	s2 =	stileid.u32  }
0x34e: {  	s1 =	rddreg [dreg:$0x1];
	p0 =	sne.s32 s2, $0x0  }
0x34f: {  	s3 =	rddreg [dreg:$0x2];
	[bflag:$0x3] =	sbarrier.arrive $0xFFFF;
	s2 =	simm.s32 @!p0 $0x1C07  }
0x350: {  	[timem:s3], [sflag:s2] =	dma.local @!p0 [hbm:s0], s1  }
0x351: {  	s0 =	simm.s32 @!p0 $0x7  }
0x352: {  	_ =	swait.ge @!p0 [sflag:s0], s1  }
0x353: {  	s1 =	ssub.s32 @!p0 $0x0, s1;
	[sflag:s0] =	ssyncset.done @!p0 $0x0  }
0x354: {  	[sflag:s0] =	ssyncadd.s32 @!p0 s1  }
0x355: {  	[bflag:$0x3] =	sbarrier.arrive $0xFFFF  }
0x356: {  	_ =	shalt  }

</sc_bundles>
